<compile_context>
chip_gen: v7x
topology: tpu7x:2x2x1
jax: 0.10.2.dev20260603
libtpu: 0.0.44.dev20260713+nightly
codegen_flags: <defaults>
</compile_context>

<pallas_src>
import functools

import jax
import jax.numpy as jnp
from jax import lax
from jax.experimental import pallas as pl
from jax.experimental.pallas import tpu as pltpu
from jax.experimental.pallas import tpu_sc as plsc

N = 10000
E = 320000
D = 128
NP = 10240
ROWS_PT = NP // 16
NCHUNK = 160
K = 125
BLK = 400
NBLK = N // BLK

_MESH = plsc.VectorSubcoreMesh(core_axis_name="c", subcore_axis_name="s")


@functools.partial(
    pl.kernel,
    out_type=jax.ShapeDtypeStruct((4, NP), jnp.float32),
    mesh=_MESH,
    scratch_types=[
        pltpu.VMEM((NCHUNK, K), jnp.int32),
        pltpu.VMEM((NCHUNK, K), jnp.int32),
        pltpu.VMEM((128,), jnp.float32),
        pltpu.VMEM((ROWS_PT,), jnp.float32),
        pltpu.VMEM_SHARED((NP,), jnp.float32),
        pltpu.VMEM_SHARED((NP,), jnp.float32),
        pltpu.SemaphoreType.DMA,
        pltpu.SemaphoreType.DMA,
        pltpu.SemaphoreType.DMA,
        pltpu.SemaphoreType.DMA,
    ],
)
def _sc_degrees(src1, dst1, src2, dst2, deg_out,
                idx_s, idx_d, ones_v, zeros_v, dsp_out, dsp_in,
                sso0, ssd0, sso1, ssd1):
    c = lax.axis_index("c")
    s = lax.axis_index("s")

    @pl.loop(0, 8)
    def _(i):
        ones_v[pl.ds(i * 16, 16)] = jnp.ones((16,), jnp.float32)

    @pl.loop(0, ROWS_PT // 16)
    def _(i):
        zeros_v[pl.ds(i * 16, 16)] = jnp.zeros((16,), jnp.float32)

    pltpu.sync_copy(zeros_v, dsp_out.at[pl.ds(s * ROWS_PT, ROWS_PT)])
    pltpu.sync_copy(zeros_v, dsp_in.at[pl.ds(s * ROWS_PT, ROWS_PT)])

    @pl.when(c == 0)
    def _():
        pltpu.sync_copy(src1.at[s], idx_s)
        pltpu.sync_copy(dst1.at[s], idx_d)

    @pl.when(c == 1)
    def _():
        pltpu.sync_copy(src2.at[s], idx_s)
        pltpu.sync_copy(dst2.at[s], idx_d)

    plsc.subcore_barrier()

    ones_k = ones_v.at[pl.ds(0, K)]

    @pl.loop(0, NCHUNK)
    def _(j):
        b = j % 2 == 0

        def chunk(so, do):
            @pl.when(j >= 2)
            def _():
                pltpu.make_async_copy(ones_k, dsp_out.at[idx_s.at[j]],
                                      so).wait()
                pltpu.make_async_copy(ones_k, dsp_in.at[idx_d.at[j]],
                                      do).wait()
            pltpu.async_copy(ones_k, dsp_out.at[idx_s.at[j]], so, add=True)
            pltpu.async_copy(ones_k, dsp_in.at[idx_d.at[j]], do, add=True)

        @pl.when(b)
        def _():
            chunk(sso0, ssd0)

        @pl.when(jnp.logical_not(b))
        def _():
            chunk(sso1, ssd1)

    for sem in (sso0, ssd0, sso1, ssd1):
        pltpu.make_async_copy(ones_k, dsp_out.at[idx_s.at[0]], sem).wait()

    plsc.subcore_barrier()

    @pl.when(c == 0)
    def _():
        pltpu.sync_copy(dsp_out.at[pl.ds(s * ROWS_PT, ROWS_PT)],
                        deg_out.at[0, pl.ds(s * ROWS_PT, ROWS_PT)])
        pltpu.sync_copy(dsp_in.at[pl.ds(s * ROWS_PT, ROWS_PT)],
                        deg_out.at[1, pl.ds(s * ROWS_PT, ROWS_PT)])

    @pl.when(c == 1)
    def _():
        pltpu.sync_copy(dsp_out.at[pl.ds(s * ROWS_PT, ROWS_PT)],
                        deg_out.at[2, pl.ds(s * ROWS_PT, ROWS_PT)])
        pltpu.sync_copy(dsp_in.at[pl.ds(s * ROWS_PT, ROWS_PT)],
                        deg_out.at[3, pl.ds(s * ROWS_PT, ROWS_PT)])


SB = 8
NSUPER = NCHUNK // SB


@functools.partial(
    pl.kernel,
    out_type=(jax.ShapeDtypeStruct((NP, D), jnp.float32),
              jax.ShapeDtypeStruct((NP, D), jnp.float32)),
    mesh=_MESH,
    scratch_types=[
        pltpu.VMEM((SB, K), jnp.int32),
        pltpu.VMEM((SB, K), jnp.int32),
        pltpu.VMEM((SB, K), jnp.int32),
        pltpu.VMEM((SB, K), jnp.int32),
        pltpu.VMEM((K, D), jnp.float32),
        pltpu.VMEM((K, D), jnp.float32),
        pltpu.VMEM_SHARED((NP, D), jnp.float32),
        pltpu.SemaphoreType.DMA,
        pltpu.SemaphoreType.DMA,
        pltpu.SemaphoreType.DMA,
        pltpu.SemaphoreType.DMA,
        pltpu.SemaphoreType.DMA,
        pltpu.SemaphoreType.DMA,
        pltpu.SemaphoreType.DMA,
        pltpu.SemaphoreType.DMA,
    ],
)
def _sc_aggregate(xs1, xs2, src1, dst1, src2, dst2, agg1, agg2,
                  idx_s0, idx_s1, idx_d0, idx_d1, buf0, buf1, agg_sp,
                  gsem0, gsem1, ssem0, ssem1,
                  isem_s0, isem_s1, isem_d0, isem_d1):
    c = lax.axis_index("c")
    s = lax.axis_index("s")
    bufs = (buf0, buf1)
    gsems = (gsem0, gsem1)
    ssems = (ssem0, ssem1)
    idxs = (idx_s0, idx_s1)
    idxd = (idx_d0, idx_d1)
    isems_s = (isem_s0, isem_s1)
    isems_d = (isem_d0, isem_d1)

    @pl.loop(0, 80)
    def _(r):
        for l in range(D // 16):
            buf0[r, pl.ds(l * 16, 16)] = jnp.zeros((16,), jnp.float32)

    @pl.loop(0, ROWS_PT // 80)
    def _(z):
        pltpu.sync_copy(buf0.at[pl.ds(0, 80)],
                        agg_sp.at[pl.ds(s * ROWS_PT + z * 80, 80)])

    plsc.subcore_barrier()

    def run(xs_hbm, src_hbm, dst_hbm, out_hbm):
        pltpu.sync_copy(src_hbm.at[s, pl.ds(0, SB)], idx_s0)
        pltpu.sync_copy(dst_hbm.at[s, pl.ds(0, SB)], idx_d0)
        pltpu.async_copy(xs_hbm.at[idx_s0.at[0]], buf0, gsem0)

        def superchunk(m, p):
            q = 1 - p
            for k in range(SB):
                b = k % 2
                bb = 1 - b
                pltpu.make_async_copy(xs_hbm.at[idxs[p].at[k]], bufs[b],
                                      gsems[b]).wait()
                pltpu.async_copy(bufs[b], agg_sp.at[idxd[p].at[k]],
                                 ssems[b], add=True)
                if k == 1:
                    @pl.when(m + 1 < NSUPER)
                    def _():
                        pltpu.async_copy(
                            src_hbm.at[s, pl.ds((m + 1) * SB, SB)],
                            idxs[q], isems_s[q])
                        pltpu.async_copy(
                            dst_hbm.at[s, pl.ds((m + 1) * SB, SB)],
                            idxd[q], isems_d[q])
                def drain_prev():
                    pltpu.make_async_copy(bufs[bb], agg_sp.at[idxd[p].at[k]],
                                          ssems[bb]).wait()
                if k == 0:
                    @pl.when(m > 0)
                    def _():
                        drain_prev()
                else:
                    drain_prev()
                if k < SB - 1:
                    pltpu.async_copy(xs_hbm.at[idxs[p].at[k + 1]], bufs[bb],
                                     gsems[bb])
                else:
                    @pl.when(m + 1 < NSUPER)
                    def _():
                        pltpu.make_async_copy(
                            src_hbm.at[s, pl.ds((m + 1) * SB, SB)],
                            idxs[q], isems_s[q]).wait()
                        pltpu.make_async_copy(
                            dst_hbm.at[s, pl.ds((m + 1) * SB, SB)],
                            idxd[q], isems_d[q]).wait()
                        pltpu.async_copy(xs_hbm.at[idxs[q].at[0]], bufs[bb],
                                         gsems[bb])

        @pl.loop(0, NSUPER, step=2)
        def _(m):
            superchunk(m, 0)
            superchunk(m + 1, 1)

        pltpu.make_async_copy(buf1, agg_sp.at[idx_d1.at[SB - 1]],
                              ssem1).wait()

        plsc.subcore_barrier()
        pltpu.sync_copy(agg_sp.at[pl.ds(s * ROWS_PT, ROWS_PT)],
                        out_hbm.at[pl.ds(s * ROWS_PT, ROWS_PT)])

    @pl.when(c == 0)
    def _():
        run(xs1, src1, dst1, agg1)

    @pl.when(c == 1)
    def _():
        run(xs2, src2, dst2, agg2)


def _prescale_body(x_ref, d1_ref, d2_ref, xs1_ref, xs2_ref):
    x = x_ref[...]
    d1 = d1_ref[...]
    d2 = d2_ref[...]
    n1 = jnp.where(d1 > 0, lax.rsqrt(d1), 0.0)
    n2 = jnp.where(d2 > 0, lax.rsqrt(d2), 0.0)
    xs1_ref[...] = x * n1
    xs2_ref[...] = x * n2


def _tc_prescale(x, d_out1, d_out2):
    return pl.pallas_call(
        _prescale_body,
        grid=(NBLK,),
        in_specs=[
            pl.BlockSpec((BLK, D), lambda i: (i, 0)),
            pl.BlockSpec((BLK, 1), lambda i: (i, 0)),
            pl.BlockSpec((BLK, 1), lambda i: (i, 0)),
        ],
        out_specs=[
            pl.BlockSpec((BLK, D), lambda i: (i, 0)),
            pl.BlockSpec((BLK, D), lambda i: (i, 0)),
        ],
        out_shape=[jax.ShapeDtypeStruct((N, D), jnp.float32)] * 2,
    )(x, d_out1, d_out2)


def _attn_body(agg1_ref, agg2_ref, d1_ref, d2_ref, w1_ref, b1_ref, w2_ref,
               o_ref, s_acc):
    p = pl.program_id(0)
    i = pl.program_id(1)
    d1 = d1_ref[...]
    d2 = d2_ref[...]
    n1 = jnp.where(d1 > 0, lax.rsqrt(d1), 0.0)
    n2 = jnp.where(d2 > 0, lax.rsqrt(d2), 0.0)
    h1 = agg1_ref[...] * n1
    h2 = agg2_ref[...] * n2

    @pl.when(jnp.logical_and(p == 0, i == 0))
    def _():
        s_acc[...] = jnp.zeros_like(s_acc)

    @pl.when(p == 0)
    def _():
        w1 = w1_ref[...]
        b1 = b1_ref[...]
        w2 = w2_ref[...]
        t1 = jnp.tanh(jnp.dot(h1, w1, preferred_element_type=jnp.float32)
                      + b1)
        s1 = jnp.sum(t1 * w2)
        t2 = jnp.tanh(jnp.dot(h2, w1, preferred_element_type=jnp.float32)
                      + b1)
        s2 = jnp.sum(t2 * w2)
        s_acc[...] += jnp.concatenate(
            [jnp.full((1, 128), s1, jnp.float32),
             jnp.full((1, 128), s2, jnp.float32)], axis=0)

    @pl.when(p == 1)
    def _():
        sv = s_acc[...] * (1.0 / N)
        s0 = sv[0:1, 0:1]
        s1v = sv[1:2, 0:1]
        m = jnp.maximum(s0, s1v)
        e0 = jnp.exp(s0 - m)
        e1 = jnp.exp(s1v - m)
        inv = 1.0 / (e0 + e1)
        o_ref[...] = (e0 * inv) * h1 + (e1 * inv) * h2


def _tc_attention(agg1, agg2, d_in1, d_in2, W1, b1r, w2r):
    return pl.pallas_call(
        _attn_body,
        grid=(2, NBLK),
        in_specs=[
            pl.BlockSpec((BLK, D), lambda p, i: (i, 0)),
            pl.BlockSpec((BLK, D), lambda p, i: (i, 0)),
            pl.BlockSpec((BLK, 1), lambda p, i: (i, 0)),
            pl.BlockSpec((BLK, 1), lambda p, i: (i, 0)),
            pl.BlockSpec((D, D), lambda p, i: (0, 0)),
            pl.BlockSpec((1, D), lambda p, i: (0, 0)),
            pl.BlockSpec((1, D), lambda p, i: (0, 0)),
        ],
        out_specs=pl.BlockSpec((BLK, D), lambda p, i: (i, 0)),
        out_shape=jax.ShapeDtypeStruct((N, D), jnp.float32),
        scratch_shapes=[pltpu.VMEM((2, 128), jnp.float32)],
    )(agg1, agg2, d_in1, d_in2, W1, b1r, w2r)


def kernel(x, edge_index1, edge_index2, W1, b1, W2):
    src1 = edge_index1[0].reshape(16, NCHUNK, K)
    dst1 = edge_index1[1].reshape(16, NCHUNK, K)
    src2 = edge_index2[0].reshape(16, NCHUNK, K)
    dst2 = edge_index2[1].reshape(16, NCHUNK, K)

    deg = _sc_degrees(src1, dst1, src2, dst2)
    d_out1 = deg[0, :N].reshape(N, 1)
    d_in1 = deg[1, :N].reshape(N, 1)
    d_out2 = deg[2, :N].reshape(N, 1)
    d_in2 = deg[3, :N].reshape(N, 1)

    xs1, xs2 = _tc_prescale(x, d_out1, d_out2)

    agg1, agg2 = _sc_aggregate(xs1, xs2, src1, dst1, src2, dst2)

    return _tc_attention(agg1, agg2, d_in1, d_in2, W1,
                         b1.reshape(1, D), W2.reshape(1, D))

# --- scband reference (transcript-rebuilt; emitter-appended) ---
"""Pipeline reference for scband-hngcl-83416854823259 (READ-ONLY COPY).

The authoritative reference and input builder live on the scoring server;
editing this copy changes nothing except your own understanding.
"""

import jax, jax.numpy as jnp
import numpy as np

N = 10000
E = 320000
D = 128
H = 128


def graph_conv(x, edge_index):
    # DGL GraphConv with norm='both', weight=None, bias=None, activation=None,
    # allow_zero_in_degree=True:  out = D_in^{-1/2} A D_out^{-1/2} x
    src = edge_index[0]
    dst = edge_index[1]
    ones = jnp.ones((src.shape[0],), dtype=x.dtype)
    deg_out = jax.ops.segment_sum(ones, src, num_segments=N)
    deg_in = jax.ops.segment_sum(ones, dst, num_segments=N)
    norm_src = jnp.where(deg_out > 0, deg_out ** -0.5, 0.0)
    norm_dst = jnp.where(deg_in > 0, deg_in ** -0.5, 0.0)
    xs = x * norm_src[:, None]
    agg = jax.ops.segment_sum(xs[src], dst, num_segments=N)
    return agg * norm_dst[:, None]


def semantic_attention(z, W1, b1, W2):
    # z: [N, M, D]
    w = jnp.tanh(z @ W1 + b1) @ W2      # [N, M, 1]
    w = w.mean(axis=0)                   # [M, 1]
    beta = jax.nn.softmax(w, axis=0)     # [M, 1]
    return (beta[None, :, :] * z).sum(axis=1)  # [N, D]


def setup_inputs(seed: int = 0) -> dict:
    key = jax.random.key(seed)
    ks = jax.random.split(key, 6)
    x = jax.random.normal(ks[0], (N, D), dtype=jnp.float32)
    edge_index1 = jax.random.randint(ks[1], (2, E), 0, N, dtype=jnp.int32)
    edge_index2 = jax.random.randint(ks[2], (2, E), 0, N, dtype=jnp.int32)
    W1 = jax.random.normal(ks[3], (D, H), dtype=jnp.float32) * (1.0 / np.sqrt(D))
    b1 = jnp.zeros((H,), dtype=jnp.float32)
    W2 = jax.random.normal(ks[4], (H, 1), dtype=jnp.float32) * (1.0 / np.sqrt(H))
    return {"x": x, "edge_index1": edge_index1, "edge_index2": edge_index2,
            "W1": W1, "b1": b1, "W2": W2}


def reference(x, edge_index1, edge_index2, W1, b1, W2):
    # HANLayer forward: one GraphConv per metapath graph, then semantic attention.
    h1 = graph_conv(x, edge_index1)
    h2 = graph_conv(x, edge_index2)
    z = jnp.stack([h1, h2], axis=1)  # [N, M=2, D] (layer_num_heads=1 -> flatten(1) is identity)
    out = semantic_attention(z, W1, b1, W2)
    return out

if __name__ == "__main__":
    import jax
    _d = setup_inputs()
    print(jax.jit(kernel)(*tuple(_d.values())))

</pallas_src>

<mosaic_0001>
#map = affine_map<(d0, d1) -> (0, 0, 0)>
#map1 = affine_map<(d0, d1) -> (0, 0)>
module attributes {stable_mosaic.version = 14 : i64} {
  func.func @_sc_degrees(%arg0: i32, %arg1: i32, %arg2: memref<16x160x125xi32, #tpu.memory_space<hbm>>, %arg3: memref<16x160x125xi32, #tpu.memory_space<hbm>>, %arg4: memref<16x160x125xi32, #tpu.memory_space<hbm>>, %arg5: memref<16x160x125xi32, #tpu.memory_space<hbm>>, %arg6: memref<4x10240xf32, #tpu.memory_space<hbm>>, %arg7: memref<160x125xi32, #tpu.memory_space<vmem>>, %arg8: memref<160x125xi32, #tpu.memory_space<vmem>>, %arg9: memref<128xf32, #tpu.memory_space<vmem>>, %arg10: memref<640xf32, #tpu.memory_space<vmem>>, %arg11: memref<10240xf32, #tpu.memory_space<vmem_shared>>, %arg12: memref<10240xf32, #tpu.memory_space<vmem_shared>>, %arg13: memref<!tpu.dma_semaphore, #tpu.memory_space<semaphore_mem>>, %arg14: memref<!tpu.dma_semaphore, #tpu.memory_space<semaphore_mem>>, %arg15: memref<!tpu.dma_semaphore, #tpu.memory_space<semaphore_mem>>, %arg16: memref<!tpu.dma_semaphore, #tpu.memory_space<semaphore_mem>>) attributes {dimension_semantics = [#tpu.dimension_semantics<core_parallel>, #tpu.dimension_semantics<subcore_parallel>], iteration_bounds = array<i64: 2, 16>, scalar_prefetch = 0 : i64, scratch_operands = 10 : i64, tpu.core_type = #tpu.core_type<sc_vector_subcore>, window_params = [{transform_indices = #map}, {transform_indices = #map}, {transform_indices = #map}, {transform_indices = #map}, {transform_indices = #map1}]} {
    %scan3A = arith.constant 0 : i32
    %scan3A_0 = arith.constant 8 : i32
    %scan3A_1 = arith.addi %scan3A, %scan3A_0 : i32
    %scan3A_2 = arith.constant 1 : i32
    scf.for %scan3A_66 = %scan3A to %scan3A_1 step %scan3A_2  : i32 {
      %mul3A_67 = arith.constant 1 : i32
      %mul3A_68 = arith.muli %scan3A_66, %mul3A_67 : i32
      %add3A = arith.constant 0 : i32
      %add3A_69 = arith.addi %add3A, %mul3A_68 : i32
      %broadcast_in_dim3A = arith.constant 1.000000e+00 : f32
      %broadcast_in_dim3A_70 = vector.broadcast %broadcast_in_dim3A : f32 to vector<16xf32>
      %mul3A_71 = arith.constant 16 : i32
      %mul3A_72 = arith.muli %add3A_69, %mul3A_71 : i32
      %swap3A = arith.index_cast %mul3A_72 : i32 to index
      %swap3A_73 = tpu.vector_load %arg9[%swap3A] {strides = array<i32>} : memref<128xf32, #tpu.memory_space<vmem>>, vector<16xf32>,
      %swap3A_74 = vector.shape_cast %swap3A_73 : vector<16xf32> to vector<16xf32>
      %swap3A_75 = vector.shape_cast %broadcast_in_dim3A_70 : vector<16xf32> to vector<16xf32>
      tpu.vector_store %arg9[%swap3A], %swap3A_75 {strides = array<i32>} : memref<128xf32, #tpu.memory_space<vmem>>, vector<16xf32>,
    }
    %scan3A_3 = arith.constant 8 : i32
    %scan3A_4 = arith.constant 0 : i32
    %scan3A_5 = arith.constant 40 : i32
    %scan3A_6 = arith.addi %scan3A_4, %scan3A_5 : i32
    %scan3A_7 = arith.constant 1 : i32
    scf.for %scan3A_66 = %scan3A_4 to %scan3A_6 step %scan3A_7  : i32 {
      %mul3A_67 = arith.constant 1 : i32
      %mul3A_68 = arith.muli %scan3A_66, %mul3A_67 : i32
      %add3A = arith.constant 0 : i32
      %add3A_69 = arith.addi %add3A, %mul3A_68 : i32
      %broadcast_in_dim3A = arith.constant 0.000000e+00 : f32
      %broadcast_in_dim3A_70 = vector.broadcast %broadcast_in_dim3A : f32 to vector<16xf32>
      %mul3A_71 = arith.constant 16 : i32
      %mul3A_72 = arith.muli %add3A_69, %mul3A_71 : i32
      %swap3A = arith.index_cast %mul3A_72 : i32 to index
      %swap3A_73 = tpu.vector_load %arg10[%swap3A] {strides = array<i32>} : memref<640xf32, #tpu.memory_space<vmem>>, vector<16xf32>,
      %swap3A_74 = vector.shape_cast %swap3A_73 : vector<16xf32> to vector<16xf32>
      %swap3A_75 = vector.shape_cast %broadcast_in_dim3A_70 : vector<16xf32> to vector<16xf32>
      tpu.vector_store %arg10[%swap3A], %swap3A_75 {strides = array<i32>} : memref<640xf32, #tpu.memory_space<vmem>>, vector<16xf32>,
    }
    %scan3A_8 = arith.constant 40 : i32
    %mul3A = arith.constant 640 : i32
    %mul3A_9 = arith.muli %arg1, %mul3A : i32
    "tpu.region"() ({
      %run_scoped3A = tpu.sem_alloc : memref<!tpu.dma_semaphore, #tpu.memory_space<semaphore_mem>>
      %dma_start3A = tpu.memref_slice %arg11[%mul3A_9] : memref<10240xf32, #tpu.memory_space<vmem_shared>> -> memref<640xf32, #tpu.memory_space<vmem_shared>>
      %dma_start3A_66 = tpu.memref_slice %arg11[%mul3A_9] : memref<10240xf32, #tpu.memory_space<vmem_shared>> -> memref<640xf32, #tpu.memory_space<vmem_shared>>
      tpu.enqueue_dma source(%arg10 : memref<640xf32, #tpu.memory_space<vmem>>) target(%dma_start3A_66 : memref<640xf32, #tpu.memory_space<vmem_shared>>) target_semaphore(%run_scoped3A : memref<!tpu.dma_semaphore, #tpu.memory_space<semaphore_mem>>)
      %dma_wait3A_67 = tpu.memref_slice %arg11[%mul3A_9] : memref<10240xf32, #tpu.memory_space<vmem_shared>> -> memref<640xf32, #tpu.memory_space<vmem_shared>>
      %dma_wait3A_68 = tpu.memref_slice %arg11[%mul3A_9] : memref<10240xf32, #tpu.memory_space<vmem_shared>> -> memref<640xf32, #tpu.memory_space<vmem_shared>>
      tpu.wait_dma2 semaphore(%run_scoped3A : memref<!tpu.dma_semaphore, #tpu.memory_space<semaphore_mem>>) src(%arg10 : memref<640xf32, #tpu.memory_space<vmem>>) dst(%dma_wait3A_68 : memref<640xf32, #tpu.memory_space<vmem_shared>>)
      tpu.yield
    }) : () -> ()
    %mul3A_10 = arith.constant 640 : i32
    %mul3A_11 = arith.muli %arg1, %mul3A_10 : i32
    "tpu.region"() ({
      %run_scoped3A = tpu.sem_alloc : memref<!tpu.dma_semaphore, #tpu.memory_space<semaphore_mem>>
      %dma_start3A = tpu.memref_slice %arg12[%mul3A_11] : memref<10240xf32, #tpu.memory_space<vmem_shared>> -> memref<640xf32, #tpu.memory_space<vmem_shared>>
      %dma_start3A_66 = tpu.memref_slice %arg12[%mul3A_11] : memref<10240xf32, #tpu.memory_space<vmem_shared>> -> memref<640xf32, #tpu.memory_space<vmem_shared>>
      tpu.enqueue_dma source(%arg10 : memref<640xf32, #tpu.memory_space<vmem>>) target(%dma_start3A_66 : memref<640xf32, #tpu.memory_space<vmem_shared>>) target_semaphore(%run_scoped3A : memref<!tpu.dma_semaphore, #tpu.memory_space<semaphore_mem>>)
      %dma_wait3A_67 = tpu.memref_slice %arg12[%mul3A_11] : memref<10240xf32, #tpu.memory_space<vmem_shared>> -> memref<640xf32, #tpu.memory_space<vmem_shared>>
      %dma_wait3A_68 = tpu.memref_slice %arg12[%mul3A_11] : memref<10240xf32, #tpu.memory_space<vmem_shared>> -> memref<640xf32, #tpu.memory_space<vmem_shared>>
      tpu.wait_dma2 semaphore(%run_scoped3A : memref<!tpu.dma_semaphore, #tpu.memory_space<semaphore_mem>>) src(%arg10 : memref<640xf32, #tpu.memory_space<vmem>>) dst(%dma_wait3A_68 : memref<640xf32, #tpu.memory_space<vmem_shared>>)
      tpu.yield
    }) : () -> ()
    %eq3A = arith.constant 0 : i32
    %eq3A_12 = arith.cmpi eq, %arg0, %eq3A : i32
    %convert_element_type3A = arith.extui %eq3A_12 : i1 to i32
    %cond3A = arith.constant 0 : i32
    %cond3A_13 = arith.cmpi ne, %convert_element_type3A, %cond3A : i32
    scf.if %cond3A_13 {
      "tpu.region"() ({
        %run_scoped3A = tpu.sem_alloc : memref<!tpu.dma_semaphore, #tpu.memory_space<semaphore_mem>>
        %dma_start3A = arith.constant 0 : i32
        %dma_start3A_66 = arith.constant 0 : i32
        %dma_start3A_67 = tpu.memref_slice %arg2[%arg1, %dma_start3A, %dma_start3A_66] : memref<16x160x125xi32, #tpu.memory_space<hbm>> -> memref<1x160x125xi32, #tpu.memory_space<hbm>>
        %dma_start3A_68 = tpu.memref_squeeze %dma_start3A_67 : memref<1x160x125xi32, #tpu.memory_space<hbm>> -> memref<160x125xi32, #tpu.memory_space<hbm>>
        %dma_start3A_69 = arith.constant 0 : i32
        %dma_start3A_70 = arith.constant 0 : i32
        %dma_start3A_71 = tpu.memref_slice %arg2[%arg1, %dma_start3A_69, %dma_start3A_70] : memref<16x160x125xi32, #tpu.memory_space<hbm>> -> memref<1x160x125xi32, #tpu.memory_space<hbm>>
        %dma_start3A_72 = tpu.memref_squeeze %dma_start3A_71 : memref<1x160x125xi32, #tpu.memory_space<hbm>> -> memref<160x125xi32, #tpu.memory_space<hbm>>
        tpu.enqueue_dma source(%dma_start3A_72 : memref<160x125xi32, #tpu.memory_space<hbm>>) target(%arg7 : memref<160x125xi32, #tpu.memory_space<vmem>>) target_semaphore(%run_scoped3A : memref<!tpu.dma_semaphore, #tpu.memory_space<semaphore_mem>>)
        %dma_wait3A_73 = arith.constant 0 : i32
        %dma_wait3A_74 = arith.constant 0 : i32
        %dma_wait3A_75 = tpu.memref_slice %arg2[%arg1, %dma_wait3A_73, %dma_wait3A_74] : memref<16x160x125xi32, #tpu.memory_space<hbm>> -> memref<1x160x125xi32, #tpu.memory_space<hbm>>
        %dma_wait3A_76 = tpu.memref_squeeze %dma_wait3A_75 : memref<1x160x125xi32, #tpu.memory_space<hbm>> -> memref<160x125xi32, #tpu.memory_space<hbm>>
        %dma_wait3A_77 = arith.constant 0 : i32
        %dma_wait3A_78 = arith.constant 0 : i32
        %dma_wait3A_79 = tpu.memref_slice %arg2[%arg1, %dma_wait3A_77, %dma_wait3A_78] : memref<16x160x125xi32, #tpu.memory_space<hbm>> -> memref<1x160x125xi32, #tpu.memory_space<hbm>>
        %dma_wait3A_80 = tpu.memref_squeeze %dma_wait3A_79 : memref<1x160x125xi32, #tpu.memory_space<hbm>> -> memref<160x125xi32, #tpu.memory_space<hbm>>
        tpu.wait_dma2 semaphore(%run_scoped3A : memref<!tpu.dma_semaphore, #tpu.memory_space<semaphore_mem>>) src(%dma_wait3A_80 : memref<160x125xi32, #tpu.memory_space<hbm>>) dst(%arg7 : memref<160x125xi32, #tpu.memory_space<vmem>>)
        tpu.yield
      }) : () -> ()
      "tpu.region"() ({
        %run_scoped3A = tpu.sem_alloc : memref<!tpu.dma_semaphore, #tpu.memory_space<semaphore_mem>>
        %dma_start3A = arith.constant 0 : i32
        %dma_start3A_66 = arith.constant 0 : i32
        %dma_start3A_67 = tpu.memref_slice %arg3[%arg1, %dma_start3A, %dma_start3A_66] : memref<16x160x125xi32, #tpu.memory_space<hbm>> -> memref<1x160x125xi32, #tpu.memory_space<hbm>>
        %dma_start3A_68 = tpu.memref_squeeze %dma_start3A_67 : memref<1x160x125xi32, #tpu.memory_space<hbm>> -> memref<160x125xi32, #tpu.memory_space<hbm>>
        %dma_start3A_69 = arith.constant 0 : i32
        %dma_start3A_70 = arith.constant 0 : i32
        %dma_start3A_71 = tpu.memref_slice %arg3[%arg1, %dma_start3A_69, %dma_start3A_70] : memref<16x160x125xi32, #tpu.memory_space<hbm>> -> memref<1x160x125xi32, #tpu.memory_space<hbm>>
        %dma_start3A_72 = tpu.memref_squeeze %dma_start3A_71 : memref<1x160x125xi32, #tpu.memory_space<hbm>> -> memref<160x125xi32, #tpu.memory_space<hbm>>
        tpu.enqueue_dma source(%dma_start3A_72 : memref<160x125xi32, #tpu.memory_space<hbm>>) target(%arg8 : memref<160x125xi32, #tpu.memory_space<vmem>>) target_semaphore(%run_scoped3A : memref<!tpu.dma_semaphore, #tpu.memory_space<semaphore_mem>>)
        %dma_wait3A_73 = arith.constant 0 : i32
        %dma_wait3A_74 = arith.constant 0 : i32
        %dma_wait3A_75 = tpu.memref_slice %arg3[%arg1, %dma_wait3A_73, %dma_wait3A_74] : memref<16x160x125xi32, #tpu.memory_space<hbm>> -> memref<1x160x125xi32, #tpu.memory_space<hbm>>
        %dma_wait3A_76 = tpu.memref_squeeze %dma_wait3A_75 : memref<1x160x125xi32, #tpu.memory_space<hbm>> -> memref<160x125xi32, #tpu.memory_space<hbm>>
        %dma_wait3A_77 = arith.constant 0 : i32
        %dma_wait3A_78 = arith.constant 0 : i32
        %dma_wait3A_79 = tpu.memref_slice %arg3[%arg1, %dma_wait3A_77, %dma_wait3A_78] : memref<16x160x125xi32, #tpu.memory_space<hbm>> -> memref<1x160x125xi32, #tpu.memory_space<hbm>>
        %dma_wait3A_80 = tpu.memref_squeeze %dma_wait3A_79 : memref<1x160x125xi32, #tpu.memory_space<hbm>> -> memref<160x125xi32, #tpu.memory_space<hbm>>
        tpu.wait_dma2 semaphore(%run_scoped3A : memref<!tpu.dma_semaphore, #tpu.memory_space<semaphore_mem>>) src(%dma_wait3A_80 : memref<160x125xi32, #tpu.memory_space<hbm>>) dst(%arg8 : memref<160x125xi32, #tpu.memory_space<vmem>>)
        tpu.yield
      }) : () -> ()
    } else {
    }
    %eq3A_14 = arith.constant 1 : i32
    %eq3A_15 = arith.cmpi eq, %arg0, %eq3A_14 : i32
    %convert_element_type3A_16 = arith.extui %eq3A_15 : i1 to i32
    %cond3A_17 = arith.constant 0 : i32
    %cond3A_18 = arith.cmpi ne, %convert_element_type3A_16, %cond3A_17 : i32
    scf.if %cond3A_18 {
      "tpu.region"() ({
        %run_scoped3A = tpu.sem_alloc : memref<!tpu.dma_semaphore, #tpu.memory_space<semaphore_mem>>
        %dma_start3A = arith.constant 0 : i32
        %dma_start3A_66 = arith.constant 0 : i32
        %dma_start3A_67 = tpu.memref_slice %arg4[%arg1, %dma_start3A, %dma_start3A_66] : memref<16x160x125xi32, #tpu.memory_space<hbm>> -> memref<1x160x125xi32, #tpu.memory_space<hbm>>
        %dma_start3A_68 = tpu.memref_squeeze %dma_start3A_67 : memref<1x160x125xi32, #tpu.memory_space<hbm>> -> memref<160x125xi32, #tpu.memory_space<hbm>>
        %dma_start3A_69 = arith.constant 0 : i32
        %dma_start3A_70 = arith.constant 0 : i32
        %dma_start3A_71 = tpu.memref_slice %arg4[%arg1, %dma_start3A_69, %dma_start3A_70] : memref<16x160x125xi32, #tpu.memory_space<hbm>> -> memref<1x160x125xi32, #tpu.memory_space<hbm>>
        %dma_start3A_72 = tpu.memref_squeeze %dma_start3A_71 : memref<1x160x125xi32, #tpu.memory_space<hbm>> -> memref<160x125xi32, #tpu.memory_space<hbm>>
        tpu.enqueue_dma source(%dma_start3A_72 : memref<160x125xi32, #tpu.memory_space<hbm>>) target(%arg7 : memref<160x125xi32, #tpu.memory_space<vmem>>) target_semaphore(%run_scoped3A : memref<!tpu.dma_semaphore, #tpu.memory_space<semaphore_mem>>)
        %dma_wait3A_73 = arith.constant 0 : i32
        %dma_wait3A_74 = arith.constant 0 : i32
        %dma_wait3A_75 = tpu.memref_slice %arg4[%arg1, %dma_wait3A_73, %dma_wait3A_74] : memref<16x160x125xi32, #tpu.memory_space<hbm>> -> memref<1x160x125xi32, #tpu.memory_space<hbm>>
        %dma_wait3A_76 = tpu.memref_squeeze %dma_wait3A_75 : memref<1x160x125xi32, #tpu.memory_space<hbm>> -> memref<160x125xi32, #tpu.memory_space<hbm>>
        %dma_wait3A_77 = arith.constant 0 : i32
        %dma_wait3A_78 = arith.constant 0 : i32
        %dma_wait3A_79 = tpu.memref_slice %arg4[%arg1, %dma_wait3A_77, %dma_wait3A_78] : memref<16x160x125xi32, #tpu.memory_space<hbm>> -> memref<1x160x125xi32, #tpu.memory_space<hbm>>
        %dma_wait3A_80 = tpu.memref_squeeze %dma_wait3A_79 : memref<1x160x125xi32, #tpu.memory_space<hbm>> -> memref<160x125xi32, #tpu.memory_space<hbm>>
        tpu.wait_dma2 semaphore(%run_scoped3A : memref<!tpu.dma_semaphore, #tpu.memory_space<semaphore_mem>>) src(%dma_wait3A_80 : memref<160x125xi32, #tpu.memory_space<hbm>>) dst(%arg7 : memref<160x125xi32, #tpu.memory_space<vmem>>)
        tpu.yield
      }) : () -> ()
      "tpu.region"() ({
        %run_scoped3A = tpu.sem_alloc : memref<!tpu.dma_semaphore, #tpu.memory_space<semaphore_mem>>
        %dma_start3A = arith.constant 0 : i32
        %dma_start3A_66 = arith.constant 0 : i32
        %dma_start3A_67 = tpu.memref_slice %arg5[%arg1, %dma_start3A, %dma_start3A_66] : memref<16x160x125xi32, #tpu.memory_space<hbm>> -> memref<1x160x125xi32, #tpu.memory_space<hbm>>
        %dma_start3A_68 = tpu.memref_squeeze %dma_start3A_67 : memref<1x160x125xi32, #tpu.memory_space<hbm>> -> memref<160x125xi32, #tpu.memory_space<hbm>>
        %dma_start3A_69 = arith.constant 0 : i32
        %dma_start3A_70 = arith.constant 0 : i32
        %dma_start3A_71 = tpu.memref_slice %arg5[%arg1, %dma_start3A_69, %dma_start3A_70] : memref<16x160x125xi32, #tpu.memory_space<hbm>> -> memref<1x160x125xi32, #tpu.memory_space<hbm>>
        %dma_start3A_72 = tpu.memref_squeeze %dma_start3A_71 : memref<1x160x125xi32, #tpu.memory_space<hbm>> -> memref<160x125xi32, #tpu.memory_space<hbm>>
        tpu.enqueue_dma source(%dma_start3A_72 : memref<160x125xi32, #tpu.memory_space<hbm>>) target(%arg8 : memref<160x125xi32, #tpu.memory_space<vmem>>) target_semaphore(%run_scoped3A : memref<!tpu.dma_semaphore, #tpu.memory_space<semaphore_mem>>)
        %dma_wait3A_73 = arith.constant 0 : i32
        %dma_wait3A_74 = arith.constant 0 : i32
        %dma_wait3A_75 = tpu.memref_slice %arg5[%arg1, %dma_wait3A_73, %dma_wait3A_74] : memref<16x160x125xi32, #tpu.memory_space<hbm>> -> memref<1x160x125xi32, #tpu.memory_space<hbm>>
        %dma_wait3A_76 = tpu.memref_squeeze %dma_wait3A_75 : memref<1x160x125xi32, #tpu.memory_space<hbm>> -> memref<160x125xi32, #tpu.memory_space<hbm>>
        %dma_wait3A_77 = arith.constant 0 : i32
        %dma_wait3A_78 = arith.constant 0 : i32
        %dma_wait3A_79 = tpu.memref_slice %arg5[%arg1, %dma_wait3A_77, %dma_wait3A_78] : memref<16x160x125xi32, #tpu.memory_space<hbm>> -> memref<1x160x125xi32, #tpu.memory_space<hbm>>
        %dma_wait3A_80 = tpu.memref_squeeze %dma_wait3A_79 : memref<1x160x125xi32, #tpu.memory_space<hbm>> -> memref<160x125xi32, #tpu.memory_space<hbm>>
        tpu.wait_dma2 semaphore(%run_scoped3A : memref<!tpu.dma_semaphore, #tpu.memory_space<semaphore_mem>>) src(%dma_wait3A_80 : memref<160x125xi32, #tpu.memory_space<hbm>>) dst(%arg8 : memref<160x125xi32, #tpu.memory_space<vmem>>)
        tpu.yield
      }) : () -> ()
    } else {
    }
    %barrier3A = arith.constant 0 : index
    tpu.barrier barrier_id(%barrier3A)
    %scan3A_19 = arith.constant 0 : i32
    %scan3A_20 = arith.constant 160 : i32
    %scan3A_21 = arith.addi %scan3A_19, %scan3A_20 : i32
    %scan3A_22 = arith.constant 1 : i32
    scf.for %scan3A_66 = %scan3A_19 to %scan3A_21 step %scan3A_22  : i32 {
      %mul3A_67 = arith.constant 1 : i32
      %mul3A_68 = arith.muli %scan3A_66, %mul3A_67 : i32
      %add3A = arith.constant 0 : i32
      %add3A_69 = arith.addi %add3A, %mul3A_68 : i32
      %jit3A = arith.constant 2 : i32
      %eq3A_70 = arith.constant 0 : i32
      %eq3A_71 = arith.cmpi eq, %jit3A, %eq3A_70 : i32
      %jit3A_72 = arith.constant 1 : i32
      %select_n3A = arith.select %eq3A_71, %jit3A_72, %jit3A : i32
      %rem3A = arith.remsi %add3A_69, %select_n3A : i32
      %ne3A = arith.constant 0 : i32
      %ne3A_73 = arith.cmpi ne, %rem3A, %ne3A : i32
      %lt3A = arith.constant 0 : i32
      %lt3A_74 = arith.cmpi slt, %rem3A, %lt3A : i32
      %lt3A_75 = arith.constant 0 : i32
      %lt3A_76 = arith.cmpi slt, %select_n3A, %lt3A_75 : i32
      %ne3A_77 = arith.xori %lt3A_74, %lt3A_76 : i1
      %and3A = arith.andi %ne3A_77, %ne3A_73 : i1
      %add3A_78 = arith.addi %rem3A, %select_n3A : i32
      %select_n3A_79 = arith.select %and3A, %add3A_78, %rem3A : i32
      %eq3A_80 = arith.constant 0 : i32
      %eq3A_81 = arith.cmpi eq, %select_n3A_79, %eq3A_80 : i32
      %convert_element_type3A_82 = arith.extui %eq3A_81 : i1 to i32
      %cond3A_83 = arith.constant 0 : i32
      %cond3A_84 = arith.cmpi ne, %convert_element_type3A_82, %cond3A_83 : i32
      scf.if %cond3A_84 {
        %ge3A = arith.constant 2 : i32
        %ge3A_89 = arith.cmpi sge, %add3A_69, %ge3A : i32
        %convert_element_type3A_90 = arith.extui %ge3A_89 : i1 to i32
        %cond3A_91 = arith.constant 0 : i32
        %cond3A_92 = arith.cmpi ne, %convert_element_type3A_90, %cond3A_91 : i32
        scf.if %cond3A_92 {
          %dma_wait3A_106 = arith.constant 0 : i32
          %dma_wait3A_107 = tpu.memref_slice %arg9[%dma_wait3A_106] : memref<128xf32, #tpu.memory_space<vmem>> -> memref<125xf32, #tpu.memory_space<vmem>>
          %dma_wait3A_108 = arith.constant 0 : i32
          %dma_wait3A_109 = tpu.memref_slice %arg7[%add3A_69, %dma_wait3A_108] : memref<160x125xi32, #tpu.memory_space<vmem>> -> memref<1x125xi32, #tpu.memory_space<vmem>>
          %dma_wait3A_110 = tpu.memref_squeeze %dma_wait3A_109 : memref<1x125xi32, #tpu.memory_space<vmem>> -> memref<125xi32, #tpu.memory_space<vmem>>
          %dma_wait3A_111 = arith.constant 0 : i32
          %dma_wait3A_112 = tpu.memref_slice %arg11[%dma_wait3A_111] : memref<10240xf32, #tpu.memory_space<vmem_shared>> -> memref<10240xf32, #tpu.memory_space<vmem_shared>>
          tpu.wait_indirect_dma semaphore(%arg13 : memref<!tpu.dma_semaphore, #tpu.memory_space<semaphore_mem>>) src(%dma_wait3A_107 : memref<125xf32, #tpu.memory_space<vmem>>) dst(%dma_wait3A_112 : memref<10240xf32, #tpu.memory_space<vmem_shared>>)
          %dma_wait3A_113 = arith.constant 0 : i32
          %dma_wait3A_114 = tpu.memref_slice %arg9[%dma_wait3A_113] : memref<128xf32, #tpu.memory_space<vmem>> -> memref<125xf32, #tpu.memory_space<vmem>>
          %dma_wait3A_115 = arith.constant 0 : i32
          %dma_wait3A_116 = tpu.memref_slice %arg8[%add3A_69, %dma_wait3A_115] : memref<160x125xi32, #tpu.memory_space<vmem>> -> memref<1x125xi32, #tpu.memory_space<vmem>>
          %dma_wait3A_117 = tpu.memref_squeeze %dma_wait3A_116 : memref<1x125xi32, #tpu.memory_space<vmem>> -> memref<125xi32, #tpu.memory_space<vmem>>
          %dma_wait3A_118 = arith.constant 0 : i32
          %dma_wait3A_119 = tpu.memref_slice %arg12[%dma_wait3A_118] : memref<10240xf32, #tpu.memory_space<vmem_shared>> -> memref<10240xf32, #tpu.memory_space<vmem_shared>>
          tpu.wait_indirect_dma semaphore(%arg14 : memref<!tpu.dma_semaphore, #tpu.memory_space<semaphore_mem>>) src(%dma_wait3A_114 : memref<125xf32, #tpu.memory_space<vmem>>) dst(%dma_wait3A_119 : memref<10240xf32, #tpu.memory_space<vmem_shared>>)
        } else {
        }
        %dma_start3A = arith.constant 0 : i32
        %dma_start3A_93 = tpu.memref_slice %arg9[%dma_start3A] : memref<128xf32, #tpu.memory_space<vmem>> -> memref<125xf32, #tpu.memory_space<vmem>>
        %dma_start3A_94 = arith.constant 0 : i32
        %dma_start3A_95 = tpu.memref_slice %arg7[%add3A_69, %dma_start3A_94] : memref<160x125xi32, #tpu.memory_space<vmem>> -> memref<1x125xi32, #tpu.memory_space<vmem>>
        %dma_start3A_96 = tpu.memref_squeeze %dma_start3A_95 : memref<1x125xi32, #tpu.memory_space<vmem>> -> memref<125xi32, #tpu.memory_space<vmem>>
        %dma_start3A_97 = arith.constant 0 : i32
        %dma_start3A_98 = tpu.memref_slice %arg11[%dma_start3A_97] : memref<10240xf32, #tpu.memory_space<vmem_shared>> -> memref<10240xf32, #tpu.memory_space<vmem_shared>>
        tpu.enqueue_indirect_dma source(%dma_start3A_93 : memref<125xf32, #tpu.memory_space<vmem>>) target(%dma_start3A_98 : memref<10240xf32, #tpu.memory_space<vmem_shared>>) offsets(%dma_start3A_96 : memref<125xi32, #tpu.memory_space<vmem>>) semaphore(%arg13 : memref<!tpu.dma_semaphore, #tpu.memory_space<semaphore_mem>>) {add = true}
        %dma_start3A_99 = arith.constant 0 : i32
        %dma_start3A_100 = tpu.memref_slice %arg9[%dma_start3A_99] : memref<128xf32, #tpu.memory_space<vmem>> -> memref<125xf32, #tpu.memory_space<vmem>>
        %dma_start3A_101 = arith.constant 0 : i32
        %dma_start3A_102 = tpu.memref_slice %arg8[%add3A_69, %dma_start3A_101] : memref<160x125xi32, #tpu.memory_space<vmem>> -> memref<1x125xi32, #tpu.memory_space<vmem>>
        %dma_start3A_103 = tpu.memref_squeeze %dma_start3A_102 : memref<1x125xi32, #tpu.memory_space<vmem>> -> memref<125xi32, #tpu.memory_space<vmem>>
        %dma_start3A_104 = arith.constant 0 : i32
        %dma_start3A_105 = tpu.memref_slice %arg12[%dma_start3A_104] : memref<10240xf32, #tpu.memory_space<vmem_shared>> -> memref<10240xf32, #tpu.memory_space<vmem_shared>>
        tpu.enqueue_indirect_dma source(%dma_start3A_100 : memref<125xf32, #tpu.memory_space<vmem>>) target(%dma_start3A_105 : memref<10240xf32, #tpu.memory_space<vmem_shared>>) offsets(%dma_start3A_103 : memref<125xi32, #tpu.memory_space<vmem>>) semaphore(%arg14 : memref<!tpu.dma_semaphore, #tpu.memory_space<semaphore_mem>>) {add = true}
      } else {
      }
      %not3A = arith.constant true
      %not3A_85 = arith.xori %eq3A_81, %not3A : i1
      %convert_element_type3A_86 = arith.extui %not3A_85 : i1 to i32
      %cond3A_87 = arith.constant 0 : i32
      %cond3A_88 = arith.cmpi ne, %convert_element_type3A_86, %cond3A_87 : i32
      scf.if %cond3A_88 {
        %ge3A = arith.constant 2 : i32
        %ge3A_89 = arith.cmpi sge, %add3A_69, %ge3A : i32
        %convert_element_type3A_90 = arith.extui %ge3A_89 : i1 to i32
        %cond3A_91 = arith.constant 0 : i32
        %cond3A_92 = arith.cmpi ne, %convert_element_type3A_90, %cond3A_91 : i32
        scf.if %cond3A_92 {
          %dma_wait3A_106 = arith.constant 0 : i32
          %dma_wait3A_107 = tpu.memref_slice %arg9[%dma_wait3A_106] : memref<128xf32, #tpu.memory_space<vmem>> -> memref<125xf32, #tpu.memory_space<vmem>>
          %dma_wait3A_108 = arith.constant 0 : i32
          %dma_wait3A_109 = tpu.memref_slice %arg7[%add3A_69, %dma_wait3A_108] : memref<160x125xi32, #tpu.memory_space<vmem>> -> memref<1x125xi32, #tpu.memory_space<vmem>>
          %dma_wait3A_110 = tpu.memref_squeeze %dma_wait3A_109 : memref<1x125xi32, #tpu.memory_space<vmem>> -> memref<125xi32, #tpu.memory_space<vmem>>
          %dma_wait3A_111 = arith.constant 0 : i32
          %dma_wait3A_112 = tpu.memref_slice %arg11[%dma_wait3A_111] : memref<10240xf32, #tpu.memory_space<vmem_shared>> -> memref<10240xf32, #tpu.memory_space<vmem_shared>>
          tpu.wait_indirect_dma semaphore(%arg15 : memref<!tpu.dma_semaphore, #tpu.memory_space<semaphore_mem>>) src(%dma_wait3A_107 : memref<125xf32, #tpu.memory_space<vmem>>) dst(%dma_wait3A_112 : memref<10240xf32, #tpu.memory_space<vmem_shared>>)
          %dma_wait3A_113 = arith.constant 0 : i32
          %dma_wait3A_114 = tpu.memref_slice %arg9[%dma_wait3A_113] : memref<128xf32, #tpu.memory_space<vmem>> -> memref<125xf32, #tpu.memory_space<vmem>>
          %dma_wait3A_115 = arith.constant 0 : i32
          %dma_wait3A_116 = tpu.memref_slice %arg8[%add3A_69, %dma_wait3A_115] : memref<160x125xi32, #tpu.memory_space<vmem>> -> memref<1x125xi32, #tpu.memory_space<vmem>>
          %dma_wait3A_117 = tpu.memref_squeeze %dma_wait3A_116 : memref<1x125xi32, #tpu.memory_space<vmem>> -> memref<125xi32, #tpu.memory_space<vmem>>
          %dma_wait3A_118 = arith.constant 0 : i32
          %dma_wait3A_119 = tpu.memref_slice %arg12[%dma_wait3A_118] : memref<10240xf32, #tpu.memory_space<vmem_shared>> -> memref<10240xf32, #tpu.memory_space<vmem_shared>>
          tpu.wait_indirect_dma semaphore(%arg16 : memref<!tpu.dma_semaphore, #tpu.memory_space<semaphore_mem>>) src(%dma_wait3A_114 : memref<125xf32, #tpu.memory_space<vmem>>) dst(%dma_wait3A_119 : memref<10240xf32, #tpu.memory_space<vmem_shared>>)
        } else {
        }
        %dma_start3A = arith.constant 0 : i32
        %dma_start3A_93 = tpu.memref_slice %arg9[%dma_start3A] : memref<128xf32, #tpu.memory_space<vmem>> -> memref<125xf32, #tpu.memory_space<vmem>>
        %dma_start3A_94 = arith.constant 0 : i32
        %dma_start3A_95 = tpu.memref_slice %arg7[%add3A_69, %dma_start3A_94] : memref<160x125xi32, #tpu.memory_space<vmem>> -> memref<1x125xi32, #tpu.memory_space<vmem>>
        %dma_start3A_96 = tpu.memref_squeeze %dma_start3A_95 : memref<1x125xi32, #tpu.memory_space<vmem>> -> memref<125xi32, #tpu.memory_space<vmem>>
        %dma_start3A_97 = arith.constant 0 : i32
        %dma_start3A_98 = tpu.memref_slice %arg11[%dma_start3A_97] : memref<10240xf32, #tpu.memory_space<vmem_shared>> -> memref<10240xf32, #tpu.memory_space<vmem_shared>>
        tpu.enqueue_indirect_dma source(%dma_start3A_93 : memref<125xf32, #tpu.memory_space<vmem>>) target(%dma_start3A_98 : memref<10240xf32, #tpu.memory_space<vmem_shared>>) offsets(%dma_start3A_96 : memref<125xi32, #tpu.memory_space<vmem>>) semaphore(%arg15 : memref<!tpu.dma_semaphore, #tpu.memory_space<semaphore_mem>>) {add = true}
        %dma_start3A_99 = arith.constant 0 : i32
        %dma_start3A_100 = tpu.memref_slice %arg9[%dma_start3A_99] : memref<128xf32, #tpu.memory_space<vmem>> -> memref<125xf32, #tpu.memory_space<vmem>>
        %dma_start3A_101 = arith.constant 0 : i32
        %dma_start3A_102 = tpu.memref_slice %arg8[%add3A_69, %dma_start3A_101] : memref<160x125xi32, #tpu.memory_space<vmem>> -> memref<1x125xi32, #tpu.memory_space<vmem>>
        %dma_start3A_103 = tpu.memref_squeeze %dma_start3A_102 : memref<1x125xi32, #tpu.memory_space<vmem>> -> memref<125xi32, #tpu.memory_space<vmem>>
        %dma_start3A_104 = arith.constant 0 : i32
        %dma_start3A_105 = tpu.memref_slice %arg12[%dma_start3A_104] : memref<10240xf32, #tpu.memory_space<vmem_shared>> -> memref<10240xf32, #tpu.memory_space<vmem_shared>>
        tpu.enqueue_indirect_dma source(%dma_start3A_100 : memref<125xf32, #tpu.memory_space<vmem>>) target(%dma_start3A_105 : memref<10240xf32, #tpu.memory_space<vmem_shared>>) offsets(%dma_start3A_103 : memref<125xi32, #tpu.memory_space<vmem>>) semaphore(%arg16 : memref<!tpu.dma_semaphore, #tpu.memory_space<semaphore_mem>>) {add = true}
      } else {
      }
    }
    %scan3A_23 = arith.constant 160 : i32
    %dma_wait3A = arith.constant 0 : i32
    %dma_wait3A_24 = arith.constant 0 : i32
    %dma_wait3A_25 = tpu.memref_slice %arg9[%dma_wait3A_24] : memref<128xf32, #tpu.memory_space<vmem>> -> memref<125xf32, #tpu.memory_space<vmem>>
    %dma_wait3A_26 = arith.constant 0 : i32
    %dma_wait3A_27 = tpu.memref_slice %arg7[%dma_wait3A, %dma_wait3A_26] : memref<160x125xi32, #tpu.memory_space<vmem>> -> memref<1x125xi32, #tpu.memory_space<vmem>>
    %dma_wait3A_28 = tpu.memref_squeeze %dma_wait3A_27 : memref<1x125xi32, #tpu.memory_space<vmem>> -> memref<125xi32, #tpu.memory_space<vmem>>
    %dma_wait3A_29 = arith.constant 0 : i32
    %dma_wait3A_30 = tpu.memref_slice %arg11[%dma_wait3A_29] : memref<10240xf32, #tpu.memory_space<vmem_shared>> -> memref<10240xf32, #tpu.memory_space<vmem_shared>>
    tpu.wait_indirect_dma semaphore(%arg13 : memref<!tpu.dma_semaphore, #tpu.memory_space<semaphore_mem>>) src(%dma_wait3A_25 : memref<125xf32, #tpu.memory_space<vmem>>) dst(%dma_wait3A_30 : memref<10240xf32, #tpu.memory_space<vmem_shared>>)
    %dma_wait3A_31 = arith.constant 0 : i32
    %dma_wait3A_32 = arith.constant 0 : i32
    %dma_wait3A_33 = tpu.memref_slice %arg9[%dma_wait3A_32] : memref<128xf32, #tpu.memory_space<vmem>> -> memref<125xf32, #tpu.memory_space<vmem>>
    %dma_wait3A_34 = arith.constant 0 : i32
    %dma_wait3A_35 = tpu.memref_slice %arg7[%dma_wait3A_31, %dma_wait3A_34] : memref<160x125xi32, #tpu.memory_space<vmem>> -> memref<1x125xi32, #tpu.memory_space<vmem>>
    %dma_wait3A_36 = tpu.memref_squeeze %dma_wait3A_35 : memref<1x125xi32, #tpu.memory_space<vmem>> -> memref<125xi32, #tpu.memory_space<vmem>>
    %dma_wait3A_37 = arith.constant 0 : i32
    %dma_wait3A_38 = tpu.memref_slice %arg11[%dma_wait3A_37] : memref<10240xf32, #tpu.memory_space<vmem_shared>> -> memref<10240xf32, #tpu.memory_space<vmem_shared>>
    tpu.wait_indirect_dma semaphore(%arg14 : memref<!tpu.dma_semaphore, #tpu.memory_space<semaphore_mem>>) src(%dma_wait3A_33 : memref<125xf32, #tpu.memory_space<vmem>>) dst(%dma_wait3A_38 : memref<10240xf32, #tpu.memory_space<vmem_shared>>)
    %dma_wait3A_39 = arith.constant 0 : i32
    %dma_wait3A_40 = arith.constant 0 : i32
    %dma_wait3A_41 = tpu.memref_slice %arg9[%dma_wait3A_40] : memref<128xf32, #tpu.memory_space<vmem>> -> memref<125xf32, #tpu.memory_space<vmem>>
    %dma_wait3A_42 = arith.constant 0 : i32
    %dma_wait3A_43 = tpu.memref_slice %arg7[%dma_wait3A_39, %dma_wait3A_42] : memref<160x125xi32, #tpu.memory_space<vmem>> -> memref<1x125xi32, #tpu.memory_space<vmem>>
    %dma_wait3A_44 = tpu.memref_squeeze %dma_wait3A_43 : memref<1x125xi32, #tpu.memory_space<vmem>> -> memref<125xi32, #tpu.memory_space<vmem>>
    %dma_wait3A_45 = arith.constant 0 : i32
    %dma_wait3A_46 = tpu.memref_slice %arg11[%dma_wait3A_45] : memref<10240xf32, #tpu.memory_space<vmem_shared>> -> memref<10240xf32, #tpu.memory_space<vmem_shared>>
    tpu.wait_indirect_dma semaphore(%arg15 : memref<!tpu.dma_semaphore, #tpu.memory_space<semaphore_mem>>) src(%dma_wait3A_41 : memref<125xf32, #tpu.memory_space<vmem>>) dst(%dma_wait3A_46 : memref<10240xf32, #tpu.memory_space<vmem_shared>>)
    %dma_wait3A_47 = arith.constant 0 : i32
    %dma_wait3A_48 = arith.constant 0 : i32
    %dma_wait3A_49 = tpu.memref_slice %arg9[%dma_wait3A_48] : memref<128xf32, #tpu.memory_space<vmem>> -> memref<125xf32, #tpu.memory_space<vmem>>
    %dma_wait3A_50 = arith.constant 0 : i32
    %dma_wait3A_51 = tpu.memref_slice %arg7[%dma_wait3A_47, %dma_wait3A_50] : memref<160x125xi32, #tpu.memory_space<vmem>> -> memref<1x125xi32, #tpu.memory_space<vmem>>
    %dma_wait3A_52 = tpu.memref_squeeze %dma_wait3A_51 : memref<1x125xi32, #tpu.memory_space<vmem>> -> memref<125xi32, #tpu.memory_space<vmem>>
    %dma_wait3A_53 = arith.constant 0 : i32
    %dma_wait3A_54 = tpu.memref_slice %arg11[%dma_wait3A_53] : memref<10240xf32, #tpu.memory_space<vmem_shared>> -> memref<10240xf32, #tpu.memory_space<vmem_shared>>
    tpu.wait_indirect_dma semaphore(%arg16 : memref<!tpu.dma_semaphore, #tpu.memory_space<semaphore_mem>>) src(%dma_wait3A_49 : memref<125xf32, #tpu.memory_space<vmem>>) dst(%dma_wait3A_54 : memref<10240xf32, #tpu.memory_space<vmem_shared>>)
    %barrier3A_55 = arith.constant 0 : index
    tpu.barrier barrier_id(%barrier3A_55)
    %eq3A_56 = arith.constant 0 : i32
    %eq3A_57 = arith.cmpi eq, %arg0, %eq3A_56 : i32
    %convert_element_type3A_58 = arith.extui %eq3A_57 : i1 to i32
    %cond3A_59 = arith.constant 0 : i32
    %cond3A_60 = arith.cmpi ne, %convert_element_type3A_58, %cond3A_59 : i32
    scf.if %cond3A_60 {
      %mul3A_66 = arith.constant 640 : i32
      %mul3A_67 = arith.muli %arg1, %mul3A_66 : i32
      %mul3A_68 = arith.constant 640 : i32
      %mul3A_69 = arith.muli %arg1, %mul3A_68 : i32
      %run_scoped3A = arith.constant 0 : i32
      "tpu.region"() ({
        %run_scoped3A_75 = tpu.sem_alloc : memref<!tpu.dma_semaphore, #tpu.memory_space<semaphore_mem>>
        %dma_start3A = tpu.memref_slice %arg6[%run_scoped3A, %mul3A_69] : memref<4x10240xf32, #tpu.memory_space<hbm>> -> memref<1x640xf32, #tpu.memory_space<hbm>>
        %dma_start3A_76 = tpu.memref_squeeze %dma_start3A : memref<1x640xf32, #tpu.memory_space<hbm>> -> memref<640xf32, #tpu.memory_space<hbm>>
        %dma_start3A_77 = tpu.memref_slice %arg11[%mul3A_67] : memref<10240xf32, #tpu.memory_space<vmem_shared>> -> memref<640xf32, #tpu.memory_space<vmem_shared>>
        tpu.enqueue_dma source(%dma_start3A_77 : memref<640xf32, #tpu.memory_space<vmem_shared>>) target(%dma_start3A_76 : memref<640xf32, #tpu.memory_space<hbm>>) target_semaphore(%run_scoped3A_75 : memref<!tpu.dma_semaphore, #tpu.memory_space<semaphore_mem>>)
        %dma_wait3A_78 = tpu.memref_slice %arg6[%run_scoped3A, %mul3A_69] : memref<4x10240xf32, #tpu.memory_space<hbm>> -> memref<1x640xf32, #tpu.memory_space<hbm>>
        %dma_wait3A_79 = tpu.memref_squeeze %dma_wait3A_78 : memref<1x640xf32, #tpu.memory_space<hbm>> -> memref<640xf32, #tpu.memory_space<hbm>>
        %dma_wait3A_80 = tpu.memref_slice %arg11[%mul3A_67] : memref<10240xf32, #tpu.memory_space<vmem_shared>> -> memref<640xf32, #tpu.memory_space<vmem_shared>>
        tpu.wait_dma2 semaphore(%run_scoped3A_75 : memref<!tpu.dma_semaphore, #tpu.memory_space<semaphore_mem>>) src(%dma_wait3A_80 : memref<640xf32, #tpu.memory_space<vmem_shared>>) dst(%dma_wait3A_79 : memref<640xf32, #tpu.memory_space<hbm>>)
        tpu.yield
      }) : () -> ()
      %mul3A_70 = arith.constant 640 : i32
      %mul3A_71 = arith.muli %arg1, %mul3A_70 : i32
      %mul3A_72 = arith.constant 640 : i32
      %mul3A_73 = arith.muli %arg1, %mul3A_72 : i32
      %run_scoped3A_74 = arith.constant 1 : i32
      "tpu.region"() ({
        %run_scoped3A_75 = tpu.sem_alloc : memref<!tpu.dma_semaphore, #tpu.memory_space<semaphore_mem>>
        %dma_start3A = tpu.memref_slice %arg6[%run_scoped3A_74, %mul3A_73] : memref<4x10240xf32, #tpu.memory_space<hbm>> -> memref<1x640xf32, #tpu.memory_space<hbm>>
        %dma_start3A_76 = tpu.memref_squeeze %dma_start3A : memref<1x640xf32, #tpu.memory_space<hbm>> -> memref<640xf32, #tpu.memory_space<hbm>>
        %dma_start3A_77 = tpu.memref_slice %arg12[%mul3A_71] : memref<10240xf32, #tpu.memory_space<vmem_shared>> -> memref<640xf32, #tpu.memory_space<vmem_shared>>
        tpu.enqueue_dma source(%dma_start3A_77 : memref<640xf32, #tpu.memory_space<vmem_shared>>) target(%dma_start3A_76 : memref<640xf32, #tpu.memory_space<hbm>>) target_semaphore(%run_scoped3A_75 : memref<!tpu.dma_semaphore, #tpu.memory_space<semaphore_mem>>)
        %dma_wait3A_78 = tpu.memref_slice %arg6[%run_scoped3A_74, %mul3A_73] : memref<4x10240xf32, #tpu.memory_space<hbm>> -> memref<1x640xf32, #tpu.memory_space<hbm>>
        %dma_wait3A_79 = tpu.memref_squeeze %dma_wait3A_78 : memref<1x640xf32, #tpu.memory_space<hbm>> -> memref<640xf32, #tpu.memory_space<hbm>>
        %dma_wait3A_80 = tpu.memref_slice %arg12[%mul3A_71] : memref<10240xf32, #tpu.memory_space<vmem_shared>> -> memref<640xf32, #tpu.memory_space<vmem_shared>>
        tpu.wait_dma2 semaphore(%run_scoped3A_75 : memref<!tpu.dma_semaphore, #tpu.memory_space<semaphore_mem>>) src(%dma_wait3A_80 : memref<640xf32, #tpu.memory_space<vmem_shared>>) dst(%dma_wait3A_79 : memref<640xf32, #tpu.memory_space<hbm>>)
        tpu.yield
      }) : () -> ()
    } else {
    }
    %eq3A_61 = arith.constant 1 : i32
    %eq3A_62 = arith.cmpi eq, %arg0, %eq3A_61 : i32
    %convert_element_type3A_63 = arith.extui %eq3A_62 : i1 to i32
    %cond3A_64 = arith.constant 0 : i32
    %cond3A_65 = arith.cmpi ne, %convert_element_type3A_63, %cond3A_64 : i32
    scf.if %cond3A_65 {
      %mul3A_66 = arith.constant 640 : i32
      %mul3A_67 = arith.muli %arg1, %mul3A_66 : i32
      %mul3A_68 = arith.constant 640 : i32
      %mul3A_69 = arith.muli %arg1, %mul3A_68 : i32
      %run_scoped3A = arith.constant 2 : i32
      "tpu.region"() ({
        %run_scoped3A_75 = tpu.sem_alloc : memref<!tpu.dma_semaphore, #tpu.memory_space<semaphore_mem>>
        %dma_start3A = tpu.memref_slice %arg6[%run_scoped3A, %mul3A_69] : memref<4x10240xf32, #tpu.memory_space<hbm>> -> memref<1x640xf32, #tpu.memory_space<hbm>>
        %dma_start3A_76 = tpu.memref_squeeze %dma_start3A : memref<1x640xf32, #tpu.memory_space<hbm>> -> memref<640xf32, #tpu.memory_space<hbm>>
        %dma_start3A_77 = tpu.memref_slice %arg11[%mul3A_67] : memref<10240xf32, #tpu.memory_space<vmem_shared>> -> memref<640xf32, #tpu.memory_space<vmem_shared>>
        tpu.enqueue_dma source(%dma_start3A_77 : memref<640xf32, #tpu.memory_space<vmem_shared>>) target(%dma_start3A_76 : memref<640xf32, #tpu.memory_space<hbm>>) target_semaphore(%run_scoped3A_75 : memref<!tpu.dma_semaphore, #tpu.memory_space<semaphore_mem>>)
        %dma_wait3A_78 = tpu.memref_slice %arg6[%run_scoped3A, %mul3A_69] : memref<4x10240xf32, #tpu.memory_space<hbm>> -> memref<1x640xf32, #tpu.memory_space<hbm>>
        %dma_wait3A_79 = tpu.memref_squeeze %dma_wait3A_78 : memref<1x640xf32, #tpu.memory_space<hbm>> -> memref<640xf32, #tpu.memory_space<hbm>>
        %dma_wait3A_80 = tpu.memref_slice %arg11[%mul3A_67] : memref<10240xf32, #tpu.memory_space<vmem_shared>> -> memref<640xf32, #tpu.memory_space<vmem_shared>>
        tpu.wait_dma2 semaphore(%run_scoped3A_75 : memref<!tpu.dma_semaphore, #tpu.memory_space<semaphore_mem>>) src(%dma_wait3A_80 : memref<640xf32, #tpu.memory_space<vmem_shared>>) dst(%dma_wait3A_79 : memref<640xf32, #tpu.memory_space<hbm>>)
        tpu.yield
      }) : () -> ()
      %mul3A_70 = arith.constant 640 : i32
      %mul3A_71 = arith.muli %arg1, %mul3A_70 : i32
      %mul3A_72 = arith.constant 640 : i32
      %mul3A_73 = arith.muli %arg1, %mul3A_72 : i32
      %run_scoped3A_74 = arith.constant 3 : i32
      "tpu.region"() ({
        %run_scoped3A_75 = tpu.sem_alloc : memref<!tpu.dma_semaphore, #tpu.memory_space<semaphore_mem>>
        %dma_start3A = tpu.memref_slice %arg6[%run_scoped3A_74, %mul3A_73] : memref<4x10240xf32, #tpu.memory_space<hbm>> -> memref<1x640xf32, #tpu.memory_space<hbm>>
        %dma_start3A_76 = tpu.memref_squeeze %dma_start3A : memref<1x640xf32, #tpu.memory_space<hbm>> -> memref<640xf32, #tpu.memory_space<hbm>>
        %dma_start3A_77 = tpu.memref_slice %arg12[%mul3A_71] : memref<10240xf32, #tpu.memory_space<vmem_shared>> -> memref<640xf32, #tpu.memory_space<vmem_shared>>
        tpu.enqueue_dma source(%dma_start3A_77 : memref<640xf32, #tpu.memory_space<vmem_shared>>) target(%dma_start3A_76 : memref<640xf32, #tpu.memory_space<hbm>>) target_semaphore(%run_scoped3A_75 : memref<!tpu.dma_semaphore, #tpu.memory_space<semaphore_mem>>)
        %dma_wait3A_78 = tpu.memref_slice %arg6[%run_scoped3A_74, %mul3A_73] : memref<4x10240xf32, #tpu.memory_space<hbm>> -> memref<1x640xf32, #tpu.memory_space<hbm>>
        %dma_wait3A_79 = tpu.memref_squeeze %dma_wait3A_78 : memref<1x640xf32, #tpu.memory_space<hbm>> -> memref<640xf32, #tpu.memory_space<hbm>>
        %dma_wait3A_80 = tpu.memref_slice %arg12[%mul3A_71] : memref<10240xf32, #tpu.memory_space<vmem_shared>> -> memref<640xf32, #tpu.memory_space<vmem_shared>>
        tpu.wait_dma2 semaphore(%run_scoped3A_75 : memref<!tpu.dma_semaphore, #tpu.memory_space<semaphore_mem>>) src(%dma_wait3A_80 : memref<640xf32, #tpu.memory_space<vmem_shared>>) dst(%dma_wait3A_79 : memref<640xf32, #tpu.memory_space<hbm>>)
        tpu.yield
      }) : () -> ()
    } else {
    }
    return
  }
}

#map = affine_map<(d0, d1) -> (0, 0)>
#map1 = affine_map<(d0, d1) -> (0, 0, 0)>
module attributes {stable_mosaic.version = 14 : i64} {
  func.func @_sc_aggregate(%arg0: i32, %arg1: i32, %arg2: memref<10000x128xf32, #tpu.memory_space<hbm>>, %arg3: memref<10000x128xf32, #tpu.memory_space<hbm>>, %arg4: memref<16x160x125xi32, #tpu.memory_space<hbm>>, %arg5: memref<16x160x125xi32, #tpu.memory_space<hbm>>, %arg6: memref<16x160x125xi32, #tpu.memory_space<hbm>>, %arg7: memref<16x160x125xi32, #tpu.memory_space<hbm>>, %arg8: memref<10240x128xf32, #tpu.memory_space<hbm>>, %arg9: memref<10240x128xf32, #tpu.memory_space<hbm>>, %arg10: memref<8x125xi32, #tpu.memory_space<vmem>>, %arg11: memref<8x125xi32, #tpu.memory_space<vmem>>, %arg12: memref<8x125xi32, #tpu.memory_space<vmem>>, %arg13: memref<8x125xi32, #tpu.memory_space<vmem>>, %arg14: memref<125x128xf32, #tpu.memory_space<vmem>>, %arg15: memref<125x128xf32, #tpu.memory_space<vmem>>, %arg16: memref<10240x128xf32, #tpu.memory_space<vmem_shared>>, %arg17: memref<!tpu.dma_semaphore, #tpu.memory_space<semaphore_mem>>, %arg18: memref<!tpu.dma_semaphore, #tpu.memory_space<semaphore_mem>>, %arg19: memref<!tpu.dma_semaphore, #tpu.memory_space<semaphore_mem>>, %arg20: memref<!tpu.dma_semaphore, #tpu.memory_space<semaphore_mem>>, %arg21: memref<!tpu.dma_semaphore, #tpu.memory_space<semaphore_mem>>, %arg22: memref<!tpu.dma_semaphore, #tpu.memory_space<semaphore_mem>>, %arg23: memref<!tpu.dma_semaphore, #tpu.memory_space<semaphore_mem>>, %arg24: memref<!tpu.dma_semaphore, #tpu.memory_space<semaphore_mem>>) attributes {dimension_semantics = [#tpu.dimension_semantics<core_parallel>, #tpu.dimension_semantics<subcore_parallel>], iteration_bounds = array<i64: 2, 16>, scalar_prefetch = 0 : i64, scratch_operands = 15 : i64, tpu.core_type = #tpu.core_type<sc_vector_subcore>, window_params = [{transform_indices = #map}, {transform_indices = #map}, {transform_indices = #map1}, {transform_indices = #map1}, {transform_indices = #map1}, {transform_indices = #map1}, {transform_indices = #map}, {transform_indices = #map}]} {
    %scan3A = arith.constant 0 : i32
    %scan3A_0 = arith.constant 80 : i32
    %scan3A_1 = arith.addi %scan3A, %scan3A_0 : i32
    %scan3A_2 = arith.constant 1 : i32
    scf.for %scan3A_16 = %scan3A to %scan3A_1 step %scan3A_2  : i32 {
      %mul3A = arith.constant 1 : i32
      %mul3A_17 = arith.muli %scan3A_16, %mul3A : i32
      %add3A = arith.constant 0 : i32
      %add3A_18 = arith.addi %add3A, %mul3A_17 : i32
      %broadcast_in_dim3A = arith.constant 0.000000e+00 : f32
      %broadcast_in_dim3A_19 = vector.broadcast %broadcast_in_dim3A : f32 to vector<16xf32>
      %swap3A = arith.index_cast %add3A_18 : i32 to index
      %swap3A_20 = arith.constant 0 : index
      %swap3A_21 = tpu.vector_load %arg14[%swap3A, %swap3A_20] {strides = array<i32>} : memref<125x128xf32, #tpu.memory_space<vmem>>, vector<1x16xf32>,
      %swap3A_22 = vector.shape_cast %swap3A_21 : vector<1x16xf32> to vector<16xf32>
      %swap3A_23 = vector.shape_cast %broadcast_in_dim3A_19 : vector<16xf32> to vector<1x16xf32>
      tpu.vector_store %arg14[%swap3A, %swap3A_20], %swap3A_23 {strides = array<i32>} : memref<125x128xf32, #tpu.memory_space<vmem>>, vector<1x16xf32>,
      %broadcast_in_dim3A_24 = arith.constant 0.000000e+00 : f32
      %broadcast_in_dim3A_25 = vector.broadcast %broadcast_in_dim3A_24 : f32 to vector<16xf32>
      %swap3A_26 = arith.index_cast %add3A_18 : i32 to index
      %swap3A_27 = arith.constant 16 : index
      %swap3A_28 = tpu.vector_load %arg14[%swap3A_26, %swap3A_27] {strides = array<i32>} : memref<125x128xf32, #tpu.memory_space<vmem>>, vector<1x16xf32>,
      %swap3A_29 = vector.shape_cast %swap3A_28 : vector<1x16xf32> to vector<16xf32>
      %swap3A_30 = vector.shape_cast %broadcast_in_dim3A_25 : vector<16xf32> to vector<1x16xf32>
      tpu.vector_store %arg14[%swap3A_26, %swap3A_27], %swap3A_30 {strides = array<i32>} : memref<125x128xf32, #tpu.memory_space<vmem>>, vector<1x16xf32>,
      %broadcast_in_dim3A_31 = arith.constant 0.000000e+00 : f32
      %broadcast_in_dim3A_32 = vector.broadcast %broadcast_in_dim3A_31 : f32 to vector<16xf32>
      %swap3A_33 = arith.index_cast %add3A_18 : i32 to index
      %swap3A_34 = arith.constant 32 : index
      %swap3A_35 = tpu.vector_load %arg14[%swap3A_33, %swap3A_34] {strides = array<i32>} : memref<125x128xf32, #tpu.memory_space<vmem>>, vector<1x16xf32>,
      %swap3A_36 = vector.shape_cast %swap3A_35 : vector<1x16xf32> to vector<16xf32>
      %swap3A_37 = vector.shape_cast %broadcast_in_dim3A_32 : vector<16xf32> to vector<1x16xf32>
      tpu.vector_store %arg14[%swap3A_33, %swap3A_34], %swap3A_37 {strides = array<i32>} : memref<125x128xf32, #tpu.memory_space<vmem>>, vector<1x16xf32>,
      %broadcast_in_dim3A_38 = arith.constant 0.000000e+00 : f32
      %broadcast_in_dim3A_39 = vector.broadcast %broadcast_in_dim3A_38 : f32 to vector<16xf32>
      %swap3A_40 = arith.index_cast %add3A_18 : i32 to index
      %swap3A_41 = arith.constant 48 : index
      %swap3A_42 = tpu.vector_load %arg14[%swap3A_40, %swap3A_41] {strides = array<i32>} : memref<125x128xf32, #tpu.memory_space<vmem>>, vector<1x16xf32>,
      %swap3A_43 = vector.shape_cast %swap3A_42 : vector<1x16xf32> to vector<16xf32>
      %swap3A_44 = vector.shape_cast %broadcast_in_dim3A_39 : vector<16xf32> to vector<1x16xf32>
      tpu.vector_store %arg14[%swap3A_40, %swap3A_41], %swap3A_44 {strides = array<i32>} : memref<125x128xf32, #tpu.memory_space<vmem>>, vector<1x16xf32>,
      %broadcast_in_dim3A_45 = arith.constant 0.000000e+00 : f32
      %broadcast_in_dim3A_46 = vector.broadcast %broadcast_in_dim3A_45 : f32 to vector<16xf32>
      %swap3A_47 = arith.index_cast %add3A_18 : i32 to index
      %swap3A_48 = arith.constant 64 : index
      %swap3A_49 = tpu.vector_load %arg14[%swap3A_47, %swap3A_48] {strides = array<i32>} : memref<125x128xf32, #tpu.memory_space<vmem>>, vector<1x16xf32>,
      %swap3A_50 = vector.shape_cast %swap3A_49 : vector<1x16xf32> to vector<16xf32>
      %swap3A_51 = vector.shape_cast %broadcast_in_dim3A_46 : vector<16xf32> to vector<1x16xf32>
      tpu.vector_store %arg14[%swap3A_47, %swap3A_48], %swap3A_51 {strides = array<i32>} : memref<125x128xf32, #tpu.memory_space<vmem>>, vector<1x16xf32>,
      %broadcast_in_dim3A_52 = arith.constant 0.000000e+00 : f32
      %broadcast_in_dim3A_53 = vector.broadcast %broadcast_in_dim3A_52 : f32 to vector<16xf32>
      %swap3A_54 = arith.index_cast %add3A_18 : i32 to index
      %swap3A_55 = arith.constant 80 : index
      %swap3A_56 = tpu.vector_load %arg14[%swap3A_54, %swap3A_55] {strides = array<i32>} : memref<125x128xf32, #tpu.memory_space<vmem>>, vector<1x16xf32>,
      %swap3A_57 = vector.shape_cast %swap3A_56 : vector<1x16xf32> to vector<16xf32>
      %swap3A_58 = vector.shape_cast %broadcast_in_dim3A_53 : vector<16xf32> to vector<1x16xf32>
      tpu.vector_store %arg14[%swap3A_54, %swap3A_55], %swap3A_58 {strides = array<i32>} : memref<125x128xf32, #tpu.memory_space<vmem>>, vector<1x16xf32>,
      %broadcast_in_dim3A_59 = arith.constant 0.000000e+00 : f32
      %broadcast_in_dim3A_60 = vector.broadcast %broadcast_in_dim3A_59 : f32 to vector<16xf32>
      %swap3A_61 = arith.index_cast %add3A_18 : i32 to index
      %swap3A_62 = arith.constant 96 : index
      %swap3A_63 = tpu.vector_load %arg14[%swap3A_61, %swap3A_62] {strides = array<i32>} : memref<125x128xf32, #tpu.memory_space<vmem>>, vector<1x16xf32>,
      %swap3A_64 = vector.shape_cast %swap3A_63 : vector<1x16xf32> to vector<16xf32>
      %swap3A_65 = vector.shape_cast %broadcast_in_dim3A_60 : vector<16xf32> to vector<1x16xf32>
      tpu.vector_store %arg14[%swap3A_61, %swap3A_62], %swap3A_65 {strides = array<i32>} : memref<125x128xf32, #tpu.memory_space<vmem>>, vector<1x16xf32>,
      %broadcast_in_dim3A_66 = arith.constant 0.000000e+00 : f32
      %broadcast_in_dim3A_67 = vector.broadcast %broadcast_in_dim3A_66 : f32 to vector<16xf32>
      %swap3A_68 = arith.index_cast %add3A_18 : i32 to index
      %swap3A_69 = arith.constant 112 : index
      %swap3A_70 = tpu.vector_load %arg14[%swap3A_68, %swap3A_69] {strides = array<i32>} : memref<125x128xf32, #tpu.memory_space<vmem>>, vector<1x16xf32>,
      %swap3A_71 = vector.shape_cast %swap3A_70 : vector<1x16xf32> to vector<16xf32>
      %swap3A_72 = vector.shape_cast %broadcast_in_dim3A_67 : vector<16xf32> to vector<1x16xf32>
      tpu.vector_store %arg14[%swap3A_68, %swap3A_69], %swap3A_72 {strides = array<i32>} : memref<125x128xf32, #tpu.memory_space<vmem>>, vector<1x16xf32>,
    }
    %scan3A_3 = arith.constant 80 : i32
    %scan3A_4 = arith.constant 0 : i32
    %scan3A_5 = arith.constant 8 : i32
    %scan3A_6 = arith.addi %scan3A_4, %scan3A_5 : i32
    %scan3A_7 = arith.constant 1 : i32
    scf.for %scan3A_16 = %scan3A_4 to %scan3A_6 step %scan3A_7  : i32 {
      %mul3A = arith.constant 1 : i32
      %mul3A_17 = arith.muli %scan3A_16, %mul3A : i32
      %add3A = arith.constant 0 : i32
      %add3A_18 = arith.addi %add3A, %mul3A_17 : i32
      %mul3A_19 = arith.constant 640 : i32
      %mul3A_20 = arith.muli %arg1, %mul3A_19 : i32
      %mul3A_21 = arith.constant 80 : i32
      %mul3A_22 = arith.muli %add3A_18, %mul3A_21 : i32
      %add3A_23 = arith.addi %mul3A_20, %mul3A_22 : i32
      "tpu.region"() ({
        %run_scoped3A = tpu.sem_alloc : memref<!tpu.dma_semaphore, #tpu.memory_space<semaphore_mem>>
        %dma_start3A = arith.constant 0 : i32
        %dma_start3A_24 = arith.constant 0 : i32
        %dma_start3A_25 = tpu.memref_slice %arg14[%dma_start3A, %dma_start3A_24] : memref<125x128xf32, #tpu.memory_space<vmem>> -> memref<80x128xf32, #tpu.memory_space<vmem>>
        %dma_start3A_26 = arith.constant 0 : i32
        %dma_start3A_27 = tpu.memref_slice %arg16[%add3A_23, %dma_start3A_26] : memref<10240x128xf32, #tpu.memory_space<vmem_shared>> -> memref<80x128xf32, #tpu.memory_space<vmem_shared>>
        %dma_start3A_28 = arith.constant 0 : i32
        %dma_start3A_29 = tpu.memref_slice %arg16[%add3A_23, %dma_start3A_28] : memref<10240x128xf32, #tpu.memory_space<vmem_shared>> -> memref<80x128xf32, #tpu.memory_space<vmem_shared>>
        %dma_start3A_30 = arith.constant 0 : i32
        %dma_start3A_31 = arith.constant 0 : i32
        %dma_start3A_32 = tpu.memref_slice %arg14[%dma_start3A_30, %dma_start3A_31] : memref<125x128xf32, #tpu.memory_space<vmem>> -> memref<80x128xf32, #tpu.memory_space<vmem>>
        tpu.enqueue_dma source(%dma_start3A_32 : memref<80x128xf32, #tpu.memory_space<vmem>>) target(%dma_start3A_29 : memref<80x128xf32, #tpu.memory_space<vmem_shared>>) target_semaphore(%run_scoped3A : memref<!tpu.dma_semaphore, #tpu.memory_space<semaphore_mem>>)
        %dma_wait3A = arith.constant 0 : i32
        %dma_wait3A_33 = arith.constant 0 : i32
        %dma_wait3A_34 = tpu.memref_slice %arg14[%dma_wait3A, %dma_wait3A_33] : memref<125x128xf32, #tpu.memory_space<vmem>> -> memref<80x128xf32, #tpu.memory_space<vmem>>
        %dma_wait3A_35 = arith.constant 0 : i32
        %dma_wait3A_36 = tpu.memref_slice %arg16[%add3A_23, %dma_wait3A_35] : memref<10240x128xf32, #tpu.memory_space<vmem_shared>> -> memref<80x128xf32, #tpu.memory_space<vmem_shared>>
        %dma_wait3A_37 = arith.constant 0 : i32
        %dma_wait3A_38 = tpu.memref_slice %arg16[%add3A_23, %dma_wait3A_37] : memref<10240x128xf32, #tpu.memory_space<vmem_shared>> -> memref<80x128xf32, #tpu.memory_space<vmem_shared>>
        %dma_wait3A_39 = arith.constant 0 : i32
        %dma_wait3A_40 = arith.constant 0 : i32
        %dma_wait3A_41 = tpu.memref_slice %arg14[%dma_wait3A_39, %dma_wait3A_40] : memref<125x128xf32, #tpu.memory_space<vmem>> -> memref<80x128xf32, #tpu.memory_space<vmem>>
        tpu.wait_dma2 semaphore(%run_scoped3A : memref<!tpu.dma_semaphore, #tpu.memory_space<semaphore_mem>>) src(%dma_wait3A_41 : memref<80x128xf32, #tpu.memory_space<vmem>>) dst(%dma_wait3A_38 : memref<80x128xf32, #tpu.memory_space<vmem_shared>>)
        tpu.yield
      }) : () -> ()
    }
    %scan3A_8 = arith.constant 8 : i32
    %barrier3A = arith.constant 0 : index
    tpu.barrier barrier_id(%barrier3A)
    %eq3A = arith.constant 0 : i32
    %eq3A_9 = arith.cmpi eq, %arg0, %eq3A : i32
    %convert_element_type3A = arith.extui %eq3A_9 : i1 to i32
    %cond3A = arith.constant 0 : i32
    %cond3A_10 = arith.cmpi ne, %convert_element_type3A, %cond3A : i32
    scf.if %cond3A_10 {
      "tpu.region"() ({
        %run_scoped3A = tpu.sem_alloc : memref<!tpu.dma_semaphore, #tpu.memory_space<semaphore_mem>>
        %dma_start3A_37 = arith.constant 0 : i32
        %dma_start3A_38 = arith.constant 0 : i32
        %dma_start3A_39 = tpu.memref_slice %arg4[%arg1, %dma_start3A_37, %dma_start3A_38] : memref<16x160x125xi32, #tpu.memory_space<hbm>> -> memref<1x8x125xi32, #tpu.memory_space<hbm>>
        %dma_start3A_40 = tpu.memref_squeeze %dma_start3A_39 : memref<1x8x125xi32, #tpu.memory_space<hbm>> -> memref<8x125xi32, #tpu.memory_space<hbm>>
        %dma_start3A_41 = arith.constant 0 : i32
        %dma_start3A_42 = arith.constant 0 : i32
        %dma_start3A_43 = tpu.memref_slice %arg4[%arg1, %dma_start3A_41, %dma_start3A_42] : memref<16x160x125xi32, #tpu.memory_space<hbm>> -> memref<1x8x125xi32, #tpu.memory_space<hbm>>
        %dma_start3A_44 = tpu.memref_squeeze %dma_start3A_43 : memref<1x8x125xi32, #tpu.memory_space<hbm>> -> memref<8x125xi32, #tpu.memory_space<hbm>>
        tpu.enqueue_dma source(%dma_start3A_44 : memref<8x125xi32, #tpu.memory_space<hbm>>) target(%arg10 : memref<8x125xi32, #tpu.memory_space<vmem>>) target_semaphore(%run_scoped3A : memref<!tpu.dma_semaphore, #tpu.memory_space<semaphore_mem>>)
        %dma_wait3A_45 = arith.constant 0 : i32
        %dma_wait3A_46 = arith.constant 0 : i32
        %dma_wait3A_47 = tpu.memref_slice %arg4[%arg1, %dma_wait3A_45, %dma_wait3A_46] : memref<16x160x125xi32, #tpu.memory_space<hbm>> -> memref<1x8x125xi32, #tpu.memory_space<hbm>>
        %dma_wait3A_48 = tpu.memref_squeeze %dma_wait3A_47 : memref<1x8x125xi32, #tpu.memory_space<hbm>> -> memref<8x125xi32, #tpu.memory_space<hbm>>
        %dma_wait3A_49 = arith.constant 0 : i32
        %dma_wait3A_50 = arith.constant 0 : i32
        %dma_wait3A_51 = tpu.memref_slice %arg4[%arg1, %dma_wait3A_49, %dma_wait3A_50] : memref<16x160x125xi32, #tpu.memory_space<hbm>> -> memref<1x8x125xi32, #tpu.memory_space<hbm>>
        %dma_wait3A_52 = tpu.memref_squeeze %dma_wait3A_51 : memref<1x8x125xi32, #tpu.memory_space<hbm>> -> memref<8x125xi32, #tpu.memory_space<hbm>>
        tpu.wait_dma2 semaphore(%run_scoped3A : memref<!tpu.dma_semaphore, #tpu.memory_space<semaphore_mem>>) src(%dma_wait3A_52 : memref<8x125xi32, #tpu.memory_space<hbm>>) dst(%arg10 : memref<8x125xi32, #tpu.memory_space<vmem>>)
        tpu.yield
      }) : () -> ()
      "tpu.region"() ({
        %run_scoped3A = tpu.sem_alloc : memref<!tpu.dma_semaphore, #tpu.memory_space<semaphore_mem>>
        %dma_start3A_37 = arith.constant 0 : i32
        %dma_start3A_38 = arith.constant 0 : i32
        %dma_start3A_39 = tpu.memref_slice %arg5[%arg1, %dma_start3A_37, %dma_start3A_38] : memref<16x160x125xi32, #tpu.memory_space<hbm>> -> memref<1x8x125xi32, #tpu.memory_space<hbm>>
        %dma_start3A_40 = tpu.memref_squeeze %dma_start3A_39 : memref<1x8x125xi32, #tpu.memory_space<hbm>> -> memref<8x125xi32, #tpu.memory_space<hbm>>
        %dma_start3A_41 = arith.constant 0 : i32
        %dma_start3A_42 = arith.constant 0 : i32
        %dma_start3A_43 = tpu.memref_slice %arg5[%arg1, %dma_start3A_41, %dma_start3A_42] : memref<16x160x125xi32, #tpu.memory_space<hbm>> -> memref<1x8x125xi32, #tpu.memory_space<hbm>>
        %dma_start3A_44 = tpu.memref_squeeze %dma_start3A_43 : memref<1x8x125xi32, #tpu.memory_space<hbm>> -> memref<8x125xi32, #tpu.memory_space<hbm>>
        tpu.enqueue_dma source(%dma_start3A_44 : memref<8x125xi32, #tpu.memory_space<hbm>>) target(%arg12 : memref<8x125xi32, #tpu.memory_space<vmem>>) target_semaphore(%run_scoped3A : memref<!tpu.dma_semaphore, #tpu.memory_space<semaphore_mem>>)
        %dma_wait3A_45 = arith.constant 0 : i32
        %dma_wait3A_46 = arith.constant 0 : i32
        %dma_wait3A_47 = tpu.memref_slice %arg5[%arg1, %dma_wait3A_45, %dma_wait3A_46] : memref<16x160x125xi32, #tpu.memory_space<hbm>> -> memref<1x8x125xi32, #tpu.memory_space<hbm>>
        %dma_wait3A_48 = tpu.memref_squeeze %dma_wait3A_47 : memref<1x8x125xi32, #tpu.memory_space<hbm>> -> memref<8x125xi32, #tpu.memory_space<hbm>>
        %dma_wait3A_49 = arith.constant 0 : i32
        %dma_wait3A_50 = arith.constant 0 : i32
        %dma_wait3A_51 = tpu.memref_slice %arg5[%arg1, %dma_wait3A_49, %dma_wait3A_50] : memref<16x160x125xi32, #tpu.memory_space<hbm>> -> memref<1x8x125xi32, #tpu.memory_space<hbm>>
        %dma_wait3A_52 = tpu.memref_squeeze %dma_wait3A_51 : memref<1x8x125xi32, #tpu.memory_space<hbm>> -> memref<8x125xi32, #tpu.memory_space<hbm>>
        tpu.wait_dma2 semaphore(%run_scoped3A : memref<!tpu.dma_semaphore, #tpu.memory_space<semaphore_mem>>) src(%dma_wait3A_52 : memref<8x125xi32, #tpu.memory_space<hbm>>) dst(%arg12 : memref<8x125xi32, #tpu.memory_space<vmem>>)
        tpu.yield
      }) : () -> ()
      %dma_start3A = arith.constant 0 : i32
      %dma_start3A_16 = arith.constant 0 : i32
      %dma_start3A_17 = tpu.memref_slice %arg10[%dma_start3A, %dma_start3A_16] : memref<8x125xi32, #tpu.memory_space<vmem>> -> memref<1x125xi32, #tpu.memory_space<vmem>>
      %dma_start3A_18 = tpu.memref_squeeze %dma_start3A_17 : memref<1x125xi32, #tpu.memory_space<vmem>> -> memref<125xi32, #tpu.memory_space<vmem>>
      %dma_start3A_19 = arith.constant 0 : i32
      %dma_start3A_20 = arith.constant 0 : i32
      %dma_start3A_21 = tpu.memref_slice %arg2[%dma_start3A_19, %dma_start3A_20] : memref<10000x128xf32, #tpu.memory_space<hbm>> -> memref<10000x128xf32, #tpu.memory_space<hbm>>
      tpu.enqueue_indirect_dma source(%dma_start3A_21 : memref<10000x128xf32, #tpu.memory_space<hbm>>) target(%arg14 : memref<125x128xf32, #tpu.memory_space<vmem>>) offsets(%dma_start3A_18 : memref<125xi32, #tpu.memory_space<vmem>>) semaphore(%arg17 : memref<!tpu.dma_semaphore, #tpu.memory_space<semaphore_mem>>)
      %scan3A_22 = arith.constant 0 : i32
      %scan3A_23 = arith.constant 10 : i32
      %scan3A_24 = arith.addi %scan3A_22, %scan3A_23 : i32
      %scan3A_25 = arith.constant 1 : i32
      scf.for %scan3A_37 = %scan3A_22 to %scan3A_24 step %scan3A_25  : i32 {
        %mul3A_38 = arith.constant 2 : i32
        %mul3A_39 = arith.muli %scan3A_37, %mul3A_38 : i32
        %add3A = arith.constant 0 : i32
        %add3A_40 = arith.addi %add3A, %mul3A_39 : i32
        %dma_wait3A_41 = arith.constant 0 : i32
        %dma_wait3A_42 = arith.constant 0 : i32
        %dma_wait3A_43 = tpu.memref_slice %arg10[%dma_wait3A_41, %dma_wait3A_42] : memref<8x125xi32, #tpu.memory_space<vmem>> -> memref<1x125xi32, #tpu.memory_space<vmem>>
        %dma_wait3A_44 = tpu.memref_squeeze %dma_wait3A_43 : memref<1x125xi32, #tpu.memory_space<vmem>> -> memref<125xi32, #tpu.memory_space<vmem>>
        %dma_wait3A_45 = arith.constant 0 : i32
        %dma_wait3A_46 = arith.constant 0 : i32
        %dma_wait3A_47 = tpu.memref_slice %arg2[%dma_wait3A_45, %dma_wait3A_46] : memref<10000x128xf32, #tpu.memory_space<hbm>> -> memref<10000x128xf32, #tpu.memory_space<hbm>>
        tpu.wait_indirect_dma semaphore(%arg17 : memref<!tpu.dma_semaphore, #tpu.memory_space<semaphore_mem>>) src(%dma_wait3A_47 : memref<10000x128xf32, #tpu.memory_space<hbm>>) dst(%arg14 : memref<125x128xf32, #tpu.memory_space<vmem>>)
        %dma_start3A_48 = arith.constant 0 : i32
        %dma_start3A_49 = arith.constant 0 : i32
        %dma_start3A_50 = tpu.memref_slice %arg12[%dma_start3A_48, %dma_start3A_49] : memref<8x125xi32, #tpu.memory_space<vmem>> -> memref<1x125xi32, #tpu.memory_space<vmem>>
        %dma_start3A_51 = tpu.memref_squeeze %dma_start3A_50 : memref<1x125xi32, #tpu.memory_space<vmem>> -> memref<125xi32, #tpu.memory_space<vmem>>
        %dma_start3A_52 = arith.constant 0 : i32
        %dma_start3A_53 = arith.constant 0 : i32
        %dma_start3A_54 = tpu.memref_slice %arg16[%dma_start3A_52, %dma_start3A_53] : memref<10240x128xf32, #tpu.memory_space<vmem_shared>> -> memref<10240x128xf32, #tpu.memory_space<vmem_shared>>
        tpu.enqueue_indirect_dma source(%arg14 : memref<125x128xf32, #tpu.memory_space<vmem>>) target(%dma_start3A_54 : memref<10240x128xf32, #tpu.memory_space<vmem_shared>>) offsets(%dma_start3A_51 : memref<125xi32, #tpu.memory_space<vmem>>) semaphore(%arg19 : memref<!tpu.dma_semaphore, #tpu.memory_space<semaphore_mem>>) {add = true}
        %gt3A = arith.constant 0 : i32
        %gt3A_55 = arith.cmpi sgt, %add3A_40, %gt3A : i32
        %convert_element_type3A_56 = arith.extui %gt3A_55 : i1 to i32
        %cond3A_57 = arith.constant 0 : i32
        %cond3A_58 = arith.cmpi ne, %convert_element_type3A_56, %cond3A_57 : i32
        scf.if %cond3A_58 {
          %dma_wait3A_499 = arith.constant 0 : i32
          %dma_wait3A_500 = arith.constant 0 : i32
          %dma_wait3A_501 = tpu.memref_slice %arg12[%dma_wait3A_499, %dma_wait3A_500] : memref<8x125xi32, #tpu.memory_space<vmem>> -> memref<1x125xi32, #tpu.memory_space<vmem>>
          %dma_wait3A_502 = tpu.memref_squeeze %dma_wait3A_501 : memref<1x125xi32, #tpu.memory_space<vmem>> -> memref<125xi32, #tpu.memory_space<vmem>>
          %dma_wait3A_503 = arith.constant 0 : i32
          %dma_wait3A_504 = arith.constant 0 : i32
          %dma_wait3A_505 = tpu.memref_slice %arg16[%dma_wait3A_503, %dma_wait3A_504] : memref<10240x128xf32, #tpu.memory_space<vmem_shared>> -> memref<10240x128xf32, #tpu.memory_space<vmem_shared>>
          tpu.wait_indirect_dma semaphore(%arg20 : memref<!tpu.dma_semaphore, #tpu.memory_space<semaphore_mem>>) src(%arg15 : memref<125x128xf32, #tpu.memory_space<vmem>>) dst(%dma_wait3A_505 : memref<10240x128xf32, #tpu.memory_space<vmem_shared>>)
        } else {
        }
        %dma_start3A_59 = arith.constant 1 : i32
        %dma_start3A_60 = arith.constant 0 : i32
        %dma_start3A_61 = tpu.memref_slice %arg10[%dma_start3A_59, %dma_start3A_60] : memref<8x125xi32, #tpu.memory_space<vmem>> -> memref<1x125xi32, #tpu.memory_space<vmem>>
        %dma_start3A_62 = tpu.memref_squeeze %dma_start3A_61 : memref<1x125xi32, #tpu.memory_space<vmem>> -> memref<125xi32, #tpu.memory_space<vmem>>
        %dma_start3A_63 = arith.constant 0 : i32
        %dma_start3A_64 = arith.constant 0 : i32
        %dma_start3A_65 = tpu.memref_slice %arg2[%dma_start3A_63, %dma_start3A_64] : memref<10000x128xf32, #tpu.memory_space<hbm>> -> memref<10000x128xf32, #tpu.memory_space<hbm>>
        tpu.enqueue_indirect_dma source(%dma_start3A_65 : memref<10000x128xf32, #tpu.memory_space<hbm>>) target(%arg15 : memref<125x128xf32, #tpu.memory_space<vmem>>) offsets(%dma_start3A_62 : memref<125xi32, #tpu.memory_space<vmem>>) semaphore(%arg18 : memref<!tpu.dma_semaphore, #tpu.memory_space<semaphore_mem>>)
        %dma_wait3A_66 = arith.constant 1 : i32
        %dma_wait3A_67 = arith.constant 0 : i32
        %dma_wait3A_68 = tpu.memref_slice %arg10[%dma_wait3A_66, %dma_wait3A_67] : memref<8x125xi32, #tpu.memory_space<vmem>> -> memref<1x125xi32, #tpu.memory_space<vmem>>
        %dma_wait3A_69 = tpu.memref_squeeze %dma_wait3A_68 : memref<1x125xi32, #tpu.memory_space<vmem>> -> memref<125xi32, #tpu.memory_space<vmem>>
        %dma_wait3A_70 = arith.constant 0 : i32
        %dma_wait3A_71 = arith.constant 0 : i32
        %dma_wait3A_72 = tpu.memref_slice %arg2[%dma_wait3A_70, %dma_wait3A_71] : memref<10000x128xf32, #tpu.memory_space<hbm>> -> memref<10000x128xf32, #tpu.memory_space<hbm>>
        tpu.wait_indirect_dma semaphore(%arg18 : memref<!tpu.dma_semaphore, #tpu.memory_space<semaphore_mem>>) src(%dma_wait3A_72 : memref<10000x128xf32, #tpu.memory_space<hbm>>) dst(%arg15 : memref<125x128xf32, #tpu.memory_space<vmem>>)
        %dma_start3A_73 = arith.constant 1 : i32
        %dma_start3A_74 = arith.constant 0 : i32
        %dma_start3A_75 = tpu.memref_slice %arg12[%dma_start3A_73, %dma_start3A_74] : memref<8x125xi32, #tpu.memory_space<vmem>> -> memref<1x125xi32, #tpu.memory_space<vmem>>
        %dma_start3A_76 = tpu.memref_squeeze %dma_start3A_75 : memref<1x125xi32, #tpu.memory_space<vmem>> -> memref<125xi32, #tpu.memory_space<vmem>>
        %dma_start3A_77 = arith.constant 0 : i32
        %dma_start3A_78 = arith.constant 0 : i32
        %dma_start3A_79 = tpu.memref_slice %arg16[%dma_start3A_77, %dma_start3A_78] : memref<10240x128xf32, #tpu.memory_space<vmem_shared>> -> memref<10240x128xf32, #tpu.memory_space<vmem_shared>>
        tpu.enqueue_indirect_dma source(%arg15 : memref<125x128xf32, #tpu.memory_space<vmem>>) target(%dma_start3A_79 : memref<10240x128xf32, #tpu.memory_space<vmem_shared>>) offsets(%dma_start3A_76 : memref<125xi32, #tpu.memory_space<vmem>>) semaphore(%arg20 : memref<!tpu.dma_semaphore, #tpu.memory_space<semaphore_mem>>) {add = true}
        %add3A_80 = arith.constant 1 : i32
        %add3A_81 = arith.addi %add3A_40, %add3A_80 : i32
        %lt3A = arith.constant 20 : i32
        %lt3A_82 = arith.cmpi slt, %add3A_81, %lt3A : i32
        %convert_element_type3A_83 = arith.extui %lt3A_82 : i1 to i32
        %cond3A_84 = arith.constant 0 : i32
        %cond3A_85 = arith.cmpi ne, %convert_element_type3A_83, %cond3A_84 : i32
        scf.if %cond3A_85 {
          %add3A_499 = arith.constant 1 : i32
          %add3A_500 = arith.addi %add3A_40, %add3A_499 : i32
          %mul3A_501 = arith.constant 8 : i32
          %mul3A_502 = arith.muli %add3A_500, %mul3A_501 : i32
          %dma_start3A_503 = arith.constant 0 : i32
          %dma_start3A_504 = tpu.memref_slice %arg4[%arg1, %mul3A_502, %dma_start3A_503] : memref<16x160x125xi32, #tpu.memory_space<hbm>> -> memref<1x8x125xi32, #tpu.memory_space<hbm>>
          %dma_start3A_505 = tpu.memref_squeeze %dma_start3A_504 : memref<1x8x125xi32, #tpu.memory_space<hbm>> -> memref<8x125xi32, #tpu.memory_space<hbm>>
          %dma_start3A_506 = arith.constant 0 : i32
          %dma_start3A_507 = tpu.memref_slice %arg4[%arg1, %mul3A_502, %dma_start3A_506] : memref<16x160x125xi32, #tpu.memory_space<hbm>> -> memref<1x8x125xi32, #tpu.memory_space<hbm>>
          %dma_start3A_508 = tpu.memref_squeeze %dma_start3A_507 : memref<1x8x125xi32, #tpu.memory_space<hbm>> -> memref<8x125xi32, #tpu.memory_space<hbm>>
          tpu.enqueue_dma source(%dma_start3A_508 : memref<8x125xi32, #tpu.memory_space<hbm>>) target(%arg11 : memref<8x125xi32, #tpu.memory_space<vmem>>) target_semaphore(%arg22 : memref<!tpu.dma_semaphore, #tpu.memory_space<semaphore_mem>>)
          %add3A_509 = arith.constant 1 : i32
          %add3A_510 = arith.addi %add3A_40, %add3A_509 : i32
          %mul3A_511 = arith.constant 8 : i32
          %mul3A_512 = arith.muli %add3A_510, %mul3A_511 : i32
          %dma_start3A_513 = arith.constant 0 : i32
          %dma_start3A_514 = tpu.memref_slice %arg5[%arg1, %mul3A_512, %dma_start3A_513] : memref<16x160x125xi32, #tpu.memory_space<hbm>> -> memref<1x8x125xi32, #tpu.memory_space<hbm>>
          %dma_start3A_515 = tpu.memref_squeeze %dma_start3A_514 : memref<1x8x125xi32, #tpu.memory_space<hbm>> -> memref<8x125xi32, #tpu.memory_space<hbm>>
          %dma_start3A_516 = arith.constant 0 : i32
          %dma_start3A_517 = tpu.memref_slice %arg5[%arg1, %mul3A_512, %dma_start3A_516] : memref<16x160x125xi32, #tpu.memory_space<hbm>> -> memref<1x8x125xi32, #tpu.memory_space<hbm>>
          %dma_start3A_518 = tpu.memref_squeeze %dma_start3A_517 : memref<1x8x125xi32, #tpu.memory_space<hbm>> -> memref<8x125xi32, #tpu.memory_space<hbm>>
          tpu.enqueue_dma source(%dma_start3A_518 : memref<8x125xi32, #tpu.memory_space<hbm>>) target(%arg13 : memref<8x125xi32, #tpu.memory_space<vmem>>) target_semaphore(%arg24 : memref<!tpu.dma_semaphore, #tpu.memory_space<semaphore_mem>>)
        } else {
        }
        %dma_wait3A_86 = arith.constant 1 : i32
        %dma_wait3A_87 = arith.constant 0 : i32
        %dma_wait3A_88 = tpu.memref_slice %arg12[%dma_wait3A_86, %dma_wait3A_87] : memref<8x125xi32, #tpu.memory_space<vmem>> -> memref<1x125xi32, #tpu.memory_space<vmem>>
        %dma_wait3A_89 = tpu.memref_squeeze %dma_wait3A_88 : memref<1x125xi32, #tpu.memory_space<vmem>> -> memref<125xi32, #tpu.memory_space<vmem>>
        %dma_wait3A_90 = arith.constant 0 : i32
        %dma_wait3A_91 = arith.constant 0 : i32
        %dma_wait3A_92 = tpu.memref_slice %arg16[%dma_wait3A_90, %dma_wait3A_91] : memref<10240x128xf32, #tpu.memory_space<vmem_shared>> -> memref<10240x128xf32, #tpu.memory_space<vmem_shared>>
        tpu.wait_indirect_dma semaphore(%arg19 : memref<!tpu.dma_semaphore, #tpu.memory_space<semaphore_mem>>) src(%arg14 : memref<125x128xf32, #tpu.memory_space<vmem>>) dst(%dma_wait3A_92 : memref<10240x128xf32, #tpu.memory_space<vmem_shared>>)
        %dma_start3A_93 = arith.constant 2 : i32
        %dma_start3A_94 = arith.constant 0 : i32
        %dma_start3A_95 = tpu.memref_slice %arg10[%dma_start3A_93, %dma_start3A_94] : memref<8x125xi32, #tpu.memory_space<vmem>> -> memref<1x125xi32, #tpu.memory_space<vmem>>
        %dma_start3A_96 = tpu.memref_squeeze %dma_start3A_95 : memref<1x125xi32, #tpu.memory_space<vmem>> -> memref<125xi32, #tpu.memory_space<vmem>>
        %dma_start3A_97 = arith.constant 0 : i32
        %dma_start3A_98 = arith.constant 0 : i32
        %dma_start3A_99 = tpu.memref_slice %arg2[%dma_start3A_97, %dma_start3A_98] : memref<10000x128xf32, #tpu.memory_space<hbm>> -> memref<10000x128xf32, #tpu.memory_space<hbm>>
        tpu.enqueue_indirect_dma source(%dma_start3A_99 : memref<10000x128xf32, #tpu.memory_space<hbm>>) target(%arg14 : memref<125x128xf32, #tpu.memory_space<vmem>>) offsets(%dma_start3A_96 : memref<125xi32, #tpu.memory_space<vmem>>) semaphore(%arg17 : memref<!tpu.dma_semaphore, #tpu.memory_space<semaphore_mem>>)
        %dma_wait3A_100 = arith.constant 2 : i32
        %dma_wait3A_101 = arith.constant 0 : i32
        %dma_wait3A_102 = tpu.memref_slice %arg10[%dma_wait3A_100, %dma_wait3A_101] : memref<8x125xi32, #tpu.memory_space<vmem>> -> memref<1x125xi32, #tpu.memory_space<vmem>>
        %dma_wait3A_103 = tpu.memref_squeeze %dma_wait3A_102 : memref<1x125xi32, #tpu.memory_space<vmem>> -> memref<125xi32, #tpu.memory_space<vmem>>
        %dma_wait3A_104 = arith.constant 0 : i32
        %dma_wait3A_105 = arith.constant 0 : i32
        %dma_wait3A_106 = tpu.memref_slice %arg2[%dma_wait3A_104, %dma_wait3A_105] : memref<10000x128xf32, #tpu.memory_space<hbm>> -> memref<10000x128xf32, #tpu.memory_space<hbm>>
        tpu.wait_indirect_dma semaphore(%arg17 : memref<!tpu.dma_semaphore, #tpu.memory_space<semaphore_mem>>) src(%dma_wait3A_106 : memref<10000x128xf32, #tpu.memory_space<hbm>>) dst(%arg14 : memref<125x128xf32, #tpu.memory_space<vmem>>)
        %dma_start3A_107 = arith.constant 2 : i32
        %dma_start3A_108 = arith.constant 0 : i32
        %dma_start3A_109 = tpu.memref_slice %arg12[%dma_start3A_107, %dma_start3A_108] : memref<8x125xi32, #tpu.memory_space<vmem>> -> memref<1x125xi32, #tpu.memory_space<vmem>>
        %dma_start3A_110 = tpu.memref_squeeze %dma_start3A_109 : memref<1x125xi32, #tpu.memory_space<vmem>> -> memref<125xi32, #tpu.memory_space<vmem>>
        %dma_start3A_111 = arith.constant 0 : i32
        %dma_start3A_112 = arith.constant 0 : i32
        %dma_start3A_113 = tpu.memref_slice %arg16[%dma_start3A_111, %dma_start3A_112] : memref<10240x128xf32, #tpu.memory_space<vmem_shared>> -> memref<10240x128xf32, #tpu.memory_space<vmem_shared>>
        tpu.enqueue_indirect_dma source(%arg14 : memref<125x128xf32, #tpu.memory_space<vmem>>) target(%dma_start3A_113 : memref<10240x128xf32, #tpu.memory_space<vmem_shared>>) offsets(%dma_start3A_110 : memref<125xi32, #tpu.memory_space<vmem>>) semaphore(%arg19 : memref<!tpu.dma_semaphore, #tpu.memory_space<semaphore_mem>>) {add = true}
        %dma_wait3A_114 = arith.constant 2 : i32
        %dma_wait3A_115 = arith.constant 0 : i32
        %dma_wait3A_116 = tpu.memref_slice %arg12[%dma_wait3A_114, %dma_wait3A_115] : memref<8x125xi32, #tpu.memory_space<vmem>> -> memref<1x125xi32, #tpu.memory_space<vmem>>
        %dma_wait3A_117 = tpu.memref_squeeze %dma_wait3A_116 : memref<1x125xi32, #tpu.memory_space<vmem>> -> memref<125xi32, #tpu.memory_space<vmem>>
        %dma_wait3A_118 = arith.constant 0 : i32
        %dma_wait3A_119 = arith.constant 0 : i32
        %dma_wait3A_120 = tpu.memref_slice %arg16[%dma_wait3A_118, %dma_wait3A_119] : memref<10240x128xf32, #tpu.memory_space<vmem_shared>> -> memref<10240x128xf32, #tpu.memory_space<vmem_shared>>
        tpu.wait_indirect_dma semaphore(%arg20 : memref<!tpu.dma_semaphore, #tpu.memory_space<semaphore_mem>>) src(%arg15 : memref<125x128xf32, #tpu.memory_space<vmem>>) dst(%dma_wait3A_120 : memref<10240x128xf32, #tpu.memory_space<vmem_shared>>)
        %dma_start3A_121 = arith.constant 3 : i32
        %dma_start3A_122 = arith.constant 0 : i32
        %dma_start3A_123 = tpu.memref_slice %arg10[%dma_start3A_121, %dma_start3A_122] : memref<8x125xi32, #tpu.memory_space<vmem>> -> memref<1x125xi32, #tpu.memory_space<vmem>>
        %dma_start3A_124 = tpu.memref_squeeze %dma_start3A_123 : memref<1x125xi32, #tpu.memory_space<vmem>> -> memref<125xi32, #tpu.memory_space<vmem>>
        %dma_start3A_125 = arith.constant 0 : i32
        %dma_start3A_126 = arith.constant 0 : i32
        %dma_start3A_127 = tpu.memref_slice %arg2[%dma_start3A_125, %dma_start3A_126] : memref<10000x128xf32, #tpu.memory_space<hbm>> -> memref<10000x128xf32, #tpu.memory_space<hbm>>
        tpu.enqueue_indirect_dma source(%dma_start3A_127 : memref<10000x128xf32, #tpu.memory_space<hbm>>) target(%arg15 : memref<125x128xf32, #tpu.memory_space<vmem>>) offsets(%dma_start3A_124 : memref<125xi32, #tpu.memory_space<vmem>>) semaphore(%arg18 : memref<!tpu.dma_semaphore, #tpu.memory_space<semaphore_mem>>)
        %dma_wait3A_128 = arith.constant 3 : i32
        %dma_wait3A_129 = arith.constant 0 : i32
        %dma_wait3A_130 = tpu.memref_slice %arg10[%dma_wait3A_128, %dma_wait3A_129] : memref<8x125xi32, #tpu.memory_space<vmem>> -> memref<1x125xi32, #tpu.memory_space<vmem>>
        %dma_wait3A_131 = tpu.memref_squeeze %dma_wait3A_130 : memref<1x125xi32, #tpu.memory_space<vmem>> -> memref<125xi32, #tpu.memory_space<vmem>>
        %dma_wait3A_132 = arith.constant 0 : i32
        %dma_wait3A_133 = arith.constant 0 : i32
        %dma_wait3A_134 = tpu.memref_slice %arg2[%dma_wait3A_132, %dma_wait3A_133] : memref<10000x128xf32, #tpu.memory_space<hbm>> -> memref<10000x128xf32, #tpu.memory_space<hbm>>
        tpu.wait_indirect_dma semaphore(%arg18 : memref<!tpu.dma_semaphore, #tpu.memory_space<semaphore_mem>>) src(%dma_wait3A_134 : memref<10000x128xf32, #tpu.memory_space<hbm>>) dst(%arg15 : memref<125x128xf32, #tpu.memory_space<vmem>>)
        %dma_start3A_135 = arith.constant 3 : i32
        %dma_start3A_136 = arith.constant 0 : i32
        %dma_start3A_137 = tpu.memref_slice %arg12[%dma_start3A_135, %dma_start3A_136] : memref<8x125xi32, #tpu.memory_space<vmem>> -> memref<1x125xi32, #tpu.memory_space<vmem>>
        %dma_start3A_138 = tpu.memref_squeeze %dma_start3A_137 : memref<1x125xi32, #tpu.memory_space<vmem>> -> memref<125xi32, #tpu.memory_space<vmem>>
        %dma_start3A_139 = arith.constant 0 : i32
        %dma_start3A_140 = arith.constant 0 : i32
        %dma_start3A_141 = tpu.memref_slice %arg16[%dma_start3A_139, %dma_start3A_140] : memref<10240x128xf32, #tpu.memory_space<vmem_shared>> -> memref<10240x128xf32, #tpu.memory_space<vmem_shared>>
        tpu.enqueue_indirect_dma source(%arg15 : memref<125x128xf32, #tpu.memory_space<vmem>>) target(%dma_start3A_141 : memref<10240x128xf32, #tpu.memory_space<vmem_shared>>) offsets(%dma_start3A_138 : memref<125xi32, #tpu.memory_space<vmem>>) semaphore(%arg20 : memref<!tpu.dma_semaphore, #tpu.memory_space<semaphore_mem>>) {add = true}
        %dma_wait3A_142 = arith.constant 3 : i32
        %dma_wait3A_143 = arith.constant 0 : i32
        %dma_wait3A_144 = tpu.memref_slice %arg12[%dma_wait3A_142, %dma_wait3A_143] : memref<8x125xi32, #tpu.memory_space<vmem>> -> memref<1x125xi32, #tpu.memory_space<vmem>>
        %dma_wait3A_145 = tpu.memref_squeeze %dma_wait3A_144 : memref<1x125xi32, #tpu.memory_space<vmem>> -> memref<125xi32, #tpu.memory_space<vmem>>
        %dma_wait3A_146 = arith.constant 0 : i32
        %dma_wait3A_147 = arith.constant 0 : i32
        %dma_wait3A_148 = tpu.memref_slice %arg16[%dma_wait3A_146, %dma_wait3A_147] : memref<10240x128xf32, #tpu.memory_space<vmem_shared>> -> memref<10240x128xf32, #tpu.memory_space<vmem_shared>>
        tpu.wait_indirect_dma semaphore(%arg19 : memref<!tpu.dma_semaphore, #tpu.memory_space<semaphore_mem>>) src(%arg14 : memref<125x128xf32, #tpu.memory_space<vmem>>) dst(%dma_wait3A_148 : memref<10240x128xf32, #tpu.memory_space<vmem_shared>>)
        %dma_start3A_149 = arith.constant 4 : i32
        %dma_start3A_150 = arith.constant 0 : i32
        %dma_start3A_151 = tpu.memref_slice %arg10[%dma_start3A_149, %dma_start3A_150] : memref<8x125xi32, #tpu.memory_space<vmem>> -> memref<1x125xi32, #tpu.memory_space<vmem>>
        %dma_start3A_152 = tpu.memref_squeeze %dma_start3A_151 : memref<1x125xi32, #tpu.memory_space<vmem>> -> memref<125xi32, #tpu.memory_space<vmem>>
        %dma_start3A_153 = arith.constant 0 : i32
        %dma_start3A_154 = arith.constant 0 : i32
        %dma_start3A_155 = tpu.memref_slice %arg2[%dma_start3A_153, %dma_start3A_154] : memref<10000x128xf32, #tpu.memory_space<hbm>> -> memref<10000x128xf32, #tpu.memory_space<hbm>>
        tpu.enqueue_indirect_dma source(%dma_start3A_155 : memref<10000x128xf32, #tpu.memory_space<hbm>>) target(%arg14 : memref<125x128xf32, #tpu.memory_space<vmem>>) offsets(%dma_start3A_152 : memref<125xi32, #tpu.memory_space<vmem>>) semaphore(%arg17 : memref<!tpu.dma_semaphore, #tpu.memory_space<semaphore_mem>>)
        %dma_wait3A_156 = arith.constant 4 : i32
        %dma_wait3A_157 = arith.constant 0 : i32
        %dma_wait3A_158 = tpu.memref_slice %arg10[%dma_wait3A_156, %dma_wait3A_157] : memref<8x125xi32, #tpu.memory_space<vmem>> -> memref<1x125xi32, #tpu.memory_space<vmem>>
        %dma_wait3A_159 = tpu.memref_squeeze %dma_wait3A_158 : memref<1x125xi32, #tpu.memory_space<vmem>> -> memref<125xi32, #tpu.memory_space<vmem>>
        %dma_wait3A_160 = arith.constant 0 : i32
        %dma_wait3A_161 = arith.constant 0 : i32
        %dma_wait3A_162 = tpu.memref_slice %arg2[%dma_wait3A_160, %dma_wait3A_161] : memref<10000x128xf32, #tpu.memory_space<hbm>> -> memref<10000x128xf32, #tpu.memory_space<hbm>>
        tpu.wait_indirect_dma semaphore(%arg17 : memref<!tpu.dma_semaphore, #tpu.memory_space<semaphore_mem>>) src(%dma_wait3A_162 : memref<10000x128xf32, #tpu.memory_space<hbm>>) dst(%arg14 : memref<125x128xf32, #tpu.memory_space<vmem>>)
        %dma_start3A_163 = arith.constant 4 : i32
        %dma_start3A_164 = arith.constant 0 : i32
        %dma_start3A_165 = tpu.memref_slice %arg12[%dma_start3A_163, %dma_start3A_164] : memref<8x125xi32, #tpu.memory_space<vmem>> -> memref<1x125xi32, #tpu.memory_space<vmem>>
        %dma_start3A_166 = tpu.memref_squeeze %dma_start3A_165 : memref<1x125xi32, #tpu.memory_space<vmem>> -> memref<125xi32, #tpu.memory_space<vmem>>
        %dma_start3A_167 = arith.constant 0 : i32
        %dma_start3A_168 = arith.constant 0 : i32
        %dma_start3A_169 = tpu.memref_slice %arg16[%dma_start3A_167, %dma_start3A_168] : memref<10240x128xf32, #tpu.memory_space<vmem_shared>> -> memref<10240x128xf32, #tpu.memory_space<vmem_shared>>
        tpu.enqueue_indirect_dma source(%arg14 : memref<125x128xf32, #tpu.memory_space<vmem>>) target(%dma_start3A_169 : memref<10240x128xf32, #tpu.memory_space<vmem_shared>>) offsets(%dma_start3A_166 : memref<125xi32, #tpu.memory_space<vmem>>) semaphore(%arg19 : memref<!tpu.dma_semaphore, #tpu.memory_space<semaphore_mem>>) {add = true}
        %dma_wait3A_170 = arith.constant 4 : i32
        %dma_wait3A_171 = arith.constant 0 : i32
        %dma_wait3A_172 = tpu.memref_slice %arg12[%dma_wait3A_170, %dma_wait3A_171] : memref<8x125xi32, #tpu.memory_space<vmem>> -> memref<1x125xi32, #tpu.memory_space<vmem>>
        %dma_wait3A_173 = tpu.memref_squeeze %dma_wait3A_172 : memref<1x125xi32, #tpu.memory_space<vmem>> -> memref<125xi32, #tpu.memory_space<vmem>>
        %dma_wait3A_174 = arith.constant 0 : i32
        %dma_wait3A_175 = arith.constant 0 : i32
        %dma_wait3A_176 = tpu.memref_slice %arg16[%dma_wait3A_174, %dma_wait3A_175] : memref<10240x128xf32, #tpu.memory_space<vmem_shared>> -> memref<10240x128xf32, #tpu.memory_space<vmem_shared>>
        tpu.wait_indirect_dma semaphore(%arg20 : memref<!tpu.dma_semaphore, #tpu.memory_space<semaphore_mem>>) src(%arg15 : memref<125x128xf32, #tpu.memory_space<vmem>>) dst(%dma_wait3A_176 : memref<10240x128xf32, #tpu.memory_space<vmem_shared>>)
        %dma_start3A_177 = arith.constant 5 : i32
        %dma_start3A_178 = arith.constant 0 : i32
        %dma_start3A_179 = tpu.memref_slice %arg10[%dma_start3A_177, %dma_start3A_178] : memref<8x125xi32, #tpu.memory_space<vmem>> -> memref<1x125xi32, #tpu.memory_space<vmem>>
        %dma_start3A_180 = tpu.memref_squeeze %dma_start3A_179 : memref<1x125xi32, #tpu.memory_space<vmem>> -> memref<125xi32, #tpu.memory_space<vmem>>
        %dma_start3A_181 = arith.constant 0 : i32
        %dma_start3A_182 = arith.constant 0 : i32
        %dma_start3A_183 = tpu.memref_slice %arg2[%dma_start3A_181, %dma_start3A_182] : memref<10000x128xf32, #tpu.memory_space<hbm>> -> memref<10000x128xf32, #tpu.memory_space<hbm>>
        tpu.enqueue_indirect_dma source(%dma_start3A_183 : memref<10000x128xf32, #tpu.memory_space<hbm>>) target(%arg15 : memref<125x128xf32, #tpu.memory_space<vmem>>) offsets(%dma_start3A_180 : memref<125xi32, #tpu.memory_space<vmem>>) semaphore(%arg18 : memref<!tpu.dma_semaphore, #tpu.memory_space<semaphore_mem>>)
        %dma_wait3A_184 = arith.constant 5 : i32
        %dma_wait3A_185 = arith.constant 0 : i32
        %dma_wait3A_186 = tpu.memref_slice %arg10[%dma_wait3A_184, %dma_wait3A_185] : memref<8x125xi32, #tpu.memory_space<vmem>> -> memref<1x125xi32, #tpu.memory_space<vmem>>
        %dma_wait3A_187 = tpu.memref_squeeze %dma_wait3A_186 : memref<1x125xi32, #tpu.memory_space<vmem>> -> memref<125xi32, #tpu.memory_space<vmem>>
        %dma_wait3A_188 = arith.constant 0 : i32
        %dma_wait3A_189 = arith.constant 0 : i32
        %dma_wait3A_190 = tpu.memref_slice %arg2[%dma_wait3A_188, %dma_wait3A_189] : memref<10000x128xf32, #tpu.memory_space<hbm>> -> memref<10000x128xf32, #tpu.memory_space<hbm>>
        tpu.wait_indirect_dma semaphore(%arg18 : memref<!tpu.dma_semaphore, #tpu.memory_space<semaphore_mem>>) src(%dma_wait3A_190 : memref<10000x128xf32, #tpu.memory_space<hbm>>) dst(%arg15 : memref<125x128xf32, #tpu.memory_space<vmem>>)
        %dma_start3A_191 = arith.constant 5 : i32
        %dma_start3A_192 = arith.constant 0 : i32
        %dma_start3A_193 = tpu.memref_slice %arg12[%dma_start3A_191, %dma_start3A_192] : memref<8x125xi32, #tpu.memory_space<vmem>> -> memref<1x125xi32, #tpu.memory_space<vmem>>
        %dma_start3A_194 = tpu.memref_squeeze %dma_start3A_193 : memref<1x125xi32, #tpu.memory_space<vmem>> -> memref<125xi32, #tpu.memory_space<vmem>>
        %dma_start3A_195 = arith.constant 0 : i32
        %dma_start3A_196 = arith.constant 0 : i32
        %dma_start3A_197 = tpu.memref_slice %arg16[%dma_start3A_195, %dma_start3A_196] : memref<10240x128xf32, #tpu.memory_space<vmem_shared>> -> memref<10240x128xf32, #tpu.memory_space<vmem_shared>>
        tpu.enqueue_indirect_dma source(%arg15 : memref<125x128xf32, #tpu.memory_space<vmem>>) target(%dma_start3A_197 : memref<10240x128xf32, #tpu.memory_space<vmem_shared>>) offsets(%dma_start3A_194 : memref<125xi32, #tpu.memory_space<vmem>>) semaphore(%arg20 : memref<!tpu.dma_semaphore, #tpu.memory_space<semaphore_mem>>) {add = true}
        %dma_wait3A_198 = arith.constant 5 : i32
        %dma_wait3A_199 = arith.constant 0 : i32
        %dma_wait3A_200 = tpu.memref_slice %arg12[%dma_wait3A_198, %dma_wait3A_199] : memref<8x125xi32, #tpu.memory_space<vmem>> -> memref<1x125xi32, #tpu.memory_space<vmem>>
        %dma_wait3A_201 = tpu.memref_squeeze %dma_wait3A_200 : memref<1x125xi32, #tpu.memory_space<vmem>> -> memref<125xi32, #tpu.memory_space<vmem>>
        %dma_wait3A_202 = arith.constant 0 : i32
        %dma_wait3A_203 = arith.constant 0 : i32
        %dma_wait3A_204 = tpu.memref_slice %arg16[%dma_wait3A_202, %dma_wait3A_203] : memref<10240x128xf32, #tpu.memory_space<vmem_shared>> -> memref<10240x128xf32, #tpu.memory_space<vmem_shared>>
        tpu.wait_indirect_dma semaphore(%arg19 : memref<!tpu.dma_semaphore, #tpu.memory_space<semaphore_mem>>) src(%arg14 : memref<125x128xf32, #tpu.memory_space<vmem>>) dst(%dma_wait3A_204 : memref<10240x128xf32, #tpu.memory_space<vmem_shared>>)
        %dma_start3A_205 = arith.constant 6 : i32
        %dma_start3A_206 = arith.constant 0 : i32
        %dma_start3A_207 = tpu.memref_slice %arg10[%dma_start3A_205, %dma_start3A_206] : memref<8x125xi32, #tpu.memory_space<vmem>> -> memref<1x125xi32, #tpu.memory_space<vmem>>
        %dma_start3A_208 = tpu.memref_squeeze %dma_start3A_207 : memref<1x125xi32, #tpu.memory_space<vmem>> -> memref<125xi32, #tpu.memory_space<vmem>>
        %dma_start3A_209 = arith.constant 0 : i32
        %dma_start3A_210 = arith.constant 0 : i32
        %dma_start3A_211 = tpu.memref_slice %arg2[%dma_start3A_209, %dma_start3A_210] : memref<10000x128xf32, #tpu.memory_space<hbm>> -> memref<10000x128xf32, #tpu.memory_space<hbm>>
        tpu.enqueue_indirect_dma source(%dma_start3A_211 : memref<10000x128xf32, #tpu.memory_space<hbm>>) target(%arg14 : memref<125x128xf32, #tpu.memory_space<vmem>>) offsets(%dma_start3A_208 : memref<125xi32, #tpu.memory_space<vmem>>) semaphore(%arg17 : memref<!tpu.dma_semaphore, #tpu.memory_space<semaphore_mem>>)
        %dma_wait3A_212 = arith.constant 6 : i32
        %dma_wait3A_213 = arith.constant 0 : i32
        %dma_wait3A_214 = tpu.memref_slice %arg10[%dma_wait3A_212, %dma_wait3A_213] : memref<8x125xi32, #tpu.memory_space<vmem>> -> memref<1x125xi32, #tpu.memory_space<vmem>>
        %dma_wait3A_215 = tpu.memref_squeeze %dma_wait3A_214 : memref<1x125xi32, #tpu.memory_space<vmem>> -> memref<125xi32, #tpu.memory_space<vmem>>
        %dma_wait3A_216 = arith.constant 0 : i32
        %dma_wait3A_217 = arith.constant 0 : i32
        %dma_wait3A_218 = tpu.memref_slice %arg2[%dma_wait3A_216, %dma_wait3A_217] : memref<10000x128xf32, #tpu.memory_space<hbm>> -> memref<10000x128xf32, #tpu.memory_space<hbm>>
        tpu.wait_indirect_dma semaphore(%arg17 : memref<!tpu.dma_semaphore, #tpu.memory_space<semaphore_mem>>) src(%dma_wait3A_218 : memref<10000x128xf32, #tpu.memory_space<hbm>>) dst(%arg14 : memref<125x128xf32, #tpu.memory_space<vmem>>)
        %dma_start3A_219 = arith.constant 6 : i32
        %dma_start3A_220 = arith.constant 0 : i32
        %dma_start3A_221 = tpu.memref_slice %arg12[%dma_start3A_219, %dma_start3A_220] : memref<8x125xi32, #tpu.memory_space<vmem>> -> memref<1x125xi32, #tpu.memory_space<vmem>>
        %dma_start3A_222 = tpu.memref_squeeze %dma_start3A_221 : memref<1x125xi32, #tpu.memory_space<vmem>> -> memref<125xi32, #tpu.memory_space<vmem>>
        %dma_start3A_223 = arith.constant 0 : i32
        %dma_start3A_224 = arith.constant 0 : i32
        %dma_start3A_225 = tpu.memref_slice %arg16[%dma_start3A_223, %dma_start3A_224] : memref<10240x128xf32, #tpu.memory_space<vmem_shared>> -> memref<10240x128xf32, #tpu.memory_space<vmem_shared>>
        tpu.enqueue_indirect_dma source(%arg14 : memref<125x128xf32, #tpu.memory_space<vmem>>) target(%dma_start3A_225 : memref<10240x128xf32, #tpu.memory_space<vmem_shared>>) offsets(%dma_start3A_222 : memref<125xi32, #tpu.memory_space<vmem>>) semaphore(%arg19 : memref<!tpu.dma_semaphore, #tpu.memory_space<semaphore_mem>>) {add = true}
        %dma_wait3A_226 = arith.constant 6 : i32
        %dma_wait3A_227 = arith.constant 0 : i32
        %dma_wait3A_228 = tpu.memref_slice %arg12[%dma_wait3A_226, %dma_wait3A_227] : memref<8x125xi32, #tpu.memory_space<vmem>> -> memref<1x125xi32, #tpu.memory_space<vmem>>
        %dma_wait3A_229 = tpu.memref_squeeze %dma_wait3A_228 : memref<1x125xi32, #tpu.memory_space<vmem>> -> memref<125xi32, #tpu.memory_space<vmem>>
        %dma_wait3A_230 = arith.constant 0 : i32
        %dma_wait3A_231 = arith.constant 0 : i32
        %dma_wait3A_232 = tpu.memref_slice %arg16[%dma_wait3A_230, %dma_wait3A_231] : memref<10240x128xf32, #tpu.memory_space<vmem_shared>> -> memref<10240x128xf32, #tpu.memory_space<vmem_shared>>
        tpu.wait_indirect_dma semaphore(%arg20 : memref<!tpu.dma_semaphore, #tpu.memory_space<semaphore_mem>>) src(%arg15 : memref<125x128xf32, #tpu.memory_space<vmem>>) dst(%dma_wait3A_232 : memref<10240x128xf32, #tpu.memory_space<vmem_shared>>)
        %dma_start3A_233 = arith.constant 7 : i32
        %dma_start3A_234 = arith.constant 0 : i32
        %dma_start3A_235 = tpu.memref_slice %arg10[%dma_start3A_233, %dma_start3A_234] : memref<8x125xi32, #tpu.memory_space<vmem>> -> memref<1x125xi32, #tpu.memory_space<vmem>>
        %dma_start3A_236 = tpu.memref_squeeze %dma_start3A_235 : memref<1x125xi32, #tpu.memory_space<vmem>> -> memref<125xi32, #tpu.memory_space<vmem>>
        %dma_start3A_237 = arith.constant 0 : i32
        %dma_start3A_238 = arith.constant 0 : i32
        %dma_start3A_239 = tpu.memref_slice %arg2[%dma_start3A_237, %dma_start3A_238] : memref<10000x128xf32, #tpu.memory_space<hbm>> -> memref<10000x128xf32, #tpu.memory_space<hbm>>
        tpu.enqueue_indirect_dma source(%dma_start3A_239 : memref<10000x128xf32, #tpu.memory_space<hbm>>) target(%arg15 : memref<125x128xf32, #tpu.memory_space<vmem>>) offsets(%dma_start3A_236 : memref<125xi32, #tpu.memory_space<vmem>>) semaphore(%arg18 : memref<!tpu.dma_semaphore, #tpu.memory_space<semaphore_mem>>)
        %dma_wait3A_240 = arith.constant 7 : i32
        %dma_wait3A_241 = arith.constant 0 : i32
        %dma_wait3A_242 = tpu.memref_slice %arg10[%dma_wait3A_240, %dma_wait3A_241] : memref<8x125xi32, #tpu.memory_space<vmem>> -> memref<1x125xi32, #tpu.memory_space<vmem>>
        %dma_wait3A_243 = tpu.memref_squeeze %dma_wait3A_242 : memref<1x125xi32, #tpu.memory_space<vmem>> -> memref<125xi32, #tpu.memory_space<vmem>>
        %dma_wait3A_244 = arith.constant 0 : i32
        %dma_wait3A_245 = arith.constant 0 : i32
        %dma_wait3A_246 = tpu.memref_slice %arg2[%dma_wait3A_244, %dma_wait3A_245] : memref<10000x128xf32, #tpu.memory_space<hbm>> -> memref<10000x128xf32, #tpu.memory_space<hbm>>
        tpu.wait_indirect_dma semaphore(%arg18 : memref<!tpu.dma_semaphore, #tpu.memory_space<semaphore_mem>>) src(%dma_wait3A_246 : memref<10000x128xf32, #tpu.memory_space<hbm>>) dst(%arg15 : memref<125x128xf32, #tpu.memory_space<vmem>>)
        %dma_start3A_247 = arith.constant 7 : i32
        %dma_start3A_248 = arith.constant 0 : i32
        %dma_start3A_249 = tpu.memref_slice %arg12[%dma_start3A_247, %dma_start3A_248] : memref<8x125xi32, #tpu.memory_space<vmem>> -> memref<1x125xi32, #tpu.memory_space<vmem>>
        %dma_start3A_250 = tpu.memref_squeeze %dma_start3A_249 : memref<1x125xi32, #tpu.memory_space<vmem>> -> memref<125xi32, #tpu.memory_space<vmem>>
        %dma_start3A_251 = arith.constant 0 : i32
        %dma_start3A_252 = arith.constant 0 : i32
        %dma_start3A_253 = tpu.memref_slice %arg16[%dma_start3A_251, %dma_start3A_252] : memref<10240x128xf32, #tpu.memory_space<vmem_shared>> -> memref<10240x128xf32, #tpu.memory_space<vmem_shared>>
        tpu.enqueue_indirect_dma source(%arg15 : memref<125x128xf32, #tpu.memory_space<vmem>>) target(%dma_start3A_253 : memref<10240x128xf32, #tpu.memory_space<vmem_shared>>) offsets(%dma_start3A_250 : memref<125xi32, #tpu.memory_space<vmem>>) semaphore(%arg20 : memref<!tpu.dma_semaphore, #tpu.memory_space<semaphore_mem>>) {add = true}
        %dma_wait3A_254 = arith.constant 7 : i32
        %dma_wait3A_255 = arith.constant 0 : i32
        %dma_wait3A_256 = tpu.memref_slice %arg12[%dma_wait3A_254, %dma_wait3A_255] : memref<8x125xi32, #tpu.memory_space<vmem>> -> memref<1x125xi32, #tpu.memory_space<vmem>>
        %dma_wait3A_257 = tpu.memref_squeeze %dma_wait3A_256 : memref<1x125xi32, #tpu.memory_space<vmem>> -> memref<125xi32, #tpu.memory_space<vmem>>
        %dma_wait3A_258 = arith.constant 0 : i32
        %dma_wait3A_259 = arith.constant 0 : i32
        %dma_wait3A_260 = tpu.memref_slice %arg16[%dma_wait3A_258, %dma_wait3A_259] : memref<10240x128xf32, #tpu.memory_space<vmem_shared>> -> memref<10240x128xf32, #tpu.memory_space<vmem_shared>>
        tpu.wait_indirect_dma semaphore(%arg19 : memref<!tpu.dma_semaphore, #tpu.memory_space<semaphore_mem>>) src(%arg14 : memref<125x128xf32, #tpu.memory_space<vmem>>) dst(%dma_wait3A_260 : memref<10240x128xf32, #tpu.memory_space<vmem_shared>>)
        %add3A_261 = arith.constant 1 : i32
        %add3A_262 = arith.addi %add3A_40, %add3A_261 : i32
        %lt3A_263 = arith.constant 20 : i32
        %lt3A_264 = arith.cmpi slt, %add3A_262, %lt3A_263 : i32
        %convert_element_type3A_265 = arith.extui %lt3A_264 : i1 to i32
        %cond3A_266 = arith.constant 0 : i32
        %cond3A_267 = arith.cmpi ne, %convert_element_type3A_265, %cond3A_266 : i32
        scf.if %cond3A_267 {
          %add3A_499 = arith.constant 1 : i32
          %add3A_500 = arith.addi %add3A_40, %add3A_499 : i32
          %mul3A_501 = arith.constant 8 : i32
          %mul3A_502 = arith.muli %add3A_500, %mul3A_501 : i32
          %dma_wait3A_503 = arith.constant 0 : i32
          %dma_wait3A_504 = tpu.memref_slice %arg4[%arg1, %mul3A_502, %dma_wait3A_503] : memref<16x160x125xi32, #tpu.memory_space<hbm>> -> memref<1x8x125xi32, #tpu.memory_space<hbm>>
          %dma_wait3A_505 = tpu.memref_squeeze %dma_wait3A_504 : memref<1x8x125xi32, #tpu.memory_space<hbm>> -> memref<8x125xi32, #tpu.memory_space<hbm>>
          %dma_wait3A_506 = arith.constant 0 : i32
          %dma_wait3A_507 = tpu.memref_slice %arg4[%arg1, %mul3A_502, %dma_wait3A_506] : memref<16x160x125xi32, #tpu.memory_space<hbm>> -> memref<1x8x125xi32, #tpu.memory_space<hbm>>
          %dma_wait3A_508 = tpu.memref_squeeze %dma_wait3A_507 : memref<1x8x125xi32, #tpu.memory_space<hbm>> -> memref<8x125xi32, #tpu.memory_space<hbm>>
          tpu.wait_dma2 semaphore(%arg22 : memref<!tpu.dma_semaphore, #tpu.memory_space<semaphore_mem>>) src(%dma_wait3A_508 : memref<8x125xi32, #tpu.memory_space<hbm>>) dst(%arg11 : memref<8x125xi32, #tpu.memory_space<vmem>>)
          %add3A_509 = arith.constant 1 : i32
          %add3A_510 = arith.addi %add3A_40, %add3A_509 : i32
          %mul3A_511 = arith.constant 8 : i32
          %mul3A_512 = arith.muli %add3A_510, %mul3A_511 : i32
          %dma_wait3A_513 = arith.constant 0 : i32
          %dma_wait3A_514 = tpu.memref_slice %arg5[%arg1, %mul3A_512, %dma_wait3A_513] : memref<16x160x125xi32, #tpu.memory_space<hbm>> -> memref<1x8x125xi32, #tpu.memory_space<hbm>>
          %dma_wait3A_515 = tpu.memref_squeeze %dma_wait3A_514 : memref<1x8x125xi32, #tpu.memory_space<hbm>> -> memref<8x125xi32, #tpu.memory_space<hbm>>
          %dma_wait3A_516 = arith.constant 0 : i32
          %dma_wait3A_517 = tpu.memref_slice %arg5[%arg1, %mul3A_512, %dma_wait3A_516] : memref<16x160x125xi32, #tpu.memory_space<hbm>> -> memref<1x8x125xi32, #tpu.memory_space<hbm>>
          %dma_wait3A_518 = tpu.memref_squeeze %dma_wait3A_517 : memref<1x8x125xi32, #tpu.memory_space<hbm>> -> memref<8x125xi32, #tpu.memory_space<hbm>>
          tpu.wait_dma2 semaphore(%arg24 : memref<!tpu.dma_semaphore, #tpu.memory_space<semaphore_mem>>) src(%dma_wait3A_518 : memref<8x125xi32, #tpu.memory_space<hbm>>) dst(%arg13 : memref<8x125xi32, #tpu.memory_space<vmem>>)
          %dma_start3A_519 = arith.constant 0 : i32
          %dma_start3A_520 = arith.constant 0 : i32
          %dma_start3A_521 = tpu.memref_slice %arg11[%dma_start3A_519, %dma_start3A_520] : memref<8x125xi32, #tpu.memory_space<vmem>> -> memref<1x125xi32, #tpu.memory_space<vmem>>
          %dma_start3A_522 = tpu.memref_squeeze %dma_start3A_521 : memref<1x125xi32, #tpu.memory_space<vmem>> -> memref<125xi32, #tpu.memory_space<vmem>>
          %dma_start3A_523 = arith.constant 0 : i32
          %dma_start3A_524 = arith.constant 0 : i32
          %dma_start3A_525 = tpu.memref_slice %arg2[%dma_start3A_523, %dma_start3A_524] : memref<10000x128xf32, #tpu.memory_space<hbm>> -> memref<10000x128xf32, #tpu.memory_space<hbm>>
          tpu.enqueue_indirect_dma source(%dma_start3A_525 : memref<10000x128xf32, #tpu.memory_space<hbm>>) target(%arg14 : memref<125x128xf32, #tpu.memory_space<vmem>>) offsets(%dma_start3A_522 : memref<125xi32, #tpu.memory_space<vmem>>) semaphore(%arg17 : memref<!tpu.dma_semaphore, #tpu.memory_space<semaphore_mem>>)
        } else {
        }
        %add3A_268 = arith.constant 1 : i32
        %add3A_269 = arith.addi %add3A_40, %add3A_268 : i32
        %dma_wait3A_270 = arith.constant 0 : i32
        %dma_wait3A_271 = arith.constant 0 : i32
        %dma_wait3A_272 = tpu.memref_slice %arg11[%dma_wait3A_270, %dma_wait3A_271] : memref<8x125xi32, #tpu.memory_space<vmem>> -> memref<1x125xi32, #tpu.memory_space<vmem>>
        %dma_wait3A_273 = tpu.memref_squeeze %dma_wait3A_272 : memref<1x125xi32, #tpu.memory_space<vmem>> -> memref<125xi32, #tpu.memory_space<vmem>>
        %dma_wait3A_274 = arith.constant 0 : i32
        %dma_wait3A_275 = arith.constant 0 : i32
        %dma_wait3A_276 = tpu.memref_slice %arg2[%dma_wait3A_274, %dma_wait3A_275] : memref<10000x128xf32, #tpu.memory_space<hbm>> -> memref<10000x128xf32, #tpu.memory_space<hbm>>
        tpu.wait_indirect_dma semaphore(%arg17 : memref<!tpu.dma_semaphore, #tpu.memory_space<semaphore_mem>>) src(%dma_wait3A_276 : memref<10000x128xf32, #tpu.memory_space<hbm>>) dst(%arg14 : memref<125x128xf32, #tpu.memory_space<vmem>>)
        %dma_start3A_277 = arith.constant 0 : i32
        %dma_start3A_278 = arith.constant 0 : i32
        %dma_start3A_279 = tpu.memref_slice %arg13[%dma_start3A_277, %dma_start3A_278] : memref<8x125xi32, #tpu.memory_space<vmem>> -> memref<1x125xi32, #tpu.memory_space<vmem>>
        %dma_start3A_280 = tpu.memref_squeeze %dma_start3A_279 : memref<1x125xi32, #tpu.memory_space<vmem>> -> memref<125xi32, #tpu.memory_space<vmem>>
        %dma_start3A_281 = arith.constant 0 : i32
        %dma_start3A_282 = arith.constant 0 : i32
        %dma_start3A_283 = tpu.memref_slice %arg16[%dma_start3A_281, %dma_start3A_282] : memref<10240x128xf32, #tpu.memory_space<vmem_shared>> -> memref<10240x128xf32, #tpu.memory_space<vmem_shared>>
        tpu.enqueue_indirect_dma source(%arg14 : memref<125x128xf32, #tpu.memory_space<vmem>>) target(%dma_start3A_283 : memref<10240x128xf32, #tpu.memory_space<vmem_shared>>) offsets(%dma_start3A_280 : memref<125xi32, #tpu.memory_space<vmem>>) semaphore(%arg19 : memref<!tpu.dma_semaphore, #tpu.memory_space<semaphore_mem>>) {add = true}
        %gt3A_284 = arith.constant 0 : i32
        %gt3A_285 = arith.cmpi sgt, %add3A_269, %gt3A_284 : i32
        %convert_element_type3A_286 = arith.extui %gt3A_285 : i1 to i32
        %cond3A_287 = arith.constant 0 : i32
        %cond3A_288 = arith.cmpi ne, %convert_element_type3A_286, %cond3A_287 : i32
        scf.if %cond3A_288 {
          %dma_wait3A_499 = arith.constant 0 : i32
          %dma_wait3A_500 = arith.constant 0 : i32
          %dma_wait3A_501 = tpu.memref_slice %arg13[%dma_wait3A_499, %dma_wait3A_500] : memref<8x125xi32, #tpu.memory_space<vmem>> -> memref<1x125xi32, #tpu.memory_space<vmem>>
          %dma_wait3A_502 = tpu.memref_squeeze %dma_wait3A_501 : memref<1x125xi32, #tpu.memory_space<vmem>> -> memref<125xi32, #tpu.memory_space<vmem>>
          %dma_wait3A_503 = arith.constant 0 : i32
          %dma_wait3A_504 = arith.constant 0 : i32
          %dma_wait3A_505 = tpu.memref_slice %arg16[%dma_wait3A_503, %dma_wait3A_504] : memref<10240x128xf32, #tpu.memory_space<vmem_shared>> -> memref<10240x128xf32, #tpu.memory_space<vmem_shared>>
          tpu.wait_indirect_dma semaphore(%arg20 : memref<!tpu.dma_semaphore, #tpu.memory_space<semaphore_mem>>) src(%arg15 : memref<125x128xf32, #tpu.memory_space<vmem>>) dst(%dma_wait3A_505 : memref<10240x128xf32, #tpu.memory_space<vmem_shared>>)
        } else {
        }
        %dma_start3A_289 = arith.constant 1 : i32
        %dma_start3A_290 = arith.constant 0 : i32
        %dma_start3A_291 = tpu.memref_slice %arg11[%dma_start3A_289, %dma_start3A_290] : memref<8x125xi32, #tpu.memory_space<vmem>> -> memref<1x125xi32, #tpu.memory_space<vmem>>
        %dma_start3A_292 = tpu.memref_squeeze %dma_start3A_291 : memref<1x125xi32, #tpu.memory_space<vmem>> -> memref<125xi32, #tpu.memory_space<vmem>>
        %dma_start3A_293 = arith.constant 0 : i32
        %dma_start3A_294 = arith.constant 0 : i32
        %dma_start3A_295 = tpu.memref_slice %arg2[%dma_start3A_293, %dma_start3A_294] : memref<10000x128xf32, #tpu.memory_space<hbm>> -> memref<10000x128xf32, #tpu.memory_space<hbm>>
        tpu.enqueue_indirect_dma source(%dma_start3A_295 : memref<10000x128xf32, #tpu.memory_space<hbm>>) target(%arg15 : memref<125x128xf32, #tpu.memory_space<vmem>>) offsets(%dma_start3A_292 : memref<125xi32, #tpu.memory_space<vmem>>) semaphore(%arg18 : memref<!tpu.dma_semaphore, #tpu.memory_space<semaphore_mem>>)
        %dma_wait3A_296 = arith.constant 1 : i32
        %dma_wait3A_297 = arith.constant 0 : i32
        %dma_wait3A_298 = tpu.memref_slice %arg11[%dma_wait3A_296, %dma_wait3A_297] : memref<8x125xi32, #tpu.memory_space<vmem>> -> memref<1x125xi32, #tpu.memory_space<vmem>>
        %dma_wait3A_299 = tpu.memref_squeeze %dma_wait3A_298 : memref<1x125xi32, #tpu.memory_space<vmem>> -> memref<125xi32, #tpu.memory_space<vmem>>
        %dma_wait3A_300 = arith.constant 0 : i32
        %dma_wait3A_301 = arith.constant 0 : i32
        %dma_wait3A_302 = tpu.memref_slice %arg2[%dma_wait3A_300, %dma_wait3A_301] : memref<10000x128xf32, #tpu.memory_space<hbm>> -> memref<10000x128xf32, #tpu.memory_space<hbm>>
        tpu.wait_indirect_dma semaphore(%arg18 : memref<!tpu.dma_semaphore, #tpu.memory_space<semaphore_mem>>) src(%dma_wait3A_302 : memref<10000x128xf32, #tpu.memory_space<hbm>>) dst(%arg15 : memref<125x128xf32, #tpu.memory_space<vmem>>)
        %dma_start3A_303 = arith.constant 1 : i32
        %dma_start3A_304 = arith.constant 0 : i32
        %dma_start3A_305 = tpu.memref_slice %arg13[%dma_start3A_303, %dma_start3A_304] : memref<8x125xi32, #tpu.memory_space<vmem>> -> memref<1x125xi32, #tpu.memory_space<vmem>>
        %dma_start3A_306 = tpu.memref_squeeze %dma_start3A_305 : memref<1x125xi32, #tpu.memory_space<vmem>> -> memref<125xi32, #tpu.memory_space<vmem>>
        %dma_start3A_307 = arith.constant 0 : i32
        %dma_start3A_308 = arith.constant 0 : i32
        %dma_start3A_309 = tpu.memref_slice %arg16[%dma_start3A_307, %dma_start3A_308] : memref<10240x128xf32, #tpu.memory_space<vmem_shared>> -> memref<10240x128xf32, #tpu.memory_space<vmem_shared>>
        tpu.enqueue_indirect_dma source(%arg15 : memref<125x128xf32, #tpu.memory_space<vmem>>) target(%dma_start3A_309 : memref<10240x128xf32, #tpu.memory_space<vmem_shared>>) offsets(%dma_start3A_306 : memref<125xi32, #tpu.memory_space<vmem>>) semaphore(%arg20 : memref<!tpu.dma_semaphore, #tpu.memory_space<semaphore_mem>>) {add = true}
        %add3A_310 = arith.constant 1 : i32
        %add3A_311 = arith.addi %add3A_269, %add3A_310 : i32
        %lt3A_312 = arith.constant 20 : i32
        %lt3A_313 = arith.cmpi slt, %add3A_311, %lt3A_312 : i32
        %convert_element_type3A_314 = arith.extui %lt3A_313 : i1 to i32
        %cond3A_315 = arith.constant 0 : i32
        %cond3A_316 = arith.cmpi ne, %convert_element_type3A_314, %cond3A_315 : i32
        scf.if %cond3A_316 {
          %add3A_499 = arith.constant 1 : i32
          %add3A_500 = arith.addi %add3A_269, %add3A_499 : i32
          %mul3A_501 = arith.constant 8 : i32
          %mul3A_502 = arith.muli %add3A_500, %mul3A_501 : i32
          %dma_start3A_503 = arith.constant 0 : i32
          %dma_start3A_504 = tpu.memref_slice %arg4[%arg1, %mul3A_502, %dma_start3A_503] : memref<16x160x125xi32, #tpu.memory_space<hbm>> -> memref<1x8x125xi32, #tpu.memory_space<hbm>>
          %dma_start3A_505 = tpu.memref_squeeze %dma_start3A_504 : memref<1x8x125xi32, #tpu.memory_space<hbm>> -> memref<8x125xi32, #tpu.memory_space<hbm>>
          %dma_start3A_506 = arith.constant 0 : i32
          %dma_start3A_507 = tpu.memref_slice %arg4[%arg1, %mul3A_502, %dma_start3A_506] : memref<16x160x125xi32, #tpu.memory_space<hbm>> -> memref<1x8x125xi32, #tpu.memory_space<hbm>>
          %dma_start3A_508 = tpu.memref_squeeze %dma_start3A_507 : memref<1x8x125xi32, #tpu.memory_space<hbm>> -> memref<8x125xi32, #tpu.memory_space<hbm>>
          tpu.enqueue_dma source(%dma_start3A_508 : memref<8x125xi32, #tpu.memory_space<hbm>>) target(%arg10 : memref<8x125xi32, #tpu.memory_space<vmem>>) target_semaphore(%arg21 : memref<!tpu.dma_semaphore, #tpu.memory_space<semaphore_mem>>)
          %add3A_509 = arith.constant 1 : i32
          %add3A_510 = arith.addi %add3A_269, %add3A_509 : i32
          %mul3A_511 = arith.constant 8 : i32
          %mul3A_512 = arith.muli %add3A_510, %mul3A_511 : i32
          %dma_start3A_513 = arith.constant 0 : i32
          %dma_start3A_514 = tpu.memref_slice %arg5[%arg1, %mul3A_512, %dma_start3A_513] : memref<16x160x125xi32, #tpu.memory_space<hbm>> -> memref<1x8x125xi32, #tpu.memory_space<hbm>>
          %dma_start3A_515 = tpu.memref_squeeze %dma_start3A_514 : memref<1x8x125xi32, #tpu.memory_space<hbm>> -> memref<8x125xi32, #tpu.memory_space<hbm>>
          %dma_start3A_516 = arith.constant 0 : i32
          %dma_start3A_517 = tpu.memref_slice %arg5[%arg1, %mul3A_512, %dma_start3A_516] : memref<16x160x125xi32, #tpu.memory_space<hbm>> -> memref<1x8x125xi32, #tpu.memory_space<hbm>>
          %dma_start3A_518 = tpu.memref_squeeze %dma_start3A_517 : memref<1x8x125xi32, #tpu.memory_space<hbm>> -> memref<8x125xi32, #tpu.memory_space<hbm>>
          tpu.enqueue_dma source(%dma_start3A_518 : memref<8x125xi32, #tpu.memory_space<hbm>>) target(%arg12 : memref<8x125xi32, #tpu.memory_space<vmem>>) target_semaphore(%arg23 : memref<!tpu.dma_semaphore, #tpu.memory_space<semaphore_mem>>)
        } else {
        }
        %dma_wait3A_317 = arith.constant 1 : i32
        %dma_wait3A_318 = arith.constant 0 : i32
        %dma_wait3A_319 = tpu.memref_slice %arg13[%dma_wait3A_317, %dma_wait3A_318] : memref<8x125xi32, #tpu.memory_space<vmem>> -> memref<1x125xi32, #tpu.memory_space<vmem>>
        %dma_wait3A_320 = tpu.memref_squeeze %dma_wait3A_319 : memref<1x125xi32, #tpu.memory_space<vmem>> -> memref<125xi32, #tpu.memory_space<vmem>>
        %dma_wait3A_321 = arith.constant 0 : i32
        %dma_wait3A_322 = arith.constant 0 : i32
        %dma_wait3A_323 = tpu.memref_slice %arg16[%dma_wait3A_321, %dma_wait3A_322] : memref<10240x128xf32, #tpu.memory_space<vmem_shared>> -> memref<10240x128xf32, #tpu.memory_space<vmem_shared>>
        tpu.wait_indirect_dma semaphore(%arg19 : memref<!tpu.dma_semaphore, #tpu.memory_space<semaphore_mem>>) src(%arg14 : memref<125x128xf32, #tpu.memory_space<vmem>>) dst(%dma_wait3A_323 : memref<10240x128xf32, #tpu.memory_space<vmem_shared>>)
        %dma_start3A_324 = arith.constant 2 : i32
        %dma_start3A_325 = arith.constant 0 : i32
        %dma_start3A_326 = tpu.memref_slice %arg11[%dma_start3A_324, %dma_start3A_325] : memref<8x125xi32, #tpu.memory_space<vmem>> -> memref<1x125xi32, #tpu.memory_space<vmem>>
        %dma_start3A_327 = tpu.memref_squeeze %dma_start3A_326 : memref<1x125xi32, #tpu.memory_space<vmem>> -> memref<125xi32, #tpu.memory_space<vmem>>
        %dma_start3A_328 = arith.constant 0 : i32
        %dma_start3A_329 = arith.constant 0 : i32
        %dma_start3A_330 = tpu.memref_slice %arg2[%dma_start3A_328, %dma_start3A_329] : memref<10000x128xf32, #tpu.memory_space<hbm>> -> memref<10000x128xf32, #tpu.memory_space<hbm>>
        tpu.enqueue_indirect_dma source(%dma_start3A_330 : memref<10000x128xf32, #tpu.memory_space<hbm>>) target(%arg14 : memref<125x128xf32, #tpu.memory_space<vmem>>) offsets(%dma_start3A_327 : memref<125xi32, #tpu.memory_space<vmem>>) semaphore(%arg17 : memref<!tpu.dma_semaphore, #tpu.memory_space<semaphore_mem>>)
        %dma_wait3A_331 = arith.constant 2 : i32
        %dma_wait3A_332 = arith.constant 0 : i32
        %dma_wait3A_333 = tpu.memref_slice %arg11[%dma_wait3A_331, %dma_wait3A_332] : memref<8x125xi32, #tpu.memory_space<vmem>> -> memref<1x125xi32, #tpu.memory_space<vmem>>
        %dma_wait3A_334 = tpu.memref_squeeze %dma_wait3A_333 : memref<1x125xi32, #tpu.memory_space<vmem>> -> memref<125xi32, #tpu.memory_space<vmem>>
        %dma_wait3A_335 = arith.constant 0 : i32
        %dma_wait3A_336 = arith.constant 0 : i32
        %dma_wait3A_337 = tpu.memref_slice %arg2[%dma_wait3A_335, %dma_wait3A_336] : memref<10000x128xf32, #tpu.memory_space<hbm>> -> memref<10000x128xf32, #tpu.memory_space<hbm>>
        tpu.wait_indirect_dma semaphore(%arg17 : memref<!tpu.dma_semaphore, #tpu.memory_space<semaphore_mem>>) src(%dma_wait3A_337 : memref<10000x128xf32, #tpu.memory_space<hbm>>) dst(%arg14 : memref<125x128xf32, #tpu.memory_space<vmem>>)
        %dma_start3A_338 = arith.constant 2 : i32
        %dma_start3A_339 = arith.constant 0 : i32
        %dma_start3A_340 = tpu.memref_slice %arg13[%dma_start3A_338, %dma_start3A_339] : memref<8x125xi32, #tpu.memory_space<vmem>> -> memref<1x125xi32, #tpu.memory_space<vmem>>
        %dma_start3A_341 = tpu.memref_squeeze %dma_start3A_340 : memref<1x125xi32, #tpu.memory_space<vmem>> -> memref<125xi32, #tpu.memory_space<vmem>>
        %dma_start3A_342 = arith.constant 0 : i32
        %dma_start3A_343 = arith.constant 0 : i32
        %dma_start3A_344 = tpu.memref_slice %arg16[%dma_start3A_342, %dma_start3A_343] : memref<10240x128xf32, #tpu.memory_space<vmem_shared>> -> memref<10240x128xf32, #tpu.memory_space<vmem_shared>>
        tpu.enqueue_indirect_dma source(%arg14 : memref<125x128xf32, #tpu.memory_space<vmem>>) target(%dma_start3A_344 : memref<10240x128xf32, #tpu.memory_space<vmem_shared>>) offsets(%dma_start3A_341 : memref<125xi32, #tpu.memory_space<vmem>>) semaphore(%arg19 : memref<!tpu.dma_semaphore, #tpu.memory_space<semaphore_mem>>) {add = true}
        %dma_wait3A_345 = arith.constant 2 : i32
        %dma_wait3A_346 = arith.constant 0 : i32
        %dma_wait3A_347 = tpu.memref_slice %arg13[%dma_wait3A_345, %dma_wait3A_346] : memref<8x125xi32, #tpu.memory_space<vmem>> -> memref<1x125xi32, #tpu.memory_space<vmem>>
        %dma_wait3A_348 = tpu.memref_squeeze %dma_wait3A_347 : memref<1x125xi32, #tpu.memory_space<vmem>> -> memref<125xi32, #tpu.memory_space<vmem>>
        %dma_wait3A_349 = arith.constant 0 : i32
        %dma_wait3A_350 = arith.constant 0 : i32
        %dma_wait3A_351 = tpu.memref_slice %arg16[%dma_wait3A_349, %dma_wait3A_350] : memref<10240x128xf32, #tpu.memory_space<vmem_shared>> -> memref<10240x128xf32, #tpu.memory_space<vmem_shared>>
        tpu.wait_indirect_dma semaphore(%arg20 : memref<!tpu.dma_semaphore, #tpu.memory_space<semaphore_mem>>) src(%arg15 : memref<125x128xf32, #tpu.memory_space<vmem>>) dst(%dma_wait3A_351 : memref<10240x128xf32, #tpu.memory_space<vmem_shared>>)
        %dma_start3A_352 = arith.constant 3 : i32
        %dma_start3A_353 = arith.constant 0 : i32
        %dma_start3A_354 = tpu.memref_slice %arg11[%dma_start3A_352, %dma_start3A_353] : memref<8x125xi32, #tpu.memory_space<vmem>> -> memref<1x125xi32, #tpu.memory_space<vmem>>
        %dma_start3A_355 = tpu.memref_squeeze %dma_start3A_354 : memref<1x125xi32, #tpu.memory_space<vmem>> -> memref<125xi32, #tpu.memory_space<vmem>>
        %dma_start3A_356 = arith.constant 0 : i32
        %dma_start3A_357 = arith.constant 0 : i32
        %dma_start3A_358 = tpu.memref_slice %arg2[%dma_start3A_356, %dma_start3A_357] : memref<10000x128xf32, #tpu.memory_space<hbm>> -> memref<10000x128xf32, #tpu.memory_space<hbm>>
        tpu.enqueue_indirect_dma source(%dma_start3A_358 : memref<10000x128xf32, #tpu.memory_space<hbm>>) target(%arg15 : memref<125x128xf32, #tpu.memory_space<vmem>>) offsets(%dma_start3A_355 : memref<125xi32, #tpu.memory_space<vmem>>) semaphore(%arg18 : memref<!tpu.dma_semaphore, #tpu.memory_space<semaphore_mem>>)
        %dma_wait3A_359 = arith.constant 3 : i32
        %dma_wait3A_360 = arith.constant 0 : i32
        %dma_wait3A_361 = tpu.memref_slice %arg11[%dma_wait3A_359, %dma_wait3A_360] : memref<8x125xi32, #tpu.memory_space<vmem>> -> memref<1x125xi32, #tpu.memory_space<vmem>>
        %dma_wait3A_362 = tpu.memref_squeeze %dma_wait3A_361 : memref<1x125xi32, #tpu.memory_space<vmem>> -> memref<125xi32, #tpu.memory_space<vmem>>
        %dma_wait3A_363 = arith.constant 0 : i32
        %dma_wait3A_364 = arith.constant 0 : i32
        %dma_wait3A_365 = tpu.memref_slice %arg2[%dma_wait3A_363, %dma_wait3A_364] : memref<10000x128xf32, #tpu.memory_space<hbm>> -> memref<10000x128xf32, #tpu.memory_space<hbm>>
        tpu.wait_indirect_dma semaphore(%arg18 : memref<!tpu.dma_semaphore, #tpu.memory_space<semaphore_mem>>) src(%dma_wait3A_365 : memref<10000x128xf32, #tpu.memory_space<hbm>>) dst(%arg15 : memref<125x128xf32, #tpu.memory_space<vmem>>)
        %dma_start3A_366 = arith.constant 3 : i32
        %dma_start3A_367 = arith.constant 0 : i32
        %dma_start3A_368 = tpu.memref_slice %arg13[%dma_start3A_366, %dma_start3A_367] : memref<8x125xi32, #tpu.memory_space<vmem>> -> memref<1x125xi32, #tpu.memory_space<vmem>>
        %dma_start3A_369 = tpu.memref_squeeze %dma_start3A_368 : memref<1x125xi32, #tpu.memory_space<vmem>> -> memref<125xi32, #tpu.memory_space<vmem>>
        %dma_start3A_370 = arith.constant 0 : i32
        %dma_start3A_371 = arith.constant 0 : i32
        %dma_start3A_372 = tpu.memref_slice %arg16[%dma_start3A_370, %dma_start3A_371] : memref<10240x128xf32, #tpu.memory_space<vmem_shared>> -> memref<10240x128xf32, #tpu.memory_space<vmem_shared>>
        tpu.enqueue_indirect_dma source(%arg15 : memref<125x128xf32, #tpu.memory_space<vmem>>) target(%dma_start3A_372 : memref<10240x128xf32, #tpu.memory_space<vmem_shared>>) offsets(%dma_start3A_369 : memref<125xi32, #tpu.memory_space<vmem>>) semaphore(%arg20 : memref<!tpu.dma_semaphore, #tpu.memory_space<semaphore_mem>>) {add = true}
        %dma_wait3A_373 = arith.constant 3 : i32
        %dma_wait3A_374 = arith.constant 0 : i32
        %dma_wait3A_375 = tpu.memref_slice %arg13[%dma_wait3A_373, %dma_wait3A_374] : memref<8x125xi32, #tpu.memory_space<vmem>> -> memref<1x125xi32, #tpu.memory_space<vmem>>
        %dma_wait3A_376 = tpu.memref_squeeze %dma_wait3A_375 : memref<1x125xi32, #tpu.memory_space<vmem>> -> memref<125xi32, #tpu.memory_space<vmem>>
        %dma_wait3A_377 = arith.constant 0 : i32
        %dma_wait3A_378 = arith.constant 0 : i32
        %dma_wait3A_379 = tpu.memref_slice %arg16[%dma_wait3A_377, %dma_wait3A_378] : memref<10240x128xf32, #tpu.memory_space<vmem_shared>> -> memref<10240x128xf32, #tpu.memory_space<vmem_shared>>
        tpu.wait_indirect_dma semaphore(%arg19 : memref<!tpu.dma_semaphore, #tpu.memory_space<semaphore_mem>>) src(%arg14 : memref<125x128xf32, #tpu.memory_space<vmem>>) dst(%dma_wait3A_379 : memref<10240x128xf32, #tpu.memory_space<vmem_shared>>)
        %dma_start3A_380 = arith.constant 4 : i32
        %dma_start3A_381 = arith.constant 0 : i32
        %dma_start3A_382 = tpu.memref_slice %arg11[%dma_start3A_380, %dma_start3A_381] : memref<8x125xi32, #tpu.memory_space<vmem>> -> memref<1x125xi32, #tpu.memory_space<vmem>>
        %dma_start3A_383 = tpu.memref_squeeze %dma_start3A_382 : memref<1x125xi32, #tpu.memory_space<vmem>> -> memref<125xi32, #tpu.memory_space<vmem>>
        %dma_start3A_384 = arith.constant 0 : i32
        %dma_start3A_385 = arith.constant 0 : i32
        %dma_start3A_386 = tpu.memref_slice %arg2[%dma_start3A_384, %dma_start3A_385] : memref<10000x128xf32, #tpu.memory_space<hbm>> -> memref<10000x128xf32, #tpu.memory_space<hbm>>
        tpu.enqueue_indirect_dma source(%dma_start3A_386 : memref<10000x128xf32, #tpu.memory_space<hbm>>) target(%arg14 : memref<125x128xf32, #tpu.memory_space<vmem>>) offsets(%dma_start3A_383 : memref<125xi32, #tpu.memory_space<vmem>>) semaphore(%arg17 : memref<!tpu.dma_semaphore, #tpu.memory_space<semaphore_mem>>)
        %dma_wait3A_387 = arith.constant 4 : i32
        %dma_wait3A_388 = arith.constant 0 : i32
        %dma_wait3A_389 = tpu.memref_slice %arg11[%dma_wait3A_387, %dma_wait3A_388] : memref<8x125xi32, #tpu.memory_space<vmem>> -> memref<1x125xi32, #tpu.memory_space<vmem>>
        %dma_wait3A_390 = tpu.memref_squeeze %dma_wait3A_389 : memref<1x125xi32, #tpu.memory_space<vmem>> -> memref<125xi32, #tpu.memory_space<vmem>>
        %dma_wait3A_391 = arith.constant 0 : i32
        %dma_wait3A_392 = arith.constant 0 : i32
        %dma_wait3A_393 = tpu.memref_slice %arg2[%dma_wait3A_391, %dma_wait3A_392] : memref<10000x128xf32, #tpu.memory_space<hbm>> -> memref<10000x128xf32, #tpu.memory_space<hbm>>
        tpu.wait_indirect_dma semaphore(%arg17 : memref<!tpu.dma_semaphore, #tpu.memory_space<semaphore_mem>>) src(%dma_wait3A_393 : memref<10000x128xf32, #tpu.memory_space<hbm>>) dst(%arg14 : memref<125x128xf32, #tpu.memory_space<vmem>>)
        %dma_start3A_394 = arith.constant 4 : i32
        %dma_start3A_395 = arith.constant 0 : i32
        %dma_start3A_396 = tpu.memref_slice %arg13[%dma_start3A_394, %dma_start3A_395] : memref<8x125xi32, #tpu.memory_space<vmem>> -> memref<1x125xi32, #tpu.memory_space<vmem>>
        %dma_start3A_397 = tpu.memref_squeeze %dma_start3A_396 : memref<1x125xi32, #tpu.memory_space<vmem>> -> memref<125xi32, #tpu.memory_space<vmem>>
        %dma_start3A_398 = arith.constant 0 : i32
        %dma_start3A_399 = arith.constant 0 : i32
        %dma_start3A_400 = tpu.memref_slice %arg16[%dma_start3A_398, %dma_start3A_399] : memref<10240x128xf32, #tpu.memory_space<vmem_shared>> -> memref<10240x128xf32, #tpu.memory_space<vmem_shared>>
        tpu.enqueue_indirect_dma source(%arg14 : memref<125x128xf32, #tpu.memory_space<vmem>>) target(%dma_start3A_400 : memref<10240x128xf32, #tpu.memory_space<vmem_shared>>) offsets(%dma_start3A_397 : memref<125xi32, #tpu.memory_space<vmem>>) semaphore(%arg19 : memref<!tpu.dma_semaphore, #tpu.memory_space<semaphore_mem>>) {add = true}
        %dma_wait3A_401 = arith.constant 4 : i32
        %dma_wait3A_402 = arith.constant 0 : i32
        %dma_wait3A_403 = tpu.memref_slice %arg13[%dma_wait3A_401, %dma_wait3A_402] : memref<8x125xi32, #tpu.memory_space<vmem>> -> memref<1x125xi32, #tpu.memory_space<vmem>>
        %dma_wait3A_404 = tpu.memref_squeeze %dma_wait3A_403 : memref<1x125xi32, #tpu.memory_space<vmem>> -> memref<125xi32, #tpu.memory_space<vmem>>
        %dma_wait3A_405 = arith.constant 0 : i32
        %dma_wait3A_406 = arith.constant 0 : i32
        %dma_wait3A_407 = tpu.memref_slice %arg16[%dma_wait3A_405, %dma_wait3A_406] : memref<10240x128xf32, #tpu.memory_space<vmem_shared>> -> memref<10240x128xf32, #tpu.memory_space<vmem_shared>>
        tpu.wait_indirect_dma semaphore(%arg20 : memref<!tpu.dma_semaphore, #tpu.memory_space<semaphore_mem>>) src(%arg15 : memref<125x128xf32, #tpu.memory_space<vmem>>) dst(%dma_wait3A_407 : memref<10240x128xf32, #tpu.memory_space<vmem_shared>>)
        %dma_start3A_408 = arith.constant 5 : i32
        %dma_start3A_409 = arith.constant 0 : i32
        %dma_start3A_410 = tpu.memref_slice %arg11[%dma_start3A_408, %dma_start3A_409] : memref<8x125xi32, #tpu.memory_space<vmem>> -> memref<1x125xi32, #tpu.memory_space<vmem>>
        %dma_start3A_411 = tpu.memref_squeeze %dma_start3A_410 : memref<1x125xi32, #tpu.memory_space<vmem>> -> memref<125xi32, #tpu.memory_space<vmem>>
        %dma_start3A_412 = arith.constant 0 : i32
        %dma_start3A_413 = arith.constant 0 : i32
        %dma_start3A_414 = tpu.memref_slice %arg2[%dma_start3A_412, %dma_start3A_413] : memref<10000x128xf32, #tpu.memory_space<hbm>> -> memref<10000x128xf32, #tpu.memory_space<hbm>>
        tpu.enqueue_indirect_dma source(%dma_start3A_414 : memref<10000x128xf32, #tpu.memory_space<hbm>>) target(%arg15 : memref<125x128xf32, #tpu.memory_space<vmem>>) offsets(%dma_start3A_411 : memref<125xi32, #tpu.memory_space<vmem>>) semaphore(%arg18 : memref<!tpu.dma_semaphore, #tpu.memory_space<semaphore_mem>>)
        %dma_wait3A_415 = arith.constant 5 : i32
        %dma_wait3A_416 = arith.constant 0 : i32
        %dma_wait3A_417 = tpu.memref_slice %arg11[%dma_wait3A_415, %dma_wait3A_416] : memref<8x125xi32, #tpu.memory_space<vmem>> -> memref<1x125xi32, #tpu.memory_space<vmem>>
        %dma_wait3A_418 = tpu.memref_squeeze %dma_wait3A_417 : memref<1x125xi32, #tpu.memory_space<vmem>> -> memref<125xi32, #tpu.memory_space<vmem>>
        %dma_wait3A_419 = arith.constant 0 : i32
        %dma_wait3A_420 = arith.constant 0 : i32
        %dma_wait3A_421 = tpu.memref_slice %arg2[%dma_wait3A_419, %dma_wait3A_420] : memref<10000x128xf32, #tpu.memory_space<hbm>> -> memref<10000x128xf32, #tpu.memory_space<hbm>>
        tpu.wait_indirect_dma semaphore(%arg18 : memref<!tpu.dma_semaphore, #tpu.memory_space<semaphore_mem>>) src(%dma_wait3A_421 : memref<10000x128xf32, #tpu.memory_space<hbm>>) dst(%arg15 : memref<125x128xf32, #tpu.memory_space<vmem>>)
        %dma_start3A_422 = arith.constant 5 : i32
        %dma_start3A_423 = arith.constant 0 : i32
        %dma_start3A_424 = tpu.memref_slice %arg13[%dma_start3A_422, %dma_start3A_423] : memref<8x125xi32, #tpu.memory_space<vmem>> -> memref<1x125xi32, #tpu.memory_space<vmem>>
        %dma_start3A_425 = tpu.memref_squeeze %dma_start3A_424 : memref<1x125xi32, #tpu.memory_space<vmem>> -> memref<125xi32, #tpu.memory_space<vmem>>
        %dma_start3A_426 = arith.constant 0 : i32
        %dma_start3A_427 = arith.constant 0 : i32
        %dma_start3A_428 = tpu.memref_slice %arg16[%dma_start3A_426, %dma_start3A_427] : memref<10240x128xf32, #tpu.memory_space<vmem_shared>> -> memref<10240x128xf32, #tpu.memory_space<vmem_shared>>
        tpu.enqueue_indirect_dma source(%arg15 : memref<125x128xf32, #tpu.memory_space<vmem>>) target(%dma_start3A_428 : memref<10240x128xf32, #tpu.memory_space<vmem_shared>>) offsets(%dma_start3A_425 : memref<125xi32, #tpu.memory_space<vmem>>) semaphore(%arg20 : memref<!tpu.dma_semaphore, #tpu.memory_space<semaphore_mem>>) {add = true}
        %dma_wait3A_429 = arith.constant 5 : i32
        %dma_wait3A_430 = arith.constant 0 : i32
        %dma_wait3A_431 = tpu.memref_slice %arg13[%dma_wait3A_429, %dma_wait3A_430] : memref<8x125xi32, #tpu.memory_space<vmem>> -> memref<1x125xi32, #tpu.memory_space<vmem>>
        %dma_wait3A_432 = tpu.memref_squeeze %dma_wait3A_431 : memref<1x125xi32, #tpu.memory_space<vmem>> -> memref<125xi32, #tpu.memory_space<vmem>>
        %dma_wait3A_433 = arith.constant 0 : i32
        %dma_wait3A_434 = arith.constant 0 : i32
        %dma_wait3A_435 = tpu.memref_slice %arg16[%dma_wait3A_433, %dma_wait3A_434] : memref<10240x128xf32, #tpu.memory_space<vmem_shared>> -> memref<10240x128xf32, #tpu.memory_space<vmem_shared>>
        tpu.wait_indirect_dma semaphore(%arg19 : memref<!tpu.dma_semaphore, #tpu.memory_space<semaphore_mem>>) src(%arg14 : memref<125x128xf32, #tpu.memory_space<vmem>>) dst(%dma_wait3A_435 : memref<10240x128xf32, #tpu.memory_space<vmem_shared>>)
        %dma_start3A_436 = arith.constant 6 : i32
        %dma_start3A_437 = arith.constant 0 : i32
        %dma_start3A_438 = tpu.memref_slice %arg11[%dma_start3A_436, %dma_start3A_437] : memref<8x125xi32, #tpu.memory_space<vmem>> -> memref<1x125xi32, #tpu.memory_space<vmem>>
        %dma_start3A_439 = tpu.memref_squeeze %dma_start3A_438 : memref<1x125xi32, #tpu.memory_space<vmem>> -> memref<125xi32, #tpu.memory_space<vmem>>
        %dma_start3A_440 = arith.constant 0 : i32
        %dma_start3A_441 = arith.constant 0 : i32
        %dma_start3A_442 = tpu.memref_slice %arg2[%dma_start3A_440, %dma_start3A_441] : memref<10000x128xf32, #tpu.memory_space<hbm>> -> memref<10000x128xf32, #tpu.memory_space<hbm>>
        tpu.enqueue_indirect_dma source(%dma_start3A_442 : memref<10000x128xf32, #tpu.memory_space<hbm>>) target(%arg14 : memref<125x128xf32, #tpu.memory_space<vmem>>) offsets(%dma_start3A_439 : memref<125xi32, #tpu.memory_space<vmem>>) semaphore(%arg17 : memref<!tpu.dma_semaphore, #tpu.memory_space<semaphore_mem>>)
        %dma_wait3A_443 = arith.constant 6 : i32
        %dma_wait3A_444 = arith.constant 0 : i32
        %dma_wait3A_445 = tpu.memref_slice %arg11[%dma_wait3A_443, %dma_wait3A_444] : memref<8x125xi32, #tpu.memory_space<vmem>> -> memref<1x125xi32, #tpu.memory_space<vmem>>
        %dma_wait3A_446 = tpu.memref_squeeze %dma_wait3A_445 : memref<1x125xi32, #tpu.memory_space<vmem>> -> memref<125xi32, #tpu.memory_space<vmem>>
        %dma_wait3A_447 = arith.constant 0 : i32
        %dma_wait3A_448 = arith.constant 0 : i32
        %dma_wait3A_449 = tpu.memref_slice %arg2[%dma_wait3A_447, %dma_wait3A_448] : memref<10000x128xf32, #tpu.memory_space<hbm>> -> memref<10000x128xf32, #tpu.memory_space<hbm>>
        tpu.wait_indirect_dma semaphore(%arg17 : memref<!tpu.dma_semaphore, #tpu.memory_space<semaphore_mem>>) src(%dma_wait3A_449 : memref<10000x128xf32, #tpu.memory_space<hbm>>) dst(%arg14 : memref<125x128xf32, #tpu.memory_space<vmem>>)
        %dma_start3A_450 = arith.constant 6 : i32
        %dma_start3A_451 = arith.constant 0 : i32
        %dma_start3A_452 = tpu.memref_slice %arg13[%dma_start3A_450, %dma_start3A_451] : memref<8x125xi32, #tpu.memory_space<vmem>> -> memref<1x125xi32, #tpu.memory_space<vmem>>
        %dma_start3A_453 = tpu.memref_squeeze %dma_start3A_452 : memref<1x125xi32, #tpu.memory_space<vmem>> -> memref<125xi32, #tpu.memory_space<vmem>>
        %dma_start3A_454 = arith.constant 0 : i32
        %dma_start3A_455 = arith.constant 0 : i32
        %dma_start3A_456 = tpu.memref_slice %arg16[%dma_start3A_454, %dma_start3A_455] : memref<10240x128xf32, #tpu.memory_space<vmem_shared>> -> memref<10240x128xf32, #tpu.memory_space<vmem_shared>>
        tpu.enqueue_indirect_dma source(%arg14 : memref<125x128xf32, #tpu.memory_space<vmem>>) target(%dma_start3A_456 : memref<10240x128xf32, #tpu.memory_space<vmem_shared>>) offsets(%dma_start3A_453 : memref<125xi32, #tpu.memory_space<vmem>>) semaphore(%arg19 : memref<!tpu.dma_semaphore, #tpu.memory_space<semaphore_mem>>) {add = true}
        %dma_wait3A_457 = arith.constant 6 : i32
        %dma_wait3A_458 = arith.constant 0 : i32
        %dma_wait3A_459 = tpu.memref_slice %arg13[%dma_wait3A_457, %dma_wait3A_458] : memref<8x125xi32, #tpu.memory_space<vmem>> -> memref<1x125xi32, #tpu.memory_space<vmem>>
        %dma_wait3A_460 = tpu.memref_squeeze %dma_wait3A_459 : memref<1x125xi32, #tpu.memory_space<vmem>> -> memref<125xi32, #tpu.memory_space<vmem>>
        %dma_wait3A_461 = arith.constant 0 : i32
        %dma_wait3A_462 = arith.constant 0 : i32
        %dma_wait3A_463 = tpu.memref_slice %arg16[%dma_wait3A_461, %dma_wait3A_462] : memref<10240x128xf32, #tpu.memory_space<vmem_shared>> -> memref<10240x128xf32, #tpu.memory_space<vmem_shared>>
        tpu.wait_indirect_dma semaphore(%arg20 : memref<!tpu.dma_semaphore, #tpu.memory_space<semaphore_mem>>) src(%arg15 : memref<125x128xf32, #tpu.memory_space<vmem>>) dst(%dma_wait3A_463 : memref<10240x128xf32, #tpu.memory_space<vmem_shared>>)
        %dma_start3A_464 = arith.constant 7 : i32
        %dma_start3A_465 = arith.constant 0 : i32
        %dma_start3A_466 = tpu.memref_slice %arg11[%dma_start3A_464, %dma_start3A_465] : memref<8x125xi32, #tpu.memory_space<vmem>> -> memref<1x125xi32, #tpu.memory_space<vmem>>
        %dma_start3A_467 = tpu.memref_squeeze %dma_start3A_466 : memref<1x125xi32, #tpu.memory_space<vmem>> -> memref<125xi32, #tpu.memory_space<vmem>>
        %dma_start3A_468 = arith.constant 0 : i32
        %dma_start3A_469 = arith.constant 0 : i32
        %dma_start3A_470 = tpu.memref_slice %arg2[%dma_start3A_468, %dma_start3A_469] : memref<10000x128xf32, #tpu.memory_space<hbm>> -> memref<10000x128xf32, #tpu.memory_space<hbm>>
        tpu.enqueue_indirect_dma source(%dma_start3A_470 : memref<10000x128xf32, #tpu.memory_space<hbm>>) target(%arg15 : memref<125x128xf32, #tpu.memory_space<vmem>>) offsets(%dma_start3A_467 : memref<125xi32, #tpu.memory_space<vmem>>) semaphore(%arg18 : memref<!tpu.dma_semaphore, #tpu.memory_space<semaphore_mem>>)
        %dma_wait3A_471 = arith.constant 7 : i32
        %dma_wait3A_472 = arith.constant 0 : i32
        %dma_wait3A_473 = tpu.memref_slice %arg11[%dma_wait3A_471, %dma_wait3A_472] : memref<8x125xi32, #tpu.memory_space<vmem>> -> memref<1x125xi32, #tpu.memory_space<vmem>>
        %dma_wait3A_474 = tpu.memref_squeeze %dma_wait3A_473 : memref<1x125xi32, #tpu.memory_space<vmem>> -> memref<125xi32, #tpu.memory_space<vmem>>
        %dma_wait3A_475 = arith.constant 0 : i32
        %dma_wait3A_476 = arith.constant 0 : i32
        %dma_wait3A_477 = tpu.memref_slice %arg2[%dma_wait3A_475, %dma_wait3A_476] : memref<10000x128xf32, #tpu.memory_space<hbm>> -> memref<10000x128xf32, #tpu.memory_space<hbm>>
        tpu.wait_indirect_dma semaphore(%arg18 : memref<!tpu.dma_semaphore, #tpu.memory_space<semaphore_mem>>) src(%dma_wait3A_477 : memref<10000x128xf32, #tpu.memory_space<hbm>>) dst(%arg15 : memref<125x128xf32, #tpu.memory_space<vmem>>)
        %dma_start3A_478 = arith.constant 7 : i32
        %dma_start3A_479 = arith.constant 0 : i32
        %dma_start3A_480 = tpu.memref_slice %arg13[%dma_start3A_478, %dma_start3A_479] : memref<8x125xi32, #tpu.memory_space<vmem>> -> memref<1x125xi32, #tpu.memory_space<vmem>>
        %dma_start3A_481 = tpu.memref_squeeze %dma_start3A_480 : memref<1x125xi32, #tpu.memory_space<vmem>> -> memref<125xi32, #tpu.memory_space<vmem>>
        %dma_start3A_482 = arith.constant 0 : i32
        %dma_start3A_483 = arith.constant 0 : i32
        %dma_start3A_484 = tpu.memref_slice %arg16[%dma_start3A_482, %dma_start3A_483] : memref<10240x128xf32, #tpu.memory_space<vmem_shared>> -> memref<10240x128xf32, #tpu.memory_space<vmem_shared>>
        tpu.enqueue_indirect_dma source(%arg15 : memref<125x128xf32, #tpu.memory_space<vmem>>) target(%dma_start3A_484 : memref<10240x128xf32, #tpu.memory_space<vmem_shared>>) offsets(%dma_start3A_481 : memref<125xi32, #tpu.memory_space<vmem>>) semaphore(%arg20 : memref<!tpu.dma_semaphore, #tpu.memory_space<semaphore_mem>>) {add = true}
        %dma_wait3A_485 = arith.constant 7 : i32
        %dma_wait3A_486 = arith.constant 0 : i32
        %dma_wait3A_487 = tpu.memref_slice %arg13[%dma_wait3A_485, %dma_wait3A_486] : memref<8x125xi32, #tpu.memory_space<vmem>> -> memref<1x125xi32, #tpu.memory_space<vmem>>
        %dma_wait3A_488 = tpu.memref_squeeze %dma_wait3A_487 : memref<1x125xi32, #tpu.memory_space<vmem>> -> memref<125xi32, #tpu.memory_space<vmem>>
        %dma_wait3A_489 = arith.constant 0 : i32
        %dma_wait3A_490 = arith.constant 0 : i32
        %dma_wait3A_491 = tpu.memref_slice %arg16[%dma_wait3A_489, %dma_wait3A_490] : memref<10240x128xf32, #tpu.memory_space<vmem_shared>> -> memref<10240x128xf32, #tpu.memory_space<vmem_shared>>
        tpu.wait_indirect_dma semaphore(%arg19 : memref<!tpu.dma_semaphore, #tpu.memory_space<semaphore_mem>>) src(%arg14 : memref<125x128xf32, #tpu.memory_space<vmem>>) dst(%dma_wait3A_491 : memref<10240x128xf32, #tpu.memory_space<vmem_shared>>)
        %add3A_492 = arith.constant 1 : i32
        %add3A_493 = arith.addi %add3A_269, %add3A_492 : i32
        %lt3A_494 = arith.constant 20 : i32
        %lt3A_495 = arith.cmpi slt, %add3A_493, %lt3A_494 : i32
        %convert_element_type3A_496 = arith.extui %lt3A_495 : i1 to i32
        %cond3A_497 = arith.constant 0 : i32
        %cond3A_498 = arith.cmpi ne, %convert_element_type3A_496, %cond3A_497 : i32
        scf.if %cond3A_498 {
          %add3A_499 = arith.constant 1 : i32
          %add3A_500 = arith.addi %add3A_269, %add3A_499 : i32
          %mul3A_501 = arith.constant 8 : i32
          %mul3A_502 = arith.muli %add3A_500, %mul3A_501 : i32
          %dma_wait3A_503 = arith.constant 0 : i32
          %dma_wait3A_504 = tpu.memref_slice %arg4[%arg1, %mul3A_502, %dma_wait3A_503] : memref<16x160x125xi32, #tpu.memory_space<hbm>> -> memref<1x8x125xi32, #tpu.memory_space<hbm>>
          %dma_wait3A_505 = tpu.memref_squeeze %dma_wait3A_504 : memref<1x8x125xi32, #tpu.memory_space<hbm>> -> memref<8x125xi32, #tpu.memory_space<hbm>>
          %dma_wait3A_506 = arith.constant 0 : i32
          %dma_wait3A_507 = tpu.memref_slice %arg4[%arg1, %mul3A_502, %dma_wait3A_506] : memref<16x160x125xi32, #tpu.memory_space<hbm>> -> memref<1x8x125xi32, #tpu.memory_space<hbm>>
          %dma_wait3A_508 = tpu.memref_squeeze %dma_wait3A_507 : memref<1x8x125xi32, #tpu.memory_space<hbm>> -> memref<8x125xi32, #tpu.memory_space<hbm>>
          tpu.wait_dma2 semaphore(%arg21 : memref<!tpu.dma_semaphore, #tpu.memory_space<semaphore_mem>>) src(%dma_wait3A_508 : memref<8x125xi32, #tpu.memory_space<hbm>>) dst(%arg10 : memref<8x125xi32, #tpu.memory_space<vmem>>)
          %add3A_509 = arith.constant 1 : i32
          %add3A_510 = arith.addi %add3A_269, %add3A_509 : i32
          %mul3A_511 = arith.constant 8 : i32
          %mul3A_512 = arith.muli %add3A_510, %mul3A_511 : i32
          %dma_wait3A_513 = arith.constant 0 : i32
          %dma_wait3A_514 = tpu.memref_slice %arg5[%arg1, %mul3A_512, %dma_wait3A_513] : memref<16x160x125xi32, #tpu.memory_space<hbm>> -> memref<1x8x125xi32, #tpu.memory_space<hbm>>
          %dma_wait3A_515 = tpu.memref_squeeze %dma_wait3A_514 : memref<1x8x125xi32, #tpu.memory_space<hbm>> -> memref<8x125xi32, #tpu.memory_space<hbm>>
          %dma_wait3A_516 = arith.constant 0 : i32
          %dma_wait3A_517 = tpu.memref_slice %arg5[%arg1, %mul3A_512, %dma_wait3A_516] : memref<16x160x125xi32, #tpu.memory_space<hbm>> -> memref<1x8x125xi32, #tpu.memory_space<hbm>>
          %dma_wait3A_518 = tpu.memref_squeeze %dma_wait3A_517 : memref<1x8x125xi32, #tpu.memory_space<hbm>> -> memref<8x125xi32, #tpu.memory_space<hbm>>
          tpu.wait_dma2 semaphore(%arg23 : memref<!tpu.dma_semaphore, #tpu.memory_space<semaphore_mem>>) src(%dma_wait3A_518 : memref<8x125xi32, #tpu.memory_space<hbm>>) dst(%arg12 : memref<8x125xi32, #tpu.memory_space<vmem>>)
          %dma_start3A_519 = arith.constant 0 : i32
          %dma_start3A_520 = arith.constant 0 : i32
          %dma_start3A_521 = tpu.memref_slice %arg10[%dma_start3A_519, %dma_start3A_520] : memref<8x125xi32, #tpu.memory_space<vmem>> -> memref<1x125xi32, #tpu.memory_space<vmem>>
          %dma_start3A_522 = tpu.memref_squeeze %dma_start3A_521 : memref<1x125xi32, #tpu.memory_space<vmem>> -> memref<125xi32, #tpu.memory_space<vmem>>
          %dma_start3A_523 = arith.constant 0 : i32
          %dma_start3A_524 = arith.constant 0 : i32
          %dma_start3A_525 = tpu.memref_slice %arg2[%dma_start3A_523, %dma_start3A_524] : memref<10000x128xf32, #tpu.memory_space<hbm>> -> memref<10000x128xf32, #tpu.memory_space<hbm>>
          tpu.enqueue_indirect_dma source(%dma_start3A_525 : memref<10000x128xf32, #tpu.memory_space<hbm>>) target(%arg14 : memref<125x128xf32, #tpu.memory_space<vmem>>) offsets(%dma_start3A_522 : memref<125xi32, #tpu.memory_space<vmem>>) semaphore(%arg17 : memref<!tpu.dma_semaphore, #tpu.memory_space<semaphore_mem>>)
        } else {
        }
      }
      %scan3A_26 = arith.constant 10 : i32
      %dma_wait3A = arith.constant 7 : i32
      %dma_wait3A_27 = arith.constant 0 : i32
      %dma_wait3A_28 = tpu.memref_slice %arg13[%dma_wait3A, %dma_wait3A_27] : memref<8x125xi32, #tpu.memory_space<vmem>> -> memref<1x125xi32, #tpu.memory_space<vmem>>
      %dma_wait3A_29 = tpu.memref_squeeze %dma_wait3A_28 : memref<1x125xi32, #tpu.memory_space<vmem>> -> memref<125xi32, #tpu.memory_space<vmem>>
      %dma_wait3A_30 = arith.constant 0 : i32
      %dma_wait3A_31 = arith.constant 0 : i32
      %dma_wait3A_32 = tpu.memref_slice %arg16[%dma_wait3A_30, %dma_wait3A_31] : memref<10240x128xf32, #tpu.memory_space<vmem_shared>> -> memref<10240x128xf32, #tpu.memory_space<vmem_shared>>
      tpu.wait_indirect_dma semaphore(%arg20 : memref<!tpu.dma_semaphore, #tpu.memory_space<semaphore_mem>>) src(%arg15 : memref<125x128xf32, #tpu.memory_space<vmem>>) dst(%dma_wait3A_32 : memref<10240x128xf32, #tpu.memory_space<vmem_shared>>)
      %barrier3A_33 = arith.constant 0 : index
      tpu.barrier barrier_id(%barrier3A_33)
      %mul3A = arith.constant 640 : i32
      %mul3A_34 = arith.muli %arg1, %mul3A : i32
      %mul3A_35 = arith.constant 640 : i32
      %mul3A_36 = arith.muli %arg1, %mul3A_35 : i32
      "tpu.region"() ({
        %run_scoped3A = tpu.sem_alloc : memref<!tpu.dma_semaphore, #tpu.memory_space<semaphore_mem>>
        %dma_start3A_37 = arith.constant 0 : i32
        %dma_start3A_38 = tpu.memref_slice %arg8[%mul3A_36, %dma_start3A_37] : memref<10240x128xf32, #tpu.memory_space<hbm>> -> memref<640x128xf32, #tpu.memory_space<hbm>>
        %dma_start3A_39 = arith.constant 0 : i32
        %dma_start3A_40 = tpu.memref_slice %arg16[%mul3A_34, %dma_start3A_39] : memref<10240x128xf32, #tpu.memory_space<vmem_shared>> -> memref<640x128xf32, #tpu.memory_space<vmem_shared>>
        tpu.enqueue_dma source(%dma_start3A_40 : memref<640x128xf32, #tpu.memory_space<vmem_shared>>) target(%dma_start3A_38 : memref<640x128xf32, #tpu.memory_space<hbm>>) target_semaphore(%run_scoped3A : memref<!tpu.dma_semaphore, #tpu.memory_space<semaphore_mem>>)
        %dma_wait3A_41 = arith.constant 0 : i32
        %dma_wait3A_42 = tpu.memref_slice %arg8[%mul3A_36, %dma_wait3A_41] : memref<10240x128xf32, #tpu.memory_space<hbm>> -> memref<640x128xf32, #tpu.memory_space<hbm>>
        %dma_wait3A_43 = arith.constant 0 : i32
        %dma_wait3A_44 = tpu.memref_slice %arg16[%mul3A_34, %dma_wait3A_43] : memref<10240x128xf32, #tpu.memory_space<vmem_shared>> -> memref<640x128xf32, #tpu.memory_space<vmem_shared>>
        tpu.wait_dma2 semaphore(%run_scoped3A : memref<!tpu.dma_semaphore, #tpu.memory_space<semaphore_mem>>) src(%dma_wait3A_44 : memref<640x128xf32, #tpu.memory_space<vmem_shared>>) dst(%dma_wait3A_42 : memref<640x128xf32, #tpu.memory_space<hbm>>)
        tpu.yield
      }) : () -> ()
    } else {
    }
    %eq3A_11 = arith.constant 1 : i32
    %eq3A_12 = arith.cmpi eq, %arg0, %eq3A_11 : i32
    %convert_element_type3A_13 = arith.extui %eq3A_12 : i1 to i32
    %cond3A_14 = arith.constant 0 : i32
    %cond3A_15 = arith.cmpi ne, %convert_element_type3A_13, %cond3A_14 : i32
    scf.if %cond3A_15 {
      "tpu.region"() ({
        %run_scoped3A = tpu.sem_alloc : memref<!tpu.dma_semaphore, #tpu.memory_space<semaphore_mem>>
        %dma_start3A_37 = arith.constant 0 : i32
        %dma_start3A_38 = arith.constant 0 : i32
        %dma_start3A_39 = tpu.memref_slice %arg6[%arg1, %dma_start3A_37, %dma_start3A_38] : memref<16x160x125xi32, #tpu.memory_space<hbm>> -> memref<1x8x125xi32, #tpu.memory_space<hbm>>
        %dma_start3A_40 = tpu.memref_squeeze %dma_start3A_39 : memref<1x8x125xi32, #tpu.memory_space<hbm>> -> memref<8x125xi32, #tpu.memory_space<hbm>>
        %dma_start3A_41 = arith.constant 0 : i32
        %dma_start3A_42 = arith.constant 0 : i32
        %dma_start3A_43 = tpu.memref_slice %arg6[%arg1, %dma_start3A_41, %dma_start3A_42] : memref<16x160x125xi32, #tpu.memory_space<hbm>> -> memref<1x8x125xi32, #tpu.memory_space<hbm>>
        %dma_start3A_44 = tpu.memref_squeeze %dma_start3A_43 : memref<1x8x125xi32, #tpu.memory_space<hbm>> -> memref<8x125xi32, #tpu.memory_space<hbm>>
        tpu.enqueue_dma source(%dma_start3A_44 : memref<8x125xi32, #tpu.memory_space<hbm>>) target(%arg10 : memref<8x125xi32, #tpu.memory_space<vmem>>) target_semaphore(%run_scoped3A : memref<!tpu.dma_semaphore, #tpu.memory_space<semaphore_mem>>)
        %dma_wait3A_45 = arith.constant 0 : i32
        %dma_wait3A_46 = arith.constant 0 : i32
        %dma_wait3A_47 = tpu.memref_slice %arg6[%arg1, %dma_wait3A_45, %dma_wait3A_46] : memref<16x160x125xi32, #tpu.memory_space<hbm>> -> memref<1x8x125xi32, #tpu.memory_space<hbm>>
        %dma_wait3A_48 = tpu.memref_squeeze %dma_wait3A_47 : memref<1x8x125xi32, #tpu.memory_space<hbm>> -> memref<8x125xi32, #tpu.memory_space<hbm>>
        %dma_wait3A_49 = arith.constant 0 : i32
        %dma_wait3A_50 = arith.constant 0 : i32
        %dma_wait3A_51 = tpu.memref_slice %arg6[%arg1, %dma_wait3A_49, %dma_wait3A_50] : memref<16x160x125xi32, #tpu.memory_space<hbm>> -> memref<1x8x125xi32, #tpu.memory_space<hbm>>
        %dma_wait3A_52 = tpu.memref_squeeze %dma_wait3A_51 : memref<1x8x125xi32, #tpu.memory_space<hbm>> -> memref<8x125xi32, #tpu.memory_space<hbm>>
        tpu.wait_dma2 semaphore(%run_scoped3A : memref<!tpu.dma_semaphore, #tpu.memory_space<semaphore_mem>>) src(%dma_wait3A_52 : memref<8x125xi32, #tpu.memory_space<hbm>>) dst(%arg10 : memref<8x125xi32, #tpu.memory_space<vmem>>)
        tpu.yield
      }) : () -> ()
      "tpu.region"() ({
        %run_scoped3A = tpu.sem_alloc : memref<!tpu.dma_semaphore, #tpu.memory_space<semaphore_mem>>
        %dma_start3A_37 = arith.constant 0 : i32
        %dma_start3A_38 = arith.constant 0 : i32
        %dma_start3A_39 = tpu.memref_slice %arg7[%arg1, %dma_start3A_37, %dma_start3A_38] : memref<16x160x125xi32, #tpu.memory_space<hbm>> -> memref<1x8x125xi32, #tpu.memory_space<hbm>>
        %dma_start3A_40 = tpu.memref_squeeze %dma_start3A_39 : memref<1x8x125xi32, #tpu.memory_space<hbm>> -> memref<8x125xi32, #tpu.memory_space<hbm>>
        %dma_start3A_41 = arith.constant 0 : i32
        %dma_start3A_42 = arith.constant 0 : i32
        %dma_start3A_43 = tpu.memref_slice %arg7[%arg1, %dma_start3A_41, %dma_start3A_42] : memref<16x160x125xi32, #tpu.memory_space<hbm>> -> memref<1x8x125xi32, #tpu.memory_space<hbm>>
        %dma_start3A_44 = tpu.memref_squeeze %dma_start3A_43 : memref<1x8x125xi32, #tpu.memory_space<hbm>> -> memref<8x125xi32, #tpu.memory_space<hbm>>
        tpu.enqueue_dma source(%dma_start3A_44 : memref<8x125xi32, #tpu.memory_space<hbm>>) target(%arg12 : memref<8x125xi32, #tpu.memory_space<vmem>>) target_semaphore(%run_scoped3A : memref<!tpu.dma_semaphore, #tpu.memory_space<semaphore_mem>>)
        %dma_wait3A_45 = arith.constant 0 : i32
        %dma_wait3A_46 = arith.constant 0 : i32
        %dma_wait3A_47 = tpu.memref_slice %arg7[%arg1, %dma_wait3A_45, %dma_wait3A_46] : memref<16x160x125xi32, #tpu.memory_space<hbm>> -> memref<1x8x125xi32, #tpu.memory_space<hbm>>
        %dma_wait3A_48 = tpu.memref_squeeze %dma_wait3A_47 : memref<1x8x125xi32, #tpu.memory_space<hbm>> -> memref<8x125xi32, #tpu.memory_space<hbm>>
        %dma_wait3A_49 = arith.constant 0 : i32
        %dma_wait3A_50 = arith.constant 0 : i32
        %dma_wait3A_51 = tpu.memref_slice %arg7[%arg1, %dma_wait3A_49, %dma_wait3A_50] : memref<16x160x125xi32, #tpu.memory_space<hbm>> -> memref<1x8x125xi32, #tpu.memory_space<hbm>>
        %dma_wait3A_52 = tpu.memref_squeeze %dma_wait3A_51 : memref<1x8x125xi32, #tpu.memory_space<hbm>> -> memref<8x125xi32, #tpu.memory_space<hbm>>
        tpu.wait_dma2 semaphore(%run_scoped3A : memref<!tpu.dma_semaphore, #tpu.memory_space<semaphore_mem>>) src(%dma_wait3A_52 : memref<8x125xi32, #tpu.memory_space<hbm>>) dst(%arg12 : memref<8x125xi32, #tpu.memory_space<vmem>>)
        tpu.yield
      }) : () -> ()
      %dma_start3A = arith.constant 0 : i32
      %dma_start3A_16 = arith.constant 0 : i32
      %dma_start3A_17 = tpu.memref_slice %arg10[%dma_start3A, %dma_start3A_16] : memref<8x125xi32, #tpu.memory_space<vmem>> -> memref<1x125xi32, #tpu.memory_space<vmem>>
      %dma_start3A_18 = tpu.memref_squeeze %dma_start3A_17 : memref<1x125xi32, #tpu.memory_space<vmem>> -> memref<125xi32, #tpu.memory_space<vmem>>
      %dma_start3A_19 = arith.constant 0 : i32
      %dma_start3A_20 = arith.constant 0 : i32
      %dma_start3A_21 = tpu.memref_slice %arg3[%dma_start3A_19, %dma_start3A_20] : memref<10000x128xf32, #tpu.memory_space<hbm>> -> memref<10000x128xf32, #tpu.memory_space<hbm>>
      tpu.enqueue_indirect_dma source(%dma_start3A_21 : memref<10000x128xf32, #tpu.memory_space<hbm>>) target(%arg14 : memref<125x128xf32, #tpu.memory_space<vmem>>) offsets(%dma_start3A_18 : memref<125xi32, #tpu.memory_space<vmem>>) semaphore(%arg17 : memref<!tpu.dma_semaphore, #tpu.memory_space<semaphore_mem>>)
      %scan3A_22 = arith.constant 0 : i32
      %scan3A_23 = arith.constant 10 : i32
      %scan3A_24 = arith.addi %scan3A_22, %scan3A_23 : i32
      %scan3A_25 = arith.constant 1 : i32
      scf.for %scan3A_37 = %scan3A_22 to %scan3A_24 step %scan3A_25  : i32 {
        %mul3A_38 = arith.constant 2 : i32
        %mul3A_39 = arith.muli %scan3A_37, %mul3A_38 : i32
        %add3A = arith.constant 0 : i32
        %add3A_40 = arith.addi %add3A, %mul3A_39 : i32
        %dma_wait3A_41 = arith.constant 0 : i32
        %dma_wait3A_42 = arith.constant 0 : i32
        %dma_wait3A_43 = tpu.memref_slice %arg10[%dma_wait3A_41, %dma_wait3A_42] : memref<8x125xi32, #tpu.memory_space<vmem>> -> memref<1x125xi32, #tpu.memory_space<vmem>>
        %dma_wait3A_44 = tpu.memref_squeeze %dma_wait3A_43 : memref<1x125xi32, #tpu.memory_space<vmem>> -> memref<125xi32, #tpu.memory_space<vmem>>
        %dma_wait3A_45 = arith.constant 0 : i32
        %dma_wait3A_46 = arith.constant 0 : i32
        %dma_wait3A_47 = tpu.memref_slice %arg3[%dma_wait3A_45, %dma_wait3A_46] : memref<10000x128xf32, #tpu.memory_space<hbm>> -> memref<10000x128xf32, #tpu.memory_space<hbm>>
        tpu.wait_indirect_dma semaphore(%arg17 : memref<!tpu.dma_semaphore, #tpu.memory_space<semaphore_mem>>) src(%dma_wait3A_47 : memref<10000x128xf32, #tpu.memory_space<hbm>>) dst(%arg14 : memref<125x128xf32, #tpu.memory_space<vmem>>)
        %dma_start3A_48 = arith.constant 0 : i32
        %dma_start3A_49 = arith.constant 0 : i32
        %dma_start3A_50 = tpu.memref_slice %arg12[%dma_start3A_48, %dma_start3A_49] : memref<8x125xi32, #tpu.memory_space<vmem>> -> memref<1x125xi32, #tpu.memory_space<vmem>>
        %dma_start3A_51 = tpu.memref_squeeze %dma_start3A_50 : memref<1x125xi32, #tpu.memory_space<vmem>> -> memref<125xi32, #tpu.memory_space<vmem>>
        %dma_start3A_52 = arith.constant 0 : i32
        %dma_start3A_53 = arith.constant 0 : i32
        %dma_start3A_54 = tpu.memref_slice %arg16[%dma_start3A_52, %dma_start3A_53] : memref<10240x128xf32, #tpu.memory_space<vmem_shared>> -> memref<10240x128xf32, #tpu.memory_space<vmem_shared>>
        tpu.enqueue_indirect_dma source(%arg14 : memref<125x128xf32, #tpu.memory_space<vmem>>) target(%dma_start3A_54 : memref<10240x128xf32, #tpu.memory_space<vmem_shared>>) offsets(%dma_start3A_51 : memref<125xi32, #tpu.memory_space<vmem>>) semaphore(%arg19 : memref<!tpu.dma_semaphore, #tpu.memory_space<semaphore_mem>>) {add = true}
        %gt3A = arith.constant 0 : i32
        %gt3A_55 = arith.cmpi sgt, %add3A_40, %gt3A : i32
        %convert_element_type3A_56 = arith.extui %gt3A_55 : i1 to i32
        %cond3A_57 = arith.constant 0 : i32
        %cond3A_58 = arith.cmpi ne, %convert_element_type3A_56, %cond3A_57 : i32
        scf.if %cond3A_58 {
          %dma_wait3A_499 = arith.constant 0 : i32
          %dma_wait3A_500 = arith.constant 0 : i32
          %dma_wait3A_501 = tpu.memref_slice %arg12[%dma_wait3A_499, %dma_wait3A_500] : memref<8x125xi32, #tpu.memory_space<vmem>> -> memref<1x125xi32, #tpu.memory_space<vmem>>
          %dma_wait3A_502 = tpu.memref_squeeze %dma_wait3A_501 : memref<1x125xi32, #tpu.memory_space<vmem>> -> memref<125xi32, #tpu.memory_space<vmem>>
          %dma_wait3A_503 = arith.constant 0 : i32
          %dma_wait3A_504 = arith.constant 0 : i32
          %dma_wait3A_505 = tpu.memref_slice %arg16[%dma_wait3A_503, %dma_wait3A_504] : memref<10240x128xf32, #tpu.memory_space<vmem_shared>> -> memref<10240x128xf32, #tpu.memory_space<vmem_shared>>
          tpu.wait_indirect_dma semaphore(%arg20 : memref<!tpu.dma_semaphore, #tpu.memory_space<semaphore_mem>>) src(%arg15 : memref<125x128xf32, #tpu.memory_space<vmem>>) dst(%dma_wait3A_505 : memref<10240x128xf32, #tpu.memory_space<vmem_shared>>)
        } else {
        }
        %dma_start3A_59 = arith.constant 1 : i32
        %dma_start3A_60 = arith.constant 0 : i32
        %dma_start3A_61 = tpu.memref_slice %arg10[%dma_start3A_59, %dma_start3A_60] : memref<8x125xi32, #tpu.memory_space<vmem>> -> memref<1x125xi32, #tpu.memory_space<vmem>>
        %dma_start3A_62 = tpu.memref_squeeze %dma_start3A_61 : memref<1x125xi32, #tpu.memory_space<vmem>> -> memref<125xi32, #tpu.memory_space<vmem>>
        %dma_start3A_63 = arith.constant 0 : i32
        %dma_start3A_64 = arith.constant 0 : i32
        %dma_start3A_65 = tpu.memref_slice %arg3[%dma_start3A_63, %dma_start3A_64] : memref<10000x128xf32, #tpu.memory_space<hbm>> -> memref<10000x128xf32, #tpu.memory_space<hbm>>
        tpu.enqueue_indirect_dma source(%dma_start3A_65 : memref<10000x128xf32, #tpu.memory_space<hbm>>) target(%arg15 : memref<125x128xf32, #tpu.memory_space<vmem>>) offsets(%dma_start3A_62 : memref<125xi32, #tpu.memory_space<vmem>>) semaphore(%arg18 : memref<!tpu.dma_semaphore, #tpu.memory_space<semaphore_mem>>)
        %dma_wait3A_66 = arith.constant 1 : i32
        %dma_wait3A_67 = arith.constant 0 : i32
        %dma_wait3A_68 = tpu.memref_slice %arg10[%dma_wait3A_66, %dma_wait3A_67] : memref<8x125xi32, #tpu.memory_space<vmem>> -> memref<1x125xi32, #tpu.memory_space<vmem>>
        %dma_wait3A_69 = tpu.memref_squeeze %dma_wait3A_68 : memref<1x125xi32, #tpu.memory_space<vmem>> -> memref<125xi32, #tpu.memory_space<vmem>>
        %dma_wait3A_70 = arith.constant 0 : i32
        %dma_wait3A_71 = arith.constant 0 : i32
        %dma_wait3A_72 = tpu.memref_slice %arg3[%dma_wait3A_70, %dma_wait3A_71] : memref<10000x128xf32, #tpu.memory_space<hbm>> -> memref<10000x128xf32, #tpu.memory_space<hbm>>
        tpu.wait_indirect_dma semaphore(%arg18 : memref<!tpu.dma_semaphore, #tpu.memory_space<semaphore_mem>>) src(%dma_wait3A_72 : memref<10000x128xf32, #tpu.memory_space<hbm>>) dst(%arg15 : memref<125x128xf32, #tpu.memory_space<vmem>>)
        %dma_start3A_73 = arith.constant 1 : i32
        %dma_start3A_74 = arith.constant 0 : i32
        %dma_start3A_75 = tpu.memref_slice %arg12[%dma_start3A_73, %dma_start3A_74] : memref<8x125xi32, #tpu.memory_space<vmem>> -> memref<1x125xi32, #tpu.memory_space<vmem>>
        %dma_start3A_76 = tpu.memref_squeeze %dma_start3A_75 : memref<1x125xi32, #tpu.memory_space<vmem>> -> memref<125xi32, #tpu.memory_space<vmem>>
        %dma_start3A_77 = arith.constant 0 : i32
        %dma_start3A_78 = arith.constant 0 : i32
        %dma_start3A_79 = tpu.memref_slice %arg16[%dma_start3A_77, %dma_start3A_78] : memref<10240x128xf32, #tpu.memory_space<vmem_shared>> -> memref<10240x128xf32, #tpu.memory_space<vmem_shared>>
        tpu.enqueue_indirect_dma source(%arg15 : memref<125x128xf32, #tpu.memory_space<vmem>>) target(%dma_start3A_79 : memref<10240x128xf32, #tpu.memory_space<vmem_shared>>) offsets(%dma_start3A_76 : memref<125xi32, #tpu.memory_space<vmem>>) semaphore(%arg20 : memref<!tpu.dma_semaphore, #tpu.memory_space<semaphore_mem>>) {add = true}
        %add3A_80 = arith.constant 1 : i32
        %add3A_81 = arith.addi %add3A_40, %add3A_80 : i32
        %lt3A = arith.constant 20 : i32
        %lt3A_82 = arith.cmpi slt, %add3A_81, %lt3A : i32
        %convert_element_type3A_83 = arith.extui %lt3A_82 : i1 to i32
        %cond3A_84 = arith.constant 0 : i32
        %cond3A_85 = arith.cmpi ne, %convert_element_type3A_83, %cond3A_84 : i32
        scf.if %cond3A_85 {
          %add3A_499 = arith.constant 1 : i32
          %add3A_500 = arith.addi %add3A_40, %add3A_499 : i32
          %mul3A_501 = arith.constant 8 : i32
          %mul3A_502 = arith.muli %add3A_500, %mul3A_501 : i32
          %dma_start3A_503 = arith.constant 0 : i32
          %dma_start3A_504 = tpu.memref_slice %arg6[%arg1, %mul3A_502, %dma_start3A_503] : memref<16x160x125xi32, #tpu.memory_space<hbm>> -> memref<1x8x125xi32, #tpu.memory_space<hbm>>
          %dma_start3A_505 = tpu.memref_squeeze %dma_start3A_504 : memref<1x8x125xi32, #tpu.memory_space<hbm>> -> memref<8x125xi32, #tpu.memory_space<hbm>>
          %dma_start3A_506 = arith.constant 0 : i32
          %dma_start3A_507 = tpu.memref_slice %arg6[%arg1, %mul3A_502, %dma_start3A_506] : memref<16x160x125xi32, #tpu.memory_space<hbm>> -> memref<1x8x125xi32, #tpu.memory_space<hbm>>
          %dma_start3A_508 = tpu.memref_squeeze %dma_start3A_507 : memref<1x8x125xi32, #tpu.memory_space<hbm>> -> memref<8x125xi32, #tpu.memory_space<hbm>>
          tpu.enqueue_dma source(%dma_start3A_508 : memref<8x125xi32, #tpu.memory_space<hbm>>) target(%arg11 : memref<8x125xi32, #tpu.memory_space<vmem>>) target_semaphore(%arg22 : memref<!tpu.dma_semaphore, #tpu.memory_space<semaphore_mem>>)
          %add3A_509 = arith.constant 1 : i32
          %add3A_510 = arith.addi %add3A_40, %add3A_509 : i32
          %mul3A_511 = arith.constant 8 : i32
          %mul3A_512 = arith.muli %add3A_510, %mul3A_511 : i32
          %dma_start3A_513 = arith.constant 0 : i32
          %dma_start3A_514 = tpu.memref_slice %arg7[%arg1, %mul3A_512, %dma_start3A_513] : memref<16x160x125xi32, #tpu.memory_space<hbm>> -> memref<1x8x125xi32, #tpu.memory_space<hbm>>
          %dma_start3A_515 = tpu.memref_squeeze %dma_start3A_514 : memref<1x8x125xi32, #tpu.memory_space<hbm>> -> memref<8x125xi32, #tpu.memory_space<hbm>>
          %dma_start3A_516 = arith.constant 0 : i32
          %dma_start3A_517 = tpu.memref_slice %arg7[%arg1, %mul3A_512, %dma_start3A_516] : memref<16x160x125xi32, #tpu.memory_space<hbm>> -> memref<1x8x125xi32, #tpu.memory_space<hbm>>
          %dma_start3A_518 = tpu.memref_squeeze %dma_start3A_517 : memref<1x8x125xi32, #tpu.memory_space<hbm>> -> memref<8x125xi32, #tpu.memory_space<hbm>>
          tpu.enqueue_dma source(%dma_start3A_518 : memref<8x125xi32, #tpu.memory_space<hbm>>) target(%arg13 : memref<8x125xi32, #tpu.memory_space<vmem>>) target_semaphore(%arg24 : memref<!tpu.dma_semaphore, #tpu.memory_space<semaphore_mem>>)
        } else {
        }
        %dma_wait3A_86 = arith.constant 1 : i32
        %dma_wait3A_87 = arith.constant 0 : i32
        %dma_wait3A_88 = tpu.memref_slice %arg12[%dma_wait3A_86, %dma_wait3A_87] : memref<8x125xi32, #tpu.memory_space<vmem>> -> memref<1x125xi32, #tpu.memory_space<vmem>>
        %dma_wait3A_89 = tpu.memref_squeeze %dma_wait3A_88 : memref<1x125xi32, #tpu.memory_space<vmem>> -> memref<125xi32, #tpu.memory_space<vmem>>
        %dma_wait3A_90 = arith.constant 0 : i32
        %dma_wait3A_91 = arith.constant 0 : i32
        %dma_wait3A_92 = tpu.memref_slice %arg16[%dma_wait3A_90, %dma_wait3A_91] : memref<10240x128xf32, #tpu.memory_space<vmem_shared>> -> memref<10240x128xf32, #tpu.memory_space<vmem_shared>>
        tpu.wait_indirect_dma semaphore(%arg19 : memref<!tpu.dma_semaphore, #tpu.memory_space<semaphore_mem>>) src(%arg14 : memref<125x128xf32, #tpu.memory_space<vmem>>) dst(%dma_wait3A_92 : memref<10240x128xf32, #tpu.memory_space<vmem_shared>>)
        %dma_start3A_93 = arith.constant 2 : i32
        %dma_start3A_94 = arith.constant 0 : i32
        %dma_start3A_95 = tpu.memref_slice %arg10[%dma_start3A_93, %dma_start3A_94] : memref<8x125xi32, #tpu.memory_space<vmem>> -> memref<1x125xi32, #tpu.memory_space<vmem>>
        %dma_start3A_96 = tpu.memref_squeeze %dma_start3A_95 : memref<1x125xi32, #tpu.memory_space<vmem>> -> memref<125xi32, #tpu.memory_space<vmem>>
        %dma_start3A_97 = arith.constant 0 : i32
        %dma_start3A_98 = arith.constant 0 : i32
        %dma_start3A_99 = tpu.memref_slice %arg3[%dma_start3A_97, %dma_start3A_98] : memref<10000x128xf32, #tpu.memory_space<hbm>> -> memref<10000x128xf32, #tpu.memory_space<hbm>>
        tpu.enqueue_indirect_dma source(%dma_start3A_99 : memref<10000x128xf32, #tpu.memory_space<hbm>>) target(%arg14 : memref<125x128xf32, #tpu.memory_space<vmem>>) offsets(%dma_start3A_96 : memref<125xi32, #tpu.memory_space<vmem>>) semaphore(%arg17 : memref<!tpu.dma_semaphore, #tpu.memory_space<semaphore_mem>>)
        %dma_wait3A_100 = arith.constant 2 : i32
        %dma_wait3A_101 = arith.constant 0 : i32
        %dma_wait3A_102 = tpu.memref_slice %arg10[%dma_wait3A_100, %dma_wait3A_101] : memref<8x125xi32, #tpu.memory_space<vmem>> -> memref<1x125xi32, #tpu.memory_space<vmem>>
        %dma_wait3A_103 = tpu.memref_squeeze %dma_wait3A_102 : memref<1x125xi32, #tpu.memory_space<vmem>> -> memref<125xi32, #tpu.memory_space<vmem>>
        %dma_wait3A_104 = arith.constant 0 : i32
        %dma_wait3A_105 = arith.constant 0 : i32
        %dma_wait3A_106 = tpu.memref_slice %arg3[%dma_wait3A_104, %dma_wait3A_105] : memref<10000x128xf32, #tpu.memory_space<hbm>> -> memref<10000x128xf32, #tpu.memory_space<hbm>>
        tpu.wait_indirect_dma semaphore(%arg17 : memref<!tpu.dma_semaphore, #tpu.memory_space<semaphore_mem>>) src(%dma_wait3A_106 : memref<10000x128xf32, #tpu.memory_space<hbm>>) dst(%arg14 : memref<125x128xf32, #tpu.memory_space<vmem>>)
        %dma_start3A_107 = arith.constant 2 : i32
        %dma_start3A_108 = arith.constant 0 : i32
        %dma_start3A_109 = tpu.memref_slice %arg12[%dma_start3A_107, %dma_start3A_108] : memref<8x125xi32, #tpu.memory_space<vmem>> -> memref<1x125xi32, #tpu.memory_space<vmem>>
        %dma_start3A_110 = tpu.memref_squeeze %dma_start3A_109 : memref<1x125xi32, #tpu.memory_space<vmem>> -> memref<125xi32, #tpu.memory_space<vmem>>
        %dma_start3A_111 = arith.constant 0 : i32
        %dma_start3A_112 = arith.constant 0 : i32
        %dma_start3A_113 = tpu.memref_slice %arg16[%dma_start3A_111, %dma_start3A_112] : memref<10240x128xf32, #tpu.memory_space<vmem_shared>> -> memref<10240x128xf32, #tpu.memory_space<vmem_shared>>
        tpu.enqueue_indirect_dma source(%arg14 : memref<125x128xf32, #tpu.memory_space<vmem>>) target(%dma_start3A_113 : memref<10240x128xf32, #tpu.memory_space<vmem_shared>>) offsets(%dma_start3A_110 : memref<125xi32, #tpu.memory_space<vmem>>) semaphore(%arg19 : memref<!tpu.dma_semaphore, #tpu.memory_space<semaphore_mem>>) {add = true}
        %dma_wait3A_114 = arith.constant 2 : i32
        %dma_wait3A_115 = arith.constant 0 : i32
        %dma_wait3A_116 = tpu.memref_slice %arg12[%dma_wait3A_114, %dma_wait3A_115] : memref<8x125xi32, #tpu.memory_space<vmem>> -> memref<1x125xi32, #tpu.memory_space<vmem>>
        %dma_wait3A_117 = tpu.memref_squeeze %dma_wait3A_116 : memref<1x125xi32, #tpu.memory_space<vmem>> -> memref<125xi32, #tpu.memory_space<vmem>>
        %dma_wait3A_118 = arith.constant 0 : i32
        %dma_wait3A_119 = arith.constant 0 : i32
        %dma_wait3A_120 = tpu.memref_slice %arg16[%dma_wait3A_118, %dma_wait3A_119] : memref<10240x128xf32, #tpu.memory_space<vmem_shared>> -> memref<10240x128xf32, #tpu.memory_space<vmem_shared>>
        tpu.wait_indirect_dma semaphore(%arg20 : memref<!tpu.dma_semaphore, #tpu.memory_space<semaphore_mem>>) src(%arg15 : memref<125x128xf32, #tpu.memory_space<vmem>>) dst(%dma_wait3A_120 : memref<10240x128xf32, #tpu.memory_space<vmem_shared>>)
        %dma_start3A_121 = arith.constant 3 : i32
        %dma_start3A_122 = arith.constant 0 : i32
        %dma_start3A_123 = tpu.memref_slice %arg10[%dma_start3A_121, %dma_start3A_122] : memref<8x125xi32, #tpu.memory_space<vmem>> -> memref<1x125xi32, #tpu.memory_space<vmem>>
        %dma_start3A_124 = tpu.memref_squeeze %dma_start3A_123 : memref<1x125xi32, #tpu.memory_space<vmem>> -> memref<125xi32, #tpu.memory_space<vmem>>
        %dma_start3A_125 = arith.constant 0 : i32
        %dma_start3A_126 = arith.constant 0 : i32
        %dma_start3A_127 = tpu.memref_slice %arg3[%dma_start3A_125, %dma_start3A_126] : memref<10000x128xf32, #tpu.memory_space<hbm>> -> memref<10000x128xf32, #tpu.memory_space<hbm>>
        tpu.enqueue_indirect_dma source(%dma_start3A_127 : memref<10000x128xf32, #tpu.memory_space<hbm>>) target(%arg15 : memref<125x128xf32, #tpu.memory_space<vmem>>) offsets(%dma_start3A_124 : memref<125xi32, #tpu.memory_space<vmem>>) semaphore(%arg18 : memref<!tpu.dma_semaphore, #tpu.memory_space<semaphore_mem>>)
        %dma_wait3A_128 = arith.constant 3 : i32
        %dma_wait3A_129 = arith.constant 0 : i32
        %dma_wait3A_130 = tpu.memref_slice %arg10[%dma_wait3A_128, %dma_wait3A_129] : memref<8x125xi32, #tpu.memory_space<vmem>> -> memref<1x125xi32, #tpu.memory_space<vmem>>
        %dma_wait3A_131 = tpu.memref_squeeze %dma_wait3A_130 : memref<1x125xi32, #tpu.memory_space<vmem>> -> memref<125xi32, #tpu.memory_space<vmem>>
        %dma_wait3A_132 = arith.constant 0 : i32
        %dma_wait3A_133 = arith.constant 0 : i32
        %dma_wait3A_134 = tpu.memref_slice %arg3[%dma_wait3A_132, %dma_wait3A_133] : memref<10000x128xf32, #tpu.memory_space<hbm>> -> memref<10000x128xf32, #tpu.memory_space<hbm>>
        tpu.wait_indirect_dma semaphore(%arg18 : memref<!tpu.dma_semaphore, #tpu.memory_space<semaphore_mem>>) src(%dma_wait3A_134 : memref<10000x128xf32, #tpu.memory_space<hbm>>) dst(%arg15 : memref<125x128xf32, #tpu.memory_space<vmem>>)
        %dma_start3A_135 = arith.constant 3 : i32
        %dma_start3A_136 = arith.constant 0 : i32
        %dma_start3A_137 = tpu.memref_slice %arg12[%dma_start3A_135, %dma_start3A_136] : memref<8x125xi32, #tpu.memory_space<vmem>> -> memref<1x125xi32, #tpu.memory_space<vmem>>
        %dma_start3A_138 = tpu.memref_squeeze %dma_start3A_137 : memref<1x125xi32, #tpu.memory_space<vmem>> -> memref<125xi32, #tpu.memory_space<vmem>>
        %dma_start3A_139 = arith.constant 0 : i32
        %dma_start3A_140 = arith.constant 0 : i32
        %dma_start3A_141 = tpu.memref_slice %arg16[%dma_start3A_139, %dma_start3A_140] : memref<10240x128xf32, #tpu.memory_space<vmem_shared>> -> memref<10240x128xf32, #tpu.memory_space<vmem_shared>>
        tpu.enqueue_indirect_dma source(%arg15 : memref<125x128xf32, #tpu.memory_space<vmem>>) target(%dma_start3A_141 : memref<10240x128xf32, #tpu.memory_space<vmem_shared>>) offsets(%dma_start3A_138 : memref<125xi32, #tpu.memory_space<vmem>>) semaphore(%arg20 : memref<!tpu.dma_semaphore, #tpu.memory_space<semaphore_mem>>) {add = true}
        %dma_wait3A_142 = arith.constant 3 : i32
        %dma_wait3A_143 = arith.constant 0 : i32
        %dma_wait3A_144 = tpu.memref_slice %arg12[%dma_wait3A_142, %dma_wait3A_143] : memref<8x125xi32, #tpu.memory_space<vmem>> -> memref<1x125xi32, #tpu.memory_space<vmem>>
        %dma_wait3A_145 = tpu.memref_squeeze %dma_wait3A_144 : memref<1x125xi32, #tpu.memory_space<vmem>> -> memref<125xi32, #tpu.memory_space<vmem>>
        %dma_wait3A_146 = arith.constant 0 : i32
        %dma_wait3A_147 = arith.constant 0 : i32
        %dma_wait3A_148 = tpu.memref_slice %arg16[%dma_wait3A_146, %dma_wait3A_147] : memref<10240x128xf32, #tpu.memory_space<vmem_shared>> -> memref<10240x128xf32, #tpu.memory_space<vmem_shared>>
        tpu.wait_indirect_dma semaphore(%arg19 : memref<!tpu.dma_semaphore, #tpu.memory_space<semaphore_mem>>) src(%arg14 : memref<125x128xf32, #tpu.memory_space<vmem>>) dst(%dma_wait3A_148 : memref<10240x128xf32, #tpu.memory_space<vmem_shared>>)
        %dma_start3A_149 = arith.constant 4 : i32
        %dma_start3A_150 = arith.constant 0 : i32
        %dma_start3A_151 = tpu.memref_slice %arg10[%dma_start3A_149, %dma_start3A_150] : memref<8x125xi32, #tpu.memory_space<vmem>> -> memref<1x125xi32, #tpu.memory_space<vmem>>
        %dma_start3A_152 = tpu.memref_squeeze %dma_start3A_151 : memref<1x125xi32, #tpu.memory_space<vmem>> -> memref<125xi32, #tpu.memory_space<vmem>>
        %dma_start3A_153 = arith.constant 0 : i32
        %dma_start3A_154 = arith.constant 0 : i32
        %dma_start3A_155 = tpu.memref_slice %arg3[%dma_start3A_153, %dma_start3A_154] : memref<10000x128xf32, #tpu.memory_space<hbm>> -> memref<10000x128xf32, #tpu.memory_space<hbm>>
        tpu.enqueue_indirect_dma source(%dma_start3A_155 : memref<10000x128xf32, #tpu.memory_space<hbm>>) target(%arg14 : memref<125x128xf32, #tpu.memory_space<vmem>>) offsets(%dma_start3A_152 : memref<125xi32, #tpu.memory_space<vmem>>) semaphore(%arg17 : memref<!tpu.dma_semaphore, #tpu.memory_space<semaphore_mem>>)
        %dma_wait3A_156 = arith.constant 4 : i32
        %dma_wait3A_157 = arith.constant 0 : i32
        %dma_wait3A_158 = tpu.memref_slice %arg10[%dma_wait3A_156, %dma_wait3A_157] : memref<8x125xi32, #tpu.memory_space<vmem>> -> memref<1x125xi32, #tpu.memory_space<vmem>>
        %dma_wait3A_159 = tpu.memref_squeeze %dma_wait3A_158 : memref<1x125xi32, #tpu.memory_space<vmem>> -> memref<125xi32, #tpu.memory_space<vmem>>
        %dma_wait3A_160 = arith.constant 0 : i32
        %dma_wait3A_161 = arith.constant 0 : i32
        %dma_wait3A_162 = tpu.memref_slice %arg3[%dma_wait3A_160, %dma_wait3A_161] : memref<10000x128xf32, #tpu.memory_space<hbm>> -> memref<10000x128xf32, #tpu.memory_space<hbm>>
        tpu.wait_indirect_dma semaphore(%arg17 : memref<!tpu.dma_semaphore, #tpu.memory_space<semaphore_mem>>) src(%dma_wait3A_162 : memref<10000x128xf32, #tpu.memory_space<hbm>>) dst(%arg14 : memref<125x128xf32, #tpu.memory_space<vmem>>)
        %dma_start3A_163 = arith.constant 4 : i32
        %dma_start3A_164 = arith.constant 0 : i32
        %dma_start3A_165 = tpu.memref_slice %arg12[%dma_start3A_163, %dma_start3A_164] : memref<8x125xi32, #tpu.memory_space<vmem>> -> memref<1x125xi32, #tpu.memory_space<vmem>>
        %dma_start3A_166 = tpu.memref_squeeze %dma_start3A_165 : memref<1x125xi32, #tpu.memory_space<vmem>> -> memref<125xi32, #tpu.memory_space<vmem>>
        %dma_start3A_167 = arith.constant 0 : i32
        %dma_start3A_168 = arith.constant 0 : i32
        %dma_start3A_169 = tpu.memref_slice %arg16[%dma_start3A_167, %dma_start3A_168] : memref<10240x128xf32, #tpu.memory_space<vmem_shared>> -> memref<10240x128xf32, #tpu.memory_space<vmem_shared>>
        tpu.enqueue_indirect_dma source(%arg14 : memref<125x128xf32, #tpu.memory_space<vmem>>) target(%dma_start3A_169 : memref<10240x128xf32, #tpu.memory_space<vmem_shared>>) offsets(%dma_start3A_166 : memref<125xi32, #tpu.memory_space<vmem>>) semaphore(%arg19 : memref<!tpu.dma_semaphore, #tpu.memory_space<semaphore_mem>>) {add = true}
        %dma_wait3A_170 = arith.constant 4 : i32
        %dma_wait3A_171 = arith.constant 0 : i32
        %dma_wait3A_172 = tpu.memref_slice %arg12[%dma_wait3A_170, %dma_wait3A_171] : memref<8x125xi32, #tpu.memory_space<vmem>> -> memref<1x125xi32, #tpu.memory_space<vmem>>
        %dma_wait3A_173 = tpu.memref_squeeze %dma_wait3A_172 : memref<1x125xi32, #tpu.memory_space<vmem>> -> memref<125xi32, #tpu.memory_space<vmem>>
        %dma_wait3A_174 = arith.constant 0 : i32
        %dma_wait3A_175 = arith.constant 0 : i32
        %dma_wait3A_176 = tpu.memref_slice %arg16[%dma_wait3A_174, %dma_wait3A_175] : memref<10240x128xf32, #tpu.memory_space<vmem_shared>> -> memref<10240x128xf32, #tpu.memory_space<vmem_shared>>
        tpu.wait_indirect_dma semaphore(%arg20 : memref<!tpu.dma_semaphore, #tpu.memory_space<semaphore_mem>>) src(%arg15 : memref<125x128xf32, #tpu.memory_space<vmem>>) dst(%dma_wait3A_176 : memref<10240x128xf32, #tpu.memory_space<vmem_shared>>)
        %dma_start3A_177 = arith.constant 5 : i32
        %dma_start3A_178 = arith.constant 0 : i32
        %dma_start3A_179 = tpu.memref_slice %arg10[%dma_start3A_177, %dma_start3A_178] : memref<8x125xi32, #tpu.memory_space<vmem>> -> memref<1x125xi32, #tpu.memory_space<vmem>>
        %dma_start3A_180 = tpu.memref_squeeze %dma_start3A_179 : memref<1x125xi32, #tpu.memory_space<vmem>> -> memref<125xi32, #tpu.memory_space<vmem>>
        %dma_start3A_181 = arith.constant 0 : i32
        %dma_start3A_182 = arith.constant 0 : i32
        %dma_start3A_183 = tpu.memref_slice %arg3[%dma_start3A_181, %dma_start3A_182] : memref<10000x128xf32, #tpu.memory_space<hbm>> -> memref<10000x128xf32, #tpu.memory_space<hbm>>
        tpu.enqueue_indirect_dma source(%dma_start3A_183 : memref<10000x128xf32, #tpu.memory_space<hbm>>) target(%arg15 : memref<125x128xf32, #tpu.memory_space<vmem>>) offsets(%dma_start3A_180 : memref<125xi32, #tpu.memory_space<vmem>>) semaphore(%arg18 : memref<!tpu.dma_semaphore, #tpu.memory_space<semaphore_mem>>)
        %dma_wait3A_184 = arith.constant 5 : i32
        %dma_wait3A_185 = arith.constant 0 : i32
        %dma_wait3A_186 = tpu.memref_slice %arg10[%dma_wait3A_184, %dma_wait3A_185] : memref<8x125xi32, #tpu.memory_space<vmem>> -> memref<1x125xi32, #tpu.memory_space<vmem>>
        %dma_wait3A_187 = tpu.memref_squeeze %dma_wait3A_186 : memref<1x125xi32, #tpu.memory_space<vmem>> -> memref<125xi32, #tpu.memory_space<vmem>>
        %dma_wait3A_188 = arith.constant 0 : i32
        %dma_wait3A_189 = arith.constant 0 : i32
        %dma_wait3A_190 = tpu.memref_slice %arg3[%dma_wait3A_188, %dma_wait3A_189] : memref<10000x128xf32, #tpu.memory_space<hbm>> -> memref<10000x128xf32, #tpu.memory_space<hbm>>
        tpu.wait_indirect_dma semaphore(%arg18 : memref<!tpu.dma_semaphore, #tpu.memory_space<semaphore_mem>>) src(%dma_wait3A_190 : memref<10000x128xf32, #tpu.memory_space<hbm>>) dst(%arg15 : memref<125x128xf32, #tpu.memory_space<vmem>>)
        %dma_start3A_191 = arith.constant 5 : i32
        %dma_start3A_192 = arith.constant 0 : i32
        %dma_start3A_193 = tpu.memref_slice %arg12[%dma_start3A_191, %dma_start3A_192] : memref<8x125xi32, #tpu.memory_space<vmem>> -> memref<1x125xi32, #tpu.memory_space<vmem>>
        %dma_start3A_194 = tpu.memref_squeeze %dma_start3A_193 : memref<1x125xi32, #tpu.memory_space<vmem>> -> memref<125xi32, #tpu.memory_space<vmem>>
        %dma_start3A_195 = arith.constant 0 : i32
        %dma_start3A_196 = arith.constant 0 : i32
        %dma_start3A_197 = tpu.memref_slice %arg16[%dma_start3A_195, %dma_start3A_196] : memref<10240x128xf32, #tpu.memory_space<vmem_shared>> -> memref<10240x128xf32, #tpu.memory_space<vmem_shared>>
        tpu.enqueue_indirect_dma source(%arg15 : memref<125x128xf32, #tpu.memory_space<vmem>>) target(%dma_start3A_197 : memref<10240x128xf32, #tpu.memory_space<vmem_shared>>) offsets(%dma_start3A_194 : memref<125xi32, #tpu.memory_space<vmem>>) semaphore(%arg20 : memref<!tpu.dma_semaphore, #tpu.memory_space<semaphore_mem>>) {add = true}
        %dma_wait3A_198 = arith.constant 5 : i32
        %dma_wait3A_199 = arith.constant 0 : i32
        %dma_wait3A_200 = tpu.memref_slice %arg12[%dma_wait3A_198, %dma_wait3A_199] : memref<8x125xi32, #tpu.memory_space<vmem>> -> memref<1x125xi32, #tpu.memory_space<vmem>>
        %dma_wait3A_201 = tpu.memref_squeeze %dma_wait3A_200 : memref<1x125xi32, #tpu.memory_space<vmem>> -> memref<125xi32, #tpu.memory_space<vmem>>
        %dma_wait3A_202 = arith.constant 0 : i32
        %dma_wait3A_203 = arith.constant 0 : i32
        %dma_wait3A_204 = tpu.memref_slice %arg16[%dma_wait3A_202, %dma_wait3A_203] : memref<10240x128xf32, #tpu.memory_space<vmem_shared>> -> memref<10240x128xf32, #tpu.memory_space<vmem_shared>>
        tpu.wait_indirect_dma semaphore(%arg19 : memref<!tpu.dma_semaphore, #tpu.memory_space<semaphore_mem>>) src(%arg14 : memref<125x128xf32, #tpu.memory_space<vmem>>) dst(%dma_wait3A_204 : memref<10240x128xf32, #tpu.memory_space<vmem_shared>>)
        %dma_start3A_205 = arith.constant 6 : i32
        %dma_start3A_206 = arith.constant 0 : i32
        %dma_start3A_207 = tpu.memref_slice %arg10[%dma_start3A_205, %dma_start3A_206] : memref<8x125xi32, #tpu.memory_space<vmem>> -> memref<1x125xi32, #tpu.memory_space<vmem>>
        %dma_start3A_208 = tpu.memref_squeeze %dma_start3A_207 : memref<1x125xi32, #tpu.memory_space<vmem>> -> memref<125xi32, #tpu.memory_space<vmem>>
        %dma_start3A_209 = arith.constant 0 : i32
        %dma_start3A_210 = arith.constant 0 : i32
        %dma_start3A_211 = tpu.memref_slice %arg3[%dma_start3A_209, %dma_start3A_210] : memref<10000x128xf32, #tpu.memory_space<hbm>> -> memref<10000x128xf32, #tpu.memory_space<hbm>>
        tpu.enqueue_indirect_dma source(%dma_start3A_211 : memref<10000x128xf32, #tpu.memory_space<hbm>>) target(%arg14 : memref<125x128xf32, #tpu.memory_space<vmem>>) offsets(%dma_start3A_208 : memref<125xi32, #tpu.memory_space<vmem>>) semaphore(%arg17 : memref<!tpu.dma_semaphore, #tpu.memory_space<semaphore_mem>>)
        %dma_wait3A_212 = arith.constant 6 : i32
        %dma_wait3A_213 = arith.constant 0 : i32
        %dma_wait3A_214 = tpu.memref_slice %arg10[%dma_wait3A_212, %dma_wait3A_213] : memref<8x125xi32, #tpu.memory_space<vmem>> -> memref<1x125xi32, #tpu.memory_space<vmem>>
        %dma_wait3A_215 = tpu.memref_squeeze %dma_wait3A_214 : memref<1x125xi32, #tpu.memory_space<vmem>> -> memref<125xi32, #tpu.memory_space<vmem>>
        %dma_wait3A_216 = arith.constant 0 : i32
        %dma_wait3A_217 = arith.constant 0 : i32
        %dma_wait3A_218 = tpu.memref_slice %arg3[%dma_wait3A_216, %dma_wait3A_217] : memref<10000x128xf32, #tpu.memory_space<hbm>> -> memref<10000x128xf32, #tpu.memory_space<hbm>>
        tpu.wait_indirect_dma semaphore(%arg17 : memref<!tpu.dma_semaphore, #tpu.memory_space<semaphore_mem>>) src(%dma_wait3A_218 : memref<10000x128xf32, #tpu.memory_space<hbm>>) dst(%arg14 : memref<125x128xf32, #tpu.memory_space<vmem>>)
        %dma_start3A_219 = arith.constant 6 : i32
        %dma_start3A_220 = arith.constant 0 : i32
        %dma_start3A_221 = tpu.memref_slice %arg12[%dma_start3A_219, %dma_start3A_220] : memref<8x125xi32, #tpu.memory_space<vmem>> -> memref<1x125xi32, #tpu.memory_space<vmem>>
        %dma_start3A_222 = tpu.memref_squeeze %dma_start3A_221 : memref<1x125xi32, #tpu.memory_space<vmem>> -> memref<125xi32, #tpu.memory_space<vmem>>
        %dma_start3A_223 = arith.constant 0 : i32
        %dma_start3A_224 = arith.constant 0 : i32
        %dma_start3A_225 = tpu.memref_slice %arg16[%dma_start3A_223, %dma_start3A_224] : memref<10240x128xf32, #tpu.memory_space<vmem_shared>> -> memref<10240x128xf32, #tpu.memory_space<vmem_shared>>
        tpu.enqueue_indirect_dma source(%arg14 : memref<125x128xf32, #tpu.memory_space<vmem>>) target(%dma_start3A_225 : memref<10240x128xf32, #tpu.memory_space<vmem_shared>>) offsets(%dma_start3A_222 : memref<125xi32, #tpu.memory_space<vmem>>) semaphore(%arg19 : memref<!tpu.dma_semaphore, #tpu.memory_space<semaphore_mem>>) {add = true}
        %dma_wait3A_226 = arith.constant 6 : i32
        %dma_wait3A_227 = arith.constant 0 : i32
        %dma_wait3A_228 = tpu.memref_slice %arg12[%dma_wait3A_226, %dma_wait3A_227] : memref<8x125xi32, #tpu.memory_space<vmem>> -> memref<1x125xi32, #tpu.memory_space<vmem>>
        %dma_wait3A_229 = tpu.memref_squeeze %dma_wait3A_228 : memref<1x125xi32, #tpu.memory_space<vmem>> -> memref<125xi32, #tpu.memory_space<vmem>>
        %dma_wait3A_230 = arith.constant 0 : i32
        %dma_wait3A_231 = arith.constant 0 : i32
        %dma_wait3A_232 = tpu.memref_slice %arg16[%dma_wait3A_230, %dma_wait3A_231] : memref<10240x128xf32, #tpu.memory_space<vmem_shared>> -> memref<10240x128xf32, #tpu.memory_space<vmem_shared>>
        tpu.wait_indirect_dma semaphore(%arg20 : memref<!tpu.dma_semaphore, #tpu.memory_space<semaphore_mem>>) src(%arg15 : memref<125x128xf32, #tpu.memory_space<vmem>>) dst(%dma_wait3A_232 : memref<10240x128xf32, #tpu.memory_space<vmem_shared>>)
        %dma_start3A_233 = arith.constant 7 : i32
        %dma_start3A_234 = arith.constant 0 : i32
        %dma_start3A_235 = tpu.memref_slice %arg10[%dma_start3A_233, %dma_start3A_234] : memref<8x125xi32, #tpu.memory_space<vmem>> -> memref<1x125xi32, #tpu.memory_space<vmem>>
        %dma_start3A_236 = tpu.memref_squeeze %dma_start3A_235 : memref<1x125xi32, #tpu.memory_space<vmem>> -> memref<125xi32, #tpu.memory_space<vmem>>
        %dma_start3A_237 = arith.constant 0 : i32
        %dma_start3A_238 = arith.constant 0 : i32
        %dma_start3A_239 = tpu.memref_slice %arg3[%dma_start3A_237, %dma_start3A_238] : memref<10000x128xf32, #tpu.memory_space<hbm>> -> memref<10000x128xf32, #tpu.memory_space<hbm>>
        tpu.enqueue_indirect_dma source(%dma_start3A_239 : memref<10000x128xf32, #tpu.memory_space<hbm>>) target(%arg15 : memref<125x128xf32, #tpu.memory_space<vmem>>) offsets(%dma_start3A_236 : memref<125xi32, #tpu.memory_space<vmem>>) semaphore(%arg18 : memref<!tpu.dma_semaphore, #tpu.memory_space<semaphore_mem>>)
        %dma_wait3A_240 = arith.constant 7 : i32
        %dma_wait3A_241 = arith.constant 0 : i32
        %dma_wait3A_242 = tpu.memref_slice %arg10[%dma_wait3A_240, %dma_wait3A_241] : memref<8x125xi32, #tpu.memory_space<vmem>> -> memref<1x125xi32, #tpu.memory_space<vmem>>
        %dma_wait3A_243 = tpu.memref_squeeze %dma_wait3A_242 : memref<1x125xi32, #tpu.memory_space<vmem>> -> memref<125xi32, #tpu.memory_space<vmem>>
        %dma_wait3A_244 = arith.constant 0 : i32
        %dma_wait3A_245 = arith.constant 0 : i32
        %dma_wait3A_246 = tpu.memref_slice %arg3[%dma_wait3A_244, %dma_wait3A_245] : memref<10000x128xf32, #tpu.memory_space<hbm>> -> memref<10000x128xf32, #tpu.memory_space<hbm>>
        tpu.wait_indirect_dma semaphore(%arg18 : memref<!tpu.dma_semaphore, #tpu.memory_space<semaphore_mem>>) src(%dma_wait3A_246 : memref<10000x128xf32, #tpu.memory_space<hbm>>) dst(%arg15 : memref<125x128xf32, #tpu.memory_space<vmem>>)
        %dma_start3A_247 = arith.constant 7 : i32
        %dma_start3A_248 = arith.constant 0 : i32
        %dma_start3A_249 = tpu.memref_slice %arg12[%dma_start3A_247, %dma_start3A_248] : memref<8x125xi32, #tpu.memory_space<vmem>> -> memref<1x125xi32, #tpu.memory_space<vmem>>
        %dma_start3A_250 = tpu.memref_squeeze %dma_start3A_249 : memref<1x125xi32, #tpu.memory_space<vmem>> -> memref<125xi32, #tpu.memory_space<vmem>>
        %dma_start3A_251 = arith.constant 0 : i32
        %dma_start3A_252 = arith.constant 0 : i32
        %dma_start3A_253 = tpu.memref_slice %arg16[%dma_start3A_251, %dma_start3A_252] : memref<10240x128xf32, #tpu.memory_space<vmem_shared>> -> memref<10240x128xf32, #tpu.memory_space<vmem_shared>>
        tpu.enqueue_indirect_dma source(%arg15 : memref<125x128xf32, #tpu.memory_space<vmem>>) target(%dma_start3A_253 : memref<10240x128xf32, #tpu.memory_space<vmem_shared>>) offsets(%dma_start3A_250 : memref<125xi32, #tpu.memory_space<vmem>>) semaphore(%arg20 : memref<!tpu.dma_semaphore, #tpu.memory_space<semaphore_mem>>) {add = true}
        %dma_wait3A_254 = arith.constant 7 : i32
        %dma_wait3A_255 = arith.constant 0 : i32
        %dma_wait3A_256 = tpu.memref_slice %arg12[%dma_wait3A_254, %dma_wait3A_255] : memref<8x125xi32, #tpu.memory_space<vmem>> -> memref<1x125xi32, #tpu.memory_space<vmem>>
        %dma_wait3A_257 = tpu.memref_squeeze %dma_wait3A_256 : memref<1x125xi32, #tpu.memory_space<vmem>> -> memref<125xi32, #tpu.memory_space<vmem>>
        %dma_wait3A_258 = arith.constant 0 : i32
        %dma_wait3A_259 = arith.constant 0 : i32
        %dma_wait3A_260 = tpu.memref_slice %arg16[%dma_wait3A_258, %dma_wait3A_259] : memref<10240x128xf32, #tpu.memory_space<vmem_shared>> -> memref<10240x128xf32, #tpu.memory_space<vmem_shared>>
        tpu.wait_indirect_dma semaphore(%arg19 : memref<!tpu.dma_semaphore, #tpu.memory_space<semaphore_mem>>) src(%arg14 : memref<125x128xf32, #tpu.memory_space<vmem>>) dst(%dma_wait3A_260 : memref<10240x128xf32, #tpu.memory_space<vmem_shared>>)
        %add3A_261 = arith.constant 1 : i32
        %add3A_262 = arith.addi %add3A_40, %add3A_261 : i32
        %lt3A_263 = arith.constant 20 : i32
        %lt3A_264 = arith.cmpi slt, %add3A_262, %lt3A_263 : i32
        %convert_element_type3A_265 = arith.extui %lt3A_264 : i1 to i32
        %cond3A_266 = arith.constant 0 : i32
        %cond3A_267 = arith.cmpi ne, %convert_element_type3A_265, %cond3A_266 : i32
        scf.if %cond3A_267 {
          %add3A_499 = arith.constant 1 : i32
          %add3A_500 = arith.addi %add3A_40, %add3A_499 : i32
          %mul3A_501 = arith.constant 8 : i32
          %mul3A_502 = arith.muli %add3A_500, %mul3A_501 : i32
          %dma_wait3A_503 = arith.constant 0 : i32
          %dma_wait3A_504 = tpu.memref_slice %arg6[%arg1, %mul3A_502, %dma_wait3A_503] : memref<16x160x125xi32, #tpu.memory_space<hbm>> -> memref<1x8x125xi32, #tpu.memory_space<hbm>>
          %dma_wait3A_505 = tpu.memref_squeeze %dma_wait3A_504 : memref<1x8x125xi32, #tpu.memory_space<hbm>> -> memref<8x125xi32, #tpu.memory_space<hbm>>
          %dma_wait3A_506 = arith.constant 0 : i32
          %dma_wait3A_507 = tpu.memref_slice %arg6[%arg1, %mul3A_502, %dma_wait3A_506] : memref<16x160x125xi32, #tpu.memory_space<hbm>> -> memref<1x8x125xi32, #tpu.memory_space<hbm>>
          %dma_wait3A_508 = tpu.memref_squeeze %dma_wait3A_507 : memref<1x8x125xi32, #tpu.memory_space<hbm>> -> memref<8x125xi32, #tpu.memory_space<hbm>>
          tpu.wait_dma2 semaphore(%arg22 : memref<!tpu.dma_semaphore, #tpu.memory_space<semaphore_mem>>) src(%dma_wait3A_508 : memref<8x125xi32, #tpu.memory_space<hbm>>) dst(%arg11 : memref<8x125xi32, #tpu.memory_space<vmem>>)
          %add3A_509 = arith.constant 1 : i32
          %add3A_510 = arith.addi %add3A_40, %add3A_509 : i32
          %mul3A_511 = arith.constant 8 : i32
          %mul3A_512 = arith.muli %add3A_510, %mul3A_511 : i32
          %dma_wait3A_513 = arith.constant 0 : i32
          %dma_wait3A_514 = tpu.memref_slice %arg7[%arg1, %mul3A_512, %dma_wait3A_513] : memref<16x160x125xi32, #tpu.memory_space<hbm>> -> memref<1x8x125xi32, #tpu.memory_space<hbm>>
          %dma_wait3A_515 = tpu.memref_squeeze %dma_wait3A_514 : memref<1x8x125xi32, #tpu.memory_space<hbm>> -> memref<8x125xi32, #tpu.memory_space<hbm>>
          %dma_wait3A_516 = arith.constant 0 : i32
          %dma_wait3A_517 = tpu.memref_slice %arg7[%arg1, %mul3A_512, %dma_wait3A_516] : memref<16x160x125xi32, #tpu.memory_space<hbm>> -> memref<1x8x125xi32, #tpu.memory_space<hbm>>
          %dma_wait3A_518 = tpu.memref_squeeze %dma_wait3A_517 : memref<1x8x125xi32, #tpu.memory_space<hbm>> -> memref<8x125xi32, #tpu.memory_space<hbm>>
          tpu.wait_dma2 semaphore(%arg24 : memref<!tpu.dma_semaphore, #tpu.memory_space<semaphore_mem>>) src(%dma_wait3A_518 : memref<8x125xi32, #tpu.memory_space<hbm>>) dst(%arg13 : memref<8x125xi32, #tpu.memory_space<vmem>>)
          %dma_start3A_519 = arith.constant 0 : i32
          %dma_start3A_520 = arith.constant 0 : i32
          %dma_start3A_521 = tpu.memref_slice %arg11[%dma_start3A_519, %dma_start3A_520] : memref<8x125xi32, #tpu.memory_space<vmem>> -> memref<1x125xi32, #tpu.memory_space<vmem>>
          %dma_start3A_522 = tpu.memref_squeeze %dma_start3A_521 : memref<1x125xi32, #tpu.memory_space<vmem>> -> memref<125xi32, #tpu.memory_space<vmem>>
          %dma_start3A_523 = arith.constant 0 : i32
          %dma_start3A_524 = arith.constant 0 : i32
          %dma_start3A_525 = tpu.memref_slice %arg3[%dma_start3A_523, %dma_start3A_524] : memref<10000x128xf32, #tpu.memory_space<hbm>> -> memref<10000x128xf32, #tpu.memory_space<hbm>>
          tpu.enqueue_indirect_dma source(%dma_start3A_525 : memref<10000x128xf32, #tpu.memory_space<hbm>>) target(%arg14 : memref<125x128xf32, #tpu.memory_space<vmem>>) offsets(%dma_start3A_522 : memref<125xi32, #tpu.memory_space<vmem>>) semaphore(%arg17 : memref<!tpu.dma_semaphore, #tpu.memory_space<semaphore_mem>>)
        } else {
        }
        %add3A_268 = arith.constant 1 : i32
        %add3A_269 = arith.addi %add3A_40, %add3A_268 : i32
        %dma_wait3A_270 = arith.constant 0 : i32
        %dma_wait3A_271 = arith.constant 0 : i32
        %dma_wait3A_272 = tpu.memref_slice %arg11[%dma_wait3A_270, %dma_wait3A_271] : memref<8x125xi32, #tpu.memory_space<vmem>> -> memref<1x125xi32, #tpu.memory_space<vmem>>
        %dma_wait3A_273 = tpu.memref_squeeze %dma_wait3A_272 : memref<1x125xi32, #tpu.memory_space<vmem>> -> memref<125xi32, #tpu.memory_space<vmem>>
        %dma_wait3A_274 = arith.constant 0 : i32
        %dma_wait3A_275 = arith.constant 0 : i32
        %dma_wait3A_276 = tpu.memref_slice %arg3[%dma_wait3A_274, %dma_wait3A_275] : memref<10000x128xf32, #tpu.memory_space<hbm>> -> memref<10000x128xf32, #tpu.memory_space<hbm>>
        tpu.wait_indirect_dma semaphore(%arg17 : memref<!tpu.dma_semaphore, #tpu.memory_space<semaphore_mem>>) src(%dma_wait3A_276 : memref<10000x128xf32, #tpu.memory_space<hbm>>) dst(%arg14 : memref<125x128xf32, #tpu.memory_space<vmem>>)
        %dma_start3A_277 = arith.constant 0 : i32
        %dma_start3A_278 = arith.constant 0 : i32
        %dma_start3A_279 = tpu.memref_slice %arg13[%dma_start3A_277, %dma_start3A_278] : memref<8x125xi32, #tpu.memory_space<vmem>> -> memref<1x125xi32, #tpu.memory_space<vmem>>
        %dma_start3A_280 = tpu.memref_squeeze %dma_start3A_279 : memref<1x125xi32, #tpu.memory_space<vmem>> -> memref<125xi32, #tpu.memory_space<vmem>>
        %dma_start3A_281 = arith.constant 0 : i32
        %dma_start3A_282 = arith.constant 0 : i32
        %dma_start3A_283 = tpu.memref_slice %arg16[%dma_start3A_281, %dma_start3A_282] : memref<10240x128xf32, #tpu.memory_space<vmem_shared>> -> memref<10240x128xf32, #tpu.memory_space<vmem_shared>>
        tpu.enqueue_indirect_dma source(%arg14 : memref<125x128xf32, #tpu.memory_space<vmem>>) target(%dma_start3A_283 : memref<10240x128xf32, #tpu.memory_space<vmem_shared>>) offsets(%dma_start3A_280 : memref<125xi32, #tpu.memory_space<vmem>>) semaphore(%arg19 : memref<!tpu.dma_semaphore, #tpu.memory_space<semaphore_mem>>) {add = true}
        %gt3A_284 = arith.constant 0 : i32
        %gt3A_285 = arith.cmpi sgt, %add3A_269, %gt3A_284 : i32
        %convert_element_type3A_286 = arith.extui %gt3A_285 : i1 to i32
        %cond3A_287 = arith.constant 0 : i32
        %cond3A_288 = arith.cmpi ne, %convert_element_type3A_286, %cond3A_287 : i32
        scf.if %cond3A_288 {
          %dma_wait3A_499 = arith.constant 0 : i32
          %dma_wait3A_500 = arith.constant 0 : i32
          %dma_wait3A_501 = tpu.memref_slice %arg13[%dma_wait3A_499, %dma_wait3A_500] : memref<8x125xi32, #tpu.memory_space<vmem>> -> memref<1x125xi32, #tpu.memory_space<vmem>>
          %dma_wait3A_502 = tpu.memref_squeeze %dma_wait3A_501 : memref<1x125xi32, #tpu.memory_space<vmem>> -> memref<125xi32, #tpu.memory_space<vmem>>
          %dma_wait3A_503 = arith.constant 0 : i32
          %dma_wait3A_504 = arith.constant 0 : i32
          %dma_wait3A_505 = tpu.memref_slice %arg16[%dma_wait3A_503, %dma_wait3A_504] : memref<10240x128xf32, #tpu.memory_space<vmem_shared>> -> memref<10240x128xf32, #tpu.memory_space<vmem_shared>>
          tpu.wait_indirect_dma semaphore(%arg20 : memref<!tpu.dma_semaphore, #tpu.memory_space<semaphore_mem>>) src(%arg15 : memref<125x128xf32, #tpu.memory_space<vmem>>) dst(%dma_wait3A_505 : memref<10240x128xf32, #tpu.memory_space<vmem_shared>>)
        } else {
        }
        %dma_start3A_289 = arith.constant 1 : i32
        %dma_start3A_290 = arith.constant 0 : i32
        %dma_start3A_291 = tpu.memref_slice %arg11[%dma_start3A_289, %dma_start3A_290] : memref<8x125xi32, #tpu.memory_space<vmem>> -> memref<1x125xi32, #tpu.memory_space<vmem>>
        %dma_start3A_292 = tpu.memref_squeeze %dma_start3A_291 : memref<1x125xi32, #tpu.memory_space<vmem>> -> memref<125xi32, #tpu.memory_space<vmem>>
        %dma_start3A_293 = arith.constant 0 : i32
        %dma_start3A_294 = arith.constant 0 : i32
        %dma_start3A_295 = tpu.memref_slice %arg3[%dma_start3A_293, %dma_start3A_294] : memref<10000x128xf32, #tpu.memory_space<hbm>> -> memref<10000x128xf32, #tpu.memory_space<hbm>>
        tpu.enqueue_indirect_dma source(%dma_start3A_295 : memref<10000x128xf32, #tpu.memory_space<hbm>>) target(%arg15 : memref<125x128xf32, #tpu.memory_space<vmem>>) offsets(%dma_start3A_292 : memref<125xi32, #tpu.memory_space<vmem>>) semaphore(%arg18 : memref<!tpu.dma_semaphore, #tpu.memory_space<semaphore_mem>>)
        %dma_wait3A_296 = arith.constant 1 : i32
        %dma_wait3A_297 = arith.constant 0 : i32
        %dma_wait3A_298 = tpu.memref_slice %arg11[%dma_wait3A_296, %dma_wait3A_297] : memref<8x125xi32, #tpu.memory_space<vmem>> -> memref<1x125xi32, #tpu.memory_space<vmem>>
        %dma_wait3A_299 = tpu.memref_squeeze %dma_wait3A_298 : memref<1x125xi32, #tpu.memory_space<vmem>> -> memref<125xi32, #tpu.memory_space<vmem>>
        %dma_wait3A_300 = arith.constant 0 : i32
        %dma_wait3A_301 = arith.constant 0 : i32
        %dma_wait3A_302 = tpu.memref_slice %arg3[%dma_wait3A_300, %dma_wait3A_301] : memref<10000x128xf32, #tpu.memory_space<hbm>> -> memref<10000x128xf32, #tpu.memory_space<hbm>>
        tpu.wait_indirect_dma semaphore(%arg18 : memref<!tpu.dma_semaphore, #tpu.memory_space<semaphore_mem>>) src(%dma_wait3A_302 : memref<10000x128xf32, #tpu.memory_space<hbm>>) dst(%arg15 : memref<125x128xf32, #tpu.memory_space<vmem>>)
        %dma_start3A_303 = arith.constant 1 : i32
        %dma_start3A_304 = arith.constant 0 : i32
        %dma_start3A_305 = tpu.memref_slice %arg13[%dma_start3A_303, %dma_start3A_304] : memref<8x125xi32, #tpu.memory_space<vmem>> -> memref<1x125xi32, #tpu.memory_space<vmem>>
        %dma_start3A_306 = tpu.memref_squeeze %dma_start3A_305 : memref<1x125xi32, #tpu.memory_space<vmem>> -> memref<125xi32, #tpu.memory_space<vmem>>
        %dma_start3A_307 = arith.constant 0 : i32
        %dma_start3A_308 = arith.constant 0 : i32
        %dma_start3A_309 = tpu.memref_slice %arg16[%dma_start3A_307, %dma_start3A_308] : memref<10240x128xf32, #tpu.memory_space<vmem_shared>> -> memref<10240x128xf32, #tpu.memory_space<vmem_shared>>
        tpu.enqueue_indirect_dma source(%arg15 : memref<125x128xf32, #tpu.memory_space<vmem>>) target(%dma_start3A_309 : memref<10240x128xf32, #tpu.memory_space<vmem_shared>>) offsets(%dma_start3A_306 : memref<125xi32, #tpu.memory_space<vmem>>) semaphore(%arg20 : memref<!tpu.dma_semaphore, #tpu.memory_space<semaphore_mem>>) {add = true}
        %add3A_310 = arith.constant 1 : i32
        %add3A_311 = arith.addi %add3A_269, %add3A_310 : i32
        %lt3A_312 = arith.constant 20 : i32
        %lt3A_313 = arith.cmpi slt, %add3A_311, %lt3A_312 : i32
        %convert_element_type3A_314 = arith.extui %lt3A_313 : i1 to i32
        %cond3A_315 = arith.constant 0 : i32
        %cond3A_316 = arith.cmpi ne, %convert_element_type3A_314, %cond3A_315 : i32
        scf.if %cond3A_316 {
          %add3A_499 = arith.constant 1 : i32
          %add3A_500 = arith.addi %add3A_269, %add3A_499 : i32
          %mul3A_501 = arith.constant 8 : i32
          %mul3A_502 = arith.muli %add3A_500, %mul3A_501 : i32
          %dma_start3A_503 = arith.constant 0 : i32
          %dma_start3A_504 = tpu.memref_slice %arg6[%arg1, %mul3A_502, %dma_start3A_503] : memref<16x160x125xi32, #tpu.memory_space<hbm>> -> memref<1x8x125xi32, #tpu.memory_space<hbm>>
          %dma_start3A_505 = tpu.memref_squeeze %dma_start3A_504 : memref<1x8x125xi32, #tpu.memory_space<hbm>> -> memref<8x125xi32, #tpu.memory_space<hbm>>
          %dma_start3A_506 = arith.constant 0 : i32
          %dma_start3A_507 = tpu.memref_slice %arg6[%arg1, %mul3A_502, %dma_start3A_506] : memref<16x160x125xi32, #tpu.memory_space<hbm>> -> memref<1x8x125xi32, #tpu.memory_space<hbm>>
          %dma_start3A_508 = tpu.memref_squeeze %dma_start3A_507 : memref<1x8x125xi32, #tpu.memory_space<hbm>> -> memref<8x125xi32, #tpu.memory_space<hbm>>
          tpu.enqueue_dma source(%dma_start3A_508 : memref<8x125xi32, #tpu.memory_space<hbm>>) target(%arg10 : memref<8x125xi32, #tpu.memory_space<vmem>>) target_semaphore(%arg21 : memref<!tpu.dma_semaphore, #tpu.memory_space<semaphore_mem>>)
          %add3A_509 = arith.constant 1 : i32
          %add3A_510 = arith.addi %add3A_269, %add3A_509 : i32
          %mul3A_511 = arith.constant 8 : i32
          %mul3A_512 = arith.muli %add3A_510, %mul3A_511 : i32
          %dma_start3A_513 = arith.constant 0 : i32
          %dma_start3A_514 = tpu.memref_slice %arg7[%arg1, %mul3A_512, %dma_start3A_513] : memref<16x160x125xi32, #tpu.memory_space<hbm>> -> memref<1x8x125xi32, #tpu.memory_space<hbm>>
          %dma_start3A_515 = tpu.memref_squeeze %dma_start3A_514 : memref<1x8x125xi32, #tpu.memory_space<hbm>> -> memref<8x125xi32, #tpu.memory_space<hbm>>
          %dma_start3A_516 = arith.constant 0 : i32
          %dma_start3A_517 = tpu.memref_slice %arg7[%arg1, %mul3A_512, %dma_start3A_516] : memref<16x160x125xi32, #tpu.memory_space<hbm>> -> memref<1x8x125xi32, #tpu.memory_space<hbm>>
          %dma_start3A_518 = tpu.memref_squeeze %dma_start3A_517 : memref<1x8x125xi32, #tpu.memory_space<hbm>> -> memref<8x125xi32, #tpu.memory_space<hbm>>
          tpu.enqueue_dma source(%dma_start3A_518 : memref<8x125xi32, #tpu.memory_space<hbm>>) target(%arg12 : memref<8x125xi32, #tpu.memory_space<vmem>>) target_semaphore(%arg23 : memref<!tpu.dma_semaphore, #tpu.memory_space<semaphore_mem>>)
        } else {
        }
        %dma_wait3A_317 = arith.constant 1 : i32
        %dma_wait3A_318 = arith.constant 0 : i32
        %dma_wait3A_319 = tpu.memref_slice %arg13[%dma_wait3A_317, %dma_wait3A_318] : memref<8x125xi32, #tpu.memory_space<vmem>> -> memref<1x125xi32, #tpu.memory_space<vmem>>
        %dma_wait3A_320 = tpu.memref_squeeze %dma_wait3A_319 : memref<1x125xi32, #tpu.memory_space<vmem>> -> memref<125xi32, #tpu.memory_space<vmem>>
        %dma_wait3A_321 = arith.constant 0 : i32
        %dma_wait3A_322 = arith.constant 0 : i32
        %dma_wait3A_323 = tpu.memref_slice %arg16[%dma_wait3A_321, %dma_wait3A_322] : memref<10240x128xf32, #tpu.memory_space<vmem_shared>> -> memref<10240x128xf32, #tpu.memory_space<vmem_shared>>
        tpu.wait_indirect_dma semaphore(%arg19 : memref<!tpu.dma_semaphore, #tpu.memory_space<semaphore_mem>>) src(%arg14 : memref<125x128xf32, #tpu.memory_space<vmem>>) dst(%dma_wait3A_323 : memref<10240x128xf32, #tpu.memory_space<vmem_shared>>)
        %dma_start3A_324 = arith.constant 2 : i32
        %dma_start3A_325 = arith.constant 0 : i32
        %dma_start3A_326 = tpu.memref_slice %arg11[%dma_start3A_324, %dma_start3A_325] : memref<8x125xi32, #tpu.memory_space<vmem>> -> memref<1x125xi32, #tpu.memory_space<vmem>>
        %dma_start3A_327 = tpu.memref_squeeze %dma_start3A_326 : memref<1x125xi32, #tpu.memory_space<vmem>> -> memref<125xi32, #tpu.memory_space<vmem>>
        %dma_start3A_328 = arith.constant 0 : i32
        %dma_start3A_329 = arith.constant 0 : i32
        %dma_start3A_330 = tpu.memref_slice %arg3[%dma_start3A_328, %dma_start3A_329] : memref<10000x128xf32, #tpu.memory_space<hbm>> -> memref<10000x128xf32, #tpu.memory_space<hbm>>
        tpu.enqueue_indirect_dma source(%dma_start3A_330 : memref<10000x128xf32, #tpu.memory_space<hbm>>) target(%arg14 : memref<125x128xf32, #tpu.memory_space<vmem>>) offsets(%dma_start3A_327 : memref<125xi32, #tpu.memory_space<vmem>>) semaphore(%arg17 : memref<!tpu.dma_semaphore, #tpu.memory_space<semaphore_mem>>)
        %dma_wait3A_331 = arith.constant 2 : i32
        %dma_wait3A_332 = arith.constant 0 : i32
        %dma_wait3A_333 = tpu.memref_slice %arg11[%dma_wait3A_331, %dma_wait3A_332] : memref<8x125xi32, #tpu.memory_space<vmem>> -> memref<1x125xi32, #tpu.memory_space<vmem>>
        %dma_wait3A_334 = tpu.memref_squeeze %dma_wait3A_333 : memref<1x125xi32, #tpu.memory_space<vmem>> -> memref<125xi32, #tpu.memory_space<vmem>>
        %dma_wait3A_335 = arith.constant 0 : i32
        %dma_wait3A_336 = arith.constant 0 : i32
        %dma_wait3A_337 = tpu.memref_slice %arg3[%dma_wait3A_335, %dma_wait3A_336] : memref<10000x128xf32, #tpu.memory_space<hbm>> -> memref<10000x128xf32, #tpu.memory_space<hbm>>
        tpu.wait_indirect_dma semaphore(%arg17 : memref<!tpu.dma_semaphore, #tpu.memory_space<semaphore_mem>>) src(%dma_wait3A_337 : memref<10000x128xf32, #tpu.memory_space<hbm>>) dst(%arg14 : memref<125x128xf32, #tpu.memory_space<vmem>>)
        %dma_start3A_338 = arith.constant 2 : i32
        %dma_start3A_339 = arith.constant 0 : i32
        %dma_start3A_340 = tpu.memref_slice %arg13[%dma_start3A_338, %dma_start3A_339] : memref<8x125xi32, #tpu.memory_space<vmem>> -> memref<1x125xi32, #tpu.memory_space<vmem>>
        %dma_start3A_341 = tpu.memref_squeeze %dma_start3A_340 : memref<1x125xi32, #tpu.memory_space<vmem>> -> memref<125xi32, #tpu.memory_space<vmem>>
        %dma_start3A_342 = arith.constant 0 : i32
        %dma_start3A_343 = arith.constant 0 : i32
        %dma_start3A_344 = tpu.memref_slice %arg16[%dma_start3A_342, %dma_start3A_343] : memref<10240x128xf32, #tpu.memory_space<vmem_shared>> -> memref<10240x128xf32, #tpu.memory_space<vmem_shared>>
        tpu.enqueue_indirect_dma source(%arg14 : memref<125x128xf32, #tpu.memory_space<vmem>>) target(%dma_start3A_344 : memref<10240x128xf32, #tpu.memory_space<vmem_shared>>) offsets(%dma_start3A_341 : memref<125xi32, #tpu.memory_space<vmem>>) semaphore(%arg19 : memref<!tpu.dma_semaphore, #tpu.memory_space<semaphore_mem>>) {add = true}
        %dma_wait3A_345 = arith.constant 2 : i32
        %dma_wait3A_346 = arith.constant 0 : i32
        %dma_wait3A_347 = tpu.memref_slice %arg13[%dma_wait3A_345, %dma_wait3A_346] : memref<8x125xi32, #tpu.memory_space<vmem>> -> memref<1x125xi32, #tpu.memory_space<vmem>>
        %dma_wait3A_348 = tpu.memref_squeeze %dma_wait3A_347 : memref<1x125xi32, #tpu.memory_space<vmem>> -> memref<125xi32, #tpu.memory_space<vmem>>
        %dma_wait3A_349 = arith.constant 0 : i32
        %dma_wait3A_350 = arith.constant 0 : i32
        %dma_wait3A_351 = tpu.memref_slice %arg16[%dma_wait3A_349, %dma_wait3A_350] : memref<10240x128xf32, #tpu.memory_space<vmem_shared>> -> memref<10240x128xf32, #tpu.memory_space<vmem_shared>>
        tpu.wait_indirect_dma semaphore(%arg20 : memref<!tpu.dma_semaphore, #tpu.memory_space<semaphore_mem>>) src(%arg15 : memref<125x128xf32, #tpu.memory_space<vmem>>) dst(%dma_wait3A_351 : memref<10240x128xf32, #tpu.memory_space<vmem_shared>>)
        %dma_start3A_352 = arith.constant 3 : i32
        %dma_start3A_353 = arith.constant 0 : i32
        %dma_start3A_354 = tpu.memref_slice %arg11[%dma_start3A_352, %dma_start3A_353] : memref<8x125xi32, #tpu.memory_space<vmem>> -> memref<1x125xi32, #tpu.memory_space<vmem>>
        %dma_start3A_355 = tpu.memref_squeeze %dma_start3A_354 : memref<1x125xi32, #tpu.memory_space<vmem>> -> memref<125xi32, #tpu.memory_space<vmem>>
        %dma_start3A_356 = arith.constant 0 : i32
        %dma_start3A_357 = arith.constant 0 : i32
        %dma_start3A_358 = tpu.memref_slice %arg3[%dma_start3A_356, %dma_start3A_357] : memref<10000x128xf32, #tpu.memory_space<hbm>> -> memref<10000x128xf32, #tpu.memory_space<hbm>>
        tpu.enqueue_indirect_dma source(%dma_start3A_358 : memref<10000x128xf32, #tpu.memory_space<hbm>>) target(%arg15 : memref<125x128xf32, #tpu.memory_space<vmem>>) offsets(%dma_start3A_355 : memref<125xi32, #tpu.memory_space<vmem>>) semaphore(%arg18 : memref<!tpu.dma_semaphore, #tpu.memory_space<semaphore_mem>>)
        %dma_wait3A_359 = arith.constant 3 : i32
        %dma_wait3A_360 = arith.constant 0 : i32
        %dma_wait3A_361 = tpu.memref_slice %arg11[%dma_wait3A_359, %dma_wait3A_360] : memref<8x125xi32, #tpu.memory_space<vmem>> -> memref<1x125xi32, #tpu.memory_space<vmem>>
        %dma_wait3A_362 = tpu.memref_squeeze %dma_wait3A_361 : memref<1x125xi32, #tpu.memory_space<vmem>> -> memref<125xi32, #tpu.memory_space<vmem>>
        %dma_wait3A_363 = arith.constant 0 : i32
        %dma_wait3A_364 = arith.constant 0 : i32
        %dma_wait3A_365 = tpu.memref_slice %arg3[%dma_wait3A_363, %dma_wait3A_364] : memref<10000x128xf32, #tpu.memory_space<hbm>> -> memref<10000x128xf32, #tpu.memory_space<hbm>>
        tpu.wait_indirect_dma semaphore(%arg18 : memref<!tpu.dma_semaphore, #tpu.memory_space<semaphore_mem>>) src(%dma_wait3A_365 : memref<10000x128xf32, #tpu.memory_space<hbm>>) dst(%arg15 : memref<125x128xf32, #tpu.memory_space<vmem>>)
        %dma_start3A_366 = arith.constant 3 : i32
        %dma_start3A_367 = arith.constant 0 : i32
        %dma_start3A_368 = tpu.memref_slice %arg13[%dma_start3A_366, %dma_start3A_367] : memref<8x125xi32, #tpu.memory_space<vmem>> -> memref<1x125xi32, #tpu.memory_space<vmem>>
        %dma_start3A_369 = tpu.memref_squeeze %dma_start3A_368 : memref<1x125xi32, #tpu.memory_space<vmem>> -> memref<125xi32, #tpu.memory_space<vmem>>
        %dma_start3A_370 = arith.constant 0 : i32
        %dma_start3A_371 = arith.constant 0 : i32
        %dma_start3A_372 = tpu.memref_slice %arg16[%dma_start3A_370, %dma_start3A_371] : memref<10240x128xf32, #tpu.memory_space<vmem_shared>> -> memref<10240x128xf32, #tpu.memory_space<vmem_shared>>
        tpu.enqueue_indirect_dma source(%arg15 : memref<125x128xf32, #tpu.memory_space<vmem>>) target(%dma_start3A_372 : memref<10240x128xf32, #tpu.memory_space<vmem_shared>>) offsets(%dma_start3A_369 : memref<125xi32, #tpu.memory_space<vmem>>) semaphore(%arg20 : memref<!tpu.dma_semaphore, #tpu.memory_space<semaphore_mem>>) {add = true}
        %dma_wait3A_373 = arith.constant 3 : i32
        %dma_wait3A_374 = arith.constant 0 : i32
        %dma_wait3A_375 = tpu.memref_slice %arg13[%dma_wait3A_373, %dma_wait3A_374] : memref<8x125xi32, #tpu.memory_space<vmem>> -> memref<1x125xi32, #tpu.memory_space<vmem>>
        %dma_wait3A_376 = tpu.memref_squeeze %dma_wait3A_375 : memref<1x125xi32, #tpu.memory_space<vmem>> -> memref<125xi32, #tpu.memory_space<vmem>>
        %dma_wait3A_377 = arith.constant 0 : i32
        %dma_wait3A_378 = arith.constant 0 : i32
        %dma_wait3A_379 = tpu.memref_slice %arg16[%dma_wait3A_377, %dma_wait3A_378] : memref<10240x128xf32, #tpu.memory_space<vmem_shared>> -> memref<10240x128xf32, #tpu.memory_space<vmem_shared>>
        tpu.wait_indirect_dma semaphore(%arg19 : memref<!tpu.dma_semaphore, #tpu.memory_space<semaphore_mem>>) src(%arg14 : memref<125x128xf32, #tpu.memory_space<vmem>>) dst(%dma_wait3A_379 : memref<10240x128xf32, #tpu.memory_space<vmem_shared>>)
        %dma_start3A_380 = arith.constant 4 : i32
        %dma_start3A_381 = arith.constant 0 : i32
        %dma_start3A_382 = tpu.memref_slice %arg11[%dma_start3A_380, %dma_start3A_381] : memref<8x125xi32, #tpu.memory_space<vmem>> -> memref<1x125xi32, #tpu.memory_space<vmem>>
        %dma_start3A_383 = tpu.memref_squeeze %dma_start3A_382 : memref<1x125xi32, #tpu.memory_space<vmem>> -> memref<125xi32, #tpu.memory_space<vmem>>
        %dma_start3A_384 = arith.constant 0 : i32
        %dma_start3A_385 = arith.constant 0 : i32
        %dma_start3A_386 = tpu.memref_slice %arg3[%dma_start3A_384, %dma_start3A_385] : memref<10000x128xf32, #tpu.memory_space<hbm>> -> memref<10000x128xf32, #tpu.memory_space<hbm>>
        tpu.enqueue_indirect_dma source(%dma_start3A_386 : memref<10000x128xf32, #tpu.memory_space<hbm>>) target(%arg14 : memref<125x128xf32, #tpu.memory_space<vmem>>) offsets(%dma_start3A_383 : memref<125xi32, #tpu.memory_space<vmem>>) semaphore(%arg17 : memref<!tpu.dma_semaphore, #tpu.memory_space<semaphore_mem>>)
        %dma_wait3A_387 = arith.constant 4 : i32
        %dma_wait3A_388 = arith.constant 0 : i32
        %dma_wait3A_389 = tpu.memref_slice %arg11[%dma_wait3A_387, %dma_wait3A_388] : memref<8x125xi32, #tpu.memory_space<vmem>> -> memref<1x125xi32, #tpu.memory_space<vmem>>
        %dma_wait3A_390 = tpu.memref_squeeze %dma_wait3A_389 : memref<1x125xi32, #tpu.memory_space<vmem>> -> memref<125xi32, #tpu.memory_space<vmem>>
        %dma_wait3A_391 = arith.constant 0 : i32
        %dma_wait3A_392 = arith.constant 0 : i32
        %dma_wait3A_393 = tpu.memref_slice %arg3[%dma_wait3A_391, %dma_wait3A_392] : memref<10000x128xf32, #tpu.memory_space<hbm>> -> memref<10000x128xf32, #tpu.memory_space<hbm>>
        tpu.wait_indirect_dma semaphore(%arg17 : memref<!tpu.dma_semaphore, #tpu.memory_space<semaphore_mem>>) src(%dma_wait3A_393 : memref<10000x128xf32, #tpu.memory_space<hbm>>) dst(%arg14 : memref<125x128xf32, #tpu.memory_space<vmem>>)
        %dma_start3A_394 = arith.constant 4 : i32
        %dma_start3A_395 = arith.constant 0 : i32
        %dma_start3A_396 = tpu.memref_slice %arg13[%dma_start3A_394, %dma_start3A_395] : memref<8x125xi32, #tpu.memory_space<vmem>> -> memref<1x125xi32, #tpu.memory_space<vmem>>
        %dma_start3A_397 = tpu.memref_squeeze %dma_start3A_396 : memref<1x125xi32, #tpu.memory_space<vmem>> -> memref<125xi32, #tpu.memory_space<vmem>>
        %dma_start3A_398 = arith.constant 0 : i32
        %dma_start3A_399 = arith.constant 0 : i32
        %dma_start3A_400 = tpu.memref_slice %arg16[%dma_start3A_398, %dma_start3A_399] : memref<10240x128xf32, #tpu.memory_space<vmem_shared>> -> memref<10240x128xf32, #tpu.memory_space<vmem_shared>>
        tpu.enqueue_indirect_dma source(%arg14 : memref<125x128xf32, #tpu.memory_space<vmem>>) target(%dma_start3A_400 : memref<10240x128xf32, #tpu.memory_space<vmem_shared>>) offsets(%dma_start3A_397 : memref<125xi32, #tpu.memory_space<vmem>>) semaphore(%arg19 : memref<!tpu.dma_semaphore, #tpu.memory_space<semaphore_mem>>) {add = true}
        %dma_wait3A_401 = arith.constant 4 : i32
        %dma_wait3A_402 = arith.constant 0 : i32
        %dma_wait3A_403 = tpu.memref_slice %arg13[%dma_wait3A_401, %dma_wait3A_402] : memref<8x125xi32, #tpu.memory_space<vmem>> -> memref<1x125xi32, #tpu.memory_space<vmem>>
        %dma_wait3A_404 = tpu.memref_squeeze %dma_wait3A_403 : memref<1x125xi32, #tpu.memory_space<vmem>> -> memref<125xi32, #tpu.memory_space<vmem>>
        %dma_wait3A_405 = arith.constant 0 : i32
        %dma_wait3A_406 = arith.constant 0 : i32
        %dma_wait3A_407 = tpu.memref_slice %arg16[%dma_wait3A_405, %dma_wait3A_406] : memref<10240x128xf32, #tpu.memory_space<vmem_shared>> -> memref<10240x128xf32, #tpu.memory_space<vmem_shared>>
        tpu.wait_indirect_dma semaphore(%arg20 : memref<!tpu.dma_semaphore, #tpu.memory_space<semaphore_mem>>) src(%arg15 : memref<125x128xf32, #tpu.memory_space<vmem>>) dst(%dma_wait3A_407 : memref<10240x128xf32, #tpu.memory_space<vmem_shared>>)
        %dma_start3A_408 = arith.constant 5 : i32
        %dma_start3A_409 = arith.constant 0 : i32
        %dma_start3A_410 = tpu.memref_slice %arg11[%dma_start3A_408, %dma_start3A_409] : memref<8x125xi32, #tpu.memory_space<vmem>> -> memref<1x125xi32, #tpu.memory_space<vmem>>
        %dma_start3A_411 = tpu.memref_squeeze %dma_start3A_410 : memref<1x125xi32, #tpu.memory_space<vmem>> -> memref<125xi32, #tpu.memory_space<vmem>>
        %dma_start3A_412 = arith.constant 0 : i32
        %dma_start3A_413 = arith.constant 0 : i32
        %dma_start3A_414 = tpu.memref_slice %arg3[%dma_start3A_412, %dma_start3A_413] : memref<10000x128xf32, #tpu.memory_space<hbm>> -> memref<10000x128xf32, #tpu.memory_space<hbm>>
        tpu.enqueue_indirect_dma source(%dma_start3A_414 : memref<10000x128xf32, #tpu.memory_space<hbm>>) target(%arg15 : memref<125x128xf32, #tpu.memory_space<vmem>>) offsets(%dma_start3A_411 : memref<125xi32, #tpu.memory_space<vmem>>) semaphore(%arg18 : memref<!tpu.dma_semaphore, #tpu.memory_space<semaphore_mem>>)
        %dma_wait3A_415 = arith.constant 5 : i32
        %dma_wait3A_416 = arith.constant 0 : i32
        %dma_wait3A_417 = tpu.memref_slice %arg11[%dma_wait3A_415, %dma_wait3A_416] : memref<8x125xi32, #tpu.memory_space<vmem>> -> memref<1x125xi32, #tpu.memory_space<vmem>>
        %dma_wait3A_418 = tpu.memref_squeeze %dma_wait3A_417 : memref<1x125xi32, #tpu.memory_space<vmem>> -> memref<125xi32, #tpu.memory_space<vmem>>
        %dma_wait3A_419 = arith.constant 0 : i32
        %dma_wait3A_420 = arith.constant 0 : i32
        %dma_wait3A_421 = tpu.memref_slice %arg3[%dma_wait3A_419, %dma_wait3A_420] : memref<10000x128xf32, #tpu.memory_space<hbm>> -> memref<10000x128xf32, #tpu.memory_space<hbm>>
        tpu.wait_indirect_dma semaphore(%arg18 : memref<!tpu.dma_semaphore, #tpu.memory_space<semaphore_mem>>) src(%dma_wait3A_421 : memref<10000x128xf32, #tpu.memory_space<hbm>>) dst(%arg15 : memref<125x128xf32, #tpu.memory_space<vmem>>)
        %dma_start3A_422 = arith.constant 5 : i32
        %dma_start3A_423 = arith.constant 0 : i32
        %dma_start3A_424 = tpu.memref_slice %arg13[%dma_start3A_422, %dma_start3A_423] : memref<8x125xi32, #tpu.memory_space<vmem>> -> memref<1x125xi32, #tpu.memory_space<vmem>>
        %dma_start3A_425 = tpu.memref_squeeze %dma_start3A_424 : memref<1x125xi32, #tpu.memory_space<vmem>> -> memref<125xi32, #tpu.memory_space<vmem>>
        %dma_start3A_426 = arith.constant 0 : i32
        %dma_start3A_427 = arith.constant 0 : i32
        %dma_start3A_428 = tpu.memref_slice %arg16[%dma_start3A_426, %dma_start3A_427] : memref<10240x128xf32, #tpu.memory_space<vmem_shared>> -> memref<10240x128xf32, #tpu.memory_space<vmem_shared>>
        tpu.enqueue_indirect_dma source(%arg15 : memref<125x128xf32, #tpu.memory_space<vmem>>) target(%dma_start3A_428 : memref<10240x128xf32, #tpu.memory_space<vmem_shared>>) offsets(%dma_start3A_425 : memref<125xi32, #tpu.memory_space<vmem>>) semaphore(%arg20 : memref<!tpu.dma_semaphore, #tpu.memory_space<semaphore_mem>>) {add = true}
        %dma_wait3A_429 = arith.constant 5 : i32
        %dma_wait3A_430 = arith.constant 0 : i32
        %dma_wait3A_431 = tpu.memref_slice %arg13[%dma_wait3A_429, %dma_wait3A_430] : memref<8x125xi32, #tpu.memory_space<vmem>> -> memref<1x125xi32, #tpu.memory_space<vmem>>
        %dma_wait3A_432 = tpu.memref_squeeze %dma_wait3A_431 : memref<1x125xi32, #tpu.memory_space<vmem>> -> memref<125xi32, #tpu.memory_space<vmem>>
        %dma_wait3A_433 = arith.constant 0 : i32
        %dma_wait3A_434 = arith.constant 0 : i32
        %dma_wait3A_435 = tpu.memref_slice %arg16[%dma_wait3A_433, %dma_wait3A_434] : memref<10240x128xf32, #tpu.memory_space<vmem_shared>> -> memref<10240x128xf32, #tpu.memory_space<vmem_shared>>
        tpu.wait_indirect_dma semaphore(%arg19 : memref<!tpu.dma_semaphore, #tpu.memory_space<semaphore_mem>>) src(%arg14 : memref<125x128xf32, #tpu.memory_space<vmem>>) dst(%dma_wait3A_435 : memref<10240x128xf32, #tpu.memory_space<vmem_shared>>)
        %dma_start3A_436 = arith.constant 6 : i32
        %dma_start3A_437 = arith.constant 0 : i32
        %dma_start3A_438 = tpu.memref_slice %arg11[%dma_start3A_436, %dma_start3A_437] : memref<8x125xi32, #tpu.memory_space<vmem>> -> memref<1x125xi32, #tpu.memory_space<vmem>>
        %dma_start3A_439 = tpu.memref_squeeze %dma_start3A_438 : memref<1x125xi32, #tpu.memory_space<vmem>> -> memref<125xi32, #tpu.memory_space<vmem>>
        %dma_start3A_440 = arith.constant 0 : i32
        %dma_start3A_441 = arith.constant 0 : i32
        %dma_start3A_442 = tpu.memref_slice %arg3[%dma_start3A_440, %dma_start3A_441] : memref<10000x128xf32, #tpu.memory_space<hbm>> -> memref<10000x128xf32, #tpu.memory_space<hbm>>
        tpu.enqueue_indirect_dma source(%dma_start3A_442 : memref<10000x128xf32, #tpu.memory_space<hbm>>) target(%arg14 : memref<125x128xf32, #tpu.memory_space<vmem>>) offsets(%dma_start3A_439 : memref<125xi32, #tpu.memory_space<vmem>>) semaphore(%arg17 : memref<!tpu.dma_semaphore, #tpu.memory_space<semaphore_mem>>)
        %dma_wait3A_443 = arith.constant 6 : i32
        %dma_wait3A_444 = arith.constant 0 : i32
        %dma_wait3A_445 = tpu.memref_slice %arg11[%dma_wait3A_443, %dma_wait3A_444] : memref<8x125xi32, #tpu.memory_space<vmem>> -> memref<1x125xi32, #tpu.memory_space<vmem>>
        %dma_wait3A_446 = tpu.memref_squeeze %dma_wait3A_445 : memref<1x125xi32, #tpu.memory_space<vmem>> -> memref<125xi32, #tpu.memory_space<vmem>>
        %dma_wait3A_447 = arith.constant 0 : i32
        %dma_wait3A_448 = arith.constant 0 : i32
        %dma_wait3A_449 = tpu.memref_slice %arg3[%dma_wait3A_447, %dma_wait3A_448] : memref<10000x128xf32, #tpu.memory_space<hbm>> -> memref<10000x128xf32, #tpu.memory_space<hbm>>
        tpu.wait_indirect_dma semaphore(%arg17 : memref<!tpu.dma_semaphore, #tpu.memory_space<semaphore_mem>>) src(%dma_wait3A_449 : memref<10000x128xf32, #tpu.memory_space<hbm>>) dst(%arg14 : memref<125x128xf32, #tpu.memory_space<vmem>>)
        %dma_start3A_450 = arith.constant 6 : i32
        %dma_start3A_451 = arith.constant 0 : i32
        %dma_start3A_452 = tpu.memref_slice %arg13[%dma_start3A_450, %dma_start3A_451] : memref<8x125xi32, #tpu.memory_space<vmem>> -> memref<1x125xi32, #tpu.memory_space<vmem>>
        %dma_start3A_453 = tpu.memref_squeeze %dma_start3A_452 : memref<1x125xi32, #tpu.memory_space<vmem>> -> memref<125xi32, #tpu.memory_space<vmem>>
        %dma_start3A_454 = arith.constant 0 : i32
        %dma_start3A_455 = arith.constant 0 : i32
        %dma_start3A_456 = tpu.memref_slice %arg16[%dma_start3A_454, %dma_start3A_455] : memref<10240x128xf32, #tpu.memory_space<vmem_shared>> -> memref<10240x128xf32, #tpu.memory_space<vmem_shared>>
        tpu.enqueue_indirect_dma source(%arg14 : memref<125x128xf32, #tpu.memory_space<vmem>>) target(%dma_start3A_456 : memref<10240x128xf32, #tpu.memory_space<vmem_shared>>) offsets(%dma_start3A_453 : memref<125xi32, #tpu.memory_space<vmem>>) semaphore(%arg19 : memref<!tpu.dma_semaphore, #tpu.memory_space<semaphore_mem>>) {add = true}
        %dma_wait3A_457 = arith.constant 6 : i32
        %dma_wait3A_458 = arith.constant 0 : i32
        %dma_wait3A_459 = tpu.memref_slice %arg13[%dma_wait3A_457, %dma_wait3A_458] : memref<8x125xi32, #tpu.memory_space<vmem>> -> memref<1x125xi32, #tpu.memory_space<vmem>>
        %dma_wait3A_460 = tpu.memref_squeeze %dma_wait3A_459 : memref<1x125xi32, #tpu.memory_space<vmem>> -> memref<125xi32, #tpu.memory_space<vmem>>
        %dma_wait3A_461 = arith.constant 0 : i32
        %dma_wait3A_462 = arith.constant 0 : i32
        %dma_wait3A_463 = tpu.memref_slice %arg16[%dma_wait3A_461, %dma_wait3A_462] : memref<10240x128xf32, #tpu.memory_space<vmem_shared>> -> memref<10240x128xf32, #tpu.memory_space<vmem_shared>>
        tpu.wait_indirect_dma semaphore(%arg20 : memref<!tpu.dma_semaphore, #tpu.memory_space<semaphore_mem>>) src(%arg15 : memref<125x128xf32, #tpu.memory_space<vmem>>) dst(%dma_wait3A_463 : memref<10240x128xf32, #tpu.memory_space<vmem_shared>>)
        %dma_start3A_464 = arith.constant 7 : i32
        %dma_start3A_465 = arith.constant 0 : i32
        %dma_start3A_466 = tpu.memref_slice %arg11[%dma_start3A_464, %dma_start3A_465] : memref<8x125xi32, #tpu.memory_space<vmem>> -> memref<1x125xi32, #tpu.memory_space<vmem>>
        %dma_start3A_467 = tpu.memref_squeeze %dma_start3A_466 : memref<1x125xi32, #tpu.memory_space<vmem>> -> memref<125xi32, #tpu.memory_space<vmem>>
        %dma_start3A_468 = arith.constant 0 : i32
        %dma_start3A_469 = arith.constant 0 : i32
        %dma_start3A_470 = tpu.memref_slice %arg3[%dma_start3A_468, %dma_start3A_469] : memref<10000x128xf32, #tpu.memory_space<hbm>> -> memref<10000x128xf32, #tpu.memory_space<hbm>>
        tpu.enqueue_indirect_dma source(%dma_start3A_470 : memref<10000x128xf32, #tpu.memory_space<hbm>>) target(%arg15 : memref<125x128xf32, #tpu.memory_space<vmem>>) offsets(%dma_start3A_467 : memref<125xi32, #tpu.memory_space<vmem>>) semaphore(%arg18 : memref<!tpu.dma_semaphore, #tpu.memory_space<semaphore_mem>>)
        %dma_wait3A_471 = arith.constant 7 : i32
        %dma_wait3A_472 = arith.constant 0 : i32
        %dma_wait3A_473 = tpu.memref_slice %arg11[%dma_wait3A_471, %dma_wait3A_472] : memref<8x125xi32, #tpu.memory_space<vmem>> -> memref<1x125xi32, #tpu.memory_space<vmem>>
        %dma_wait3A_474 = tpu.memref_squeeze %dma_wait3A_473 : memref<1x125xi32, #tpu.memory_space<vmem>> -> memref<125xi32, #tpu.memory_space<vmem>>
        %dma_wait3A_475 = arith.constant 0 : i32
        %dma_wait3A_476 = arith.constant 0 : i32
        %dma_wait3A_477 = tpu.memref_slice %arg3[%dma_wait3A_475, %dma_wait3A_476] : memref<10000x128xf32, #tpu.memory_space<hbm>> -> memref<10000x128xf32, #tpu.memory_space<hbm>>
        tpu.wait_indirect_dma semaphore(%arg18 : memref<!tpu.dma_semaphore, #tpu.memory_space<semaphore_mem>>) src(%dma_wait3A_477 : memref<10000x128xf32, #tpu.memory_space<hbm>>) dst(%arg15 : memref<125x128xf32, #tpu.memory_space<vmem>>)
        %dma_start3A_478 = arith.constant 7 : i32
        %dma_start3A_479 = arith.constant 0 : i32
        %dma_start3A_480 = tpu.memref_slice %arg13[%dma_start3A_478, %dma_start3A_479] : memref<8x125xi32, #tpu.memory_space<vmem>> -> memref<1x125xi32, #tpu.memory_space<vmem>>
        %dma_start3A_481 = tpu.memref_squeeze %dma_start3A_480 : memref<1x125xi32, #tpu.memory_space<vmem>> -> memref<125xi32, #tpu.memory_space<vmem>>
        %dma_start3A_482 = arith.constant 0 : i32
        %dma_start3A_483 = arith.constant 0 : i32
        %dma_start3A_484 = tpu.memref_slice %arg16[%dma_start3A_482, %dma_start3A_483] : memref<10240x128xf32, #tpu.memory_space<vmem_shared>> -> memref<10240x128xf32, #tpu.memory_space<vmem_shared>>
        tpu.enqueue_indirect_dma source(%arg15 : memref<125x128xf32, #tpu.memory_space<vmem>>) target(%dma_start3A_484 : memref<10240x128xf32, #tpu.memory_space<vmem_shared>>) offsets(%dma_start3A_481 : memref<125xi32, #tpu.memory_space<vmem>>) semaphore(%arg20 : memref<!tpu.dma_semaphore, #tpu.memory_space<semaphore_mem>>) {add = true}
        %dma_wait3A_485 = arith.constant 7 : i32
        %dma_wait3A_486 = arith.constant 0 : i32
        %dma_wait3A_487 = tpu.memref_slice %arg13[%dma_wait3A_485, %dma_wait3A_486] : memref<8x125xi32, #tpu.memory_space<vmem>> -> memref<1x125xi32, #tpu.memory_space<vmem>>
        %dma_wait3A_488 = tpu.memref_squeeze %dma_wait3A_487 : memref<1x125xi32, #tpu.memory_space<vmem>> -> memref<125xi32, #tpu.memory_space<vmem>>
        %dma_wait3A_489 = arith.constant 0 : i32
        %dma_wait3A_490 = arith.constant 0 : i32
        %dma_wait3A_491 = tpu.memref_slice %arg16[%dma_wait3A_489, %dma_wait3A_490] : memref<10240x128xf32, #tpu.memory_space<vmem_shared>> -> memref<10240x128xf32, #tpu.memory_space<vmem_shared>>
        tpu.wait_indirect_dma semaphore(%arg19 : memref<!tpu.dma_semaphore, #tpu.memory_space<semaphore_mem>>) src(%arg14 : memref<125x128xf32, #tpu.memory_space<vmem>>) dst(%dma_wait3A_491 : memref<10240x128xf32, #tpu.memory_space<vmem_shared>>)
        %add3A_492 = arith.constant 1 : i32
        %add3A_493 = arith.addi %add3A_269, %add3A_492 : i32
        %lt3A_494 = arith.constant 20 : i32
        %lt3A_495 = arith.cmpi slt, %add3A_493, %lt3A_494 : i32
        %convert_element_type3A_496 = arith.extui %lt3A_495 : i1 to i32
        %cond3A_497 = arith.constant 0 : i32
        %cond3A_498 = arith.cmpi ne, %convert_element_type3A_496, %cond3A_497 : i32
        scf.if %cond3A_498 {
          %add3A_499 = arith.constant 1 : i32
          %add3A_500 = arith.addi %add3A_269, %add3A_499 : i32
          %mul3A_501 = arith.constant 8 : i32
          %mul3A_502 = arith.muli %add3A_500, %mul3A_501 : i32
          %dma_wait3A_503 = arith.constant 0 : i32
          %dma_wait3A_504 = tpu.memref_slice %arg6[%arg1, %mul3A_502, %dma_wait3A_503] : memref<16x160x125xi32, #tpu.memory_space<hbm>> -> memref<1x8x125xi32, #tpu.memory_space<hbm>>
          %dma_wait3A_505 = tpu.memref_squeeze %dma_wait3A_504 : memref<1x8x125xi32, #tpu.memory_space<hbm>> -> memref<8x125xi32, #tpu.memory_space<hbm>>
          %dma_wait3A_506 = arith.constant 0 : i32
          %dma_wait3A_507 = tpu.memref_slice %arg6[%arg1, %mul3A_502, %dma_wait3A_506] : memref<16x160x125xi32, #tpu.memory_space<hbm>> -> memref<1x8x125xi32, #tpu.memory_space<hbm>>
          %dma_wait3A_508 = tpu.memref_squeeze %dma_wait3A_507 : memref<1x8x125xi32, #tpu.memory_space<hbm>> -> memref<8x125xi32, #tpu.memory_space<hbm>>
          tpu.wait_dma2 semaphore(%arg21 : memref<!tpu.dma_semaphore, #tpu.memory_space<semaphore_mem>>) src(%dma_wait3A_508 : memref<8x125xi32, #tpu.memory_space<hbm>>) dst(%arg10 : memref<8x125xi32, #tpu.memory_space<vmem>>)
          %add3A_509 = arith.constant 1 : i32
          %add3A_510 = arith.addi %add3A_269, %add3A_509 : i32
          %mul3A_511 = arith.constant 8 : i32
          %mul3A_512 = arith.muli %add3A_510, %mul3A_511 : i32
          %dma_wait3A_513 = arith.constant 0 : i32
          %dma_wait3A_514 = tpu.memref_slice %arg7[%arg1, %mul3A_512, %dma_wait3A_513] : memref<16x160x125xi32, #tpu.memory_space<hbm>> -> memref<1x8x125xi32, #tpu.memory_space<hbm>>
          %dma_wait3A_515 = tpu.memref_squeeze %dma_wait3A_514 : memref<1x8x125xi32, #tpu.memory_space<hbm>> -> memref<8x125xi32, #tpu.memory_space<hbm>>
          %dma_wait3A_516 = arith.constant 0 : i32
          %dma_wait3A_517 = tpu.memref_slice %arg7[%arg1, %mul3A_512, %dma_wait3A_516] : memref<16x160x125xi32, #tpu.memory_space<hbm>> -> memref<1x8x125xi32, #tpu.memory_space<hbm>>
          %dma_wait3A_518 = tpu.memref_squeeze %dma_wait3A_517 : memref<1x8x125xi32, #tpu.memory_space<hbm>> -> memref<8x125xi32, #tpu.memory_space<hbm>>
          tpu.wait_dma2 semaphore(%arg23 : memref<!tpu.dma_semaphore, #tpu.memory_space<semaphore_mem>>) src(%dma_wait3A_518 : memref<8x125xi32, #tpu.memory_space<hbm>>) dst(%arg12 : memref<8x125xi32, #tpu.memory_space<vmem>>)
          %dma_start3A_519 = arith.constant 0 : i32
          %dma_start3A_520 = arith.constant 0 : i32
          %dma_start3A_521 = tpu.memref_slice %arg10[%dma_start3A_519, %dma_start3A_520] : memref<8x125xi32, #tpu.memory_space<vmem>> -> memref<1x125xi32, #tpu.memory_space<vmem>>
          %dma_start3A_522 = tpu.memref_squeeze %dma_start3A_521 : memref<1x125xi32, #tpu.memory_space<vmem>> -> memref<125xi32, #tpu.memory_space<vmem>>
          %dma_start3A_523 = arith.constant 0 : i32
          %dma_start3A_524 = arith.constant 0 : i32
          %dma_start3A_525 = tpu.memref_slice %arg3[%dma_start3A_523, %dma_start3A_524] : memref<10000x128xf32, #tpu.memory_space<hbm>> -> memref<10000x128xf32, #tpu.memory_space<hbm>>
          tpu.enqueue_indirect_dma source(%dma_start3A_525 : memref<10000x128xf32, #tpu.memory_space<hbm>>) target(%arg14 : memref<125x128xf32, #tpu.memory_space<vmem>>) offsets(%dma_start3A_522 : memref<125xi32, #tpu.memory_space<vmem>>) semaphore(%arg17 : memref<!tpu.dma_semaphore, #tpu.memory_space<semaphore_mem>>)
        } else {
        }
      }
      %scan3A_26 = arith.constant 10 : i32
      %dma_wait3A = arith.constant 7 : i32
      %dma_wait3A_27 = arith.constant 0 : i32
      %dma_wait3A_28 = tpu.memref_slice %arg13[%dma_wait3A, %dma_wait3A_27] : memref<8x125xi32, #tpu.memory_space<vmem>> -> memref<1x125xi32, #tpu.memory_space<vmem>>
      %dma_wait3A_29 = tpu.memref_squeeze %dma_wait3A_28 : memref<1x125xi32, #tpu.memory_space<vmem>> -> memref<125xi32, #tpu.memory_space<vmem>>
      %dma_wait3A_30 = arith.constant 0 : i32
      %dma_wait3A_31 = arith.constant 0 : i32
      %dma_wait3A_32 = tpu.memref_slice %arg16[%dma_wait3A_30, %dma_wait3A_31] : memref<10240x128xf32, #tpu.memory_space<vmem_shared>> -> memref<10240x128xf32, #tpu.memory_space<vmem_shared>>
      tpu.wait_indirect_dma semaphore(%arg20 : memref<!tpu.dma_semaphore, #tpu.memory_space<semaphore_mem>>) src(%arg15 : memref<125x128xf32, #tpu.memory_space<vmem>>) dst(%dma_wait3A_32 : memref<10240x128xf32, #tpu.memory_space<vmem_shared>>)
      %barrier3A_33 = arith.constant 0 : index
      tpu.barrier barrier_id(%barrier3A_33)
      %mul3A = arith.constant 640 : i32
      %mul3A_34 = arith.muli %arg1, %mul3A : i32
      %mul3A_35 = arith.constant 640 : i32
      %mul3A_36 = arith.muli %arg1, %mul3A_35 : i32
      "tpu.region"() ({
        %run_scoped3A = tpu.sem_alloc : memref<!tpu.dma_semaphore, #tpu.memory_space<semaphore_mem>>
        %dma_start3A_37 = arith.constant 0 : i32
        %dma_start3A_38 = tpu.memref_slice %arg9[%mul3A_36, %dma_start3A_37] : memref<10240x128xf32, #tpu.memory_space<hbm>> -> memref<640x128xf32, #tpu.memory_space<hbm>>
        %dma_start3A_39 = arith.constant 0 : i32
        %dma_start3A_40 = tpu.memref_slice %arg16[%mul3A_34, %dma_start3A_39] : memref<10240x128xf32, #tpu.memory_space<vmem_shared>> -> memref<640x128xf32, #tpu.memory_space<vmem_shared>>
        tpu.enqueue_dma source(%dma_start3A_40 : memref<640x128xf32, #tpu.memory_space<vmem_shared>>) target(%dma_start3A_38 : memref<640x128xf32, #tpu.memory_space<hbm>>) target_semaphore(%run_scoped3A : memref<!tpu.dma_semaphore, #tpu.memory_space<semaphore_mem>>)
        %dma_wait3A_41 = arith.constant 0 : i32
        %dma_wait3A_42 = tpu.memref_slice %arg9[%mul3A_36, %dma_wait3A_41] : memref<10240x128xf32, #tpu.memory_space<hbm>> -> memref<640x128xf32, #tpu.memory_space<hbm>>
        %dma_wait3A_43 = arith.constant 0 : i32
        %dma_wait3A_44 = tpu.memref_slice %arg16[%mul3A_34, %dma_wait3A_43] : memref<10240x128xf32, #tpu.memory_space<vmem_shared>> -> memref<640x128xf32, #tpu.memory_space<vmem_shared>>
        tpu.wait_dma2 semaphore(%run_scoped3A : memref<!tpu.dma_semaphore, #tpu.memory_space<semaphore_mem>>) src(%dma_wait3A_44 : memref<640x128xf32, #tpu.memory_space<vmem_shared>>) dst(%dma_wait3A_42 : memref<640x128xf32, #tpu.memory_space<hbm>>)
        tpu.yield
      }) : () -> ()
    } else {
    }
    return
  }
}

module attributes {stable_mosaic.version = 14 : i64} {
  func.func @_prescale_body(%arg0: i32, %arg1: memref<400x128xf32, #tpu.memory_space<vmem>>, %arg2: memref<400x1xf32, #tpu.memory_space<vmem>>, %arg3: memref<400x1xf32, #tpu.memory_space<vmem>>, %arg4: memref<400x128xf32, #tpu.memory_space<vmem>>, %arg5: memref<400x128xf32, #tpu.memory_space<vmem>>) attributes {dimension_semantics = [#tpu.dimension_semantics<arbitrary>], iteration_bounds = array<i64: 25>, scalar_prefetch = 0 : i64, scratch_operands = 0 : i64, tpu.core_type = #tpu.core_type<tc>, window_params = [{transform_indices = @transform_0, window_bounds = array<i64: 400, 128>}, {transform_indices = @transform_1, window_bounds = array<i64: 400, 1>}, {transform_indices = @transform_2, window_bounds = array<i64: 400, 1>}, {transform_indices = @transform_3, window_bounds = array<i64: 400, 128>}, {transform_indices = @transform_4, window_bounds = array<i64: 400, 128>}]} {
    %get3A = arith.constant 0 : index
    %get3A_0 = arith.constant 0 : index
    %get3A_1 = vector.load %arg1[%get3A, %get3A_0] : memref<400x128xf32, #tpu.memory_space<vmem>>, vector<400x128xf32>
    %get3A_2 = arith.constant 0 : index
    %get3A_3 = arith.constant 0 : index
    %get3A_4 = vector.load %arg2[%get3A_2, %get3A_3] : memref<400x1xf32, #tpu.memory_space<vmem>>, vector<400x1xf32>
    %get3A_5 = arith.constant 0 : index
    %get3A_6 = arith.constant 0 : index
    %get3A_7 = vector.load %arg3[%get3A_5, %get3A_6] : memref<400x1xf32, #tpu.memory_space<vmem>>, vector<400x1xf32>
    %gt3A = arith.constant 0.000000e+00 : f32
    %gt3A_8 = vector.broadcast %gt3A : f32 to vector<400x1xf32>
    %gt3A_9 = arith.cmpf ogt, %get3A_4, %gt3A_8 : vector<400x1xf32>
    %rsqrt3A = math.rsqrt %get3A_4 : vector<400x1xf32>
    %jit3A = arith.constant 0.000000e+00 : f32
    %broadcast_in_dim3A = vector.broadcast %jit3A : f32 to vector<400x1xf32>
    %select_n3A = arith.select %gt3A_9, %rsqrt3A, %broadcast_in_dim3A : vector<400x1xi1>, vector<400x1xf32>
    %gt3A_10 = arith.constant 0.000000e+00 : f32
    %gt3A_11 = vector.broadcast %gt3A_10 : f32 to vector<400x1xf32>
    %gt3A_12 = arith.cmpf ogt, %get3A_7, %gt3A_11 : vector<400x1xf32>
    %rsqrt3A_13 = math.rsqrt %get3A_7 : vector<400x1xf32>
    %jit3A_14 = arith.constant 0.000000e+00 : f32
    %broadcast_in_dim3A_15 = vector.broadcast %jit3A_14 : f32 to vector<400x1xf32>
    %select_n3A_16 = arith.select %gt3A_12, %rsqrt3A_13, %broadcast_in_dim3A_15 : vector<400x1xi1>, vector<400x1xf32>
    %mul3A = vector.broadcast %select_n3A : vector<400x1xf32> to vector<400x128xf32>
    %mul3A_17 = arith.mulf %get3A_1, %mul3A : vector<400x128xf32>
    %swap3A = arith.constant 0 : index
    %swap3A_18 = arith.constant 0 : index
    %swap3A_19 = vector.load %arg4[%swap3A, %swap3A_18] : memref<400x128xf32, #tpu.memory_space<vmem>>, vector<400x128xf32>
    tpu.vector_store %arg4[%swap3A, %swap3A_18], %mul3A_17 {strides = array<i32>} : memref<400x128xf32, #tpu.memory_space<vmem>>, vector<400x128xf32>,
    %mul3A_20 = vector.broadcast %select_n3A_16 : vector<400x1xf32> to vector<400x128xf32>
    %mul3A_21 = arith.mulf %get3A_1, %mul3A_20 : vector<400x128xf32>
    %swap3A_22 = arith.constant 0 : index
    %swap3A_23 = arith.constant 0 : index
    %swap3A_24 = vector.load %arg5[%swap3A_22, %swap3A_23] : memref<400x128xf32, #tpu.memory_space<vmem>>, vector<400x128xf32>
    tpu.vector_store %arg5[%swap3A_22, %swap3A_23], %mul3A_21 {strides = array<i32>} : memref<400x128xf32, #tpu.memory_space<vmem>>, vector<400x128xf32>,
    return
  }
  func.func @transform_0(%arg0: i32) -> (i32, i32) {
    %c0_i32 = arith.constant 0 : i32
    %c0_i32_0 = arith.constant 0 : i32
    return %arg0, %c0_i32 : i32, i32
  }
  func.func @transform_1(%arg0: i32) -> (i32, i32) {
    %c0_i32 = arith.constant 0 : i32
    %c0_i32_0 = arith.constant 0 : i32
    return %arg0, %c0_i32 : i32, i32
  }
  func.func @transform_2(%arg0: i32) -> (i32, i32) {
    %c0_i32 = arith.constant 0 : i32
    %c0_i32_0 = arith.constant 0 : i32
    return %arg0, %c0_i32 : i32, i32
  }
  func.func @transform_3(%arg0: i32) -> (i32, i32) {
    %c0_i32 = arith.constant 0 : i32
    %c0_i32_0 = arith.constant 0 : i32
    return %arg0, %c0_i32 : i32, i32
  }
  func.func @transform_4(%arg0: i32) -> (i32, i32) {
    %c0_i32 = arith.constant 0 : i32
    %c0_i32_0 = arith.constant 0 : i32
    return %arg0, %c0_i32 : i32, i32
  }
}

module attributes {stable_mosaic.version = 14 : i64} {
  func.func @_attn_body(%arg0: i32, %arg1: i32, %arg2: memref<400x128xf32, #tpu.memory_space<vmem>>, %arg3: memref<400x128xf32, #tpu.memory_space<vmem>>, %arg4: memref<400x1xf32, #tpu.memory_space<vmem>>, %arg5: memref<400x1xf32, #tpu.memory_space<vmem>>, %arg6: memref<128x128xf32, #tpu.memory_space<vmem>>, %arg7: memref<1x128xf32, #tpu.memory_space<vmem>>, %arg8: memref<1x128xf32, #tpu.memory_space<vmem>>, %arg9: memref<400x128xf32, #tpu.memory_space<vmem>>, %arg10: memref<2x128xf32, #tpu.memory_space<vmem>>) attributes {dimension_semantics = [#tpu.dimension_semantics<arbitrary>, #tpu.dimension_semantics<arbitrary>], iteration_bounds = array<i64: 2, 25>, scalar_prefetch = 0 : i64, scratch_operands = 1 : i64, tpu.core_type = #tpu.core_type<tc>, window_params = [{transform_indices = @transform_0, window_bounds = array<i64: 400, 128>}, {transform_indices = @transform_1, window_bounds = array<i64: 400, 128>}, {transform_indices = @transform_2, window_bounds = array<i64: 400, 1>}, {transform_indices = @transform_3, window_bounds = array<i64: 400, 1>}, {pipeline_mode = #tpu.pipeline_mode<synchronous>, transform_indices = @transform_4, window_bounds = array<i64: 128, 128>}, {pipeline_mode = #tpu.pipeline_mode<synchronous>, transform_indices = @transform_5, window_bounds = array<i64: 1, 128>}, {pipeline_mode = #tpu.pipeline_mode<synchronous>, transform_indices = @transform_6, window_bounds = array<i64: 1, 128>}, {transform_indices = @transform_7, window_bounds = array<i64: 400, 128>}]} {
    %get3A = arith.constant 0 : index
    %get3A_0 = arith.constant 0 : index
    %get3A_1 = vector.load %arg4[%get3A, %get3A_0] : memref<400x1xf32, #tpu.memory_space<vmem>>, vector<400x1xf32>
    %get3A_2 = arith.constant 0 : index
    %get3A_3 = arith.constant 0 : index
    %get3A_4 = vector.load %arg5[%get3A_2, %get3A_3] : memref<400x1xf32, #tpu.memory_space<vmem>>, vector<400x1xf32>
    %gt3A = arith.constant 0.000000e+00 : f32
    %gt3A_5 = vector.broadcast %gt3A : f32 to vector<400x1xf32>
    %gt3A_6 = arith.cmpf ogt, %get3A_1, %gt3A_5 : vector<400x1xf32>
    %rsqrt3A = math.rsqrt %get3A_1 : vector<400x1xf32>
    %jit3A = arith.constant 0.000000e+00 : f32
    %broadcast_in_dim3A = vector.broadcast %jit3A : f32 to vector<400x1xf32>
    %select_n3A = arith.select %gt3A_6, %rsqrt3A, %broadcast_in_dim3A : vector<400x1xi1>, vector<400x1xf32>
    %gt3A_7 = arith.constant 0.000000e+00 : f32
    %gt3A_8 = vector.broadcast %gt3A_7 : f32 to vector<400x1xf32>
    %gt3A_9 = arith.cmpf ogt, %get3A_4, %gt3A_8 : vector<400x1xf32>
    %rsqrt3A_10 = math.rsqrt %get3A_4 : vector<400x1xf32>
    %jit3A_11 = arith.constant 0.000000e+00 : f32
    %broadcast_in_dim3A_12 = vector.broadcast %jit3A_11 : f32 to vector<400x1xf32>
    %select_n3A_13 = arith.select %gt3A_9, %rsqrt3A_10, %broadcast_in_dim3A_12 : vector<400x1xi1>, vector<400x1xf32>
    %get3A_14 = arith.constant 0 : index
    %get3A_15 = arith.constant 0 : index
    %get3A_16 = vector.load %arg2[%get3A_14, %get3A_15] : memref<400x128xf32, #tpu.memory_space<vmem>>, vector<400x128xf32>
    %mul3A = vector.broadcast %select_n3A : vector<400x1xf32> to vector<400x128xf32>
    %mul3A_17 = arith.mulf %get3A_16, %mul3A : vector<400x128xf32>
    %get3A_18 = arith.constant 0 : index
    %get3A_19 = arith.constant 0 : index
    %get3A_20 = vector.load %arg3[%get3A_18, %get3A_19] : memref<400x128xf32, #tpu.memory_space<vmem>>, vector<400x128xf32>
    %mul3A_21 = vector.broadcast %select_n3A_13 : vector<400x1xf32> to vector<400x128xf32>
    %mul3A_22 = arith.mulf %get3A_20, %mul3A_21 : vector<400x128xf32>
    %eq3A = arith.constant 0 : i32
    %eq3A_23 = arith.cmpi eq, %arg0, %eq3A : i32
    %eq3A_24 = arith.constant 0 : i32
    %eq3A_25 = arith.cmpi eq, %arg1, %eq3A_24 : i32
    %and3A = arith.andi %eq3A_23, %eq3A_25 : i1
    %convert_element_type3A = arith.extui %and3A : i1 to i32
    %cond3A = arith.constant 0 : i32
    %cond3A_26 = arith.cmpi ne, %convert_element_type3A, %cond3A : i32
    scf.if %cond3A_26 {
      %broadcast_in_dim3A_37 = arith.constant 0.000000e+00 : f32
      %broadcast_in_dim3A_38 = vector.broadcast %broadcast_in_dim3A_37 : f32 to vector<2x128xf32>
      %swap3A = arith.constant 0 : index
      %swap3A_39 = arith.constant 0 : index
      %swap3A_40 = vector.load %arg10[%swap3A, %swap3A_39] : memref<2x128xf32, #tpu.memory_space<vmem>>, vector<2x128xf32>
      tpu.vector_store %arg10[%swap3A, %swap3A_39], %broadcast_in_dim3A_38 {strides = array<i32>} : memref<2x128xf32, #tpu.memory_space<vmem>>, vector<2x128xf32>,
    } else {
    }
    %eq3A_27 = arith.constant 0 : i32
    %eq3A_28 = arith.cmpi eq, %arg0, %eq3A_27 : i32
    %convert_element_type3A_29 = arith.extui %eq3A_28 : i1 to i32
    %cond3A_30 = arith.constant 0 : i32
    %cond3A_31 = arith.cmpi ne, %convert_element_type3A_29, %cond3A_30 : i32
    scf.if %cond3A_31 {
      %get3A_37 = arith.constant 0 : index
      %get3A_38 = arith.constant 0 : index
      %get3A_39 = vector.load %arg6[%get3A_37, %get3A_38] : memref<128x128xf32, #tpu.memory_space<vmem>>, vector<128x128xf32>
      %get3A_40 = arith.constant 0 : index
      %get3A_41 = arith.constant 0 : index
      %get3A_42 = vector.load %arg7[%get3A_40, %get3A_41] : memref<1x128xf32, #tpu.memory_space<vmem>>, vector<1x128xf32>
      %get3A_43 = arith.constant 0 : index
      %get3A_44 = arith.constant 0 : index
      %get3A_45 = vector.load %arg8[%get3A_43, %get3A_44] : memref<1x128xf32, #tpu.memory_space<vmem>>, vector<1x128xf32>
      %dot_general3A = arith.constant dense<0.000000e+00> : vector<400x128xf32>
      %dot_general3A_46 = tpu.matmul %mul3A_17, %get3A_39, %dot_general3A {dimension_numbers = #tpu.dot_dimension_numbers<[1], [0], [0], [1], [0, 0, 1, 1], [], []>, transpose_lhs_hint = false} : vector<400x128xf32>, vector<128x128xf32>, vector<400x128xf32> -> vector<400x128xf32>
      %add3A = vector.broadcast %get3A_42 : vector<1x128xf32> to vector<400x128xf32>
      %add3A_47 = arith.addf %dot_general3A_46, %add3A : vector<400x128xf32>
      %tanh3A = math.tanh %add3A_47 : vector<400x128xf32>
      %mul3A_48 = vector.broadcast %get3A_45 : vector<1x128xf32> to vector<400x128xf32>
      %mul3A_49 = arith.mulf %tanh3A, %mul3A_48 : vector<400x128xf32>
      %reduce_sum3A = vector.shape_cast %mul3A_49 : vector<400x128xf32> to vector<1x400x128xf32>
      %reduce_sum3A_50 = arith.constant dense<0.000000e+00> : vector<1xf32>
      %reduce_sum3A_51 = vector.multi_reduction <add>, %reduce_sum3A, %reduce_sum3A_50 [1, 2] : vector<1x400x128xf32> to vector<1xf32>
      %reduce_sum3A_52 = vector.shape_cast %reduce_sum3A_51 : vector<1xf32> to vector<1x1x1xf32>
      %reduce_sum3A_53 = vector.extract %reduce_sum3A_52[0, 0, 0] : f32 from vector<1x1x1xf32>
      %dot_general3A_54 = arith.constant dense<0.000000e+00> : vector<400x128xf32>
      %dot_general3A_55 = tpu.matmul %mul3A_22, %get3A_39, %dot_general3A_54 {dimension_numbers = #tpu.dot_dimension_numbers<[1], [0], [0], [1], [0, 0, 1, 1], [], []>, transpose_lhs_hint = false} : vector<400x128xf32>, vector<128x128xf32>, vector<400x128xf32> -> vector<400x128xf32>
      %add3A_56 = vector.broadcast %get3A_42 : vector<1x128xf32> to vector<400x128xf32>
      %add3A_57 = arith.addf %dot_general3A_55, %add3A_56 : vector<400x128xf32>
      %tanh3A_58 = math.tanh %add3A_57 : vector<400x128xf32>
      %mul3A_59 = vector.broadcast %get3A_45 : vector<1x128xf32> to vector<400x128xf32>
      %mul3A_60 = arith.mulf %tanh3A_58, %mul3A_59 : vector<400x128xf32>
      %reduce_sum3A_61 = vector.shape_cast %mul3A_60 : vector<400x128xf32> to vector<1x400x128xf32>
      %reduce_sum3A_62 = arith.constant dense<0.000000e+00> : vector<1xf32>
      %reduce_sum3A_63 = vector.multi_reduction <add>, %reduce_sum3A_61, %reduce_sum3A_62 [1, 2] : vector<1x400x128xf32> to vector<1xf32>
      %reduce_sum3A_64 = vector.shape_cast %reduce_sum3A_63 : vector<1xf32> to vector<1x1x1xf32>
      %reduce_sum3A_65 = vector.extract %reduce_sum3A_64[0, 0, 0] : f32 from vector<1x1x1xf32>
      %get3A_66 = arith.constant 0 : index
      %get3A_67 = arith.constant 0 : index
      %get3A_68 = vector.load %arg10[%get3A_66, %get3A_67] : memref<2x128xf32, #tpu.memory_space<vmem>>, vector<2x128xf32>
      %broadcast_in_dim3A_69 = vector.broadcast %reduce_sum3A_53 : f32 to vector<1x128xf32>
      %broadcast_in_dim3A_70 = vector.broadcast %reduce_sum3A_65 : f32 to vector<1x128xf32>
      %concatenate3A = tpu.concatenate %broadcast_in_dim3A_69, %broadcast_in_dim3A_70 in 0 : vector<1x128xf32>, vector<1x128xf32> -> vector<2x128xf32>
      %add3A_71 = arith.addf %get3A_68, %concatenate3A : vector<2x128xf32>
      %swap3A = arith.constant 0 : index
      %swap3A_72 = arith.constant 0 : index
      %swap3A_73 = vector.load %arg10[%swap3A, %swap3A_72] : memref<2x128xf32, #tpu.memory_space<vmem>>, vector<2x128xf32>
      tpu.vector_store %arg10[%swap3A, %swap3A_72], %add3A_71 {strides = array<i32>} : memref<2x128xf32, #tpu.memory_space<vmem>>, vector<2x128xf32>,
    } else {
    }
    %eq3A_32 = arith.constant 1 : i32
    %eq3A_33 = arith.cmpi eq, %arg0, %eq3A_32 : i32
    %convert_element_type3A_34 = arith.extui %eq3A_33 : i1 to i32
    %cond3A_35 = arith.constant 0 : i32
    %cond3A_36 = arith.cmpi ne, %convert_element_type3A_34, %cond3A_35 : i32
    scf.if %cond3A_36 {
      %get3A_37 = arith.constant 0 : index
      %get3A_38 = arith.constant 0 : index
      %get3A_39 = vector.load %arg10[%get3A_37, %get3A_38] : memref<2x128xf32, #tpu.memory_space<vmem>>, vector<2x128xf32>
      %mul3A_40 = arith.constant 9.99999974E-5 : f32
      %mul3A_41 = vector.broadcast %mul3A_40 : f32 to vector<2x128xf32>
      %mul3A_42 = arith.mulf %get3A_39, %mul3A_41 : vector<2x128xf32>
      %slice3A = vector.extract_strided_slice %mul3A_42 {offsets = [0, 0], sizes = [1, 1], strides = [1, 1]} : vector<2x128xf32> to vector<1x1xf32>
      %slice3A_43 = vector.extract_strided_slice %mul3A_42 {offsets = [1, 0], sizes = [1, 1], strides = [1, 1]} : vector<2x128xf32> to vector<1x1xf32>
      %max3A = arith.maximumf %slice3A, %slice3A_43 : vector<1x1xf32>
      %sub3A = arith.subf %slice3A, %max3A : vector<1x1xf32>
      %exp3A = math.exp %sub3A : vector<1x1xf32>
      %sub3A_44 = arith.subf %slice3A_43, %max3A : vector<1x1xf32>
      %exp3A_45 = math.exp %sub3A_44 : vector<1x1xf32>
      %add3A = arith.addf %exp3A, %exp3A_45 : vector<1x1xf32>
      %div3A = arith.constant 1.000000e+00 : f32
      %div3A_46 = vector.broadcast %div3A : f32 to vector<1x1xf32>
      %div3A_47 = arith.divf %div3A_46, %add3A : vector<1x1xf32>
      %mul3A_48 = arith.mulf %exp3A, %div3A_47 : vector<1x1xf32>
      %mul3A_49 = vector.broadcast %mul3A_48 : vector<1x1xf32> to vector<400x128xf32>
      %mul3A_50 = arith.mulf %mul3A_49, %mul3A_17 : vector<400x128xf32>
      %mul3A_51 = arith.mulf %exp3A_45, %div3A_47 : vector<1x1xf32>
      %mul3A_52 = vector.broadcast %mul3A_51 : vector<1x1xf32> to vector<400x128xf32>
      %mul3A_53 = arith.mulf %mul3A_52, %mul3A_22 : vector<400x128xf32>
      %add3A_54 = arith.addf %mul3A_50, %mul3A_53 : vector<400x128xf32>
      %swap3A = arith.constant 0 : index
      %swap3A_55 = arith.constant 0 : index
      %swap3A_56 = vector.load %arg9[%swap3A, %swap3A_55] : memref<400x128xf32, #tpu.memory_space<vmem>>, vector<400x128xf32>
      tpu.vector_store %arg9[%swap3A, %swap3A_55], %add3A_54 {strides = array<i32>} : memref<400x128xf32, #tpu.memory_space<vmem>>, vector<400x128xf32>,
    } else {
    }
    return
  }
  func.func @transform_0(%arg0: i32, %arg1: i32) -> (i32, i32) {
    %c0_i32 = arith.constant 0 : i32
    %c0_i32_0 = arith.constant 0 : i32
    return %arg1, %c0_i32 : i32, i32
  }
  func.func @transform_1(%arg0: i32, %arg1: i32) -> (i32, i32) {
    %c0_i32 = arith.constant 0 : i32
    %c0_i32_0 = arith.constant 0 : i32
    return %arg1, %c0_i32 : i32, i32
  }
  func.func @transform_2(%arg0: i32, %arg1: i32) -> (i32, i32) {
    %c0_i32 = arith.constant 0 : i32
    %c0_i32_0 = arith.constant 0 : i32
    return %arg1, %c0_i32 : i32, i32
  }
  func.func @transform_3(%arg0: i32, %arg1: i32) -> (i32, i32) {
    %c0_i32 = arith.constant 0 : i32
    %c0_i32_0 = arith.constant 0 : i32
    return %arg1, %c0_i32 : i32, i32
  }
  func.func @transform_4(%arg0: i32, %arg1: i32) -> (i32, i32) {
    %c0_i32 = arith.constant 0 : i32
    %c0_i32_0 = arith.constant 0 : i32
    %c0_i32_1 = arith.constant 0 : i32
    return %c0_i32, %c0_i32_0 : i32, i32
  }
  func.func @transform_5(%arg0: i32, %arg1: i32) -> (i32, i32) {
    %c0_i32 = arith.constant 0 : i32
    %c0_i32_0 = arith.constant 0 : i32
    %c0_i32_1 = arith.constant 0 : i32
    return %c0_i32, %c0_i32_0 : i32, i32
  }
  func.func @transform_6(%arg0: i32, %arg1: i32) -> (i32, i32) {
    %c0_i32 = arith.constant 0 : i32
    %c0_i32_0 = arith.constant 0 : i32
    %c0_i32_1 = arith.constant 0 : i32
    return %c0_i32, %c0_i32_0 : i32, i32
  }
  func.func @transform_7(%arg0: i32, %arg1: i32) -> (i32, i32) {
    %c0_i32 = arith.constant 0 : i32
    %c0_i32_0 = arith.constant 0 : i32
    return %arg1, %c0_i32 : i32, i32
  }
}

</mosaic_0001>

<sc_bundles>
// kernel: kernel.6.cloned.1.call-start
scs
__scs_entry_jumppad:
0x0: {  	(pc) =	sbr.rel $0x88, $3  }
0x1: {  	(tag) =	ssettag $0x0;
	lr =	simm.s32 $0x1  }
0x2: {  	[smem:$0x3F9B] =	sst lr;
	_ =	strace $0xD0000000  }
0x3: {  	_ = 	snop  }
0x4: {  	_ = 	snop  }
0x5: {  	_ = 	snop  }
0x6: {  	_ = 	snop  }
0x7: {  	_ = 	snop  }
__scs_overlays_trampoline_lowered:
0x8: {  	[smem:$0x3FAA] =	sst s0  }
0x9: {  	[smem:$0x3FAB] =	sst s1  }
0xa: {  	[smem:$0x3FAC] =	sst s2  }
0xb: {  	[smem:$0x3FAD] =	sst s3  }
0xc: {  	[smem:$0x3FAE] =	sst s4  }
0xd: {  	[smem:$0x3FAF] =	sst s5  }
0xe: {  	[smem:$0x3FB0] =	sst s6  }
0xf: {  	[smem:$0x3FB1] =	sst s7  }
0x10: {  	[smem:$0x3FB2] =	sst s8  }
0x11: {  	[smem:$0x3FB3] =	sst s9;
	s0 =	simm.s32 @!p0 $0x0  }
0x12: {  	s1 =	sld [smem:$0x3F99];
	s0 =	simm.s32 @p0 $0x1  }
0x13: {  	[smem:$0x3FB4] =	sst s0;
	s0 =	simm.s32 @!p1 $0x0  }
0x14: {  	s2 =	sld [smem:$0x3F98];
	s0 =	simm.s32 @p1 $0x1  }
0x15: {  	[smem:$0x3FB5] =	sst s0;
	s0 =	simm.s32 @!p2 $0x0  }
0x16: {  	s3 =	sld [smem:$0x3FDB];
	s0 =	simm.s32 @p2 $0x1  }
0x17: {  	s4 =	simm.s32 $0x1BF5;
	[smem:$0x3FB7] =	sst s0  }
0x18: {  	s0 =	sld [smem:$0x3F9A];
	_ =	swait.ge [sflag:s4], $0x0  }
0x19: {  	s7 =	sld [smem:$0x3F9B]  }
0x1a: {  	s8 =	sadd.s32 $0xFFFFE003, lr  }
0x1b: {  	s9 =	sadd.s32 $0xFFFFFEF7, lr;
	s5 =	simm.s32 $0xFFFFFFFF;
	p2 =	slt.u32 s8, $0xFFFFF086  }
0x1c: {  	p1 =	slt.u32 s9, $0xF7A;
	s5 =	simm.s32 @!p2 $0x0  }
0x1d: {  	s5 =	simm.s32 @p1 $0x1;
	p0 =	seq.s32 s7, s2  }
0x1e: {  	s7 =	smul.u32 @!p0 $0xF7A, s2;
	p2 =	seq.s32 @!p0 s5, $0x0  }
0x1f: {  	s9 =	smul.u32 $0xF7A, s1;
	s8 =	simm.s32 @!p0 $0x1BF5;
	p2 =	por !p2, p0  }
0x20: {  	[sflag:s8] =	ssyncset.s32 @!p0 $0xFFFFF086;
	s6 =	sadd.s32 @!p0 s3, s7;
	s7 =	simm.s32 @!p0 $0x108  }
0x21: {  	s3 =	sadd.s32 s3, s9;
	s6 =	sadd.s32 @!p0 $0x88, s6;
	s7 =	simm.s32 @p2 $0x1082  }
0x22: {  	[simem:s7], [sflag:s8] =	dma.local @!p0 [hbm:s6], $0xF7A  }
0x23: {  	s9 =	sor.u32 $0xD0000000, s2;
	s6 =	simm.s32 $0x108;
	_ =	swait.ge @!p0 [sflag:s8], $0x0  }
0x24: {  	s3 =	sadd.s32 $0x88, s3;
	s6 =	simm.s32 @!p1 $0x1082;
	[sflag:s4] =	ssyncset.s32 $0xFFFFF086  }
0x25: {  	[simem:s6], [sflag:s4] =	dma.local [hbm:s3], $0xF7A  }
0x26: {  	[smem:$0x3F9B] =	sst s1;
	(tag) =	ssettag s2;
	_ =	strace s9  }
0x27: {  	s1 =	sld [smem:$0x3FAB]  }
0x28: {  	s2 =	sld [smem:$0x3FAC]  }
0x29: {  	s4 =	sld [smem:$0x3FAE]  }
0x2a: {  	p0 =	seq.s32 s5, $0x0;
	s5 =	sld [smem:$0x3FAF]  }
0x2b: {  	s6 =	sld [smem:$0x3FB0]  }
0x2c: {  	s7 =	sld [smem:$0x3FB1]  }
0x2d: {  	s3 =	simm.s32 $0x108;
	s8 =	sld [smem:$0x3FB2]  }
0x2e: {  	s3 =	simm.s32 @!p0 $0x1082;
	s9 =	sld [smem:$0x3FB3]  }
0x2f: {  	lr =	sadd.s32 s0, s3;
	s0 =	sld [smem:$0x3FAA]  }
0x30: {  	s3 =	sld [smem:$0x3FAD]  }
0x31: {  	[smem:$0x3FB6] =	sst s10  }
0x32: {  	s10 =	sld [smem:$0x3FB4];
	_ =	sdelay $0x3  }
0x33: {  	p0 =	seq.s32 s10, $0x1;
	s10 =	sld [smem:$0x3FB6];
	_ =	sdelay $0x3  }
0x34: {  	[smem:$0x3FB6] =	sst s10  }
0x35: {  	s10 =	sld [smem:$0x3FB5];
	_ =	sdelay $0x3  }
0x36: {  	p1 =	seq.s32 s10, $0x1;
	s10 =	sld [smem:$0x3FB6];
	_ =	sdelay $0x3  }
0x37: {  	[smem:$0x3FB6] =	sst s10  }
0x38: {  	s10 =	sld [smem:$0x3FB7]  }
0x39: {  	_ = 	snop;
	(pc) =	sbr.ind lr, $3  }
0x3a: {  	_ = 	snop  }
0x3b: {  	_ = 	snop  }
0x3c: {  	p2 =	seq.s32 s10, $0x1;
	s10 =	sld [smem:$0x3FB6]  }
0x3d: {  	_ =	shalt  }
0x3e: {  	_ =	shalt  }
0x3f: {  	_ =	shalt  }
0x40: {  	_ =	shalt  }
0x41: {  	_ =	shalt  }
0x42: {  	_ =	shalt  }
0x43: {  	_ =	shalt  }
0x44: {  	_ =	shalt  }
0x45: {  	_ =	shalt  }
0x46: {  	_ =	shalt  }
0x47: {  	_ =	shalt  }
0x48: {  	_ =	shalt  }
0x49: {  	_ =	shalt  }
0x4a: {  	_ =	shalt  }
0x4b: {  	_ =	shalt  }
0x4c: {  	_ =	shalt  }
0x4d: {  	_ =	shalt  }
0x4e: {  	_ =	shalt  }
0x4f: {  	_ =	shalt  }
0x50: {  	_ =	shalt  }
0x51: {  	_ =	shalt  }
0x52: {  	_ =	shalt  }
0x53: {  	_ =	shalt  }
0x54: {  	_ =	shalt  }
0x55: {  	_ =	shalt  }
0x56: {  	_ =	shalt  }
0x57: {  	_ =	shalt  }
0x58: {  	_ =	shalt  }
0x59: {  	_ =	shalt  }
0x5a: {  	_ =	shalt  }
0x5b: {  	_ =	shalt  }
0x5c: {  	_ =	shalt  }
0x5d: {  	_ =	shalt  }
0x5e: {  	_ =	shalt  }
0x5f: {  	_ =	shalt  }
0x60: {  	_ =	shalt  }
0x61: {  	_ =	shalt  }
0x62: {  	_ =	shalt  }
0x63: {  	_ =	shalt  }
0x64: {  	_ =	shalt  }
0x65: {  	_ =	shalt  }
0x66: {  	_ =	shalt  }
0x67: {  	_ =	shalt  }
0x68: {  	_ =	shalt  }
0x69: {  	_ =	shalt  }
0x6a: {  	_ =	shalt  }
0x6b: {  	_ =	shalt  }
0x6c: {  	_ =	shalt  }
0x6d: {  	_ =	shalt  }
0x6e: {  	_ =	shalt  }
0x6f: {  	_ =	shalt  }
0x70: {  	_ =	shalt  }
0x71: {  	_ =	shalt  }
0x72: {  	_ =	shalt  }
0x73: {  	_ =	shalt  }
0x74: {  	_ =	shalt  }
0x75: {  	_ =	shalt  }
0x76: {  	_ =	shalt  }
0x77: {  	_ =	shalt  }
0x78: {  	_ =	shalt  }
0x79: {  	_ =	shalt  }
0x7a: {  	_ =	shalt  }
0x7b: {  	_ =	shalt  }
0x7c: {  	_ =	shalt  }
0x7d: {  	_ =	shalt  }
0x7e: {  	_ =	shalt  }
0x7f: {  	_ =	shalt  }
0x80: {  	_ =	shalt  }
0x81: {  	_ =	shalt  }
0x82: {  	_ =	shalt  }
0x83: {  	_ =	shalt  }
0x84: {  	_ =	shalt  }
0x85: {  	_ =	shalt  }
0x86: {  	_ =	shalt  }
0x87: {  	_ =	shalt  }
.Lfunc_end0:
.L_simem_size_0:
called_computation_lowered:
.L_overlay_start_0:
0x88: {  	s2 =	sld [smem:$0x3FD9]  }
0x89: {  	s3 =	sld [smem:$0x3FFE];
	_ =	sdelay $0x1  }
0x8a: {  	s1 =	srdreg.scid  }
0x8b: {  	s0 =	sand.u32 $0x1, s1  }
0x8c: {  	s17 =	sshll.u32 s0, $0xA;
	s2 =	sadd.s32 s3, s2  }
0x8d: {  	s2 =	sadd.s32 s2, s17  }
0x8e: {  	[smem:$0x3FC2] =	sst s2  }
0x8f: {  	_ = 	snop  }
0x90: {  	s2 =	sld [smem:$0x3FD0];
	(tm) =	ssettm $0x1  }
0x91: {  	s18 =	sld [smem:$0x3FFB];
	_ =	sdelay $0x3  }
0x92: {  	_ =	strace s18  }
0x93: {  	s3 =	sld [smem:$0x3FFC];
	_ =	sdelay $0x3  }
0x94: {  	_ =	strace s3  }
0x95: {  	s3 =	sld [smem:$0x3FFD];
	_ =	sdelay $0x3  }
0x96: {  	_ =	strace s3  }
0x97: {  	_ =	strace $0x8FFFFFFF  }
0x98: {  	s19 =	sld [smem:$0x3FDB];
	_ =	sdelay $0x1  }
0x99: {  	s4 =	simm.s32 $_scs_section_size  }
0x9a: {  	s5 =	simm.s32 $_size__tile_overlayer_lowered;
	s6 =	simm.s32 $_tile_overlayer_lowered  }
0x9b: {  	s22 =	simm.s32 $0x1BFF;
	s21 =	sshll.u32 s6, $0x1;
	s3 =	sadd.s32 s4, s19  }
0x9c: {  	s7 =	simm.s32 $0x0;
	s20 =	sshll.u32 s5, $0x1;
	s5 =	sadd.s32 s21, s3  }
0x9d: {  	[timem:s7], [sflag:s22] =	dma.local [hbm:s5], s20  }
0x9e: {  	_ =	swait.ge [sflag:s22], s20  }
0x9f: {  	s4 =	ssub.s32 $0x0, s20;
	[sflag:s22] =	ssyncset.done $0x0  }
0xa0: {  	[sflag:s22] =	ssyncadd.s32 s4;
	_ =	sdelay $0x1  }
0xa1: {  	s23 =	simm.s32 $0x1B8B  }
0xa2: {  	_ =	swait.ge [sflag:s23], $0x1  }
0xa3: {  	[sflag:s23] =	ssyncset.done $0x0  }
0xa4: {  	s25 =	simm.s32 $0x1B8E;
	s24 =	sld [smem:$0x3FFE];
	[sflag:s23] =	ssyncadd.s32 $0xFFFFFFFF  }
0xa5: {  	s26 =	simm.s32 $execute0_lowered;
	[smem:$0x3FD2] =	sst s25  }
0xa6: {  	s5 =	sshll.u32 s26, $0x1;
	_ =	strace $0x80000046;
	[dreg:$0x1] =	wrdreg $0xFFFFFFFF  }
0xa7: {  	s28 =	simm.s32 $_size_execute0_lowered;
	s3 =	sadd.s32 s3, s5;
	[dreg:$0x0] =	wrdreg $0x0  }
0xa8: {  	s5 =	sshll.u32 s28, $0x1;
	[dreg:$0x2] =	wrdreg s3  }
0xa9: {  	[dreg:$0x3] =	wrdreg s5  }
0xaa: {  	[dreg:$0x4] =	wrdreg $0xC0  }
0xab: {  	_ =	task [dreg:s7], $0x5FFFF  }
0xac: {  	[dreg:$0x1] =	wrdreg $0xFFFFFFFF  }
0xad: {  	[dreg:$0x0] =	wrdreg $0x60  }
0xae: {  	[dreg:$0x2] =	wrdreg s24  }
0xaf: {  	[dreg:$0x3] =	wrdreg s2  }
0xb0: {  	[dreg:$0x4] =	wrdreg $0xA3000  }
0xb1: {  	[dreg:$0x5] =	wrdreg $0xA5800  }
0xb2: {  	[dreg:$0x6] =	wrdreg $0x9  }
0xb3: {  	_ =	task.clear_ibuf [dreg:s7], $0x7FFFF;
	_ =	strace $0x90000046  }
0xb4: {  	s29 =	simm.s32 $0x9;
	_ =	strace $0x80000048  }
0xb5: {  	_ =	swait.ge [sflag:s29], $0x1  }
0xb6: {  	[sflag:s29] =	ssyncadd.s32 $0xFFFFFFFF  }
0xb7: {  	_ =	strace $0x90000048  }
0xb8: {  	_ =	sfence  }
0xb9: {  	s30 =	sld [smem:$0x0];
	_ =	sdelay $0x2  }
0xba: {  	s31 =	sshll.u32 s1, $0xD;
	s1 =	sshrl.u32 s1, $0x2  }
0xbb: {  	s3 =	sand.u32 $0x4000, s31;
	s1 =	sadd.s32 s1, s30  }
0xbc: {  	s0 =	sor.u32 s3, s0;
	s1 =	sshll.u32 s1, $0x11  }
0xbd: {  	s0 =	sor.u32 s1, s0  }
0xbe: {  	s0 =	sadd.s32 $0x8F2B, s0  }
0xbf: {  	[sflag:s0] =	ssyncadd.remote.s32 $0x1  }
0xc0: {  	_ =	sfence.sel $0xFFFF  }
0xc1: {  	[dreg:$0x0] =	wrdreg $0xFFFFFFFF;
	(pc) =	sbr.abs _section_cstart, $3  }
0xc2: {  	[dreg:$0x1] =	wrdreg $0xFFFFFFFF  }
0xc3: {  	_ =	task.clear_ibuf [dreg:s7], $0x2FFFF;
	_ =	strace $0x9FFFFFFF  }
0xc4: {  	(tm) =	ssettm $0x7FFFFFFF  }
0xc5: {  	_ =	shalt  }
tec
execute0_lowered:
.L_overlay_start_1:
0x0: {  	(tag) =	ssettag $0x1  }
0x1: {  	s0 =	rddreg [dreg:$0x0]  }
0x2: {  	s3 =	rddreg [dreg:$0x1]  }
0x3: {  	s1 =	rddreg [dreg:$0x2]  }
0x4: {  	s2 =	rddreg [dreg:$0x3];
	s4 =	simm.s32 $0x0;
	s5 =	srdreg.scid  }
0x5: {  	s13 =	stileid.u32;
	s14 =	simm.s32 $0x5;
	s15 =	simm.s32 $0x5000  }
0x6: {  	s16 =	simm.s32 $0x7D;
	s17 =	simm.s32 $0xA000;
	s19 =	simm.s32 $0x5080  }
0x7: {  	s20 =	simm.s32 $0x3;
	s21 =	simm.s32 $0x4;
	s22 =	simm.s32 $0x1  }
0x8: {  	s23 =	simm.s32 $0x2;
	s24 =	simm.s32 $0x40;
	s25 =	simm.s32 $0x0  }
0x9: {  	[smem:$0x7FF] =	sst s4;
	s9 =	sand.u32 $0x1, s5;
	s6 =	smul.u32 $0x280, s13  }
0xa: {  	s8 =	sadd.s32 $0x15600, s0;
	s10 =	sadd.s32 $0x1F600, s0;
	s12 =	smul.u32 $0xA00, s13  }
0xb: {  	s11 =	sadd.s32 $0x1600, s0;
	s0 =	sadd.s32 $0xB600, s0;
	s13 =	smul.u32 $0x140, s13  }
0xc: {  	_ =	strace $0x80000047;
	s5 =	ssub.s32 $0x2, s9;
	p0 =	seq.s32 s9, $0x0  }
0xd: {  	s9 =	sshll.u32 s9, $0x5;
	s7 =	sshrl.u32 s5, $0x1;
	s11 =	smov.u32 @p0 s8  }
0xe: {  	s0 =	smov.u32 @p0 s10;
	s30 =	sadd.s32 s9, s3;
	s7 =	ssub.s32 s5, s7  }
0xf: {  	s5 =	sadd.s32 s6, s1;
	s8 =	sadd.s32 s11, s12;
	s11 =	simm.s32 $0x10  }
0x10: {  	s6 =	sadd.s32 s6, s2;
	s9 =	sadd.s32 s0, s12;
	s11 =	simm.s32 @!p0 $0x30  }
0x11: {  	s10 =	sadd.s32 s30, s13;
	s7 =	smax.u32 s7, $0x1;
	s31 =	sadd.s32 s11, s3  }
0x12: {  	v0 =	vimm.f32 $1.000000000e+00;
	v1 =	vimm.f32 $0.0e+00;
	s11 =	simm.s32 $0x10;
	s12 =	sadd.s32 s13, s31;
	s13 =	simm.s32 $0xA080  }
.LBB2_1:
0x13: {  	[tilespmem:$0xA000] =	vst v0  }
0x14: {  	[tilespmem:$0xA010] =	vst v0  }
0x15: {  	[tilespmem:$0xA020] =	vst v0  }
0x16: {  	[tilespmem:$0xA030] =	vst v0  }
0x17: {  	[tilespmem:$0xA040] =	vst v0  }
0x18: {  	[tilespmem:$0xA050] =	vst v0  }
0x19: {  	[tilespmem:$0xA060] =	vst v0  }
0x1a: {  	[tilespmem:$0xA070] =	vst v0  }
0x1b: {  	[tilespmem:$0xA080] =	vst v1  }
0x1c: {  	[tilespmem:$0xA090] =	vst v1  }
0x1d: {  	[tilespmem:$0xA0A0] =	vst v1  }
0x1e: {  	[tilespmem:$0xA0B0] =	vst v1  }
0x1f: {  	[tilespmem:$0xA0C0] =	vst v1  }
0x20: {  	[tilespmem:$0xA0D0] =	vst v1  }
0x21: {  	[tilespmem:$0xA0E0] =	vst v1  }
0x22: {  	[tilespmem:$0xA0F0] =	vst v1  }
0x23: {  	[tilespmem:$0xA100] =	vst v1  }
0x24: {  	[tilespmem:$0xA110] =	vst v1  }
0x25: {  	[tilespmem:$0xA120] =	vst v1  }
0x26: {  	[tilespmem:$0xA130] =	vst v1  }
0x27: {  	[tilespmem:$0xA140] =	vst v1  }
0x28: {  	[tilespmem:$0xA150] =	vst v1  }
0x29: {  	[tilespmem:$0xA160] =	vst v1  }
0x2a: {  	[tilespmem:$0xA170] =	vst v1  }
0x2b: {  	[tilespmem:$0xA180] =	vst v1  }
0x2c: {  	[tilespmem:$0xA190] =	vst v1  }
0x2d: {  	[tilespmem:$0xA1A0] =	vst v1  }
0x2e: {  	[tilespmem:$0xA1B0] =	vst v1  }
0x2f: {  	[tilespmem:$0xA1C0] =	vst v1  }
0x30: {  	[tilespmem:$0xA1D0] =	vst v1  }
0x31: {  	[tilespmem:$0xA1E0] =	vst v1  }
0x32: {  	[tilespmem:$0xA1F0] =	vst v1  }
0x33: {  	[tilespmem:$0xA200] =	vst v1  }
0x34: {  	[tilespmem:$0xA210] =	vst v1  }
0x35: {  	[tilespmem:$0xA220] =	vst v1  }
0x36: {  	[tilespmem:$0xA230] =	vst v1  }
0x37: {  	[tilespmem:$0xA240] =	vst v1  }
0x38: {  	[tilespmem:$0xA250] =	vst v1  }
0x39: {  	[tilespmem:$0xA260] =	vst v1  }
0x3a: {  	[tilespmem:$0xA270] =	vst v1  }
0x3b: {  	[tilespmem:$0xA280] =	vst v1  }
0x3c: {  	[tilespmem:$0xA290] =	vst v1  }
0x3d: {  	[tilespmem:$0xA2A0] =	vst v1  }
0x3e: {  	[tilespmem:$0xA2B0] =	vst v1  }
0x3f: {  	[tilespmem:$0xA2C0] =	vst v1  }
0x40: {  	[tilespmem:$0xA2D0] =	vst v1  }
0x41: {  	[tilespmem:$0xA2E0] =	vst v1  }
0x42: {  	[tilespmem:$0xA2F0] =	vst v1  }
0x43: {  	[spmem:s5] =	stream.linear.scatter [tilespmem:s13], [sflag:$0x5], $0x280, $0x38;
	[tilespmem:$0xA800] =	vst v63  }
0x44: {  	_ =	swait.ge [sflag:s14], $0x280  }
0x45: {  	[sflag:s14] =	ssyncset.done $0x0  }
0x46: {  	[sflag:s14] =	ssyncadd.s32 $0xFFFFFD80  }
0x47: {  	[spmem:s6] =	stream.linear.scatter [tilespmem:s13], [sflag:$0x5], $0x280, $0x38;
	[tilespmem:$0xA800] =	vst v63  }
0x48: {  	_ =	swait.ge [sflag:s14], $0x280  }
0x49: {  	[sflag:s14] =	ssyncset.done $0x0  }
0x4a: {  	[sflag:s14] =	ssyncadd.s32 $0xFFFFFD80  }
0x4b: {  	[tilespmem:s4], [sflag:$0x5] =	stream.linear.gather [hbm4b:s8+s4], $0x5000, $0x38;
	[tilespmem:$0xA800] =	vst v63  }
0x4c: {  	_ =	swait.ge [sflag:s14], $0x5000  }
0x4d: {  	[sflag:s14] =	ssyncset.done $0x0  }
0x4e: {  	[sflag:s14] =	ssyncadd.s32 $0xFFFFB000  }
0x4f: {  	[tilespmem:s15], [sflag:$0x5] =	stream.linear.gather [hbm4b:s9+s4], $0x5000, $0x38;
	[tilespmem:$0xA800] =	vst v63  }
0x50: {  	_ =	swait.ge [sflag:s14], $0x5000  }
0x51: {  	[sflag:s14] =	ssyncset.done $0x0  }
0x52: {  	[sflag:s14] =	ssyncadd.s32 $0xFFFFB000  }
0x53: {  	[bflag:$0x0] =	sbarrier.arrive $0xFFFF  }
0x54: {  	[spmem:s1] =	stream.indirect.scatter.add.f32 [tilespmem:s17], [sflag:$0x1], $0x1, s4, s16, $0xb8;
	[tilespmem:$0xA800] =	vst v63  }
0x55: {  	s26 =	sand.u32 $0x1, s23  }
0x56: {  	[spmem:s2] =	stream.indirect.scatter.add.f32 [tilespmem:s17], [sflag:$0x2], $0x1, s15, s16, $0xb8;
	[tilespmem:$0xA800] =	vst v63  }
0x57: {  	s0 =	simm.s32 $0x80;
	s31 =	simm.s32 $0x3;
	p0 =	seq.s32 s26, $0x1  }
0x58: {  	[spmem:s1] =	stream.indirect.scatter.add.f32 [tilespmem:s17], [sflag:$0x3], $0x1, s0, s16, $0xb8;
	[tilespmem:$0xA800] =	vst v63  }
0x59: {  	s31 =	simm.s32 @!p0 $0x1  }
0x5a: {  	[spmem:s2] =	stream.indirect.scatter.add.f32 [tilespmem:s17], [sflag:$0x4], $0x1, s19, s16, $0xb8;
	[tilespmem:$0xA800] =	vst v63  }
0x5b: {  	_ =	swait.ge [sflag:s31], $0x7D  }
0x5c: {  	s28 =	simm.s32 $0x100;
	s0 =	simm.s32 $0x4;
	[sflag:s31] =	ssyncset.done $0x0  }
0x5d: {  	s30 =	simm.s32 $0x5100;
	s0 =	simm.s32 @!p0 $0x2;
	[sflag:s31] =	ssyncadd.s32 $0xFFFFFF83  }
0x5e: {  	s3 =	simm.s32 $0x4;
	s26 =	simm.s32 $0x3;
	_ =	swait.ge [sflag:s0], $0x7D  }
0x5f: {  	s29 =	sand.u32 $0x1, s26;
	s26 =	simm.s32 $0x5180;
	[sflag:s0] =	ssyncset.done $0x0  }
0x60: {  	p0 =	seq.s32 s29, $0x1;
	s29 =	simm.s32 $0x180;
	[sflag:s0] =	ssyncadd.s32 $0xFFFFFF83  }
.LBB2_2:
0x61: {  	[spmem:s1] =	stream.indirect.scatter.add.f32 [tilespmem:s17], [sflag:s31], $0x1, s28, s16, $0xb8;
	[tilespmem:$0xA800] =	vst v63  }
0x62: {  	s18 =	smov.u32 s3;
	s28 =	smov.u32 s29;
	s31 =	simm.s32 $0x3  }
0x63: {  	p1 =	sne.s32 s3, $0x9F;
	s3 =	sadd.s32 $0x1, s3;
	s31 =	simm.s32 @!p0 $0x1  }
0x64: {  	[spmem:s2] =	stream.indirect.scatter.add.f32 [tilespmem:s17], [sflag:s0], $0x1, s30, s16, $0xb8;
	[tilespmem:$0xA800] =	vst v63  }
0x65: {  	s30 =	smov.u32 s26;
	_ =	swait.ge [sflag:s31], $0x7D  }
.Ltmp0:
0x66: {  	s0 =	simm.s32 $0x4;
	[sflag:s31] =	ssyncset.done $0x0;
	(pc) =	sbr.rel @p1 .LBB2_2-.Ltmp0, $4  }
0x67: {  	s0 =	simm.s32 @!p0 $0x2;
	[sflag:s31] =	ssyncadd.s32 $0xFFFFFF83  }
0x68: {  	_ =	swait.ge [sflag:s0], $0x7D  }
0x69: {  	s18 =	sand.u32 $0x1, s18;
	s26 =	sadd.s32 $0x80, s26;
	[sflag:s0] =	ssyncset.done $0x0  }
0x6a: {  	s29 =	sadd.s32 $0x80, s29;
	p0 =	seq.s32 s18, $0x1;
	[sflag:s0] =	ssyncadd.s32 $0xFFFFFF83  }
0x6b: {  	[spmem:s1] =	stream.indirect.scatter.add.f32 [tilespmem:s17], [sflag:s31], $0x1, s28, s16, $0xb8;
	[tilespmem:$0xA800] =	vst v63  }
0x6c: {  	s3 =	simm.s32 $0x3  }
0x6d: {  	s3 =	simm.s32 @!p0 $0x1  }
0x6e: {  	[spmem:s2] =	stream.indirect.scatter.add.f32 [tilespmem:s17], [sflag:s0], $0x1, s30, s16, $0xb8;
	[tilespmem:$0xA800] =	vst v63  }
0x6f: {  	_ =	swait.ge [sflag:s3], $0x7D  }
0x70: {  	s0 =	simm.s32 $0x4;
	[sflag:s3] =	ssyncset.done $0x0  }
0x71: {  	s0 =	simm.s32 @!p0 $0x2;
	[sflag:s3] =	ssyncadd.s32 $0xFFFFFF83  }
0x72: {  	_ =	swait.ge [sflag:s0], $0x7D  }
0x73: {  	[sflag:s0] =	ssyncset.done $0x0  }
0x74: {  	[sflag:s0] =	ssyncadd.s32 $0xFFFFFF83  }
0x75: {  	[spmem:s1] =	stream.indirect.scatter.add.f32 [tilespmem:s17], [sflag:s3], $0x1, s29, s16, $0xb8;
	[tilespmem:$0xA800] =	vst v63  }
0x76: {  	_ = 	snop  }
0x77: {  	[spmem:s2] =	stream.indirect.scatter.add.f32 [tilespmem:s17], [sflag:s0], $0x1, s26, s16, $0xb8;
	[tilespmem:$0xA800] =	vst v63  }
0x78: {  	_ =	swait.ge [sflag:s22], $0x7D  }
0x79: {  	[sflag:s22] =	ssyncset.done $0x0  }
0x7a: {  	[sflag:s22] =	ssyncadd.s32 $0xFFFFFF83  }
0x7b: {  	_ =	swait.ge [sflag:s23], $0x7D  }
0x7c: {  	[sflag:s23] =	ssyncset.done $0x0  }
0x7d: {  	[sflag:s23] =	ssyncadd.s32 $0xFFFFFF83  }
0x7e: {  	_ =	swait.ge [sflag:s20], $0x7D  }
0x7f: {  	[sflag:s20] =	ssyncset.done $0x0  }
0x80: {  	[sflag:s20] =	ssyncadd.s32 $0xFFFFFF83  }
0x81: {  	_ =	swait.ge [sflag:s21], $0x7D  }
0x82: {  	s29 =	stileid.u32;
	[sflag:s21] =	ssyncset.done $0x0  }
0x83: {  	s0 =	sshll.u32 s29, $0x6;
	[sflag:s21] =	ssyncadd.s32 $0xFFFFFF83  }
0x84: {  	s30 =	sshrl.u32 s5, $0x3;
	s0 =	sor.u32 $0x1C05, s0;
	[bflag:$0x0] =	sbarrier.arrive $0xFFFF  }
0x85: {  	[hbm:s10@s24], [sflag:s0] =	dma.strided [spmem:s30@s11], $0x50, s22, $0x10   }
0x86: {  	s25 =	sadd.s32 $0x1, s25;
	_ =	swait.ge [sflag:s14], $0x50  }
0x87: {  	p0 =	sne.s32 s25, s7;
	[sflag:s14] =	ssyncset.done $0x0  }
.Ltmp1:
0x88: {  	s31 =	sshrl.u32 s6, $0x3;
	[sflag:s14] =	ssyncadd.s32 $0xFFFFFFB0;
	(pc) =	sbr.rel @p0 .LBB2_1-.Ltmp1, $4  }
0x89: {  	[hbm:s12@s24], [sflag:s0] =	dma.strided [spmem:s31@s11], $0x50, s22, $0x10   }
0x8a: {  	_ =	swait.ge [sflag:s14], $0x50  }
0x8b: {  	[sflag:s14] =	ssyncset.done $0x0  }
0x8c: {  	[sflag:s14] =	ssyncadd.s32 $0xFFFFFFB0  }
0x8d: {  	_ =	sfence.sel $0x180000  }
0x8e: {  	[bflag:$0x0] =	sbarrier.arrive $0xFFFF  }
0x8f: {  	_ =	strace $0x90000047  }
0x90: {  	s0 =	stileid.u32;
	[bflag:$0x2] =	sbarrier.arrive $0xFFFF  }
0x91: {  	p0 =	sne.s32 s0, $0x0;
	s0 =	rddreg [dreg:$0x4]  }
0x92: {  	s0 =	sadd.s32 @!p0 $0x100000, s0  }
0x93: {  	[sflag:s0] =	ssyncadd.tile.s32 @!p0 $0x1;
	_ =	shalt  }
.Lfunc_end2:
_tile_overlayer_lowered:
.L_overlay_start_2:
0x94: {  	(tag) =	ssettag $0x2  }
0x95: {  	s0 =	rddreg [dreg:$0x0];
	s2 =	stileid.u32  }
0x96: {  	s1 =	rddreg [dreg:$0x1];
	p0 =	sne.s32 s2, $0x0  }
0x97: {  	s3 =	rddreg [dreg:$0x2];
	[bflag:$0x3] =	sbarrier.arrive $0xFFFF;
	s2 =	simm.s32 @!p0 $0x1C05  }
0x98: {  	[timem:s3], [sflag:s2] =	dma.local @!p0 [hbm:s0], s1  }
0x99: {  	s0 =	simm.s32 @!p0 $0x5  }
0x9a: {  	_ =	swait.ge @!p0 [sflag:s0], s1  }
0x9b: {  	s1 =	ssub.s32 @!p0 $0x0, s1;
	[sflag:s0] =	ssyncset.done @!p0 $0x0  }
0x9c: {  	[sflag:s0] =	ssyncadd.s32 @!p0 s1  }
0x9d: {  	[bflag:$0x3] =	sbarrier.arrive $0xFFFF  }
0x9e: {  	_ =	shalt  }

// kernel: kernel.9.cloned.1.call-start
scs
__scs_entry_jumppad:
0x0: {  	(pc) =	sbr.rel $0x88, $3  }
0x1: {  	(tag) =	ssettag $0x0;
	lr =	simm.s32 $0x1  }
0x2: {  	[smem:$0x3F9B] =	sst lr;
	_ =	strace $0xD0000000  }
0x3: {  	_ = 	snop  }
0x4: {  	_ = 	snop  }
0x5: {  	_ = 	snop  }
0x6: {  	_ = 	snop  }
0x7: {  	_ = 	snop  }
__scs_overlays_trampoline_lowered:
0x8: {  	[smem:$0x3FAA] =	sst s0  }
0x9: {  	[smem:$0x3FAB] =	sst s1  }
0xa: {  	[smem:$0x3FAC] =	sst s2  }
0xb: {  	[smem:$0x3FAD] =	sst s3  }
0xc: {  	[smem:$0x3FAE] =	sst s4  }
0xd: {  	[smem:$0x3FAF] =	sst s5  }
0xe: {  	[smem:$0x3FB0] =	sst s6  }
0xf: {  	[smem:$0x3FB1] =	sst s7  }
0x10: {  	[smem:$0x3FB2] =	sst s8  }
0x11: {  	[smem:$0x3FB3] =	sst s9;
	s0 =	simm.s32 @!p0 $0x0  }
0x12: {  	s1 =	sld [smem:$0x3F99];
	s0 =	simm.s32 @p0 $0x1  }
0x13: {  	[smem:$0x3FB4] =	sst s0;
	s0 =	simm.s32 @!p1 $0x0  }
0x14: {  	s2 =	sld [smem:$0x3F98];
	s0 =	simm.s32 @p1 $0x1  }
0x15: {  	[smem:$0x3FB5] =	sst s0;
	s0 =	simm.s32 @!p2 $0x0  }
0x16: {  	s3 =	sld [smem:$0x3FDB];
	s0 =	simm.s32 @p2 $0x1  }
0x17: {  	s4 =	simm.s32 $0x1BF5;
	[smem:$0x3FB7] =	sst s0  }
0x18: {  	s0 =	sld [smem:$0x3F9A];
	_ =	swait.ge [sflag:s4], $0x0  }
0x19: {  	s7 =	sld [smem:$0x3F9B]  }
0x1a: {  	s8 =	sadd.s32 $0xFFFFE003, lr  }
0x1b: {  	s9 =	sadd.s32 $0xFFFFFEF7, lr;
	s5 =	simm.s32 $0xFFFFFFFF;
	p2 =	slt.u32 s8, $0xFFFFF086  }
0x1c: {  	p1 =	slt.u32 s9, $0xF7A;
	s5 =	simm.s32 @!p2 $0x0  }
0x1d: {  	s5 =	simm.s32 @p1 $0x1;
	p0 =	seq.s32 s7, s2  }
0x1e: {  	s7 =	smul.u32 @!p0 $0xF7A, s2;
	p2 =	seq.s32 @!p0 s5, $0x0  }
0x1f: {  	s9 =	smul.u32 $0xF7A, s1;
	s8 =	simm.s32 @!p0 $0x1BF5;
	p2 =	por !p2, p0  }
0x20: {  	[sflag:s8] =	ssyncset.s32 @!p0 $0xFFFFF086;
	s6 =	sadd.s32 @!p0 s3, s7;
	s7 =	simm.s32 @!p0 $0x108  }
0x21: {  	s3 =	sadd.s32 s3, s9;
	s6 =	sadd.s32 @!p0 $0x88, s6;
	s7 =	simm.s32 @p2 $0x1082  }
0x22: {  	[simem:s7], [sflag:s8] =	dma.local @!p0 [hbm:s6], $0xF7A  }
0x23: {  	s9 =	sor.u32 $0xD0000000, s2;
	s6 =	simm.s32 $0x108;
	_ =	swait.ge @!p0 [sflag:s8], $0x0  }
0x24: {  	s3 =	sadd.s32 $0x88, s3;
	s6 =	simm.s32 @!p1 $0x1082;
	[sflag:s4] =	ssyncset.s32 $0xFFFFF086  }
0x25: {  	[simem:s6], [sflag:s4] =	dma.local [hbm:s3], $0xF7A  }
0x26: {  	[smem:$0x3F9B] =	sst s1;
	(tag) =	ssettag s2;
	_ =	strace s9  }
0x27: {  	s1 =	sld [smem:$0x3FAB]  }
0x28: {  	s2 =	sld [smem:$0x3FAC]  }
0x29: {  	s4 =	sld [smem:$0x3FAE]  }
0x2a: {  	p0 =	seq.s32 s5, $0x0;
	s5 =	sld [smem:$0x3FAF]  }
0x2b: {  	s6 =	sld [smem:$0x3FB0]  }
0x2c: {  	s7 =	sld [smem:$0x3FB1]  }
0x2d: {  	s3 =	simm.s32 $0x108;
	s8 =	sld [smem:$0x3FB2]  }
0x2e: {  	s3 =	simm.s32 @!p0 $0x1082;
	s9 =	sld [smem:$0x3FB3]  }
0x2f: {  	lr =	sadd.s32 s0, s3;
	s0 =	sld [smem:$0x3FAA]  }
0x30: {  	s3 =	sld [smem:$0x3FAD]  }
0x31: {  	[smem:$0x3FB6] =	sst s10  }
0x32: {  	s10 =	sld [smem:$0x3FB4];
	_ =	sdelay $0x3  }
0x33: {  	p0 =	seq.s32 s10, $0x1;
	s10 =	sld [smem:$0x3FB6];
	_ =	sdelay $0x3  }
0x34: {  	[smem:$0x3FB6] =	sst s10  }
0x35: {  	s10 =	sld [smem:$0x3FB5];
	_ =	sdelay $0x3  }
0x36: {  	p1 =	seq.s32 s10, $0x1;
	s10 =	sld [smem:$0x3FB6];
	_ =	sdelay $0x3  }
0x37: {  	[smem:$0x3FB6] =	sst s10  }
0x38: {  	s10 =	sld [smem:$0x3FB7]  }
0x39: {  	_ = 	snop;
	(pc) =	sbr.ind lr, $3  }
0x3a: {  	_ = 	snop  }
0x3b: {  	_ = 	snop  }
0x3c: {  	p2 =	seq.s32 s10, $0x1;
	s10 =	sld [smem:$0x3FB6]  }
0x3d: {  	_ =	shalt  }
0x3e: {  	_ =	shalt  }
0x3f: {  	_ =	shalt  }
0x40: {  	_ =	shalt  }
0x41: {  	_ =	shalt  }
0x42: {  	_ =	shalt  }
0x43: {  	_ =	shalt  }
0x44: {  	_ =	shalt  }
0x45: {  	_ =	shalt  }
0x46: {  	_ =	shalt  }
0x47: {  	_ =	shalt  }
0x48: {  	_ =	shalt  }
0x49: {  	_ =	shalt  }
0x4a: {  	_ =	shalt  }
0x4b: {  	_ =	shalt  }
0x4c: {  	_ =	shalt  }
0x4d: {  	_ =	shalt  }
0x4e: {  	_ =	shalt  }
0x4f: {  	_ =	shalt  }
0x50: {  	_ =	shalt  }
0x51: {  	_ =	shalt  }
0x52: {  	_ =	shalt  }
0x53: {  	_ =	shalt  }
0x54: {  	_ =	shalt  }
0x55: {  	_ =	shalt  }
0x56: {  	_ =	shalt  }
0x57: {  	_ =	shalt  }
0x58: {  	_ =	shalt  }
0x59: {  	_ =	shalt  }
0x5a: {  	_ =	shalt  }
0x5b: {  	_ =	shalt  }
0x5c: {  	_ =	shalt  }
0x5d: {  	_ =	shalt  }
0x5e: {  	_ =	shalt  }
0x5f: {  	_ =	shalt  }
0x60: {  	_ =	shalt  }
0x61: {  	_ =	shalt  }
0x62: {  	_ =	shalt  }
0x63: {  	_ =	shalt  }
0x64: {  	_ =	shalt  }
0x65: {  	_ =	shalt  }
0x66: {  	_ =	shalt  }
0x67: {  	_ =	shalt  }
0x68: {  	_ =	shalt  }
0x69: {  	_ =	shalt  }
0x6a: {  	_ =	shalt  }
0x6b: {  	_ =	shalt  }
0x6c: {  	_ =	shalt  }
0x6d: {  	_ =	shalt  }
0x6e: {  	_ =	shalt  }
0x6f: {  	_ =	shalt  }
0x70: {  	_ =	shalt  }
0x71: {  	_ =	shalt  }
0x72: {  	_ =	shalt  }
0x73: {  	_ =	shalt  }
0x74: {  	_ =	shalt  }
0x75: {  	_ =	shalt  }
0x76: {  	_ =	shalt  }
0x77: {  	_ =	shalt  }
0x78: {  	_ =	shalt  }
0x79: {  	_ =	shalt  }
0x7a: {  	_ =	shalt  }
0x7b: {  	_ =	shalt  }
0x7c: {  	_ =	shalt  }
0x7d: {  	_ =	shalt  }
0x7e: {  	_ =	shalt  }
0x7f: {  	_ =	shalt  }
0x80: {  	_ =	shalt  }
0x81: {  	_ =	shalt  }
0x82: {  	_ =	shalt  }
0x83: {  	_ =	shalt  }
0x84: {  	_ =	shalt  }
0x85: {  	_ =	shalt  }
0x86: {  	_ =	shalt  }
0x87: {  	_ =	shalt  }
.Lfunc_end0:
.L_simem_size_0:
called_computation.1_lowered:
.L_overlay_start_0:
0x88: {  	s2 =	sld [smem:$0x3FD9]  }
0x89: {  	s3 =	sld [smem:$0x3FFE];
	_ =	sdelay $0x1  }
0x8a: {  	s1 =	srdreg.scid  }
0x8b: {  	s0 =	sand.u32 $0x1, s1  }
0x8c: {  	s17 =	sshll.u32 s0, $0xA;
	s2 =	sadd.s32 s3, s2  }
0x8d: {  	s2 =	sadd.s32 s2, s17  }
0x8e: {  	[smem:$0x3FC2] =	sst s2  }
0x8f: {  	_ = 	snop  }
0x90: {  	s2 =	sld [smem:$0x3FD0];
	(tm) =	ssettm $0x1  }
0x91: {  	s18 =	sld [smem:$0x3FFB];
	_ =	sdelay $0x3  }
0x92: {  	_ =	strace s18  }
0x93: {  	s3 =	sld [smem:$0x3FFC];
	_ =	sdelay $0x3  }
0x94: {  	_ =	strace s3  }
0x95: {  	s3 =	sld [smem:$0x3FFD];
	_ =	sdelay $0x3  }
0x96: {  	_ =	strace s3  }
0x97: {  	_ =	strace $0x8FFFFFFF  }
0x98: {  	s19 =	sld [smem:$0x3FDB];
	_ =	sdelay $0x1  }
0x99: {  	s4 =	simm.s32 $_scs_section_size  }
0x9a: {  	s5 =	simm.s32 $_size__tile_overlayer_lowered;
	s6 =	simm.s32 $_tile_overlayer_lowered  }
0x9b: {  	s22 =	simm.s32 $0x1BFF;
	s21 =	sshll.u32 s6, $0x1;
	s3 =	sadd.s32 s4, s19  }
0x9c: {  	s7 =	simm.s32 $0x0;
	s20 =	sshll.u32 s5, $0x1;
	s5 =	sadd.s32 s21, s3  }
0x9d: {  	[timem:s7], [sflag:s22] =	dma.local [hbm:s5], s20  }
0x9e: {  	_ =	swait.ge [sflag:s22], s20  }
0x9f: {  	s4 =	ssub.s32 $0x0, s20;
	[sflag:s22] =	ssyncset.done $0x0  }
0xa0: {  	[sflag:s22] =	ssyncadd.s32 s4;
	_ =	sdelay $0x1  }
0xa1: {  	s23 =	simm.s32 $0x1B8B  }
0xa2: {  	_ =	swait.ge [sflag:s23], $0x1  }
0xa3: {  	[sflag:s23] =	ssyncset.done $0x0  }
0xa4: {  	s25 =	simm.s32 $0x1B8E;
	s24 =	sld [smem:$0x3FFE];
	[sflag:s23] =	ssyncadd.s32 $0xFFFFFFFF  }
0xa5: {  	s26 =	simm.s32 $execute0_lowered;
	[smem:$0x3FD2] =	sst s25  }
0xa6: {  	s5 =	sshll.u32 s26, $0x1;
	_ =	strace $0x80000049;
	[dreg:$0x1] =	wrdreg $0xFFFFFFFF  }
0xa7: {  	s28 =	simm.s32 $_size_execute0_lowered;
	s3 =	sadd.s32 s3, s5;
	[dreg:$0x0] =	wrdreg $0x0  }
0xa8: {  	s5 =	sshll.u32 s28, $0x1;
	[dreg:$0x2] =	wrdreg s3  }
0xa9: {  	[dreg:$0x3] =	wrdreg s5  }
0xaa: {  	[dreg:$0x4] =	wrdreg $0xC0  }
0xab: {  	_ =	task [dreg:s7], $0x5FFFF  }
0xac: {  	[dreg:$0x1] =	wrdreg $0xFFFFFFFF  }
0xad: {  	[dreg:$0x0] =	wrdreg $0x60  }
0xae: {  	[dreg:$0x2] =	wrdreg s2  }
0xaf: {  	[dreg:$0x3] =	wrdreg s24  }
0xb0: {  	[dreg:$0x4] =	wrdreg $0x90000  }
0xb1: {  	[dreg:$0x5] =	wrdreg $0x9  }
0xb2: {  	_ =	task.clear_ibuf [dreg:s7], $0x6FFFF;
	_ =	strace $0x90000049  }
0xb3: {  	s29 =	simm.s32 $0x9;
	_ =	strace $0x8000004B  }
0xb4: {  	_ =	swait.ge [sflag:s29], $0x1  }
0xb5: {  	[sflag:s29] =	ssyncadd.s32 $0xFFFFFFFF  }
0xb6: {  	_ =	strace $0x9000004B  }
0xb7: {  	_ =	sfence  }
0xb8: {  	s30 =	sld [smem:$0x0];
	_ =	sdelay $0x2  }
0xb9: {  	s31 =	sshll.u32 s1, $0xD;
	s1 =	sshrl.u32 s1, $0x2  }
0xba: {  	s3 =	sand.u32 $0x4000, s31;
	s1 =	sadd.s32 s1, s30  }
0xbb: {  	s0 =	sor.u32 s3, s0;
	s1 =	sshll.u32 s1, $0x11  }
0xbc: {  	s0 =	sor.u32 s1, s0  }
0xbd: {  	s0 =	sadd.s32 $0x8F2B, s0  }
0xbe: {  	[sflag:s0] =	ssyncadd.remote.s32 $0x1  }
0xbf: {  	_ =	sfence.sel $0xFFFF  }
0xc0: {  	[dreg:$0x0] =	wrdreg $0xFFFFFFFF;
	(pc) =	sbr.abs _section_cstart, $3  }
0xc1: {  	[dreg:$0x1] =	wrdreg $0xFFFFFFFF  }
0xc2: {  	_ =	task.clear_ibuf [dreg:s7], $0x2FFFF;
	_ =	strace $0x9FFFFFFF  }
0xc3: {  	(tm) =	ssettm $0x7FFFFFFF  }
tec
execute0_lowered:
.L_overlay_start_1:
0x0: {  	(tag) =	ssettag $0x1  }
0x1: {  	s1 =	rddreg [dreg:$0x0]  }
0x2: {  	s0 =	rddreg [dreg:$0x1]  }
0x3: {  	s2 =	rddreg [dreg:$0x2]  }
0x4: {  	s3 =	simm.s32 $0x0;
	s6 =	srdreg.scid;
	s14 =	stileid.u32  }
0x5: {  	s30 =	simm.s32 $0x7D;
	s31 =	simm.s32 $0x1;
	[smem:$0x7FF] =	sst s3  }
0x6: {  	s5 =	sadd.s32 $0x29600, s0;
	s4 =	sadd.s32 $0x15600, s0;
	s7 =	sadd.s32 $0x1F600, s0  }
0x7: {  	s6 =	sand.u32 $0x1, s6;
	s8 =	sadd.s32 $0x1600, s0;
	s11 =	sadd.s32 $0xB600, s0  }
0x8: {  	s13 =	smul.u32 $0x50000, s14;
	s15 =	sadd.s32 $0x50800, s0;
	s0 =	sadd.s32 $0x78800, s0  }
0x9: {  	s17 =	smul.u32 $0x2800, s14;
	_ =	strace $0x8000004A;
	[dreg:$0x4] =	wrdreg s15  }
0xa: {  	s10 =	smul.u32 $0x5000, s14;
	s9 =	ssub.s32 $0x2, s6;
	[dreg:$0x5] =	wrdreg s0  }
0xb: {  	s12 =	sshrl.u32 s9, $0x1;
	s15 =	sshrl.u32 s13, $0x2;
	[dreg:$0x9] =	wrdreg s17  }
0xc: {  	s29 =	ssub.s32 s9, s12;
	s12 =	sshrl.u32 s10, $0x3;
	s9 =	sadd.s32 s15, s2  }
0xd: {  	s28 =	simm.s32 $0x5;
	s10 =	sadd.s32 s4, s12;
	[dreg:$0x8] =	wrdreg s9  }
0xe: {  	s20 =	smul.u32 $0xA00, s14;
	s16 =	sadd.s32 s7, s12;
	[dreg:$0x6] =	wrdreg s10  }
0xf: {  	s14 =	simm.s32 $0x4;
	s18 =	sadd.s32 s8, s12;
	[dreg:$0x7] =	wrdreg s16  }
0x10: {  	p0 =	seq.s32 s6, $0x1;
	s6 =	sadd.s32 s11, s12;
	[dreg:$0xa] =	wrdreg s18  }
0x11: {  	s21 =	sadd.s32 s20, s7;
	s0 =	smax.u32 s29, $0x1;
	[dreg:$0xb] =	wrdreg s6  }
0x12: {  	s13 =	simm.s32 $0x3;
	s19 =	sadd.s32 $0x2800, s9;
	[dreg:$0xc] =	wrdreg s0  }
0x13: {  	s17 =	simm.s32 $0x7;
	s22 =	sadd.s32 $0x5000, s9;
	[dreg:$0xd] =	wrdreg s19  }
0x14: {  	s15 =	simm.s32 $0x780;
	s23 =	sadd.s32 $0x7800, s9;
	[dreg:$0xe] =	wrdreg s22  }
0x15: {  	s24 =	sadd.s32 $0xA000, s9;
	s25 =	sadd.s32 $0xC800, s9;
	[dreg:$0xf] =	wrdreg s23  }
0x16: {  	s26 =	sadd.s32 $0xF000, s9;
	s29 =	sadd.s32 $0x11800, s9;
	[dreg:$0x10] =	wrdreg s24  }
0x17: {  	s9 =	simm.s32 $0x400;
	s12 =	simm.s32 $0xC00;
	[dreg:$0x11] =	wrdreg s25  }
0x18: {  	s7 =	simm.s32 $0xF00;
	[dreg:$0x12] =	wrdreg s26;
	s22 =	sadd.s32 s20, s4  }
.Ltmp0:
0x19: {  	s23 =	sadd.s32 s20, s11;
	s24 =	sadd.s32 s20, s8;
	(pc) =	sbr.rel .LBB2_1-.Ltmp0, $4  }
0x1a: {  	[dreg:$0x13] =	wrdreg s29;
	s26 =	simm.s32 $0x1000;
	s19 =	simm.s32 $0x9  }
0x1b: {  	s6 =	simm.s32 $0x5000;
	s8 =	simm.s32 $0x2;
	s4 =	simm.s32 $0x6  }
0x1c: {  	s11 =	simm.s32 $0x8;
	s25 =	simm.s32 $0x680;
	s10 =	simm.s32 $0xE80  }
0x1d: {  	v0 =	vimm.f32 $0.0e+00;
	s0 =	simm.s32 $0x700;
	s16 =	simm.s32 $0xF80;
	s20 =	simm.s32 $0x0  }
.LBB2_10:
0x1e: {  	s18 =	rddreg [dreg:$0x5]  }
0x1f: {  	s29 =	rddreg [dreg:$0x14]  }
.LBB2_11:
0x20: {  	_ =	swait.ge [sflag:s14], $0x3E80  }
0x21: {  	[sflag:s14] =	ssyncset.done $0x0  }
0x22: {  	[sflag:s14] =	ssyncadd.s32 $0xFFFFC180  }
0x23: {  	s20 =	stileid.u32;
	s19 =	rddreg [dreg:$0x9];
	[bflag:$0x0] =	sbarrier.arrive $0xFFFF  }
0x24: {  	s18 =	sadd.s32 s18, s19;
	s19 =	sshll.u32 s20, $0x6;
	s20 =	rddreg [dreg:$0x8]  }
0x25: {  	s19 =	sor.u32 $0x1C09, s19;
	s20 =	sshrl.u32 s20, $0x3  }
0x26: {  	[hbm:s18], [sflag:s19] =	dma.local [spmem:s20], $0x2800  }
0x27: {  	s19 =	simm.s32 $0x9  }
0x28: {  	_ =	swait.ge [sflag:s19], $0x2800  }
0x29: {  	s20 =	sadd.s32 $0x1, s29;
	s29 =	rddreg [dreg:$0xc]  }
0x2a: {  	p1 =	sne.s32 s20, s29  }
.Ltmp1:
0x2b: {  	_ = 	snop;
	(pc) =	sbr.rel @!p1 .LBB2_12-.Ltmp1, $3  }
0x2c: {  	_ =	sdelay $0x1  }
0x2d: {  	[sflag:s19] =	ssyncset.done $0x0  }
0x2e: {  	[sflag:s19] =	ssyncadd.s32 $0xFFFFD800  }
.LBB2_1:
0x2f: {  	s29 =	simm.s32 $0x0;
	s18 =	simm.s32 $0x200  }
.LBB2_2:
0x30: {  	p1 =	sne.s32 s18, $0x9E00;
	[tilespmem:s29+$0x1070] =	vst v0  }
0x31: {  	[tilespmem:s29+$0x1000] =	vst v0  }
0x32: {  	[tilespmem:s29+$0x1010] =	vst v0  }
.Ltmp2:
0x33: {  	[tilespmem:s29+$0x1020] =	vst v0;
	(pc) =	sbr.rel @p1 .LBB2_2-.Ltmp2, $4  }
0x34: {  	[tilespmem:s29+$0x1030] =	vst v0  }
0x35: {  	[tilespmem:s29+$0x1040] =	vst v0  }
0x36: {  	[tilespmem:s29+$0x1050] =	vst v0  }
0x37: {  	[tilespmem:s29+$0x1060] =	vst v0;
	s29 =	sshra.s32 s18, $0x2;
	s18 =	sadd.s32 $0x200, s18  }
0x38: {  	[tilespmem:s29+$0x1070] =	vst v0  }
0x39: {  	[tilespmem:s29+$0x1000] =	vst v0  }
0x3a: {  	[tilespmem:s29+$0x1010] =	vst v0  }
0x3b: {  	[tilespmem:s29+$0x1020] =	vst v0  }
0x3c: {  	[tilespmem:s29+$0x1030] =	vst v0  }
0x3d: {  	[tilespmem:s29+$0x1040] =	vst v0  }
0x3e: {  	[dreg:$0x14] =	wrdreg s20;
	[tilespmem:s29+$0x1050] =	vst v0  }
0x3f: {  	[tilespmem:s29+$0x1060] =	vst v0;
	s18 =	rddreg [dreg:$0x8]  }
0x40: {  	[spmem:s18] =	stream.linear.scatter [tilespmem:s26], [sflag:$0x9], $0x2800, $0x38;
	[tilespmem:$0x1D000] =	vst v63  }
0x41: {  	_ =	swait.ge [sflag:s19], $0x2800  }
0x42: {  	[sflag:s19] =	ssyncset.done $0x0  }
0x43: {  	s20 =	rddreg [dreg:$0xd];
	[sflag:s19] =	ssyncadd.s32 $0xFFFFD800  }
0x44: {  	[spmem:s20] =	stream.linear.scatter [tilespmem:s26], [sflag:$0x9], $0x2800, $0x38;
	[tilespmem:$0x1D000] =	vst v63  }
0x45: {  	_ =	swait.ge [sflag:s19], $0x2800  }
0x46: {  	[sflag:s19] =	ssyncset.done $0x0  }
0x47: {  	s20 =	rddreg [dreg:$0xe];
	[sflag:s19] =	ssyncadd.s32 $0xFFFFD800  }
0x48: {  	[spmem:s20] =	stream.linear.scatter [tilespmem:s26], [sflag:$0x9], $0x2800, $0x38;
	[tilespmem:$0x1D000] =	vst v63  }
0x49: {  	_ =	swait.ge [sflag:s19], $0x2800  }
0x4a: {  	[sflag:s19] =	ssyncset.done $0x0  }
0x4b: {  	s20 =	rddreg [dreg:$0xf];
	[sflag:s19] =	ssyncadd.s32 $0xFFFFD800  }
0x4c: {  	[spmem:s20] =	stream.linear.scatter [tilespmem:s26], [sflag:$0x9], $0x2800, $0x38;
	[tilespmem:$0x1D000] =	vst v63  }
0x4d: {  	_ =	swait.ge [sflag:s19], $0x2800  }
0x4e: {  	[sflag:s19] =	ssyncset.done $0x0  }
0x4f: {  	s20 =	rddreg [dreg:$0x10];
	[sflag:s19] =	ssyncadd.s32 $0xFFFFD800  }
0x50: {  	[spmem:s20] =	stream.linear.scatter [tilespmem:s26], [sflag:$0x9], $0x2800, $0x38;
	[tilespmem:$0x1D000] =	vst v63  }
0x51: {  	_ =	swait.ge [sflag:s19], $0x2800  }
0x52: {  	[sflag:s19] =	ssyncset.done $0x0  }
0x53: {  	s20 =	rddreg [dreg:$0x11];
	[sflag:s19] =	ssyncadd.s32 $0xFFFFD800  }
0x54: {  	[spmem:s20] =	stream.linear.scatter [tilespmem:s26], [sflag:$0x9], $0x2800, $0x38;
	[tilespmem:$0x1D000] =	vst v63  }
0x55: {  	_ =	swait.ge [sflag:s19], $0x2800  }
0x56: {  	[sflag:s19] =	ssyncset.done $0x0  }
0x57: {  	s20 =	rddreg [dreg:$0x12];
	[sflag:s19] =	ssyncadd.s32 $0xFFFFD800  }
0x58: {  	[spmem:s20] =	stream.linear.scatter [tilespmem:s26], [sflag:$0x9], $0x2800, $0x38;
	[tilespmem:$0x1D000] =	vst v63  }
0x59: {  	_ =	swait.ge [sflag:s19], $0x2800  }
0x5a: {  	[sflag:s19] =	ssyncset.done $0x0  }
0x5b: {  	s20 =	rddreg [dreg:$0x13];
	[sflag:s19] =	ssyncadd.s32 $0xFFFFD800  }
0x5c: {  	[spmem:s20] =	stream.linear.scatter [tilespmem:s26], [sflag:$0x9], $0x2800, $0x38;
	[tilespmem:$0x1D000] =	vst v63  }
.Ltmp3:
0x5d: {  	_ =	swait.ge [sflag:s19], $0x2800;
	(pc) =	sbr.rel @!p0 .LBB2_4-.Ltmp3, $4  }
0x5e: {  	[sflag:s19] =	ssyncset.done $0x0  }
0x5f: {  	[sflag:s19] =	ssyncadd.s32 $0xFFFFD800  }
0x60: {  	[bflag:$0x0] =	sbarrier.arrive $0xFFFF  }
0x61: {  	s29 =	simm.s32 $0x0  }
0x62: {  	s18 =	rddreg [dreg:$0xa]  }
0x63: {  	[tilespmem:s29], [sflag:$0x9] =	stream.linear.gather [hbm4b:s18+s29], $0x400, $0x38;
	[tilespmem:$0x1D000] =	vst v63  }
0x64: {  	_ =	swait.ge [sflag:s19], $0x400  }
0x65: {  	[sflag:s19] =	ssyncset.done $0x0  }
0x66: {  	s20 =	simm.s32 $0x800;
	s18 =	rddreg [dreg:$0xb];
	[sflag:s19] =	ssyncadd.s32 $0xFFFFFC00  }
0x67: {  	[tilespmem:s20], [sflag:$0x9] =	stream.linear.gather [hbm4b:s18+s29], $0x400, $0x38;
	[tilespmem:$0x1D000] =	vst v63  }
0x68: {  	_ =	swait.ge [sflag:s19], $0x400  }
0x69: {  	[sflag:s19] =	ssyncset.done $0x0  }
0x6a: {  	[sflag:s19] =	ssyncadd.s32 $0xFFFFFC00  }
0x6b: {  	[tilespmem:s26], [sflag:$0x1] =	stream.indirect.gather [hbm4b:s5+s30], $0x80, s29, s30, $0xb8;
	[tilespmem:$0x1D000] =	vst v63  }
.LBB2_9:
0x6c: {  	_ =	swait.ge [sflag:s31], $0x3E80  }
0x6d: {  	[sflag:s31] =	ssyncset.done $0x0  }
0x6e: {  	s18 =	simm.s32 $0x800;
	p1 =	seq.s32 s29, $0x0;
	[sflag:s31] =	ssyncadd.s32 $0xFFFFC180  }
0x6f: {  	[spmem:s2] =	stream.indirect.scatter.add.f32 [tilespmem:s26], [sflag:$0x3], $0x80, s18, s30, $0xb8;
	[tilespmem:$0x1D000] =	vst v63  }
0x70: {  	s18 =	simm.s32 @!p1 $0x4  }
0x71: {  	_ =	swait.ge @!p1 [sflag:s18], $0x3E80  }
0x72: {  	[sflag:s18] =	ssyncset.done @!p1 $0x0  }
0x73: {  	s19 =	simm.s32 $0x80;
	[sflag:s18] =	ssyncadd.s32 @!p1 $0xFFFFC180  }
0x74: {  	[tilespmem:s6], [sflag:$0x2] =	stream.indirect.gather [hbm4b:s5+s30], $0x80, s19, s30, $0xb8;
	[tilespmem:$0x1D000] =	vst v63  }
0x75: {  	_ =	swait.ge [sflag:s8], $0x3E80  }
0x76: {  	[sflag:s8] =	ssyncset.done $0x0  }
0x77: {  	s20 =	simm.s32 $0x880;
	s19 =	sadd.s32 s29, s24;
	[sflag:s8] =	ssyncadd.s32 $0xFFFFC180  }
0x78: {  	[spmem:s2] =	stream.indirect.scatter.add.f32 [tilespmem:s6], [sflag:$0x4], $0x80, s20, s30, $0xb8;
	[tilespmem:$0x1D000] =	vst v63  }
0x79: {  	s18 =	sadd.s32 $0x80, s19;
	s20 =	sadd.s32 s29, s23  }
0x7a: {  	[tilespmem:s9], [sflag:$0x6] =	stream.linear.gather [hbm4b:s18+s3], $0x400, $0x38;
	[tilespmem:$0x1D000] =	vst v63  }
0x7b: {  	s18 =	sadd.s32 $0x80, s20  }
0x7c: {  	[tilespmem:s12], [sflag:$0x8] =	stream.linear.gather [hbm4b:s18+s3], $0x400, $0x38;
	[tilespmem:$0x1D000] =	vst v63  }
0x7d: {  	_ =	swait.ge [sflag:s13], $0x3E80  }
0x7e: {  	[sflag:s13] =	ssyncset.done $0x0  }
0x7f: {  	s19 =	simm.s32 $0x100;
	[sflag:s13] =	ssyncadd.s32 $0xFFFFC180  }
0x80: {  	[tilespmem:s26], [sflag:$0x1] =	stream.indirect.gather [hbm4b:s5+s30], $0x80, s19, s30, $0xb8;
	[tilespmem:$0x1D000] =	vst v63  }
0x81: {  	_ =	swait.ge [sflag:s31], $0x3E80  }
0x82: {  	[sflag:s31] =	ssyncset.done $0x0  }
0x83: {  	s20 =	simm.s32 $0x900;
	[sflag:s31] =	ssyncadd.s32 $0xFFFFC180  }
0x84: {  	[spmem:s2] =	stream.indirect.scatter.add.f32 [tilespmem:s26], [sflag:$0x3], $0x80, s20, s30, $0xb8;
	[tilespmem:$0x1D000] =	vst v63  }
0x85: {  	_ =	swait.ge [sflag:s14], $0x3E80  }
0x86: {  	[sflag:s14] =	ssyncset.done $0x0  }
0x87: {  	s19 =	simm.s32 $0x180;
	[sflag:s14] =	ssyncadd.s32 $0xFFFFC180  }
0x88: {  	[tilespmem:s6], [sflag:$0x2] =	stream.indirect.gather [hbm4b:s5+s30], $0x80, s19, s30, $0xb8;
	[tilespmem:$0x1D000] =	vst v63  }
0x89: {  	_ =	swait.ge [sflag:s8], $0x3E80  }
0x8a: {  	[sflag:s8] =	ssyncset.done $0x0  }
0x8b: {  	s20 =	simm.s32 $0x980;
	[sflag:s8] =	ssyncadd.s32 $0xFFFFC180  }
0x8c: {  	[spmem:s2] =	stream.indirect.scatter.add.f32 [tilespmem:s6], [sflag:$0x4], $0x80, s20, s30, $0xb8;
	[tilespmem:$0x1D000] =	vst v63  }
0x8d: {  	_ =	swait.ge [sflag:s13], $0x3E80  }
0x8e: {  	[sflag:s13] =	ssyncset.done $0x0  }
0x8f: {  	s19 =	simm.s32 $0x200;
	[sflag:s13] =	ssyncadd.s32 $0xFFFFC180  }
0x90: {  	[tilespmem:s26], [sflag:$0x1] =	stream.indirect.gather [hbm4b:s5+s30], $0x80, s19, s30, $0xb8;
	[tilespmem:$0x1D000] =	vst v63  }
0x91: {  	_ =	swait.ge [sflag:s31], $0x3E80  }
0x92: {  	[sflag:s31] =	ssyncset.done $0x0  }
0x93: {  	s20 =	simm.s32 $0xA00;
	[sflag:s31] =	ssyncadd.s32 $0xFFFFC180  }
0x94: {  	[spmem:s2] =	stream.indirect.scatter.add.f32 [tilespmem:s26], [sflag:$0x3], $0x80, s20, s30, $0xb8;
	[tilespmem:$0x1D000] =	vst v63  }
0x95: {  	_ =	swait.ge [sflag:s14], $0x3E80  }
0x96: {  	[sflag:s14] =	ssyncset.done $0x0  }
0x97: {  	s19 =	simm.s32 $0x280;
	[sflag:s14] =	ssyncadd.s32 $0xFFFFC180  }
0x98: {  	[tilespmem:s6], [sflag:$0x2] =	stream.indirect.gather [hbm4b:s5+s30], $0x80, s19, s30, $0xb8;
	[tilespmem:$0x1D000] =	vst v63  }
0x99: {  	_ =	swait.ge [sflag:s8], $0x3E80  }
0x9a: {  	[sflag:s8] =	ssyncset.done $0x0  }
0x9b: {  	s20 =	simm.s32 $0xA80;
	[sflag:s8] =	ssyncadd.s32 $0xFFFFC180  }
0x9c: {  	[spmem:s2] =	stream.indirect.scatter.add.f32 [tilespmem:s6], [sflag:$0x4], $0x80, s20, s30, $0xb8;
	[tilespmem:$0x1D000] =	vst v63  }
0x9d: {  	_ =	swait.ge [sflag:s13], $0x3E80  }
0x9e: {  	[sflag:s13] =	ssyncset.done $0x0  }
0x9f: {  	s19 =	simm.s32 $0x300;
	[sflag:s13] =	ssyncadd.s32 $0xFFFFC180  }
0xa0: {  	[tilespmem:s26], [sflag:$0x1] =	stream.indirect.gather [hbm4b:s5+s30], $0x80, s19, s30, $0xb8;
	[tilespmem:$0x1D000] =	vst v63  }
0xa1: {  	_ =	swait.ge [sflag:s31], $0x3E80  }
0xa2: {  	[sflag:s31] =	ssyncset.done $0x0  }
0xa3: {  	s20 =	simm.s32 $0xB00;
	[sflag:s31] =	ssyncadd.s32 $0xFFFFC180  }
0xa4: {  	[spmem:s2] =	stream.indirect.scatter.add.f32 [tilespmem:s26], [sflag:$0x3], $0x80, s20, s30, $0xb8;
	[tilespmem:$0x1D000] =	vst v63  }
0xa5: {  	_ =	swait.ge [sflag:s14], $0x3E80  }
0xa6: {  	[sflag:s14] =	ssyncset.done $0x0  }
0xa7: {  	s19 =	simm.s32 $0x380;
	[sflag:s14] =	ssyncadd.s32 $0xFFFFC180  }
0xa8: {  	[tilespmem:s6], [sflag:$0x2] =	stream.indirect.gather [hbm4b:s5+s30], $0x80, s19, s30, $0xb8;
	[tilespmem:$0x1D000] =	vst v63  }
0xa9: {  	_ =	swait.ge [sflag:s8], $0x3E80  }
0xaa: {  	[sflag:s8] =	ssyncset.done $0x0  }
0xab: {  	s20 =	simm.s32 $0xB80;
	[sflag:s8] =	ssyncadd.s32 $0xFFFFC180  }
0xac: {  	[spmem:s2] =	stream.indirect.scatter.add.f32 [tilespmem:s6], [sflag:$0x4], $0x80, s20, s30, $0xb8;
	[tilespmem:$0x1D000] =	vst v63  }
0xad: {  	_ =	swait.ge [sflag:s13], $0x3E80  }
0xae: {  	[sflag:s13] =	ssyncset.done $0x0  }
0xaf: {  	[sflag:s13] =	ssyncadd.s32 $0xFFFFC180  }
0xb0: {  	_ =	swait.ge [sflag:s4], $0x400  }
0xb1: {  	[sflag:s4] =	ssyncset.done $0x0  }
0xb2: {  	[sflag:s4] =	ssyncadd.s32 $0xFFFFFC00  }
0xb3: {  	_ =	swait.ge [sflag:s11], $0x400  }
0xb4: {  	[sflag:s11] =	ssyncset.done $0x0  }
0xb5: {  	[sflag:s11] =	ssyncadd.s32 $0xFFFFFC00  }
0xb6: {  	[tilespmem:s26], [sflag:$0x1] =	stream.indirect.gather [hbm4b:s5+s30], $0x80, s9, s30, $0xb8;
	[tilespmem:$0x1D000] =	vst v63  }
0xb7: {  	_ =	swait.ge [sflag:s31], $0x3E80  }
0xb8: {  	[sflag:s31] =	ssyncset.done $0x0  }
0xb9: {  	[sflag:s31] =	ssyncadd.s32 $0xFFFFC180  }
0xba: {  	[spmem:s2] =	stream.indirect.scatter.add.f32 [tilespmem:s26], [sflag:$0x3], $0x80, s12, s30, $0xb8;
	[tilespmem:$0x1D000] =	vst v63  }
0xbb: {  	_ =	swait.ge [sflag:s14], $0x3E80  }
0xbc: {  	[sflag:s14] =	ssyncset.done $0x0  }
0xbd: {  	s19 =	simm.s32 $0x480;
	[sflag:s14] =	ssyncadd.s32 $0xFFFFC180  }
0xbe: {  	[tilespmem:s6], [sflag:$0x2] =	stream.indirect.gather [hbm4b:s5+s30], $0x80, s19, s30, $0xb8;
	[tilespmem:$0x1D000] =	vst v63  }
0xbf: {  	_ =	swait.ge [sflag:s8], $0x3E80  }
0xc0: {  	p1 =	seq.s32 s29, $0x900;
	[sflag:s8] =	ssyncset.done $0x0  }
0xc1: {  	s18 =	sadd.s32 @!p1 s29, s24;
	s20 =	simm.s32 $0xC80;
	[sflag:s8] =	ssyncadd.s32 $0xFFFFC180  }
0xc2: {  	[spmem:s2] =	stream.indirect.scatter.add.f32 [tilespmem:s6], [sflag:$0x4], $0x80, s20, s30, $0xb8;
	[tilespmem:$0x1D000] =	vst v63  }
0xc3: {  	s18 =	sadd.s32 @!p1 $0x100, s18;
	s19 =	simm.s32 @!p1 $0x0  }
0xc4: {  	[tilespmem:s19], [sflag:$0x5] =	stream.linear.gather @!p1 [hbm4b:s18+s19], $0x400, $0x38;
	[tilespmem:$0x1D000] =	vst v63  }
0xc5: {  	s18 =	sadd.s32 @!p1 s29, s23  }
0xc6: {  	s20 =	simm.s32 @!p1 $0x800;
	s18 =	sadd.s32 @!p1 $0x100, s18  }
0xc7: {  	[tilespmem:s20], [sflag:$0x7] =	stream.linear.gather @!p1 [hbm4b:s18+s19], $0x400, $0x38;
	[tilespmem:$0x1D000] =	vst v63  }
0xc8: {  	_ =	swait.ge [sflag:s13], $0x3E80  }
0xc9: {  	[sflag:s13] =	ssyncset.done $0x0  }
0xca: {  	s19 =	simm.s32 $0x500;
	[sflag:s13] =	ssyncadd.s32 $0xFFFFC180  }
0xcb: {  	[tilespmem:s26], [sflag:$0x1] =	stream.indirect.gather [hbm4b:s5+s30], $0x80, s19, s30, $0xb8;
	[tilespmem:$0x1D000] =	vst v63  }
0xcc: {  	_ =	swait.ge [sflag:s31], $0x3E80  }
0xcd: {  	[sflag:s31] =	ssyncset.done $0x0  }
0xce: {  	s20 =	simm.s32 $0xD00;
	[sflag:s31] =	ssyncadd.s32 $0xFFFFC180  }
0xcf: {  	[spmem:s2] =	stream.indirect.scatter.add.f32 [tilespmem:s26], [sflag:$0x3], $0x80, s20, s30, $0xb8;
	[tilespmem:$0x1D000] =	vst v63  }
0xd0: {  	_ =	swait.ge [sflag:s14], $0x3E80  }
0xd1: {  	[sflag:s14] =	ssyncset.done $0x0  }
0xd2: {  	s19 =	simm.s32 $0x580;
	[sflag:s14] =	ssyncadd.s32 $0xFFFFC180  }
0xd3: {  	[tilespmem:s6], [sflag:$0x2] =	stream.indirect.gather [hbm4b:s5+s30], $0x80, s19, s30, $0xb8;
	[tilespmem:$0x1D000] =	vst v63  }
0xd4: {  	_ =	swait.ge [sflag:s8], $0x3E80  }
0xd5: {  	[sflag:s8] =	ssyncset.done $0x0  }
0xd6: {  	s20 =	simm.s32 $0xD80;
	[sflag:s8] =	ssyncadd.s32 $0xFFFFC180  }
0xd7: {  	[spmem:s2] =	stream.indirect.scatter.add.f32 [tilespmem:s6], [sflag:$0x4], $0x80, s20, s30, $0xb8;
	[tilespmem:$0x1D000] =	vst v63  }
0xd8: {  	_ =	swait.ge [sflag:s13], $0x3E80  }
0xd9: {  	[sflag:s13] =	ssyncset.done $0x0  }
0xda: {  	s19 =	simm.s32 $0x600;
	[sflag:s13] =	ssyncadd.s32 $0xFFFFC180  }
0xdb: {  	[tilespmem:s26], [sflag:$0x1] =	stream.indirect.gather [hbm4b:s5+s30], $0x80, s19, s30, $0xb8;
	[tilespmem:$0x1D000] =	vst v63  }
0xdc: {  	_ =	swait.ge [sflag:s31], $0x3E80  }
0xdd: {  	[sflag:s31] =	ssyncset.done $0x0  }
0xde: {  	s20 =	simm.s32 $0xE00;
	[sflag:s31] =	ssyncadd.s32 $0xFFFFC180  }
0xdf: {  	[spmem:s2] =	stream.indirect.scatter.add.f32 [tilespmem:s26], [sflag:$0x3], $0x80, s20, s30, $0xb8;
	[tilespmem:$0x1D000] =	vst v63  }
0xe0: {  	_ =	swait.ge [sflag:s14], $0x3E80  }
0xe1: {  	[sflag:s14] =	ssyncset.done $0x0  }
0xe2: {  	[sflag:s14] =	ssyncadd.s32 $0xFFFFC180  }
0xe3: {  	[tilespmem:s6], [sflag:$0x2] =	stream.indirect.gather [hbm4b:s5+s30], $0x80, s25, s30, $0xb8;
	[tilespmem:$0x1D000] =	vst v63  }
0xe4: {  	_ =	swait.ge [sflag:s8], $0x3E80  }
0xe5: {  	[sflag:s8] =	ssyncset.done $0x0  }
0xe6: {  	[sflag:s8] =	ssyncadd.s32 $0xFFFFC180  }
0xe7: {  	[spmem:s2] =	stream.indirect.scatter.add.f32 [tilespmem:s6], [sflag:$0x4], $0x80, s10, s30, $0xb8;
	[tilespmem:$0x1D000] =	vst v63  }
0xe8: {  	_ =	swait.ge [sflag:s13], $0x3E80  }
0xe9: {  	[sflag:s13] =	ssyncset.done $0x0  }
0xea: {  	[sflag:s13] =	ssyncadd.s32 $0xFFFFC180  }
0xeb: {  	[tilespmem:s26], [sflag:$0x1] =	stream.indirect.gather [hbm4b:s5+s30], $0x80, s0, s30, $0xb8;
	[tilespmem:$0x1D000] =	vst v63  }
0xec: {  	_ =	swait.ge [sflag:s31], $0x3E80  }
0xed: {  	[sflag:s31] =	ssyncset.done $0x0  }
0xee: {  	[sflag:s31] =	ssyncadd.s32 $0xFFFFC180  }
0xef: {  	[spmem:s2] =	stream.indirect.scatter.add.f32 [tilespmem:s26], [sflag:$0x3], $0x80, s7, s30, $0xb8;
	[tilespmem:$0x1D000] =	vst v63  }
0xf0: {  	_ =	swait.ge [sflag:s14], $0x3E80  }
0xf1: {  	[sflag:s14] =	ssyncset.done $0x0  }
0xf2: {  	[sflag:s14] =	ssyncadd.s32 $0xFFFFC180  }
0xf3: {  	[tilespmem:s6], [sflag:$0x2] =	stream.indirect.gather [hbm4b:s5+s30], $0x80, s15, s30, $0xb8;
	[tilespmem:$0x1D000] =	vst v63  }
0xf4: {  	_ =	swait.ge [sflag:s8], $0x3E80  }
0xf5: {  	[sflag:s8] =	ssyncset.done $0x0  }
.Ltmp4:
0xf6: {  	[sflag:s8] =	ssyncadd.s32 $0xFFFFC180;
	(pc) =	sbr.rel @p1 .LBB2_10-.Ltmp4, $4  }
0xf7: {  	[spmem:s2] =	stream.indirect.scatter.add.f32 [tilespmem:s6], [sflag:$0x4], $0x80, s16, s30, $0xb8;
	[tilespmem:$0x1D000] =	vst v63  }
0xf8: {  	_ =	swait.ge [sflag:s13], $0x3E80  }
0xf9: {  	[sflag:s13] =	ssyncset.done $0x0  }
0xfa: {  	[sflag:s13] =	ssyncadd.s32 $0xFFFFC180  }
0xfb: {  	_ =	swait.ge [sflag:s28], $0x400  }
0xfc: {  	[sflag:s28] =	ssyncset.done $0x0  }
.Ltmp5:
0xfd: {  	[sflag:s28] =	ssyncadd.s32 $0xFFFFFC00;
	(pc) =	sbr.rel .LBB2_9-.Ltmp5, $4  }
0xfe: {  	_ =	swait.ge [sflag:s17], $0x400  }
0xff: {  	[sflag:s17] =	ssyncset.done $0x0  }
0x100: {  	s29 =	sadd.s32 $0x100, s29;
	[sflag:s17] =	ssyncadd.s32 $0xFFFFFC00  }
0x101: {  	[tilespmem:s26], [sflag:$0x1] =	stream.indirect.gather [hbm4b:s5+s30], $0x80, s3, s30, $0xb8;
	[tilespmem:$0x1D000] =	vst v63  }
.LBB2_4:
0x102: {  	s18 =	rddreg [dreg:$0x6]  }
0x103: {  	[tilespmem:s29], [sflag:$0x9] =	stream.linear.gather [hbm4b:s18+s29], $0x400, $0x38;
	[tilespmem:$0x1D000] =	vst v63  }
0x104: {  	_ =	swait.ge [sflag:s19], $0x400  }
0x105: {  	[sflag:s19] =	ssyncset.done $0x0  }
0x106: {  	s20 =	simm.s32 $0x800;
	s18 =	rddreg [dreg:$0x7];
	[sflag:s19] =	ssyncadd.s32 $0xFFFFFC00  }
0x107: {  	[tilespmem:s20], [sflag:$0x9] =	stream.linear.gather [hbm4b:s18+s29], $0x400, $0x38;
	[tilespmem:$0x1D000] =	vst v63  }
0x108: {  	_ =	swait.ge [sflag:s19], $0x400  }
0x109: {  	[sflag:s19] =	ssyncset.done $0x0  }
0x10a: {  	[sflag:s19] =	ssyncadd.s32 $0xFFFFFC00  }
0x10b: {  	[tilespmem:s26], [sflag:$0x1] =	stream.indirect.gather [hbm4b:s1+s30], $0x80, s29, s30, $0xb8;
	[tilespmem:$0x1D000] =	vst v63  }
.LBB2_5:
0x10c: {  	_ =	swait.ge [sflag:s31], $0x3E80  }
0x10d: {  	[sflag:s31] =	ssyncset.done $0x0  }
0x10e: {  	s18 =	simm.s32 $0x800;
	p1 =	seq.s32 s29, $0x0;
	[sflag:s31] =	ssyncadd.s32 $0xFFFFC180  }
0x10f: {  	[spmem:s2] =	stream.indirect.scatter.add.f32 [tilespmem:s26], [sflag:$0x3], $0x80, s18, s30, $0xb8;
	[tilespmem:$0x1D000] =	vst v63  }
0x110: {  	s18 =	simm.s32 @!p1 $0x4  }
0x111: {  	_ =	swait.ge @!p1 [sflag:s18], $0x3E80  }
0x112: {  	[sflag:s18] =	ssyncset.done @!p1 $0x0  }
0x113: {  	s19 =	simm.s32 $0x80;
	[sflag:s18] =	ssyncadd.s32 @!p1 $0xFFFFC180  }
0x114: {  	[tilespmem:s6], [sflag:$0x2] =	stream.indirect.gather [hbm4b:s1+s30], $0x80, s19, s30, $0xb8;
	[tilespmem:$0x1D000] =	vst v63  }
0x115: {  	_ =	swait.ge [sflag:s8], $0x3E80  }
0x116: {  	[sflag:s8] =	ssyncset.done $0x0  }
0x117: {  	s20 =	simm.s32 $0x880;
	s19 =	sadd.s32 s29, s22;
	[sflag:s8] =	ssyncadd.s32 $0xFFFFC180  }
0x118: {  	[spmem:s2] =	stream.indirect.scatter.add.f32 [tilespmem:s6], [sflag:$0x4], $0x80, s20, s30, $0xb8;
	[tilespmem:$0x1D000] =	vst v63  }
0x119: {  	s18 =	sadd.s32 $0x80, s19;
	s20 =	sadd.s32 s29, s21  }
0x11a: {  	[tilespmem:s9], [sflag:$0x6] =	stream.linear.gather [hbm4b:s18+s3], $0x400, $0x38;
	[tilespmem:$0x1D000] =	vst v63  }
0x11b: {  	s18 =	sadd.s32 $0x80, s20  }
0x11c: {  	[tilespmem:s12], [sflag:$0x8] =	stream.linear.gather [hbm4b:s18+s3], $0x400, $0x38;
	[tilespmem:$0x1D000] =	vst v63  }
0x11d: {  	_ =	swait.ge [sflag:s13], $0x3E80  }
0x11e: {  	[sflag:s13] =	ssyncset.done $0x0  }
0x11f: {  	s19 =	simm.s32 $0x100;
	[sflag:s13] =	ssyncadd.s32 $0xFFFFC180  }
0x120: {  	[tilespmem:s26], [sflag:$0x1] =	stream.indirect.gather [hbm4b:s1+s30], $0x80, s19, s30, $0xb8;
	[tilespmem:$0x1D000] =	vst v63  }
0x121: {  	_ =	swait.ge [sflag:s31], $0x3E80  }
0x122: {  	[sflag:s31] =	ssyncset.done $0x0  }
0x123: {  	s20 =	simm.s32 $0x900;
	[sflag:s31] =	ssyncadd.s32 $0xFFFFC180  }
0x124: {  	[spmem:s2] =	stream.indirect.scatter.add.f32 [tilespmem:s26], [sflag:$0x3], $0x80, s20, s30, $0xb8;
	[tilespmem:$0x1D000] =	vst v63  }
0x125: {  	_ =	swait.ge [sflag:s14], $0x3E80  }
0x126: {  	[sflag:s14] =	ssyncset.done $0x0  }
0x127: {  	s19 =	simm.s32 $0x180;
	[sflag:s14] =	ssyncadd.s32 $0xFFFFC180  }
0x128: {  	[tilespmem:s6], [sflag:$0x2] =	stream.indirect.gather [hbm4b:s1+s30], $0x80, s19, s30, $0xb8;
	[tilespmem:$0x1D000] =	vst v63  }
0x129: {  	_ =	swait.ge [sflag:s8], $0x3E80  }
0x12a: {  	[sflag:s8] =	ssyncset.done $0x0  }
0x12b: {  	s20 =	simm.s32 $0x980;
	[sflag:s8] =	ssyncadd.s32 $0xFFFFC180  }
0x12c: {  	[spmem:s2] =	stream.indirect.scatter.add.f32 [tilespmem:s6], [sflag:$0x4], $0x80, s20, s30, $0xb8;
	[tilespmem:$0x1D000] =	vst v63  }
0x12d: {  	_ =	swait.ge [sflag:s13], $0x3E80  }
0x12e: {  	[sflag:s13] =	ssyncset.done $0x0  }
0x12f: {  	s19 =	simm.s32 $0x200;
	[sflag:s13] =	ssyncadd.s32 $0xFFFFC180  }
0x130: {  	[tilespmem:s26], [sflag:$0x1] =	stream.indirect.gather [hbm4b:s1+s30], $0x80, s19, s30, $0xb8;
	[tilespmem:$0x1D000] =	vst v63  }
0x131: {  	_ =	swait.ge [sflag:s31], $0x3E80  }
0x132: {  	[sflag:s31] =	ssyncset.done $0x0  }
0x133: {  	s20 =	simm.s32 $0xA00;
	[sflag:s31] =	ssyncadd.s32 $0xFFFFC180  }
0x134: {  	[spmem:s2] =	stream.indirect.scatter.add.f32 [tilespmem:s26], [sflag:$0x3], $0x80, s20, s30, $0xb8;
	[tilespmem:$0x1D000] =	vst v63  }
0x135: {  	_ =	swait.ge [sflag:s14], $0x3E80  }
0x136: {  	[sflag:s14] =	ssyncset.done $0x0  }
0x137: {  	s19 =	simm.s32 $0x280;
	[sflag:s14] =	ssyncadd.s32 $0xFFFFC180  }
0x138: {  	[tilespmem:s6], [sflag:$0x2] =	stream.indirect.gather [hbm4b:s1+s30], $0x80, s19, s30, $0xb8;
	[tilespmem:$0x1D000] =	vst v63  }
0x139: {  	_ =	swait.ge [sflag:s8], $0x3E80  }
0x13a: {  	[sflag:s8] =	ssyncset.done $0x0  }
0x13b: {  	s20 =	simm.s32 $0xA80;
	[sflag:s8] =	ssyncadd.s32 $0xFFFFC180  }
0x13c: {  	[spmem:s2] =	stream.indirect.scatter.add.f32 [tilespmem:s6], [sflag:$0x4], $0x80, s20, s30, $0xb8;
	[tilespmem:$0x1D000] =	vst v63  }
0x13d: {  	_ =	swait.ge [sflag:s13], $0x3E80  }
0x13e: {  	[sflag:s13] =	ssyncset.done $0x0  }
0x13f: {  	s19 =	simm.s32 $0x300;
	[sflag:s13] =	ssyncadd.s32 $0xFFFFC180  }
0x140: {  	[tilespmem:s26], [sflag:$0x1] =	stream.indirect.gather [hbm4b:s1+s30], $0x80, s19, s30, $0xb8;
	[tilespmem:$0x1D000] =	vst v63  }
0x141: {  	_ =	swait.ge [sflag:s31], $0x3E80  }
0x142: {  	[sflag:s31] =	ssyncset.done $0x0  }
0x143: {  	s20 =	simm.s32 $0xB00;
	[sflag:s31] =	ssyncadd.s32 $0xFFFFC180  }
0x144: {  	[spmem:s2] =	stream.indirect.scatter.add.f32 [tilespmem:s26], [sflag:$0x3], $0x80, s20, s30, $0xb8;
	[tilespmem:$0x1D000] =	vst v63  }
0x145: {  	_ =	swait.ge [sflag:s14], $0x3E80  }
0x146: {  	[sflag:s14] =	ssyncset.done $0x0  }
0x147: {  	s19 =	simm.s32 $0x380;
	[sflag:s14] =	ssyncadd.s32 $0xFFFFC180  }
0x148: {  	[tilespmem:s6], [sflag:$0x2] =	stream.indirect.gather [hbm4b:s1+s30], $0x80, s19, s30, $0xb8;
	[tilespmem:$0x1D000] =	vst v63  }
0x149: {  	_ =	swait.ge [sflag:s8], $0x3E80  }
0x14a: {  	[sflag:s8] =	ssyncset.done $0x0  }
0x14b: {  	s20 =	simm.s32 $0xB80;
	[sflag:s8] =	ssyncadd.s32 $0xFFFFC180  }
0x14c: {  	[spmem:s2] =	stream.indirect.scatter.add.f32 [tilespmem:s6], [sflag:$0x4], $0x80, s20, s30, $0xb8;
	[tilespmem:$0x1D000] =	vst v63  }
0x14d: {  	_ =	swait.ge [sflag:s13], $0x3E80  }
0x14e: {  	[sflag:s13] =	ssyncset.done $0x0  }
0x14f: {  	[sflag:s13] =	ssyncadd.s32 $0xFFFFC180  }
0x150: {  	_ =	swait.ge [sflag:s4], $0x400  }
0x151: {  	[sflag:s4] =	ssyncset.done $0x0  }
0x152: {  	[sflag:s4] =	ssyncadd.s32 $0xFFFFFC00  }
0x153: {  	_ =	swait.ge [sflag:s11], $0x400  }
0x154: {  	[sflag:s11] =	ssyncset.done $0x0  }
0x155: {  	[sflag:s11] =	ssyncadd.s32 $0xFFFFFC00  }
0x156: {  	[tilespmem:s26], [sflag:$0x1] =	stream.indirect.gather [hbm4b:s1+s30], $0x80, s9, s30, $0xb8;
	[tilespmem:$0x1D000] =	vst v63  }
0x157: {  	_ =	swait.ge [sflag:s31], $0x3E80  }
0x158: {  	[sflag:s31] =	ssyncset.done $0x0  }
0x159: {  	[sflag:s31] =	ssyncadd.s32 $0xFFFFC180  }
0x15a: {  	[spmem:s2] =	stream.indirect.scatter.add.f32 [tilespmem:s26], [sflag:$0x3], $0x80, s12, s30, $0xb8;
	[tilespmem:$0x1D000] =	vst v63  }
0x15b: {  	_ =	swait.ge [sflag:s14], $0x3E80  }
0x15c: {  	[sflag:s14] =	ssyncset.done $0x0  }
0x15d: {  	s19 =	simm.s32 $0x480;
	[sflag:s14] =	ssyncadd.s32 $0xFFFFC180  }
0x15e: {  	[tilespmem:s6], [sflag:$0x2] =	stream.indirect.gather [hbm4b:s1+s30], $0x80, s19, s30, $0xb8;
	[tilespmem:$0x1D000] =	vst v63  }
0x15f: {  	_ =	swait.ge [sflag:s8], $0x3E80  }
0x160: {  	p1 =	seq.s32 s29, $0x900;
	[sflag:s8] =	ssyncset.done $0x0  }
0x161: {  	s18 =	sadd.s32 @!p1 s29, s22;
	s20 =	simm.s32 $0xC80;
	[sflag:s8] =	ssyncadd.s32 $0xFFFFC180  }
0x162: {  	[spmem:s2] =	stream.indirect.scatter.add.f32 [tilespmem:s6], [sflag:$0x4], $0x80, s20, s30, $0xb8;
	[tilespmem:$0x1D000] =	vst v63  }
0x163: {  	s18 =	sadd.s32 @!p1 $0x100, s18;
	s19 =	simm.s32 @!p1 $0x0  }
0x164: {  	[tilespmem:s19], [sflag:$0x5] =	stream.linear.gather @!p1 [hbm4b:s18+s19], $0x400, $0x38;
	[tilespmem:$0x1D000] =	vst v63  }
0x165: {  	s18 =	sadd.s32 @!p1 s29, s21  }
0x166: {  	s20 =	simm.s32 @!p1 $0x800;
	s18 =	sadd.s32 @!p1 $0x100, s18  }
0x167: {  	[tilespmem:s20], [sflag:$0x7] =	stream.linear.gather @!p1 [hbm4b:s18+s19], $0x400, $0x38;
	[tilespmem:$0x1D000] =	vst v63  }
0x168: {  	_ =	swait.ge [sflag:s13], $0x3E80  }
0x169: {  	[sflag:s13] =	ssyncset.done $0x0  }
0x16a: {  	s19 =	simm.s32 $0x500;
	[sflag:s13] =	ssyncadd.s32 $0xFFFFC180  }
0x16b: {  	[tilespmem:s26], [sflag:$0x1] =	stream.indirect.gather [hbm4b:s1+s30], $0x80, s19, s30, $0xb8;
	[tilespmem:$0x1D000] =	vst v63  }
0x16c: {  	_ =	swait.ge [sflag:s31], $0x3E80  }
0x16d: {  	[sflag:s31] =	ssyncset.done $0x0  }
0x16e: {  	s20 =	simm.s32 $0xD00;
	[sflag:s31] =	ssyncadd.s32 $0xFFFFC180  }
0x16f: {  	[spmem:s2] =	stream.indirect.scatter.add.f32 [tilespmem:s26], [sflag:$0x3], $0x80, s20, s30, $0xb8;
	[tilespmem:$0x1D000] =	vst v63  }
0x170: {  	_ =	swait.ge [sflag:s14], $0x3E80  }
0x171: {  	[sflag:s14] =	ssyncset.done $0x0  }
0x172: {  	s19 =	simm.s32 $0x580;
	[sflag:s14] =	ssyncadd.s32 $0xFFFFC180  }
0x173: {  	[tilespmem:s6], [sflag:$0x2] =	stream.indirect.gather [hbm4b:s1+s30], $0x80, s19, s30, $0xb8;
	[tilespmem:$0x1D000] =	vst v63  }
0x174: {  	_ =	swait.ge [sflag:s8], $0x3E80  }
0x175: {  	[sflag:s8] =	ssyncset.done $0x0  }
0x176: {  	s20 =	simm.s32 $0xD80;
	[sflag:s8] =	ssyncadd.s32 $0xFFFFC180  }
0x177: {  	[spmem:s2] =	stream.indirect.scatter.add.f32 [tilespmem:s6], [sflag:$0x4], $0x80, s20, s30, $0xb8;
	[tilespmem:$0x1D000] =	vst v63  }
0x178: {  	_ =	swait.ge [sflag:s13], $0x3E80  }
0x179: {  	[sflag:s13] =	ssyncset.done $0x0  }
0x17a: {  	s19 =	simm.s32 $0x600;
	[sflag:s13] =	ssyncadd.s32 $0xFFFFC180  }
0x17b: {  	[tilespmem:s26], [sflag:$0x1] =	stream.indirect.gather [hbm4b:s1+s30], $0x80, s19, s30, $0xb8;
	[tilespmem:$0x1D000] =	vst v63  }
0x17c: {  	_ =	swait.ge [sflag:s31], $0x3E80  }
0x17d: {  	[sflag:s31] =	ssyncset.done $0x0  }
0x17e: {  	s20 =	simm.s32 $0xE00;
	[sflag:s31] =	ssyncadd.s32 $0xFFFFC180  }
0x17f: {  	[spmem:s2] =	stream.indirect.scatter.add.f32 [tilespmem:s26], [sflag:$0x3], $0x80, s20, s30, $0xb8;
	[tilespmem:$0x1D000] =	vst v63  }
0x180: {  	_ =	swait.ge [sflag:s14], $0x3E80  }
0x181: {  	[sflag:s14] =	ssyncset.done $0x0  }
0x182: {  	[sflag:s14] =	ssyncadd.s32 $0xFFFFC180  }
0x183: {  	[tilespmem:s6], [sflag:$0x2] =	stream.indirect.gather [hbm4b:s1+s30], $0x80, s25, s30, $0xb8;
	[tilespmem:$0x1D000] =	vst v63  }
0x184: {  	_ =	swait.ge [sflag:s8], $0x3E80  }
0x185: {  	[sflag:s8] =	ssyncset.done $0x0  }
0x186: {  	[sflag:s8] =	ssyncadd.s32 $0xFFFFC180  }
0x187: {  	[spmem:s2] =	stream.indirect.scatter.add.f32 [tilespmem:s6], [sflag:$0x4], $0x80, s10, s30, $0xb8;
	[tilespmem:$0x1D000] =	vst v63  }
0x188: {  	_ =	swait.ge [sflag:s13], $0x3E80  }
0x189: {  	[sflag:s13] =	ssyncset.done $0x0  }
0x18a: {  	[sflag:s13] =	ssyncadd.s32 $0xFFFFC180  }
0x18b: {  	[tilespmem:s26], [sflag:$0x1] =	stream.indirect.gather [hbm4b:s1+s30], $0x80, s0, s30, $0xb8;
	[tilespmem:$0x1D000] =	vst v63  }
0x18c: {  	_ =	swait.ge [sflag:s31], $0x3E80  }
0x18d: {  	[sflag:s31] =	ssyncset.done $0x0  }
0x18e: {  	[sflag:s31] =	ssyncadd.s32 $0xFFFFC180  }
0x18f: {  	[spmem:s2] =	stream.indirect.scatter.add.f32 [tilespmem:s26], [sflag:$0x3], $0x80, s7, s30, $0xb8;
	[tilespmem:$0x1D000] =	vst v63  }
0x190: {  	_ =	swait.ge [sflag:s14], $0x3E80  }
0x191: {  	[sflag:s14] =	ssyncset.done $0x0  }
0x192: {  	[sflag:s14] =	ssyncadd.s32 $0xFFFFC180  }
0x193: {  	[tilespmem:s6], [sflag:$0x2] =	stream.indirect.gather [hbm4b:s1+s30], $0x80, s15, s30, $0xb8;
	[tilespmem:$0x1D000] =	vst v63  }
0x194: {  	_ =	swait.ge [sflag:s8], $0x3E80  }
0x195: {  	[sflag:s8] =	ssyncset.done $0x0  }
.Ltmp6:
0x196: {  	[sflag:s8] =	ssyncadd.s32 $0xFFFFC180;
	(pc) =	sbr.rel @p1 .LBB2_6-.Ltmp6, $4  }
0x197: {  	[spmem:s2] =	stream.indirect.scatter.add.f32 [tilespmem:s6], [sflag:$0x4], $0x80, s16, s30, $0xb8;
	[tilespmem:$0x1D000] =	vst v63  }
0x198: {  	_ =	swait.ge [sflag:s13], $0x3E80  }
0x199: {  	[sflag:s13] =	ssyncset.done $0x0  }
0x19a: {  	[sflag:s13] =	ssyncadd.s32 $0xFFFFC180  }
0x19b: {  	_ =	swait.ge [sflag:s28], $0x400  }
0x19c: {  	[sflag:s28] =	ssyncset.done $0x0  }
.Ltmp7:
0x19d: {  	[sflag:s28] =	ssyncadd.s32 $0xFFFFFC00;
	(pc) =	sbr.rel .LBB2_5-.Ltmp7, $4  }
0x19e: {  	_ =	swait.ge [sflag:s17], $0x400  }
0x19f: {  	[sflag:s17] =	ssyncset.done $0x0  }
0x1a0: {  	s29 =	sadd.s32 $0x100, s29;
	[sflag:s17] =	ssyncadd.s32 $0xFFFFFC00  }
0x1a1: {  	[tilespmem:s26], [sflag:$0x1] =	stream.indirect.gather [hbm4b:s1+s30], $0x80, s3, s30, $0xb8;
	[tilespmem:$0x1D000] =	vst v63  }
.LBB2_6:
.Ltmp8:
0x1a2: {  	(pc) =	sbr.rel .LBB2_11-.Ltmp8, $3  }
0x1a3: {  	_ =	sdelay $0x1  }
0x1a4: {  	s18 =	rddreg [dreg:$0x4]  }
0x1a5: {  	s29 =	rddreg [dreg:$0x14]  }
.LBB2_12:
0x1a6: {  	_ =	sfence.sel $0x180000  }
0x1a7: {  	[bflag:$0x0] =	sbarrier.arrive $0xFFFF  }
0x1a8: {  	_ =	strace $0x9000004A  }
0x1a9: {  	s0 =	stileid.u32;
	[bflag:$0x2] =	sbarrier.arrive $0xFFFF  }
0x1aa: {  	p0 =	sne.s32 s0, $0x0;
	s0 =	rddreg [dreg:$0x3]  }
0x1ab: {  	s0 =	sadd.s32 @!p0 $0x100000, s0  }
0x1ac: {  	[sflag:s0] =	ssyncadd.tile.s32 @!p0 $0x1;
	_ =	shalt  }
.Lfunc_end2:
_tile_overlayer_lowered:
.L_overlay_start_2:
0x1ad: {  	(tag) =	ssettag $0x2  }
0x1ae: {  	s0 =	rddreg [dreg:$0x0];
	s2 =	stileid.u32  }
0x1af: {  	s1 =	rddreg [dreg:$0x1];
	p0 =	sne.s32 s2, $0x0  }
0x1b0: {  	s3 =	rddreg [dreg:$0x2];
	[bflag:$0x3] =	sbarrier.arrive $0xFFFF;
	s2 =	simm.s32 @!p0 $0x1C09  }
0x1b1: {  	[timem:s3], [sflag:s2] =	dma.local @!p0 [hbm:s0], s1  }
0x1b2: {  	s0 =	simm.s32 @!p0 $0x9  }
0x1b3: {  	_ =	swait.ge @!p0 [sflag:s0], s1  }
0x1b4: {  	s1 =	ssub.s32 @!p0 $0x0, s1;
	[sflag:s0] =	ssyncset.done @!p0 $0x0  }
0x1b5: {  	[sflag:s0] =	ssyncadd.s32 @!p0 s1  }
0x1b6: {  	[bflag:$0x3] =	sbarrier.arrive $0xFFFF  }
0x1b7: {  	_ =	shalt  }

</sc_bundles>
